<compile_context>
chip_gen: v7x
topology: tpu7x:2x2x1
jax: 0.10.2.dev20260603
libtpu: 0.0.44.dev20260713+nightly
codegen_flags: <defaults>
</compile_context>

<pallas_src>
import functools

import jax
import jax.numpy as jnp
from jax import lax
from jax.experimental import pallas as pl
from jax.experimental.pallas import tpu as pltpu
from jax.experimental.pallas import tpu_sc as plsc

N = 256 * 256
K = 8
C = 128
CW = C // 2
OUT_SIZES = (256, 256, 128)

NC = 2
NS = 16
LANES = 16
NW = NC * NS
RPW = N // NW
BROWS = 64
NCHUNK = RPW // BROWS
PAIRS = BROWS * K
IDXROWS = PAIRS // 128


PB = 64
PROWS = N // NW
NPCH = PROWS // PB


def _pack_sc(G):
    mesh = plsc.VectorSubcoreMesh(core_axis_name="c", subcore_axis_name="s")

    @functools.partial(
        pl.kernel,
        mesh=mesh,
        out_type=jax.ShapeDtypeStruct((N, CW), jnp.int32),
        compiler_params=pltpu.CompilerParams(use_tc_tiling_on_sc=False),
        scratch_types=[
            pltpu.VMEM((2, PB, C), jnp.float32),
            pltpu.VMEM((2, PB, CW), jnp.int32),
            pltpu.SemaphoreType.DMA,
            pltpu.SemaphoreType.DMA,
            pltpu.SemaphoreType.DMA,
            pltpu.SemaphoreType.DMA,
        ],
    )
    def k(Gf_hbm, Gp_hbm, pin_v, pout_v, pisem0, pisem1, posem0, posem1):
        wid = lax.axis_index("s") * NC + lax.axis_index("c")
        prow0 = wid * PROWS
        pisems = (pisem0, pisem1)
        posems = (posem0, posem1)

        def pack_in(i, b):
            pltpu.async_copy(Gf_hbm.at[pl.ds(prow0 + i * PB, PB)],
                             pin_v.at[b], pisems[b])

        def pack_chunk(i, b):
            pltpu.make_async_copy(Gf_hbm.at[pl.ds(prow0 + i * PB, PB)],
                                  pin_v.at[b], pisems[b]).wait()

            @pl.when(i >= 2)
            def _drain_out():
                pltpu.make_async_copy(
                    pout_v.at[b],
                    Gp_hbm.at[pl.ds(prow0 + (i - 2) * PB, PB)],
                    posems[b]).wait()

            def prow(r, rc):
                half = jnp.int32(32768)
                for j in range(CW // LANES):
                    va = lax.bitcast_convert_type(
                        pin_v[b, r, pl.ds(j * LANES, LANES)], jnp.int32)
                    vb = lax.bitcast_convert_type(
                        pin_v[b, r, pl.ds(CW + j * LANES, LANES)], jnp.int32)
                    wa = lax.shift_right_logical(va + half, 16)
                    wb = lax.bitwise_and(vb + half, jnp.int32(-65536))
                    pout_v[b, r, pl.ds(j * LANES, LANES)] = (
                        jnp.bitwise_or(wa, wb))
                return rc

            lax.fori_loop(0, PB, prow, 0)
            pltpu.async_copy(pout_v.at[b],
                             Gp_hbm.at[pl.ds(prow0 + i * PB, PB)], posems[b])

        pack_in(0, 0)
        pack_in(1, 1)

        def pack_body(t, carry):
            for b in range(2):
                i = 2 * t + b
                pack_chunk(i, b)

                @pl.when(i + 2 < NPCH)
                def _prefetch():
                    pack_in(i + 2, b)
            return carry

        lax.fori_loop(0, NPCH // 2, pack_body, 0)
        for b in range(2):
            pltpu.make_async_copy(
                pout_v.at[b],
                Gp_hbm.at[pl.ds(prow0 + (NPCH - 2 + b) * PB, PB)],
                posems[b]).wait()

    return k(G)


def _knn_sc(Gp, idxm, wm):
    mesh = plsc.VectorSubcoreMesh(core_axis_name="c", subcore_axis_name="s")

    @functools.partial(
        pl.kernel,
        mesh=mesh,
        out_type=jax.ShapeDtypeStruct(OUT_SIZES, jnp.float32),
        compiler_params=pltpu.CompilerParams(use_tc_tiling_on_sc=False),
        scratch_types=[
            pltpu.VMEM((2, IDXROWS, 128), jnp.int32),
            pltpu.VMEM((IDXROWS, 128), jnp.float32),
            pltpu.VMEM((IDXROWS, 128), jnp.float32),
            pltpu.VMEM((2, PAIRS, CW), jnp.int32),
            pltpu.VMEM((2, BROWS, C), jnp.float32),
            pltpu.SemaphoreType.DMA,
            pltpu.SemaphoreType.DMA,
            pltpu.SemaphoreType.DMA,
            pltpu.SemaphoreType.DMA,
        ],
    )
    def k(G_hbm, idx_hbm, w_hbm, out_hbm, idx_v, w_v0, w_v1, rows_v, out_v,
          gsem0, gsem1, osem0, osem1):
        wid = lax.axis_index("s") * NC + lax.axis_index("c")
        row0 = wid * RPW
        irow0 = wid * (RPW * K // 128)

        def out_slice(g):
            r = row0 + g * BROWS
            return out_hbm.at[lax.shift_right_logical(r, 8),
                              pl.ds(lax.bitwise_and(r, 255), BROWS)]
        gsems = (gsem0, gsem1)
        osems = (osem0, osem1)
        wvs_ref = (w_v0, w_v1)

        def issue_fetch(g, b):
            ir = irow0 + g * IDXROWS
            pltpu.sync_copy(idx_hbm.at[pl.ds(ir, IDXROWS)], idx_v.at[b])
            for h in range(IDXROWS):
                pltpu.async_copy(G_hbm.at[idx_v.at[b, h]],
                                 rows_v.at[b, pl.ds(h * 128, 128)], gsems[b])
            pltpu.async_copy(w_hbm.at[pl.ds(ir, IDXROWS)], wvs_ref[b],
                             gsems[b])

        def wait_fetch(g, b):
            ir = irow0 + g * IDXROWS
            for h in range(IDXROWS):
                pltpu.make_async_copy(G_hbm.at[idx_v.at[b, h]],
                                      rows_v.at[b, pl.ds(h * 128, 128)],
                                      gsems[b]).wait()
            pltpu.make_async_copy(w_hbm.at[pl.ds(ir, IDXROWS)], wvs_ref[b],
                                  gsems[b]).wait()

        issue_fetch(0, 0)

        def chunk_body(t, carry):
            for b in range(2):
                g = 2 * t + b
                if b == 0:
                    issue_fetch(g + 1, 1)
                else:
                    @pl.when(t < NCHUNK // 2 - 1)
                    def _prefetch():
                        issue_fetch(g + 1, 0)
                wait_fetch(g, b)

                @pl.when(t >= 1)
                def _drain_store():
                    pltpu.make_async_copy(out_v.at[b], out_slice(g - 2),
                                          osems[b]).wait()

                def pair_body(rr, rc):
                    f16 = rr * 2 * K
                    wrow = wvs_ref[b][lax.shift_right_logical(f16, 7),
                                      pl.ds(lax.bitwise_and(f16, 127), LANES)]
                    for s in range(2):
                        r = rr * 2 + s
                        p0 = f16 + s * K
                        accA = [None] * (CW // LANES)
                        accB = [None] * (CW // LANES)
                        for kk in range(K):
                            wv = jnp.full((LANES,), wrow[s * K + kk],
                                          jnp.float32) * (1.0 / K)
                            for j in range(CW // LANES):
                                v = rows_v[b, p0 + kk,
                                           pl.ds(j * LANES, LANES)]
                                va = lax.bitcast_convert_type(
                                    lax.shift_left(v, 16), jnp.float32)
                                vb = lax.bitcast_convert_type(
                                    lax.bitwise_and(v, jnp.int32(-65536)),
                                    jnp.float32)
                                if kk == 0:
                                    accA[j] = va * wv
                                    accB[j] = vb * wv
                                else:
                                    accA[j] = accA[j] + va * wv
                                    accB[j] = accB[j] + vb * wv
                        for j in range(CW // LANES):
                            out_v[b, r, pl.ds(j * LANES, LANES)] = accA[j]
                            out_v[b, r, pl.ds(CW + j * LANES, LANES)] = accB[j]
                    return rc

                lax.fori_loop(0, BROWS // 2, pair_body, 0)
                pltpu.async_copy(out_v.at[b], out_slice(g), osems[b])
            return carry

        lax.fori_loop(0, NCHUNK // 2, chunk_body, 0)

        for b in range(2):
            pltpu.make_async_copy(out_v.at[b], out_slice(NCHUNK - 2 + b),
                                  osems[b]).wait()

    return k(Gp, idxm, wm)


def kernel(x, G, neighbor_index, neighbor_dist):
    del x
    idxm = neighbor_index.astype(jnp.int32).reshape(N * K // 128, 128)
    wm = neighbor_dist.astype(jnp.float32).reshape(N * K // 128, 128)
    return _knn_sc(_pack_sc(G), idxm, wm)

# --- scband reference (transcript-rebuilt; emitter-appended) ---
"""Pipeline reference for scband-knn-net-48610439856456 (READ-ONLY COPY).

The authoritative reference and input builder live on the scoring server;
editing this copy changes nothing except your own understanding.
"""

import jax, jax.numpy as jnp
import numpy as np

SIZES = (256, 256, 128)
N = 256 * 256
K = 8
C = 128


def setup_inputs(seed: int = 0) -> dict:
    key = jax.random.key(seed)
    k1, k2, k3 = jax.random.split(key, 3)
    # placeholder forward arg (unused by the module's forward)
    x = jnp.zeros((1,), dtype=jnp.float32)
    # G is the output of the opaque generator network G_net, reshaped to [N, C]
    G = jax.random.normal(k1, (N, C), dtype=jnp.float32)
    # neighbor indices produced by sklearn NearestNeighbors at init time
    neighbor_index = jax.random.randint(k2, (N, K), 0, N)
    # 'distance' weighting from update_neighbor: inverse-distance, shifted, normalized
    raw = jax.random.uniform(k3, (N, K), minval=1e-3, maxval=1.0, dtype=jnp.float32)
    inv = 1.0 / raw
    inv = inv - jnp.min(inv, axis=1, keepdims=True) + 1e-7
    w = inv / jnp.sum(inv, axis=1, keepdims=True)
    neighbor_dist = w[:, :, None].astype(jnp.float32)
    return {"x": x, "G": G, "neighbor_index": neighbor_index, "neighbor_dist": neighbor_dist}


def reference(x, G, neighbor_index, neighbor_dist):
    # forward: mean(G[neighbor_index] * neighbor_dist, dim=1).reshape(sizes)
    gathered = jnp.take(G, neighbor_index, axis=0)  # [N, K, C]
    out = jnp.mean(gathered * neighbor_dist, axis=1)  # [N, C]
    return out.reshape(SIZES)

if __name__ == "__main__":
    import jax
    _d = setup_inputs()
    print(jax.jit(kernel)(*tuple(_d.values())))

</pallas_src>

<mosaic_0001>
#map = affine_map<(d0, d1) -> (0, 0)>
#map1 = affine_map<(d0, d1) -> (0, 0, 0)>
module attributes {stable_mosaic.version = 14 : i64} {
  func.func @k(%arg0: i32, %arg1: i32, %arg2: memref<65536x64xi32, #tpu.memory_space<hbm>>, %arg3: memref<4096x128xi32, #tpu.memory_space<hbm>>, %arg4: memref<4096x128xf32, #tpu.memory_space<hbm>>, %arg5: memref<256x256x128xf32, #tpu.memory_space<hbm>>, %arg6: memref<2x4x128xi32, #tpu.memory_space<vmem>>, %arg7: memref<4x128xf32, #tpu.memory_space<vmem>>, %arg8: memref<4x128xf32, #tpu.memory_space<vmem>>, %arg9: memref<2x512x64xi32, #tpu.memory_space<vmem>>, %arg10: memref<2x64x128xf32, #tpu.memory_space<vmem>>, %arg11: memref<!tpu.dma_semaphore, #tpu.memory_space<semaphore_mem>>, %arg12: memref<!tpu.dma_semaphore, #tpu.memory_space<semaphore_mem>>, %arg13: memref<!tpu.dma_semaphore, #tpu.memory_space<semaphore_mem>>, %arg14: memref<!tpu.dma_semaphore, #tpu.memory_space<semaphore_mem>>) attributes {dimension_semantics = [#tpu.dimension_semantics<core_parallel>, #tpu.dimension_semantics<subcore_parallel>], iteration_bounds = array<i64: 2, 16>, scalar_prefetch = 0 : i64, scratch_operands = 9 : i64, tpu.core_type = #tpu.core_type<sc_vector_subcore>, window_params = [{transform_indices = #map}, {transform_indices = #map}, {transform_indices = #map}, {transform_indices = #map1}]} {
    %mul3A = arith.constant 2 : i32
    %mul3A_0 = arith.muli %arg1, %mul3A : i32
    %add3A = arith.addi %mul3A_0, %arg0 : i32
    %mul3A_1 = arith.constant 2048 : i32
    %mul3A_2 = arith.muli %add3A, %mul3A_1 : i32
    %mul3A_3 = arith.constant 128 : i32
    %mul3A_4 = arith.muli %add3A, %mul3A_3 : i32
    %add3A_5 = arith.constant 0 : i32
    %add3A_6 = arith.addi %mul3A_4, %add3A_5 : i32
    %run_scoped3A = arith.constant 0 : i32
    "tpu.region"() ({
      %run_scoped3A_106 = tpu.sem_alloc : memref<!tpu.dma_semaphore, #tpu.memory_space<semaphore_mem>>
      %dma_start3A_107 = arith.constant 0 : i32
      %dma_start3A_108 = arith.constant 0 : i32
      %dma_start3A_109 = tpu.memref_slice %arg6[%run_scoped3A, %dma_start3A_107, %dma_start3A_108] : memref<2x4x128xi32, #tpu.memory_space<vmem>> -> memref<1x4x128xi32, #tpu.memory_space<vmem>>
      %dma_start3A_110 = tpu.memref_squeeze %dma_start3A_109 : memref<1x4x128xi32, #tpu.memory_space<vmem>> -> memref<4x128xi32, #tpu.memory_space<vmem>>
      %dma_start3A_111 = arith.constant 0 : i32
      %dma_start3A_112 = tpu.memref_slice %arg3[%add3A_6, %dma_start3A_111] : memref<4096x128xi32, #tpu.memory_space<hbm>> -> memref<4x128xi32, #tpu.memory_space<hbm>>
      %dma_start3A_113 = arith.constant 0 : i32
      %dma_start3A_114 = arith.constant 0 : i32
      %dma_start3A_115 = tpu.memref_slice %arg6[%run_scoped3A, %dma_start3A_113, %dma_start3A_114] : memref<2x4x128xi32, #tpu.memory_space<vmem>> -> memref<1x4x128xi32, #tpu.memory_space<vmem>>
      %dma_start3A_116 = tpu.memref_squeeze %dma_start3A_115 : memref<1x4x128xi32, #tpu.memory_space<vmem>> -> memref<4x128xi32, #tpu.memory_space<vmem>>
      %dma_start3A_117 = arith.constant 0 : i32
      %dma_start3A_118 = tpu.memref_slice %arg3[%add3A_6, %dma_start3A_117] : memref<4096x128xi32, #tpu.memory_space<hbm>> -> memref<4x128xi32, #tpu.memory_space<hbm>>
      tpu.enqueue_dma source(%dma_start3A_118 : memref<4x128xi32, #tpu.memory_space<hbm>>) target(%dma_start3A_116 : memref<4x128xi32, #tpu.memory_space<vmem>>) target_semaphore(%run_scoped3A_106 : memref<!tpu.dma_semaphore, #tpu.memory_space<semaphore_mem>>)
      %dma_wait3A_119 = arith.constant 0 : i32
      %dma_wait3A_120 = arith.constant 0 : i32
      %dma_wait3A_121 = tpu.memref_slice %arg6[%run_scoped3A, %dma_wait3A_119, %dma_wait3A_120] : memref<2x4x128xi32, #tpu.memory_space<vmem>> -> memref<1x4x128xi32, #tpu.memory_space<vmem>>
      %dma_wait3A_122 = tpu.memref_squeeze %dma_wait3A_121 : memref<1x4x128xi32, #tpu.memory_space<vmem>> -> memref<4x128xi32, #tpu.memory_space<vmem>>
      %dma_wait3A_123 = arith.constant 0 : i32
      %dma_wait3A_124 = tpu.memref_slice %arg3[%add3A_6, %dma_wait3A_123] : memref<4096x128xi32, #tpu.memory_space<hbm>> -> memref<4x128xi32, #tpu.memory_space<hbm>>
      %dma_wait3A_125 = arith.constant 0 : i32
      %dma_wait3A_126 = arith.constant 0 : i32
      %dma_wait3A_127 = tpu.memref_slice %arg6[%run_scoped3A, %dma_wait3A_125, %dma_wait3A_126] : memref<2x4x128xi32, #tpu.memory_space<vmem>> -> memref<1x4x128xi32, #tpu.memory_space<vmem>>
      %dma_wait3A_128 = tpu.memref_squeeze %dma_wait3A_127 : memref<1x4x128xi32, #tpu.memory_space<vmem>> -> memref<4x128xi32, #tpu.memory_space<vmem>>
      %dma_wait3A_129 = arith.constant 0 : i32
      %dma_wait3A_130 = tpu.memref_slice %arg3[%add3A_6, %dma_wait3A_129] : memref<4096x128xi32, #tpu.memory_space<hbm>> -> memref<4x128xi32, #tpu.memory_space<hbm>>
      tpu.wait_dma2 semaphore(%run_scoped3A_106 : memref<!tpu.dma_semaphore, #tpu.memory_space<semaphore_mem>>) src(%dma_wait3A_130 : memref<4x128xi32, #tpu.memory_space<hbm>>) dst(%dma_wait3A_128 : memref<4x128xi32, #tpu.memory_space<vmem>>)
      tpu.yield
    }) : () -> ()
    %dma_start3A = arith.constant 0 : i32
    %dma_start3A_7 = arith.constant 0 : i32
    %dma_start3A_8 = arith.constant 0 : i32
    %dma_start3A_9 = arith.constant 0 : i32
    %dma_start3A_10 = arith.constant 0 : i32
    %dma_start3A_11 = tpu.memref_slice %arg9[%dma_start3A_8, %dma_start3A_9, %dma_start3A_10] : memref<2x512x64xi32, #tpu.memory_space<vmem>> -> memref<1x128x64xi32, #tpu.memory_space<vmem>>
    %dma_start3A_12 = tpu.memref_squeeze %dma_start3A_11 : memref<1x128x64xi32, #tpu.memory_space<vmem>> -> memref<128x64xi32, #tpu.memory_space<vmem>>
    %dma_start3A_13 = arith.constant 0 : i32
    %dma_start3A_14 = tpu.memref_slice %arg6[%dma_start3A, %dma_start3A_7, %dma_start3A_13] : memref<2x4x128xi32, #tpu.memory_space<vmem>> -> memref<1x1x128xi32, #tpu.memory_space<vmem>>
    %dma_start3A_15 = tpu.memref_squeeze %dma_start3A_14 : memref<1x1x128xi32, #tpu.memory_space<vmem>> -> memref<128xi32, #tpu.memory_space<vmem>>
    %dma_start3A_16 = arith.constant 0 : i32
    %dma_start3A_17 = arith.constant 0 : i32
    %dma_start3A_18 = tpu.memref_slice %arg2[%dma_start3A_16, %dma_start3A_17] : memref<65536x64xi32, #tpu.memory_space<hbm>> -> memref<65536x64xi32, #tpu.memory_space<hbm>>
    tpu.enqueue_indirect_dma source(%dma_start3A_18 : memref<65536x64xi32, #tpu.memory_space<hbm>>) target(%dma_start3A_12 : memref<128x64xi32, #tpu.memory_space<vmem>>) offsets(%dma_start3A_15 : memref<128xi32, #tpu.memory_space<vmem>>) semaphore(%arg11 : memref<!tpu.dma_semaphore, #tpu.memory_space<semaphore_mem>>)
    %dma_start3A_19 = arith.constant 0 : i32
    %dma_start3A_20 = arith.constant 1 : i32
    %dma_start3A_21 = arith.constant 0 : i32
    %dma_start3A_22 = arith.constant 128 : i32
    %dma_start3A_23 = arith.constant 0 : i32
    %dma_start3A_24 = tpu.memref_slice %arg9[%dma_start3A_21, %dma_start3A_22, %dma_start3A_23] : memref<2x512x64xi32, #tpu.memory_space<vmem>> -> memref<1x128x64xi32, #tpu.memory_space<vmem>>
    %dma_start3A_25 = tpu.memref_squeeze %dma_start3A_24 : memref<1x128x64xi32, #tpu.memory_space<vmem>> -> memref<128x64xi32, #tpu.memory_space<vmem>>
    %dma_start3A_26 = arith.constant 0 : i32
    %dma_start3A_27 = tpu.memref_slice %arg6[%dma_start3A_19, %dma_start3A_20, %dma_start3A_26] : memref<2x4x128xi32, #tpu.memory_space<vmem>> -> memref<1x1x128xi32, #tpu.memory_space<vmem>>
    %dma_start3A_28 = tpu.memref_squeeze %dma_start3A_27 : memref<1x1x128xi32, #tpu.memory_space<vmem>> -> memref<128xi32, #tpu.memory_space<vmem>>
    %dma_start3A_29 = arith.constant 0 : i32
    %dma_start3A_30 = arith.constant 0 : i32
    %dma_start3A_31 = tpu.memref_slice %arg2[%dma_start3A_29, %dma_start3A_30] : memref<65536x64xi32, #tpu.memory_space<hbm>> -> memref<65536x64xi32, #tpu.memory_space<hbm>>
    tpu.enqueue_indirect_dma source(%dma_start3A_31 : memref<65536x64xi32, #tpu.memory_space<hbm>>) target(%dma_start3A_25 : memref<128x64xi32, #tpu.memory_space<vmem>>) offsets(%dma_start3A_28 : memref<128xi32, #tpu.memory_space<vmem>>) semaphore(%arg11 : memref<!tpu.dma_semaphore, #tpu.memory_space<semaphore_mem>>)
    %dma_start3A_32 = arith.constant 0 : i32
    %dma_start3A_33 = arith.constant 2 : i32
    %dma_start3A_34 = arith.constant 0 : i32
    %dma_start3A_35 = arith.constant 256 : i32
    %dma_start3A_36 = arith.constant 0 : i32
    %dma_start3A_37 = tpu.memref_slice %arg9[%dma_start3A_34, %dma_start3A_35, %dma_start3A_36] : memref<2x512x64xi32, #tpu.memory_space<vmem>> -> memref<1x128x64xi32, #tpu.memory_space<vmem>>
    %dma_start3A_38 = tpu.memref_squeeze %dma_start3A_37 : memref<1x128x64xi32, #tpu.memory_space<vmem>> -> memref<128x64xi32, #tpu.memory_space<vmem>>
    %dma_start3A_39 = arith.constant 0 : i32
    %dma_start3A_40 = tpu.memref_slice %arg6[%dma_start3A_32, %dma_start3A_33, %dma_start3A_39] : memref<2x4x128xi32, #tpu.memory_space<vmem>> -> memref<1x1x128xi32, #tpu.memory_space<vmem>>
    %dma_start3A_41 = tpu.memref_squeeze %dma_start3A_40 : memref<1x1x128xi32, #tpu.memory_space<vmem>> -> memref<128xi32, #tpu.memory_space<vmem>>
    %dma_start3A_42 = arith.constant 0 : i32
    %dma_start3A_43 = arith.constant 0 : i32
    %dma_start3A_44 = tpu.memref_slice %arg2[%dma_start3A_42, %dma_start3A_43] : memref<65536x64xi32, #tpu.memory_space<hbm>> -> memref<65536x64xi32, #tpu.memory_space<hbm>>
    tpu.enqueue_indirect_dma source(%dma_start3A_44 : memref<65536x64xi32, #tpu.memory_space<hbm>>) target(%dma_start3A_38 : memref<128x64xi32, #tpu.memory_space<vmem>>) offsets(%dma_start3A_41 : memref<128xi32, #tpu.memory_space<vmem>>) semaphore(%arg11 : memref<!tpu.dma_semaphore, #tpu.memory_space<semaphore_mem>>)
    %dma_start3A_45 = arith.constant 0 : i32
    %dma_start3A_46 = arith.constant 3 : i32
    %dma_start3A_47 = arith.constant 0 : i32
    %dma_start3A_48 = arith.constant 384 : i32
    %dma_start3A_49 = arith.constant 0 : i32
    %dma_start3A_50 = tpu.memref_slice %arg9[%dma_start3A_47, %dma_start3A_48, %dma_start3A_49] : memref<2x512x64xi32, #tpu.memory_space<vmem>> -> memref<1x128x64xi32, #tpu.memory_space<vmem>>
    %dma_start3A_51 = tpu.memref_squeeze %dma_start3A_50 : memref<1x128x64xi32, #tpu.memory_space<vmem>> -> memref<128x64xi32, #tpu.memory_space<vmem>>
    %dma_start3A_52 = arith.constant 0 : i32
    %dma_start3A_53 = tpu.memref_slice %arg6[%dma_start3A_45, %dma_start3A_46, %dma_start3A_52] : memref<2x4x128xi32, #tpu.memory_space<vmem>> -> memref<1x1x128xi32, #tpu.memory_space<vmem>>
    %dma_start3A_54 = tpu.memref_squeeze %dma_start3A_53 : memref<1x1x128xi32, #tpu.memory_space<vmem>> -> memref<128xi32, #tpu.memory_space<vmem>>
    %dma_start3A_55 = arith.constant 0 : i32
    %dma_start3A_56 = arith.constant 0 : i32
    %dma_start3A_57 = tpu.memref_slice %arg2[%dma_start3A_55, %dma_start3A_56] : memref<65536x64xi32, #tpu.memory_space<hbm>> -> memref<65536x64xi32, #tpu.memory_space<hbm>>
    tpu.enqueue_indirect_dma source(%dma_start3A_57 : memref<65536x64xi32, #tpu.memory_space<hbm>>) target(%dma_start3A_51 : memref<128x64xi32, #tpu.memory_space<vmem>>) offsets(%dma_start3A_54 : memref<128xi32, #tpu.memory_space<vmem>>) semaphore(%arg11 : memref<!tpu.dma_semaphore, #tpu.memory_space<semaphore_mem>>)
    %dma_start3A_58 = arith.constant 0 : i32
    %dma_start3A_59 = tpu.memref_slice %arg4[%add3A_6, %dma_start3A_58] : memref<4096x128xf32, #tpu.memory_space<hbm>> -> memref<4x128xf32, #tpu.memory_space<hbm>>
    %dma_start3A_60 = arith.constant 0 : i32
    %dma_start3A_61 = tpu.memref_slice %arg4[%add3A_6, %dma_start3A_60] : memref<4096x128xf32, #tpu.memory_space<hbm>> -> memref<4x128xf32, #tpu.memory_space<hbm>>
    tpu.enqueue_dma source(%dma_start3A_61 : memref<4x128xf32, #tpu.memory_space<hbm>>) target(%arg7 : memref<4x128xf32, #tpu.memory_space<vmem>>) target_semaphore(%arg11 : memref<!tpu.dma_semaphore, #tpu.memory_space<semaphore_mem>>)
    %scan3A = arith.constant 0 : i32
    %scan3A_62 = arith.constant 0 : i32
    %scan3A_63 = arith.constant 16 : i32
    %scan3A_64 = arith.addi %scan3A_62, %scan3A_63 : i32
    %scan3A_65 = arith.constant 1 : i32
    scf.for %scan3A_106 = %scan3A_62 to %scan3A_64 step %scan3A_65  : i32 {
      %mul3A_107 = arith.constant 2 : i32
      %mul3A_108 = arith.muli %mul3A_107, %scan3A_106 : i32
      %add3A_109 = arith.constant 0 : i32
      %add3A_110 = arith.addi %mul3A_108, %add3A_109 : i32
      %add3A_111 = arith.constant 1 : i32
      %add3A_112 = arith.addi %add3A_110, %add3A_111 : i32
      %mul3A_113 = arith.constant 4 : i32
      %mul3A_114 = arith.muli %add3A_112, %mul3A_113 : i32
      %add3A_115 = arith.addi %mul3A_4, %mul3A_114 : i32
      %run_scoped3A_116 = arith.constant 1 : i32
      "tpu.region"() ({
        %run_scoped3A_362 = tpu.sem_alloc : memref<!tpu.dma_semaphore, #tpu.memory_space<semaphore_mem>>
        %dma_start3A_363 = arith.constant 0 : i32
        %dma_start3A_364 = arith.constant 0 : i32
        %dma_start3A_365 = tpu.memref_slice %arg6[%run_scoped3A_116, %dma_start3A_363, %dma_start3A_364] : memref<2x4x128xi32, #tpu.memory_space<vmem>> -> memref<1x4x128xi32, #tpu.memory_space<vmem>>
        %dma_start3A_366 = tpu.memref_squeeze %dma_start3A_365 : memref<1x4x128xi32, #tpu.memory_space<vmem>> -> memref<4x128xi32, #tpu.memory_space<vmem>>
        %dma_start3A_367 = arith.constant 0 : i32
        %dma_start3A_368 = tpu.memref_slice %arg3[%add3A_115, %dma_start3A_367] : memref<4096x128xi32, #tpu.memory_space<hbm>> -> memref<4x128xi32, #tpu.memory_space<hbm>>
        %dma_start3A_369 = arith.constant 0 : i32
        %dma_start3A_370 = arith.constant 0 : i32
        %dma_start3A_371 = tpu.memref_slice %arg6[%run_scoped3A_116, %dma_start3A_369, %dma_start3A_370] : memref<2x4x128xi32, #tpu.memory_space<vmem>> -> memref<1x4x128xi32, #tpu.memory_space<vmem>>
        %dma_start3A_372 = tpu.memref_squeeze %dma_start3A_371 : memref<1x4x128xi32, #tpu.memory_space<vmem>> -> memref<4x128xi32, #tpu.memory_space<vmem>>
        %dma_start3A_373 = arith.constant 0 : i32
        %dma_start3A_374 = tpu.memref_slice %arg3[%add3A_115, %dma_start3A_373] : memref<4096x128xi32, #tpu.memory_space<hbm>> -> memref<4x128xi32, #tpu.memory_space<hbm>>
        tpu.enqueue_dma source(%dma_start3A_374 : memref<4x128xi32, #tpu.memory_space<hbm>>) target(%dma_start3A_372 : memref<4x128xi32, #tpu.memory_space<vmem>>) target_semaphore(%run_scoped3A_362 : memref<!tpu.dma_semaphore, #tpu.memory_space<semaphore_mem>>)
        %dma_wait3A_375 = arith.constant 0 : i32
        %dma_wait3A_376 = arith.constant 0 : i32
        %dma_wait3A_377 = tpu.memref_slice %arg6[%run_scoped3A_116, %dma_wait3A_375, %dma_wait3A_376] : memref<2x4x128xi32, #tpu.memory_space<vmem>> -> memref<1x4x128xi32, #tpu.memory_space<vmem>>
        %dma_wait3A_378 = tpu.memref_squeeze %dma_wait3A_377 : memref<1x4x128xi32, #tpu.memory_space<vmem>> -> memref<4x128xi32, #tpu.memory_space<vmem>>
        %dma_wait3A_379 = arith.constant 0 : i32
        %dma_wait3A_380 = tpu.memref_slice %arg3[%add3A_115, %dma_wait3A_379] : memref<4096x128xi32, #tpu.memory_space<hbm>> -> memref<4x128xi32, #tpu.memory_space<hbm>>
        %dma_wait3A_381 = arith.constant 0 : i32
        %dma_wait3A_382 = arith.constant 0 : i32
        %dma_wait3A_383 = tpu.memref_slice %arg6[%run_scoped3A_116, %dma_wait3A_381, %dma_wait3A_382] : memref<2x4x128xi32, #tpu.memory_space<vmem>> -> memref<1x4x128xi32, #tpu.memory_space<vmem>>
        %dma_wait3A_384 = tpu.memref_squeeze %dma_wait3A_383 : memref<1x4x128xi32, #tpu.memory_space<vmem>> -> memref<4x128xi32, #tpu.memory_space<vmem>>
        %dma_wait3A_385 = arith.constant 0 : i32
        %dma_wait3A_386 = tpu.memref_slice %arg3[%add3A_115, %dma_wait3A_385] : memref<4096x128xi32, #tpu.memory_space<hbm>> -> memref<4x128xi32, #tpu.memory_space<hbm>>
        tpu.wait_dma2 semaphore(%run_scoped3A_362 : memref<!tpu.dma_semaphore, #tpu.memory_space<semaphore_mem>>) src(%dma_wait3A_386 : memref<4x128xi32, #tpu.memory_space<hbm>>) dst(%dma_wait3A_384 : memref<4x128xi32, #tpu.memory_space<vmem>>)
        tpu.yield
      }) : () -> ()
      %dma_start3A_117 = arith.constant 1 : i32
      %dma_start3A_118 = arith.constant 0 : i32
      %dma_start3A_119 = arith.constant 1 : i32
      %dma_start3A_120 = arith.constant 0 : i32
      %dma_start3A_121 = arith.constant 0 : i32
      %dma_start3A_122 = tpu.memref_slice %arg9[%dma_start3A_119, %dma_start3A_120, %dma_start3A_121] : memref<2x512x64xi32, #tpu.memory_space<vmem>> -> memref<1x128x64xi32, #tpu.memory_space<vmem>>
      %dma_start3A_123 = tpu.memref_squeeze %dma_start3A_122 : memref<1x128x64xi32, #tpu.memory_space<vmem>> -> memref<128x64xi32, #tpu.memory_space<vmem>>
      %dma_start3A_124 = arith.constant 0 : i32
      %dma_start3A_125 = tpu.memref_slice %arg6[%dma_start3A_117, %dma_start3A_118, %dma_start3A_124] : memref<2x4x128xi32, #tpu.memory_space<vmem>> -> memref<1x1x128xi32, #tpu.memory_space<vmem>>
      %dma_start3A_126 = tpu.memref_squeeze %dma_start3A_125 : memref<1x1x128xi32, #tpu.memory_space<vmem>> -> memref<128xi32, #tpu.memory_space<vmem>>
      %dma_start3A_127 = arith.constant 0 : i32
      %dma_start3A_128 = arith.constant 0 : i32
      %dma_start3A_129 = tpu.memref_slice %arg2[%dma_start3A_127, %dma_start3A_128] : memref<65536x64xi32, #tpu.memory_space<hbm>> -> memref<65536x64xi32, #tpu.memory_space<hbm>>
      tpu.enqueue_indirect_dma source(%dma_start3A_129 : memref<65536x64xi32, #tpu.memory_space<hbm>>) target(%dma_start3A_123 : memref<128x64xi32, #tpu.memory_space<vmem>>) offsets(%dma_start3A_126 : memref<128xi32, #tpu.memory_space<vmem>>) semaphore(%arg12 : memref<!tpu.dma_semaphore, #tpu.memory_space<semaphore_mem>>)
      %dma_start3A_130 = arith.constant 1 : i32
      %dma_start3A_131 = arith.constant 1 : i32
      %dma_start3A_132 = arith.constant 1 : i32
      %dma_start3A_133 = arith.constant 128 : i32
      %dma_start3A_134 = arith.constant 0 : i32
      %dma_start3A_135 = tpu.memref_slice %arg9[%dma_start3A_132, %dma_start3A_133, %dma_start3A_134] : memref<2x512x64xi32, #tpu.memory_space<vmem>> -> memref<1x128x64xi32, #tpu.memory_space<vmem>>
      %dma_start3A_136 = tpu.memref_squeeze %dma_start3A_135 : memref<1x128x64xi32, #tpu.memory_space<vmem>> -> memref<128x64xi32, #tpu.memory_space<vmem>>
      %dma_start3A_137 = arith.constant 0 : i32
      %dma_start3A_138 = tpu.memref_slice %arg6[%dma_start3A_130, %dma_start3A_131, %dma_start3A_137] : memref<2x4x128xi32, #tpu.memory_space<vmem>> -> memref<1x1x128xi32, #tpu.memory_space<vmem>>
      %dma_start3A_139 = tpu.memref_squeeze %dma_start3A_138 : memref<1x1x128xi32, #tpu.memory_space<vmem>> -> memref<128xi32, #tpu.memory_space<vmem>>
      %dma_start3A_140 = arith.constant 0 : i32
      %dma_start3A_141 = arith.constant 0 : i32
      %dma_start3A_142 = tpu.memref_slice %arg2[%dma_start3A_140, %dma_start3A_141] : memref<65536x64xi32, #tpu.memory_space<hbm>> -> memref<65536x64xi32, #tpu.memory_space<hbm>>
      tpu.enqueue_indirect_dma source(%dma_start3A_142 : memref<65536x64xi32, #tpu.memory_space<hbm>>) target(%dma_start3A_136 : memref<128x64xi32, #tpu.memory_space<vmem>>) offsets(%dma_start3A_139 : memref<128xi32, #tpu.memory_space<vmem>>) semaphore(%arg12 : memref<!tpu.dma_semaphore, #tpu.memory_space<semaphore_mem>>)
      %dma_start3A_143 = arith.constant 1 : i32
      %dma_start3A_144 = arith.constant 2 : i32
      %dma_start3A_145 = arith.constant 1 : i32
      %dma_start3A_146 = arith.constant 256 : i32
      %dma_start3A_147 = arith.constant 0 : i32
      %dma_start3A_148 = tpu.memref_slice %arg9[%dma_start3A_145, %dma_start3A_146, %dma_start3A_147] : memref<2x512x64xi32, #tpu.memory_space<vmem>> -> memref<1x128x64xi32, #tpu.memory_space<vmem>>
      %dma_start3A_149 = tpu.memref_squeeze %dma_start3A_148 : memref<1x128x64xi32, #tpu.memory_space<vmem>> -> memref<128x64xi32, #tpu.memory_space<vmem>>
      %dma_start3A_150 = arith.constant 0 : i32
      %dma_start3A_151 = tpu.memref_slice %arg6[%dma_start3A_143, %dma_start3A_144, %dma_start3A_150] : memref<2x4x128xi32, #tpu.memory_space<vmem>> -> memref<1x1x128xi32, #tpu.memory_space<vmem>>
      %dma_start3A_152 = tpu.memref_squeeze %dma_start3A_151 : memref<1x1x128xi32, #tpu.memory_space<vmem>> -> memref<128xi32, #tpu.memory_space<vmem>>
      %dma_start3A_153 = arith.constant 0 : i32
      %dma_start3A_154 = arith.constant 0 : i32
      %dma_start3A_155 = tpu.memref_slice %arg2[%dma_start3A_153, %dma_start3A_154] : memref<65536x64xi32, #tpu.memory_space<hbm>> -> memref<65536x64xi32, #tpu.memory_space<hbm>>
      tpu.enqueue_indirect_dma source(%dma_start3A_155 : memref<65536x64xi32, #tpu.memory_space<hbm>>) target(%dma_start3A_149 : memref<128x64xi32, #tpu.memory_space<vmem>>) offsets(%dma_start3A_152 : memref<128xi32, #tpu.memory_space<vmem>>) semaphore(%arg12 : memref<!tpu.dma_semaphore, #tpu.memory_space<semaphore_mem>>)
      %dma_start3A_156 = arith.constant 1 : i32
      %dma_start3A_157 = arith.constant 3 : i32
      %dma_start3A_158 = arith.constant 1 : i32
      %dma_start3A_159 = arith.constant 384 : i32
      %dma_start3A_160 = arith.constant 0 : i32
      %dma_start3A_161 = tpu.memref_slice %arg9[%dma_start3A_158, %dma_start3A_159, %dma_start3A_160] : memref<2x512x64xi32, #tpu.memory_space<vmem>> -> memref<1x128x64xi32, #tpu.memory_space<vmem>>
      %dma_start3A_162 = tpu.memref_squeeze %dma_start3A_161 : memref<1x128x64xi32, #tpu.memory_space<vmem>> -> memref<128x64xi32, #tpu.memory_space<vmem>>
      %dma_start3A_163 = arith.constant 0 : i32
      %dma_start3A_164 = tpu.memref_slice %arg6[%dma_start3A_156, %dma_start3A_157, %dma_start3A_163] : memref<2x4x128xi32, #tpu.memory_space<vmem>> -> memref<1x1x128xi32, #tpu.memory_space<vmem>>
      %dma_start3A_165 = tpu.memref_squeeze %dma_start3A_164 : memref<1x1x128xi32, #tpu.memory_space<vmem>> -> memref<128xi32, #tpu.memory_space<vmem>>
      %dma_start3A_166 = arith.constant 0 : i32
      %dma_start3A_167 = arith.constant 0 : i32
      %dma_start3A_168 = tpu.memref_slice %arg2[%dma_start3A_166, %dma_start3A_167] : memref<65536x64xi32, #tpu.memory_space<hbm>> -> memref<65536x64xi32, #tpu.memory_space<hbm>>
      tpu.enqueue_indirect_dma source(%dma_start3A_168 : memref<65536x64xi32, #tpu.memory_space<hbm>>) target(%dma_start3A_162 : memref<128x64xi32, #tpu.memory_space<vmem>>) offsets(%dma_start3A_165 : memref<128xi32, #tpu.memory_space<vmem>>) semaphore(%arg12 : memref<!tpu.dma_semaphore, #tpu.memory_space<semaphore_mem>>)
      %dma_start3A_169 = arith.constant 0 : i32
      %dma_start3A_170 = tpu.memref_slice %arg4[%add3A_115, %dma_start3A_169] : memref<4096x128xf32, #tpu.memory_space<hbm>> -> memref<4x128xf32, #tpu.memory_space<hbm>>
      %dma_start3A_171 = arith.constant 0 : i32
      %dma_start3A_172 = tpu.memref_slice %arg4[%add3A_115, %dma_start3A_171] : memref<4096x128xf32, #tpu.memory_space<hbm>> -> memref<4x128xf32, #tpu.memory_space<hbm>>
      tpu.enqueue_dma source(%dma_start3A_172 : memref<4x128xf32, #tpu.memory_space<hbm>>) target(%arg8 : memref<4x128xf32, #tpu.memory_space<vmem>>) target_semaphore(%arg12 : memref<!tpu.dma_semaphore, #tpu.memory_space<semaphore_mem>>)
      %mul3A_173 = arith.constant 4 : i32
      %mul3A_174 = arith.muli %add3A_110, %mul3A_173 : i32
      %add3A_175 = arith.addi %mul3A_4, %mul3A_174 : i32
      %dma_wait3A_176 = arith.constant 0 : i32
      %dma_wait3A_177 = arith.constant 0 : i32
      %dma_wait3A_178 = arith.constant 0 : i32
      %dma_wait3A_179 = arith.constant 0 : i32
      %dma_wait3A_180 = arith.constant 0 : i32
      %dma_wait3A_181 = tpu.memref_slice %arg9[%dma_wait3A_178, %dma_wait3A_179, %dma_wait3A_180] : memref<2x512x64xi32, #tpu.memory_space<vmem>> -> memref<1x128x64xi32, #tpu.memory_space<vmem>>
      %dma_wait3A_182 = tpu.memref_squeeze %dma_wait3A_181 : memref<1x128x64xi32, #tpu.memory_space<vmem>> -> memref<128x64xi32, #tpu.memory_space<vmem>>
      %dma_wait3A_183 = arith.constant 0 : i32
      %dma_wait3A_184 = tpu.memref_slice %arg6[%dma_wait3A_176, %dma_wait3A_177, %dma_wait3A_183] : memref<2x4x128xi32, #tpu.memory_space<vmem>> -> memref<1x1x128xi32, #tpu.memory_space<vmem>>
      %dma_wait3A_185 = tpu.memref_squeeze %dma_wait3A_184 : memref<1x1x128xi32, #tpu.memory_space<vmem>> -> memref<128xi32, #tpu.memory_space<vmem>>
      %dma_wait3A_186 = arith.constant 0 : i32
      %dma_wait3A_187 = arith.constant 0 : i32
      %dma_wait3A_188 = tpu.memref_slice %arg2[%dma_wait3A_186, %dma_wait3A_187] : memref<65536x64xi32, #tpu.memory_space<hbm>> -> memref<65536x64xi32, #tpu.memory_space<hbm>>
      tpu.wait_indirect_dma semaphore(%arg11 : memref<!tpu.dma_semaphore, #tpu.memory_space<semaphore_mem>>) src(%dma_wait3A_188 : memref<65536x64xi32, #tpu.memory_space<hbm>>) dst(%dma_wait3A_182 : memref<128x64xi32, #tpu.memory_space<vmem>>)
      %dma_wait3A_189 = arith.constant 0 : i32
      %dma_wait3A_190 = arith.constant 1 : i32
      %dma_wait3A_191 = arith.constant 0 : i32
      %dma_wait3A_192 = arith.constant 128 : i32
      %dma_wait3A_193 = arith.constant 0 : i32
      %dma_wait3A_194 = tpu.memref_slice %arg9[%dma_wait3A_191, %dma_wait3A_192, %dma_wait3A_193] : memref<2x512x64xi32, #tpu.memory_space<vmem>> -> memref<1x128x64xi32, #tpu.memory_space<vmem>>
      %dma_wait3A_195 = tpu.memref_squeeze %dma_wait3A_194 : memref<1x128x64xi32, #tpu.memory_space<vmem>> -> memref<128x64xi32, #tpu.memory_space<vmem>>
      %dma_wait3A_196 = arith.constant 0 : i32
      %dma_wait3A_197 = tpu.memref_slice %arg6[%dma_wait3A_189, %dma_wait3A_190, %dma_wait3A_196] : memref<2x4x128xi32, #tpu.memory_space<vmem>> -> memref<1x1x128xi32, #tpu.memory_space<vmem>>
      %dma_wait3A_198 = tpu.memref_squeeze %dma_wait3A_197 : memref<1x1x128xi32, #tpu.memory_space<vmem>> -> memref<128xi32, #tpu.memory_space<vmem>>
      %dma_wait3A_199 = arith.constant 0 : i32
      %dma_wait3A_200 = arith.constant 0 : i32
      %dma_wait3A_201 = tpu.memref_slice %arg2[%dma_wait3A_199, %dma_wait3A_200] : memref<65536x64xi32, #tpu.memory_space<hbm>> -> memref<65536x64xi32, #tpu.memory_space<hbm>>
      tpu.wait_indirect_dma semaphore(%arg11 : memref<!tpu.dma_semaphore, #tpu.memory_space<semaphore_mem>>) src(%dma_wait3A_201 : memref<65536x64xi32, #tpu.memory_space<hbm>>) dst(%dma_wait3A_195 : memref<128x64xi32, #tpu.memory_space<vmem>>)
      %dma_wait3A_202 = arith.constant 0 : i32
      %dma_wait3A_203 = arith.constant 2 : i32
      %dma_wait3A_204 = arith.constant 0 : i32
      %dma_wait3A_205 = arith.constant 256 : i32
      %dma_wait3A_206 = arith.constant 0 : i32
      %dma_wait3A_207 = tpu.memref_slice %arg9[%dma_wait3A_204, %dma_wait3A_205, %dma_wait3A_206] : memref<2x512x64xi32, #tpu.memory_space<vmem>> -> memref<1x128x64xi32, #tpu.memory_space<vmem>>
      %dma_wait3A_208 = tpu.memref_squeeze %dma_wait3A_207 : memref<1x128x64xi32, #tpu.memory_space<vmem>> -> memref<128x64xi32, #tpu.memory_space<vmem>>
      %dma_wait3A_209 = arith.constant 0 : i32
      %dma_wait3A_210 = tpu.memref_slice %arg6[%dma_wait3A_202, %dma_wait3A_203, %dma_wait3A_209] : memref<2x4x128xi32, #tpu.memory_space<vmem>> -> memref<1x1x128xi32, #tpu.memory_space<vmem>>
      %dma_wait3A_211 = tpu.memref_squeeze %dma_wait3A_210 : memref<1x1x128xi32, #tpu.memory_space<vmem>> -> memref<128xi32, #tpu.memory_space<vmem>>
      %dma_wait3A_212 = arith.constant 0 : i32
      %dma_wait3A_213 = arith.constant 0 : i32
      %dma_wait3A_214 = tpu.memref_slice %arg2[%dma_wait3A_212, %dma_wait3A_213] : memref<65536x64xi32, #tpu.memory_space<hbm>> -> memref<65536x64xi32, #tpu.memory_space<hbm>>
      tpu.wait_indirect_dma semaphore(%arg11 : memref<!tpu.dma_semaphore, #tpu.memory_space<semaphore_mem>>) src(%dma_wait3A_214 : memref<65536x64xi32, #tpu.memory_space<hbm>>) dst(%dma_wait3A_208 : memref<128x64xi32, #tpu.memory_space<vmem>>)
      %dma_wait3A_215 = arith.constant 0 : i32
      %dma_wait3A_216 = arith.constant 3 : i32
      %dma_wait3A_217 = arith.constant 0 : i32
      %dma_wait3A_218 = arith.constant 384 : i32
      %dma_wait3A_219 = arith.constant 0 : i32
      %dma_wait3A_220 = tpu.memref_slice %arg9[%dma_wait3A_217, %dma_wait3A_218, %dma_wait3A_219] : memref<2x512x64xi32, #tpu.memory_space<vmem>> -> memref<1x128x64xi32, #tpu.memory_space<vmem>>
      %dma_wait3A_221 = tpu.memref_squeeze %dma_wait3A_220 : memref<1x128x64xi32, #tpu.memory_space<vmem>> -> memref<128x64xi32, #tpu.memory_space<vmem>>
      %dma_wait3A_222 = arith.constant 0 : i32
      %dma_wait3A_223 = tpu.memref_slice %arg6[%dma_wait3A_215, %dma_wait3A_216, %dma_wait3A_222] : memref<2x4x128xi32, #tpu.memory_space<vmem>> -> memref<1x1x128xi32, #tpu.memory_space<vmem>>
      %dma_wait3A_224 = tpu.memref_squeeze %dma_wait3A_223 : memref<1x1x128xi32, #tpu.memory_space<vmem>> -> memref<128xi32, #tpu.memory_space<vmem>>
      %dma_wait3A_225 = arith.constant 0 : i32
      %dma_wait3A_226 = arith.constant 0 : i32
      %dma_wait3A_227 = tpu.memref_slice %arg2[%dma_wait3A_225, %dma_wait3A_226] : memref<65536x64xi32, #tpu.memory_space<hbm>> -> memref<65536x64xi32, #tpu.memory_space<hbm>>
      tpu.wait_indirect_dma semaphore(%arg11 : memref<!tpu.dma_semaphore, #tpu.memory_space<semaphore_mem>>) src(%dma_wait3A_227 : memref<65536x64xi32, #tpu.memory_space<hbm>>) dst(%dma_wait3A_221 : memref<128x64xi32, #tpu.memory_space<vmem>>)
      %dma_wait3A_228 = arith.constant 0 : i32
      %dma_wait3A_229 = tpu.memref_slice %arg4[%add3A_175, %dma_wait3A_228] : memref<4096x128xf32, #tpu.memory_space<hbm>> -> memref<4x128xf32, #tpu.memory_space<hbm>>
      %dma_wait3A_230 = arith.constant 0 : i32
      %dma_wait3A_231 = tpu.memref_slice %arg4[%add3A_175, %dma_wait3A_230] : memref<4096x128xf32, #tpu.memory_space<hbm>> -> memref<4x128xf32, #tpu.memory_space<hbm>>
      tpu.wait_dma2 semaphore(%arg11 : memref<!tpu.dma_semaphore, #tpu.memory_space<semaphore_mem>>) src(%dma_wait3A_231 : memref<4x128xf32, #tpu.memory_space<hbm>>) dst(%arg7 : memref<4x128xf32, #tpu.memory_space<vmem>>)
      %ge3A = arith.constant 1 : i32
      %ge3A_232 = arith.cmpi sge, %scan3A_106, %ge3A : i32
      %convert_element_type3A = arith.extui %ge3A_232 : i1 to i32
      %cond3A = arith.constant 0 : i32
      %cond3A_233 = arith.cmpi ne, %convert_element_type3A, %cond3A : i32
      scf.if %cond3A_233 {
        %sub3A = arith.constant 2 : i32
        %sub3A_362 = arith.subi %add3A_110, %sub3A : i32
        %mul3A_363 = arith.constant 64 : i32
        %mul3A_364 = arith.muli %sub3A_362, %mul3A_363 : i32
        %add3A_365 = arith.addi %mul3A_2, %mul3A_364 : i32
        %shift_right_logical3A_366 = arith.constant 8 : i32
        %shift_right_logical3A_367 = arith.shrui %add3A_365, %shift_right_logical3A_366 : i32
        %and3A_368 = arith.constant 255 : i32
        %and3A_369 = arith.andi %add3A_365, %and3A_368 : i32
        %dma_wait3A_370 = arith.constant 0 : i32
        %dma_wait3A_371 = arith.constant 0 : i32
        %dma_wait3A_372 = arith.constant 0 : i32
        %dma_wait3A_373 = tpu.memref_slice %arg10[%dma_wait3A_370, %dma_wait3A_371, %dma_wait3A_372] : memref<2x64x128xf32, #tpu.memory_space<vmem>> -> memref<1x64x128xf32, #tpu.memory_space<vmem>>
        %dma_wait3A_374 = tpu.memref_squeeze %dma_wait3A_373 : memref<1x64x128xf32, #tpu.memory_space<vmem>> -> memref<64x128xf32, #tpu.memory_space<vmem>>
        %dma_wait3A_375 = arith.constant 0 : i32
        %dma_wait3A_376 = tpu.memref_slice %arg5[%shift_right_logical3A_367, %and3A_369, %dma_wait3A_375] : memref<256x256x128xf32, #tpu.memory_space<hbm>> -> memref<1x64x128xf32, #tpu.memory_space<hbm>>
        %dma_wait3A_377 = tpu.memref_squeeze %dma_wait3A_376 : memref<1x64x128xf32, #tpu.memory_space<hbm>> -> memref<64x128xf32, #tpu.memory_space<hbm>>
        %dma_wait3A_378 = arith.constant 0 : i32
        %dma_wait3A_379 = tpu.memref_slice %arg5[%shift_right_logical3A_367, %and3A_369, %dma_wait3A_378] : memref<256x256x128xf32, #tpu.memory_space<hbm>> -> memref<1x64x128xf32, #tpu.memory_space<hbm>>
        %dma_wait3A_380 = tpu.memref_squeeze %dma_wait3A_379 : memref<1x64x128xf32, #tpu.memory_space<hbm>> -> memref<64x128xf32, #tpu.memory_space<hbm>>
        %dma_wait3A_381 = arith.constant 0 : i32
        %dma_wait3A_382 = arith.constant 0 : i32
        %dma_wait3A_383 = tpu.memref_slice %arg10[%dma_wait3A_370, %dma_wait3A_381, %dma_wait3A_382] : memref<2x64x128xf32, #tpu.memory_space<vmem>> -> memref<1x64x128xf32, #tpu.memory_space<vmem>>
        %dma_wait3A_384 = tpu.memref_squeeze %dma_wait3A_383 : memref<1x64x128xf32, #tpu.memory_space<vmem>> -> memref<64x128xf32, #tpu.memory_space<vmem>>
        tpu.wait_dma2 semaphore(%arg13 : memref<!tpu.dma_semaphore, #tpu.memory_space<semaphore_mem>>) src(%dma_wait3A_384 : memref<64x128xf32, #tpu.memory_space<vmem>>) dst(%dma_wait3A_380 : memref<64x128xf32, #tpu.memory_space<hbm>>)
      } else {
      }
      %scan3A_234 = arith.constant 0 : i32
      %scan3A_235 = arith.constant 0 : i32
      %scan3A_236 = arith.constant 32 : i32
      %scan3A_237 = arith.addi %scan3A_235, %scan3A_236 : i32
      %scan3A_238 = arith.constant 1 : i32
      scf.for %scan3A_362 = %scan3A_235 to %scan3A_237 step %scan3A_238  : i32 {
        %mul3A_363 = arith.constant 2 : i32
        %mul3A_364 = arith.muli %scan3A_362, %mul3A_363 : i32
        %mul3A_365 = arith.constant 8 : i32
        %mul3A_366 = arith.muli %mul3A_364, %mul3A_365 : i32
        %shift_right_logical3A_367 = arith.constant 7 : i32
        %shift_right_logical3A_368 = arith.shrui %mul3A_366, %shift_right_logical3A_367 : i32
        %and3A_369 = arith.constant 127 : i32
        %and3A_370 = arith.andi %mul3A_366, %and3A_369 : i32
        %get3A = arith.index_cast %shift_right_logical3A_368 : i32 to index
        %get3A_371 = arith.index_cast %and3A_370 : i32 to index
        %get3A_372 = tpu.vector_load %arg7[%get3A, %get3A_371] {strides = array<i32>} : memref<4x128xf32, #tpu.memory_space<vmem>>, vector<1x16xf32>,
        %get3A_373 = vector.shape_cast %get3A_372 : vector<1x16xf32> to vector<16xf32>
        %mul3A_374 = arith.constant 2 : i32
        %mul3A_375 = arith.muli %scan3A_362, %mul3A_374 : i32
        %add3A_376 = arith.constant 0 : i32
        %add3A_377 = arith.addi %mul3A_375, %add3A_376 : i32
        %add3A_378 = arith.constant 0 : i32
        %add3A_379 = arith.addi %mul3A_366, %add3A_378 : i32
        %slice3A = vector.extract_strided_slice %get3A_373 {offsets = [0], sizes = [1], strides = [1]} : vector<16xf32> to vector<1xf32>
        %squeeze3A = vector.extract %slice3A[0] : f32 from vector<1xf32>
        %broadcast_in_dim3A = vector.broadcast %squeeze3A : f32 to vector<16xf32>
        %mul3A_380 = arith.constant 1.250000e-01 : f32
        %mul3A_381 = vector.broadcast %mul3A_380 : f32 to vector<16xf32>
        %mul3A_382 = arith.mulf %broadcast_in_dim3A, %mul3A_381 : vector<16xf32>
        %add3A_383 = arith.constant 0 : i32
        %add3A_384 = arith.addi %add3A_379, %add3A_383 : i32
        %get3A_385 = arith.constant 0 : i32
        %get3A_386 = arith.index_cast %get3A_385 : i32 to index
        %get3A_387 = arith.index_cast %add3A_384 : i32 to index
        %get3A_388 = arith.constant 0 : index
        %get3A_389 = tpu.vector_load %arg9[%get3A_386, %get3A_387, %get3A_388] {strides = array<i32>} : memref<2x512x64xi32, #tpu.memory_space<vmem>>, vector<1x1x16xi32>,
        %get3A_390 = vector.shape_cast %get3A_389 : vector<1x1x16xi32> to vector<16xi32>
        %shift_left3A = arith.constant 16 : i32
        %shift_left3A_391 = vector.broadcast %shift_left3A : i32 to vector<16xi32>
        %shift_left3A_392 = arith.shli %get3A_390, %shift_left3A_391 : vector<16xi32>
        %bitcast_convert_type3A = tpu.bitcast %shift_left3A_392 : vector<16xi32> -> vector<16xf32>
        %and3A_393 = arith.constant -65536 : i32
        %and3A_394 = vector.broadcast %and3A_393 : i32 to vector<16xi32>
        %and3A_395 = arith.andi %get3A_390, %and3A_394 : vector<16xi32>
        %bitcast_convert_type3A_396 = tpu.bitcast %and3A_395 : vector<16xi32> -> vector<16xf32>
        %mul3A_397 = arith.mulf %bitcast_convert_type3A, %mul3A_382 : vector<16xf32>
        %mul3A_398 = arith.mulf %bitcast_convert_type3A_396, %mul3A_382 : vector<16xf32>
        %add3A_399 = arith.constant 0 : i32
        %add3A_400 = arith.addi %add3A_379, %add3A_399 : i32
        %get3A_401 = arith.constant 0 : i32
        %get3A_402 = arith.index_cast %get3A_401 : i32 to index
        %get3A_403 = arith.index_cast %add3A_400 : i32 to index
        %get3A_404 = arith.constant 16 : index
        %get3A_405 = tpu.vector_load %arg9[%get3A_402, %get3A_403, %get3A_404] {strides = array<i32>} : memref<2x512x64xi32, #tpu.memory_space<vmem>>, vector<1x1x16xi32>,
        %get3A_406 = vector.shape_cast %get3A_405 : vector<1x1x16xi32> to vector<16xi32>
        %shift_left3A_407 = arith.constant 16 : i32
        %shift_left3A_408 = vector.broadcast %shift_left3A_407 : i32 to vector<16xi32>
        %shift_left3A_409 = arith.shli %get3A_406, %shift_left3A_408 : vector<16xi32>
        %bitcast_convert_type3A_410 = tpu.bitcast %shift_left3A_409 : vector<16xi32> -> vector<16xf32>
        %and3A_411 = arith.constant -65536 : i32
        %and3A_412 = vector.broadcast %and3A_411 : i32 to vector<16xi32>
        %and3A_413 = arith.andi %get3A_406, %and3A_412 : vector<16xi32>
        %bitcast_convert_type3A_414 = tpu.bitcast %and3A_413 : vector<16xi32> -> vector<16xf32>
        %mul3A_415 = arith.mulf %bitcast_convert_type3A_410, %mul3A_382 : vector<16xf32>
        %mul3A_416 = arith.mulf %bitcast_convert_type3A_414, %mul3A_382 : vector<16xf32>
        %add3A_417 = arith.constant 0 : i32
        %add3A_418 = arith.addi %add3A_379, %add3A_417 : i32
        %get3A_419 = arith.constant 0 : i32
        %get3A_420 = arith.index_cast %get3A_419 : i32 to index
        %get3A_421 = arith.index_cast %add3A_418 : i32 to index
        %get3A_422 = arith.constant 32 : index
        %get3A_423 = tpu.vector_load %arg9[%get3A_420, %get3A_421, %get3A_422] {strides = array<i32>} : memref<2x512x64xi32, #tpu.memory_space<vmem>>, vector<1x1x16xi32>,
        %get3A_424 = vector.shape_cast %get3A_423 : vector<1x1x16xi32> to vector<16xi32>
        %shift_left3A_425 = arith.constant 16 : i32
        %shift_left3A_426 = vector.broadcast %shift_left3A_425 : i32 to vector<16xi32>
        %shift_left3A_427 = arith.shli %get3A_424, %shift_left3A_426 : vector<16xi32>
        %bitcast_convert_type3A_428 = tpu.bitcast %shift_left3A_427 : vector<16xi32> -> vector<16xf32>
        %and3A_429 = arith.constant -65536 : i32
        %and3A_430 = vector.broadcast %and3A_429 : i32 to vector<16xi32>
        %and3A_431 = arith.andi %get3A_424, %and3A_430 : vector<16xi32>
        %bitcast_convert_type3A_432 = tpu.bitcast %and3A_431 : vector<16xi32> -> vector<16xf32>
        %mul3A_433 = arith.mulf %bitcast_convert_type3A_428, %mul3A_382 : vector<16xf32>
        %mul3A_434 = arith.mulf %bitcast_convert_type3A_432, %mul3A_382 : vector<16xf32>
        %add3A_435 = arith.constant 0 : i32
        %add3A_436 = arith.addi %add3A_379, %add3A_435 : i32
        %get3A_437 = arith.constant 0 : i32
        %get3A_438 = arith.index_cast %get3A_437 : i32 to index
        %get3A_439 = arith.index_cast %add3A_436 : i32 to index
        %get3A_440 = arith.constant 48 : index
        %get3A_441 = tpu.vector_load %arg9[%get3A_438, %get3A_439, %get3A_440] {strides = array<i32>} : memref<2x512x64xi32, #tpu.memory_space<vmem>>, vector<1x1x16xi32>,
        %get3A_442 = vector.shape_cast %get3A_441 : vector<1x1x16xi32> to vector<16xi32>
        %shift_left3A_443 = arith.constant 16 : i32
        %shift_left3A_444 = vector.broadcast %shift_left3A_443 : i32 to vector<16xi32>
        %shift_left3A_445 = arith.shli %get3A_442, %shift_left3A_444 : vector<16xi32>
        %bitcast_convert_type3A_446 = tpu.bitcast %shift_left3A_445 : vector<16xi32> -> vector<16xf32>
        %and3A_447 = arith.constant -65536 : i32
        %and3A_448 = vector.broadcast %and3A_447 : i32 to vector<16xi32>
        %and3A_449 = arith.andi %get3A_442, %and3A_448 : vector<16xi32>
        %bitcast_convert_type3A_450 = tpu.bitcast %and3A_449 : vector<16xi32> -> vector<16xf32>
        %mul3A_451 = arith.mulf %bitcast_convert_type3A_446, %mul3A_382 : vector<16xf32>
        %mul3A_452 = arith.mulf %bitcast_convert_type3A_450, %mul3A_382 : vector<16xf32>
        %slice3A_453 = vector.extract_strided_slice %get3A_373 {offsets = [1], sizes = [1], strides = [1]} : vector<16xf32> to vector<1xf32>
        %squeeze3A_454 = vector.extract %slice3A_453[0] : f32 from vector<1xf32>
        %broadcast_in_dim3A_455 = vector.broadcast %squeeze3A_454 : f32 to vector<16xf32>
        %mul3A_456 = arith.constant 1.250000e-01 : f32
        %mul3A_457 = vector.broadcast %mul3A_456 : f32 to vector<16xf32>
        %mul3A_458 = arith.mulf %broadcast_in_dim3A_455, %mul3A_457 : vector<16xf32>
        %add3A_459 = arith.constant 1 : i32
        %add3A_460 = arith.addi %add3A_379, %add3A_459 : i32
        %get3A_461 = arith.constant 0 : i32
        %get3A_462 = arith.index_cast %get3A_461 : i32 to index
        %get3A_463 = arith.index_cast %add3A_460 : i32 to index
        %get3A_464 = arith.constant 0 : index
        %get3A_465 = tpu.vector_load %arg9[%get3A_462, %get3A_463, %get3A_464] {strides = array<i32>} : memref<2x512x64xi32, #tpu.memory_space<vmem>>, vector<1x1x16xi32>,
        %get3A_466 = vector.shape_cast %get3A_465 : vector<1x1x16xi32> to vector<16xi32>
        %shift_left3A_467 = arith.constant 16 : i32
        %shift_left3A_468 = vector.broadcast %shift_left3A_467 : i32 to vector<16xi32>
        %shift_left3A_469 = arith.shli %get3A_466, %shift_left3A_468 : vector<16xi32>
        %bitcast_convert_type3A_470 = tpu.bitcast %shift_left3A_469 : vector<16xi32> -> vector<16xf32>
        %and3A_471 = arith.constant -65536 : i32
        %and3A_472 = vector.broadcast %and3A_471 : i32 to vector<16xi32>
        %and3A_473 = arith.andi %get3A_466, %and3A_472 : vector<16xi32>
        %bitcast_convert_type3A_474 = tpu.bitcast %and3A_473 : vector<16xi32> -> vector<16xf32>
        %mul3A_475 = arith.mulf %bitcast_convert_type3A_470, %mul3A_458 : vector<16xf32>
        %add3A_476 = arith.addf %mul3A_397, %mul3A_475 : vector<16xf32>
        %mul3A_477 = arith.mulf %bitcast_convert_type3A_474, %mul3A_458 : vector<16xf32>
        %add3A_478 = arith.addf %mul3A_398, %mul3A_477 : vector<16xf32>
        %add3A_479 = arith.constant 1 : i32
        %add3A_480 = arith.addi %add3A_379, %add3A_479 : i32
        %get3A_481 = arith.constant 0 : i32
        %get3A_482 = arith.index_cast %get3A_481 : i32 to index
        %get3A_483 = arith.index_cast %add3A_480 : i32 to index
        %get3A_484 = arith.constant 16 : index
        %get3A_485 = tpu.vector_load %arg9[%get3A_482, %get3A_483, %get3A_484] {strides = array<i32>} : memref<2x512x64xi32, #tpu.memory_space<vmem>>, vector<1x1x16xi32>,
        %get3A_486 = vector.shape_cast %get3A_485 : vector<1x1x16xi32> to vector<16xi32>
        %shift_left3A_487 = arith.constant 16 : i32
        %shift_left3A_488 = vector.broadcast %shift_left3A_487 : i32 to vector<16xi32>
        %shift_left3A_489 = arith.shli %get3A_486, %shift_left3A_488 : vector<16xi32>
        %bitcast_convert_type3A_490 = tpu.bitcast %shift_left3A_489 : vector<16xi32> -> vector<16xf32>
        %and3A_491 = arith.constant -65536 : i32
        %and3A_492 = vector.broadcast %and3A_491 : i32 to vector<16xi32>
        %and3A_493 = arith.andi %get3A_486, %and3A_492 : vector<16xi32>
        %bitcast_convert_type3A_494 = tpu.bitcast %and3A_493 : vector<16xi32> -> vector<16xf32>
        %mul3A_495 = arith.mulf %bitcast_convert_type3A_490, %mul3A_458 : vector<16xf32>
        %add3A_496 = arith.addf %mul3A_415, %mul3A_495 : vector<16xf32>
        %mul3A_497 = arith.mulf %bitcast_convert_type3A_494, %mul3A_458 : vector<16xf32>
        %add3A_498 = arith.addf %mul3A_416, %mul3A_497 : vector<16xf32>
        %add3A_499 = arith.constant 1 : i32
        %add3A_500 = arith.addi %add3A_379, %add3A_499 : i32
        %get3A_501 = arith.constant 0 : i32
        %get3A_502 = arith.index_cast %get3A_501 : i32 to index
        %get3A_503 = arith.index_cast %add3A_500 : i32 to index
        %get3A_504 = arith.constant 32 : index
        %get3A_505 = tpu.vector_load %arg9[%get3A_502, %get3A_503, %get3A_504] {strides = array<i32>} : memref<2x512x64xi32, #tpu.memory_space<vmem>>, vector<1x1x16xi32>,
        %get3A_506 = vector.shape_cast %get3A_505 : vector<1x1x16xi32> to vector<16xi32>
        %shift_left3A_507 = arith.constant 16 : i32
        %shift_left3A_508 = vector.broadcast %shift_left3A_507 : i32 to vector<16xi32>
        %shift_left3A_509 = arith.shli %get3A_506, %shift_left3A_508 : vector<16xi32>
        %bitcast_convert_type3A_510 = tpu.bitcast %shift_left3A_509 : vector<16xi32> -> vector<16xf32>
        %and3A_511 = arith.constant -65536 : i32
        %and3A_512 = vector.broadcast %and3A_511 : i32 to vector<16xi32>
        %and3A_513 = arith.andi %get3A_506, %and3A_512 : vector<16xi32>
        %bitcast_convert_type3A_514 = tpu.bitcast %and3A_513 : vector<16xi32> -> vector<16xf32>
        %mul3A_515 = arith.mulf %bitcast_convert_type3A_510, %mul3A_458 : vector<16xf32>
        %add3A_516 = arith.addf %mul3A_433, %mul3A_515 : vector<16xf32>
        %mul3A_517 = arith.mulf %bitcast_convert_type3A_514, %mul3A_458 : vector<16xf32>
        %add3A_518 = arith.addf %mul3A_434, %mul3A_517 : vector<16xf32>
        %add3A_519 = arith.constant 1 : i32
        %add3A_520 = arith.addi %add3A_379, %add3A_519 : i32
        %get3A_521 = arith.constant 0 : i32
        %get3A_522 = arith.index_cast %get3A_521 : i32 to index
        %get3A_523 = arith.index_cast %add3A_520 : i32 to index
        %get3A_524 = arith.constant 48 : index
        %get3A_525 = tpu.vector_load %arg9[%get3A_522, %get3A_523, %get3A_524] {strides = array<i32>} : memref<2x512x64xi32, #tpu.memory_space<vmem>>, vector<1x1x16xi32>,
        %get3A_526 = vector.shape_cast %get3A_525 : vector<1x1x16xi32> to vector<16xi32>
        %shift_left3A_527 = arith.constant 16 : i32
        %shift_left3A_528 = vector.broadcast %shift_left3A_527 : i32 to vector<16xi32>
        %shift_left3A_529 = arith.shli %get3A_526, %shift_left3A_528 : vector<16xi32>
        %bitcast_convert_type3A_530 = tpu.bitcast %shift_left3A_529 : vector<16xi32> -> vector<16xf32>
        %and3A_531 = arith.constant -65536 : i32
        %and3A_532 = vector.broadcast %and3A_531 : i32 to vector<16xi32>
        %and3A_533 = arith.andi %get3A_526, %and3A_532 : vector<16xi32>
        %bitcast_convert_type3A_534 = tpu.bitcast %and3A_533 : vector<16xi32> -> vector<16xf32>
        %mul3A_535 = arith.mulf %bitcast_convert_type3A_530, %mul3A_458 : vector<16xf32>
        %add3A_536 = arith.addf %mul3A_451, %mul3A_535 : vector<16xf32>
        %mul3A_537 = arith.mulf %bitcast_convert_type3A_534, %mul3A_458 : vector<16xf32>
        %add3A_538 = arith.addf %mul3A_452, %mul3A_537 : vector<16xf32>
        %slice3A_539 = vector.extract_strided_slice %get3A_373 {offsets = [2], sizes = [1], strides = [1]} : vector<16xf32> to vector<1xf32>
        %squeeze3A_540 = vector.extract %slice3A_539[0] : f32 from vector<1xf32>
        %broadcast_in_dim3A_541 = vector.broadcast %squeeze3A_540 : f32 to vector<16xf32>
        %mul3A_542 = arith.constant 1.250000e-01 : f32
        %mul3A_543 = vector.broadcast %mul3A_542 : f32 to vector<16xf32>
        %mul3A_544 = arith.mulf %broadcast_in_dim3A_541, %mul3A_543 : vector<16xf32>
        %add3A_545 = arith.constant 2 : i32
        %add3A_546 = arith.addi %add3A_379, %add3A_545 : i32
        %get3A_547 = arith.constant 0 : i32
        %get3A_548 = arith.index_cast %get3A_547 : i32 to index
        %get3A_549 = arith.index_cast %add3A_546 : i32 to index
        %get3A_550 = arith.constant 0 : index
        %get3A_551 = tpu.vector_load %arg9[%get3A_548, %get3A_549, %get3A_550] {strides = array<i32>} : memref<2x512x64xi32, #tpu.memory_space<vmem>>, vector<1x1x16xi32>,
        %get3A_552 = vector.shape_cast %get3A_551 : vector<1x1x16xi32> to vector<16xi32>
        %shift_left3A_553 = arith.constant 16 : i32
        %shift_left3A_554 = vector.broadcast %shift_left3A_553 : i32 to vector<16xi32>
        %shift_left3A_555 = arith.shli %get3A_552, %shift_left3A_554 : vector<16xi32>
        %bitcast_convert_type3A_556 = tpu.bitcast %shift_left3A_555 : vector<16xi32> -> vector<16xf32>
        %and3A_557 = arith.constant -65536 : i32
        %and3A_558 = vector.broadcast %and3A_557 : i32 to vector<16xi32>
        %and3A_559 = arith.andi %get3A_552, %and3A_558 : vector<16xi32>
        %bitcast_convert_type3A_560 = tpu.bitcast %and3A_559 : vector<16xi32> -> vector<16xf32>
        %mul3A_561 = arith.mulf %bitcast_convert_type3A_556, %mul3A_544 : vector<16xf32>
        %add3A_562 = arith.addf %add3A_476, %mul3A_561 : vector<16xf32>
        %mul3A_563 = arith.mulf %bitcast_convert_type3A_560, %mul3A_544 : vector<16xf32>
        %add3A_564 = arith.addf %add3A_478, %mul3A_563 : vector<16xf32>
        %add3A_565 = arith.constant 2 : i32
        %add3A_566 = arith.addi %add3A_379, %add3A_565 : i32
        %get3A_567 = arith.constant 0 : i32
        %get3A_568 = arith.index_cast %get3A_567 : i32 to index
        %get3A_569 = arith.index_cast %add3A_566 : i32 to index
        %get3A_570 = arith.constant 16 : index
        %get3A_571 = tpu.vector_load %arg9[%get3A_568, %get3A_569, %get3A_570] {strides = array<i32>} : memref<2x512x64xi32, #tpu.memory_space<vmem>>, vector<1x1x16xi32>,
        %get3A_572 = vector.shape_cast %get3A_571 : vector<1x1x16xi32> to vector<16xi32>
        %shift_left3A_573 = arith.constant 16 : i32
        %shift_left3A_574 = vector.broadcast %shift_left3A_573 : i32 to vector<16xi32>
        %shift_left3A_575 = arith.shli %get3A_572, %shift_left3A_574 : vector<16xi32>
        %bitcast_convert_type3A_576 = tpu.bitcast %shift_left3A_575 : vector<16xi32> -> vector<16xf32>
        %and3A_577 = arith.constant -65536 : i32
        %and3A_578 = vector.broadcast %and3A_577 : i32 to vector<16xi32>
        %and3A_579 = arith.andi %get3A_572, %and3A_578 : vector<16xi32>
        %bitcast_convert_type3A_580 = tpu.bitcast %and3A_579 : vector<16xi32> -> vector<16xf32>
        %mul3A_581 = arith.mulf %bitcast_convert_type3A_576, %mul3A_544 : vector<16xf32>
        %add3A_582 = arith.addf %add3A_496, %mul3A_581 : vector<16xf32>
        %mul3A_583 = arith.mulf %bitcast_convert_type3A_580, %mul3A_544 : vector<16xf32>
        %add3A_584 = arith.addf %add3A_498, %mul3A_583 : vector<16xf32>
        %add3A_585 = arith.constant 2 : i32
        %add3A_586 = arith.addi %add3A_379, %add3A_585 : i32
        %get3A_587 = arith.constant 0 : i32
        %get3A_588 = arith.index_cast %get3A_587 : i32 to index
        %get3A_589 = arith.index_cast %add3A_586 : i32 to index
        %get3A_590 = arith.constant 32 : index
        %get3A_591 = tpu.vector_load %arg9[%get3A_588, %get3A_589, %get3A_590] {strides = array<i32>} : memref<2x512x64xi32, #tpu.memory_space<vmem>>, vector<1x1x16xi32>,
        %get3A_592 = vector.shape_cast %get3A_591 : vector<1x1x16xi32> to vector<16xi32>
        %shift_left3A_593 = arith.constant 16 : i32
        %shift_left3A_594 = vector.broadcast %shift_left3A_593 : i32 to vector<16xi32>
        %shift_left3A_595 = arith.shli %get3A_592, %shift_left3A_594 : vector<16xi32>
        %bitcast_convert_type3A_596 = tpu.bitcast %shift_left3A_595 : vector<16xi32> -> vector<16xf32>
        %and3A_597 = arith.constant -65536 : i32
        %and3A_598 = vector.broadcast %and3A_597 : i32 to vector<16xi32>
        %and3A_599 = arith.andi %get3A_592, %and3A_598 : vector<16xi32>
        %bitcast_convert_type3A_600 = tpu.bitcast %and3A_599 : vector<16xi32> -> vector<16xf32>
        %mul3A_601 = arith.mulf %bitcast_convert_type3A_596, %mul3A_544 : vector<16xf32>
        %add3A_602 = arith.addf %add3A_516, %mul3A_601 : vector<16xf32>
        %mul3A_603 = arith.mulf %bitcast_convert_type3A_600, %mul3A_544 : vector<16xf32>
        %add3A_604 = arith.addf %add3A_518, %mul3A_603 : vector<16xf32>
        %add3A_605 = arith.constant 2 : i32
        %add3A_606 = arith.addi %add3A_379, %add3A_605 : i32
        %get3A_607 = arith.constant 0 : i32
        %get3A_608 = arith.index_cast %get3A_607 : i32 to index
        %get3A_609 = arith.index_cast %add3A_606 : i32 to index
        %get3A_610 = arith.constant 48 : index
        %get3A_611 = tpu.vector_load %arg9[%get3A_608, %get3A_609, %get3A_610] {strides = array<i32>} : memref<2x512x64xi32, #tpu.memory_space<vmem>>, vector<1x1x16xi32>,
        %get3A_612 = vector.shape_cast %get3A_611 : vector<1x1x16xi32> to vector<16xi32>
        %shift_left3A_613 = arith.constant 16 : i32
        %shift_left3A_614 = vector.broadcast %shift_left3A_613 : i32 to vector<16xi32>
        %shift_left3A_615 = arith.shli %get3A_612, %shift_left3A_614 : vector<16xi32>
        %bitcast_convert_type3A_616 = tpu.bitcast %shift_left3A_615 : vector<16xi32> -> vector<16xf32>
        %and3A_617 = arith.constant -65536 : i32
        %and3A_618 = vector.broadcast %and3A_617 : i32 to vector<16xi32>
        %and3A_619 = arith.andi %get3A_612, %and3A_618 : vector<16xi32>
        %bitcast_convert_type3A_620 = tpu.bitcast %and3A_619 : vector<16xi32> -> vector<16xf32>
        %mul3A_621 = arith.mulf %bitcast_convert_type3A_616, %mul3A_544 : vector<16xf32>
        %add3A_622 = arith.addf %add3A_536, %mul3A_621 : vector<16xf32>
        %mul3A_623 = arith.mulf %bitcast_convert_type3A_620, %mul3A_544 : vector<16xf32>
        %add3A_624 = arith.addf %add3A_538, %mul3A_623 : vector<16xf32>
        %slice3A_625 = vector.extract_strided_slice %get3A_373 {offsets = [3], sizes = [1], strides = [1]} : vector<16xf32> to vector<1xf32>
        %squeeze3A_626 = vector.extract %slice3A_625[0] : f32 from vector<1xf32>
        %broadcast_in_dim3A_627 = vector.broadcast %squeeze3A_626 : f32 to vector<16xf32>
        %mul3A_628 = arith.constant 1.250000e-01 : f32
        %mul3A_629 = vector.broadcast %mul3A_628 : f32 to vector<16xf32>
        %mul3A_630 = arith.mulf %broadcast_in_dim3A_627, %mul3A_629 : vector<16xf32>
        %add3A_631 = arith.constant 3 : i32
        %add3A_632 = arith.addi %add3A_379, %add3A_631 : i32
        %get3A_633 = arith.constant 0 : i32
        %get3A_634 = arith.index_cast %get3A_633 : i32 to index
        %get3A_635 = arith.index_cast %add3A_632 : i32 to index
        %get3A_636 = arith.constant 0 : index
        %get3A_637 = tpu.vector_load %arg9[%get3A_634, %get3A_635, %get3A_636] {strides = array<i32>} : memref<2x512x64xi32, #tpu.memory_space<vmem>>, vector<1x1x16xi32>,
        %get3A_638 = vector.shape_cast %get3A_637 : vector<1x1x16xi32> to vector<16xi32>
        %shift_left3A_639 = arith.constant 16 : i32
        %shift_left3A_640 = vector.broadcast %shift_left3A_639 : i32 to vector<16xi32>
        %shift_left3A_641 = arith.shli %get3A_638, %shift_left3A_640 : vector<16xi32>
        %bitcast_convert_type3A_642 = tpu.bitcast %shift_left3A_641 : vector<16xi32> -> vector<16xf32>
        %and3A_643 = arith.constant -65536 : i32
        %and3A_644 = vector.broadcast %and3A_643 : i32 to vector<16xi32>
        %and3A_645 = arith.andi %get3A_638, %and3A_644 : vector<16xi32>
        %bitcast_convert_type3A_646 = tpu.bitcast %and3A_645 : vector<16xi32> -> vector<16xf32>
        %mul3A_647 = arith.mulf %bitcast_convert_type3A_642, %mul3A_630 : vector<16xf32>
        %add3A_648 = arith.addf %add3A_562, %mul3A_647 : vector<16xf32>
        %mul3A_649 = arith.mulf %bitcast_convert_type3A_646, %mul3A_630 : vector<16xf32>
        %add3A_650 = arith.addf %add3A_564, %mul3A_649 : vector<16xf32>
        %add3A_651 = arith.constant 3 : i32
        %add3A_652 = arith.addi %add3A_379, %add3A_651 : i32
        %get3A_653 = arith.constant 0 : i32
        %get3A_654 = arith.index_cast %get3A_653 : i32 to index
        %get3A_655 = arith.index_cast %add3A_652 : i32 to index
        %get3A_656 = arith.constant 16 : index
        %get3A_657 = tpu.vector_load %arg9[%get3A_654, %get3A_655, %get3A_656] {strides = array<i32>} : memref<2x512x64xi32, #tpu.memory_space<vmem>>, vector<1x1x16xi32>,
        %get3A_658 = vector.shape_cast %get3A_657 : vector<1x1x16xi32> to vector<16xi32>
        %shift_left3A_659 = arith.constant 16 : i32
        %shift_left3A_660 = vector.broadcast %shift_left3A_659 : i32 to vector<16xi32>
        %shift_left3A_661 = arith.shli %get3A_658, %shift_left3A_660 : vector<16xi32>
        %bitcast_convert_type3A_662 = tpu.bitcast %shift_left3A_661 : vector<16xi32> -> vector<16xf32>
        %and3A_663 = arith.constant -65536 : i32
        %and3A_664 = vector.broadcast %and3A_663 : i32 to vector<16xi32>
        %and3A_665 = arith.andi %get3A_658, %and3A_664 : vector<16xi32>
        %bitcast_convert_type3A_666 = tpu.bitcast %and3A_665 : vector<16xi32> -> vector<16xf32>
        %mul3A_667 = arith.mulf %bitcast_convert_type3A_662, %mul3A_630 : vector<16xf32>
        %add3A_668 = arith.addf %add3A_582, %mul3A_667 : vector<16xf32>
        %mul3A_669 = arith.mulf %bitcast_convert_type3A_666, %mul3A_630 : vector<16xf32>
        %add3A_670 = arith.addf %add3A_584, %mul3A_669 : vector<16xf32>
        %add3A_671 = arith.constant 3 : i32
        %add3A_672 = arith.addi %add3A_379, %add3A_671 : i32
        %get3A_673 = arith.constant 0 : i32
        %get3A_674 = arith.index_cast %get3A_673 : i32 to index
        %get3A_675 = arith.index_cast %add3A_672 : i32 to index
        %get3A_676 = arith.constant 32 : index
        %get3A_677 = tpu.vector_load %arg9[%get3A_674, %get3A_675, %get3A_676] {strides = array<i32>} : memref<2x512x64xi32, #tpu.memory_space<vmem>>, vector<1x1x16xi32>,
        %get3A_678 = vector.shape_cast %get3A_677 : vector<1x1x16xi32> to vector<16xi32>
        %shift_left3A_679 = arith.constant 16 : i32
        %shift_left3A_680 = vector.broadcast %shift_left3A_679 : i32 to vector<16xi32>
        %shift_left3A_681 = arith.shli %get3A_678, %shift_left3A_680 : vector<16xi32>
        %bitcast_convert_type3A_682 = tpu.bitcast %shift_left3A_681 : vector<16xi32> -> vector<16xf32>
        %and3A_683 = arith.constant -65536 : i32
        %and3A_684 = vector.broadcast %and3A_683 : i32 to vector<16xi32>
        %and3A_685 = arith.andi %get3A_678, %and3A_684 : vector<16xi32>
        %bitcast_convert_type3A_686 = tpu.bitcast %and3A_685 : vector<16xi32> -> vector<16xf32>
        %mul3A_687 = arith.mulf %bitcast_convert_type3A_682, %mul3A_630 : vector<16xf32>
        %add3A_688 = arith.addf %add3A_602, %mul3A_687 : vector<16xf32>
        %mul3A_689 = arith.mulf %bitcast_convert_type3A_686, %mul3A_630 : vector<16xf32>
        %add3A_690 = arith.addf %add3A_604, %mul3A_689 : vector<16xf32>
        %add3A_691 = arith.constant 3 : i32
        %add3A_692 = arith.addi %add3A_379, %add3A_691 : i32
        %get3A_693 = arith.constant 0 : i32
        %get3A_694 = arith.index_cast %get3A_693 : i32 to index
        %get3A_695 = arith.index_cast %add3A_692 : i32 to index
        %get3A_696 = arith.constant 48 : index
        %get3A_697 = tpu.vector_load %arg9[%get3A_694, %get3A_695, %get3A_696] {strides = array<i32>} : memref<2x512x64xi32, #tpu.memory_space<vmem>>, vector<1x1x16xi32>,
        %get3A_698 = vector.shape_cast %get3A_697 : vector<1x1x16xi32> to vector<16xi32>
        %shift_left3A_699 = arith.constant 16 : i32
        %shift_left3A_700 = vector.broadcast %shift_left3A_699 : i32 to vector<16xi32>
        %shift_left3A_701 = arith.shli %get3A_698, %shift_left3A_700 : vector<16xi32>
        %bitcast_convert_type3A_702 = tpu.bitcast %shift_left3A_701 : vector<16xi32> -> vector<16xf32>
        %and3A_703 = arith.constant -65536 : i32
        %and3A_704 = vector.broadcast %and3A_703 : i32 to vector<16xi32>
        %and3A_705 = arith.andi %get3A_698, %and3A_704 : vector<16xi32>
        %bitcast_convert_type3A_706 = tpu.bitcast %and3A_705 : vector<16xi32> -> vector<16xf32>
        %mul3A_707 = arith.mulf %bitcast_convert_type3A_702, %mul3A_630 : vector<16xf32>
        %add3A_708 = arith.addf %add3A_622, %mul3A_707 : vector<16xf32>
        %mul3A_709 = arith.mulf %bitcast_convert_type3A_706, %mul3A_630 : vector<16xf32>
        %add3A_710 = arith.addf %add3A_624, %mul3A_709 : vector<16xf32>
        %slice3A_711 = vector.extract_strided_slice %get3A_373 {offsets = [4], sizes = [1], strides = [1]} : vector<16xf32> to vector<1xf32>
        %squeeze3A_712 = vector.extract %slice3A_711[0] : f32 from vector<1xf32>
        %broadcast_in_dim3A_713 = vector.broadcast %squeeze3A_712 : f32 to vector<16xf32>
        %mul3A_714 = arith.constant 1.250000e-01 : f32
        %mul3A_715 = vector.broadcast %mul3A_714 : f32 to vector<16xf32>
        %mul3A_716 = arith.mulf %broadcast_in_dim3A_713, %mul3A_715 : vector<16xf32>
        %add3A_717 = arith.constant 4 : i32
        %add3A_718 = arith.addi %add3A_379, %add3A_717 : i32
        %get3A_719 = arith.constant 0 : i32
        %get3A_720 = arith.index_cast %get3A_719 : i32 to index
        %get3A_721 = arith.index_cast %add3A_718 : i32 to index
        %get3A_722 = arith.constant 0 : index
        %get3A_723 = tpu.vector_load %arg9[%get3A_720, %get3A_721, %get3A_722] {strides = array<i32>} : memref<2x512x64xi32, #tpu.memory_space<vmem>>, vector<1x1x16xi32>,
        %get3A_724 = vector.shape_cast %get3A_723 : vector<1x1x16xi32> to vector<16xi32>
        %shift_left3A_725 = arith.constant 16 : i32
        %shift_left3A_726 = vector.broadcast %shift_left3A_725 : i32 to vector<16xi32>
        %shift_left3A_727 = arith.shli %get3A_724, %shift_left3A_726 : vector<16xi32>
        %bitcast_convert_type3A_728 = tpu.bitcast %shift_left3A_727 : vector<16xi32> -> vector<16xf32>
        %and3A_729 = arith.constant -65536 : i32
        %and3A_730 = vector.broadcast %and3A_729 : i32 to vector<16xi32>
        %and3A_731 = arith.andi %get3A_724, %and3A_730 : vector<16xi32>
        %bitcast_convert_type3A_732 = tpu.bitcast %and3A_731 : vector<16xi32> -> vector<16xf32>
        %mul3A_733 = arith.mulf %bitcast_convert_type3A_728, %mul3A_716 : vector<16xf32>
        %add3A_734 = arith.addf %add3A_648, %mul3A_733 : vector<16xf32>
        %mul3A_735 = arith.mulf %bitcast_convert_type3A_732, %mul3A_716 : vector<16xf32>
        %add3A_736 = arith.addf %add3A_650, %mul3A_735 : vector<16xf32>
        %add3A_737 = arith.constant 4 : i32
        %add3A_738 = arith.addi %add3A_379, %add3A_737 : i32
        %get3A_739 = arith.constant 0 : i32
        %get3A_740 = arith.index_cast %get3A_739 : i32 to index
        %get3A_741 = arith.index_cast %add3A_738 : i32 to index
        %get3A_742 = arith.constant 16 : index
        %get3A_743 = tpu.vector_load %arg9[%get3A_740, %get3A_741, %get3A_742] {strides = array<i32>} : memref<2x512x64xi32, #tpu.memory_space<vmem>>, vector<1x1x16xi32>,
        %get3A_744 = vector.shape_cast %get3A_743 : vector<1x1x16xi32> to vector<16xi32>
        %shift_left3A_745 = arith.constant 16 : i32
        %shift_left3A_746 = vector.broadcast %shift_left3A_745 : i32 to vector<16xi32>
        %shift_left3A_747 = arith.shli %get3A_744, %shift_left3A_746 : vector<16xi32>
        %bitcast_convert_type3A_748 = tpu.bitcast %shift_left3A_747 : vector<16xi32> -> vector<16xf32>
        %and3A_749 = arith.constant -65536 : i32
        %and3A_750 = vector.broadcast %and3A_749 : i32 to vector<16xi32>
        %and3A_751 = arith.andi %get3A_744, %and3A_750 : vector<16xi32>
        %bitcast_convert_type3A_752 = tpu.bitcast %and3A_751 : vector<16xi32> -> vector<16xf32>
        %mul3A_753 = arith.mulf %bitcast_convert_type3A_748, %mul3A_716 : vector<16xf32>
        %add3A_754 = arith.addf %add3A_668, %mul3A_753 : vector<16xf32>
        %mul3A_755 = arith.mulf %bitcast_convert_type3A_752, %mul3A_716 : vector<16xf32>
        %add3A_756 = arith.addf %add3A_670, %mul3A_755 : vector<16xf32>
        %add3A_757 = arith.constant 4 : i32
        %add3A_758 = arith.addi %add3A_379, %add3A_757 : i32
        %get3A_759 = arith.constant 0 : i32
        %get3A_760 = arith.index_cast %get3A_759 : i32 to index
        %get3A_761 = arith.index_cast %add3A_758 : i32 to index
        %get3A_762 = arith.constant 32 : index
        %get3A_763 = tpu.vector_load %arg9[%get3A_760, %get3A_761, %get3A_762] {strides = array<i32>} : memref<2x512x64xi32, #tpu.memory_space<vmem>>, vector<1x1x16xi32>,
        %get3A_764 = vector.shape_cast %get3A_763 : vector<1x1x16xi32> to vector<16xi32>
        %shift_left3A_765 = arith.constant 16 : i32
        %shift_left3A_766 = vector.broadcast %shift_left3A_765 : i32 to vector<16xi32>
        %shift_left3A_767 = arith.shli %get3A_764, %shift_left3A_766 : vector<16xi32>
        %bitcast_convert_type3A_768 = tpu.bitcast %shift_left3A_767 : vector<16xi32> -> vector<16xf32>
        %and3A_769 = arith.constant -65536 : i32
        %and3A_770 = vector.broadcast %and3A_769 : i32 to vector<16xi32>
        %and3A_771 = arith.andi %get3A_764, %and3A_770 : vector<16xi32>
        %bitcast_convert_type3A_772 = tpu.bitcast %and3A_771 : vector<16xi32> -> vector<16xf32>
        %mul3A_773 = arith.mulf %bitcast_convert_type3A_768, %mul3A_716 : vector<16xf32>
        %add3A_774 = arith.addf %add3A_688, %mul3A_773 : vector<16xf32>
        %mul3A_775 = arith.mulf %bitcast_convert_type3A_772, %mul3A_716 : vector<16xf32>
        %add3A_776 = arith.addf %add3A_690, %mul3A_775 : vector<16xf32>
        %add3A_777 = arith.constant 4 : i32
        %add3A_778 = arith.addi %add3A_379, %add3A_777 : i32
        %get3A_779 = arith.constant 0 : i32
        %get3A_780 = arith.index_cast %get3A_779 : i32 to index
        %get3A_781 = arith.index_cast %add3A_778 : i32 to index
        %get3A_782 = arith.constant 48 : index
        %get3A_783 = tpu.vector_load %arg9[%get3A_780, %get3A_781, %get3A_782] {strides = array<i32>} : memref<2x512x64xi32, #tpu.memory_space<vmem>>, vector<1x1x16xi32>,
        %get3A_784 = vector.shape_cast %get3A_783 : vector<1x1x16xi32> to vector<16xi32>
        %shift_left3A_785 = arith.constant 16 : i32
        %shift_left3A_786 = vector.broadcast %shift_left3A_785 : i32 to vector<16xi32>
        %shift_left3A_787 = arith.shli %get3A_784, %shift_left3A_786 : vector<16xi32>
        %bitcast_convert_type3A_788 = tpu.bitcast %shift_left3A_787 : vector<16xi32> -> vector<16xf32>
        %and3A_789 = arith.constant -65536 : i32
        %and3A_790 = vector.broadcast %and3A_789 : i32 to vector<16xi32>
        %and3A_791 = arith.andi %get3A_784, %and3A_790 : vector<16xi32>
        %bitcast_convert_type3A_792 = tpu.bitcast %and3A_791 : vector<16xi32> -> vector<16xf32>
        %mul3A_793 = arith.mulf %bitcast_convert_type3A_788, %mul3A_716 : vector<16xf32>
        %add3A_794 = arith.addf %add3A_708, %mul3A_793 : vector<16xf32>
        %mul3A_795 = arith.mulf %bitcast_convert_type3A_792, %mul3A_716 : vector<16xf32>
        %add3A_796 = arith.addf %add3A_710, %mul3A_795 : vector<16xf32>
        %slice3A_797 = vector.extract_strided_slice %get3A_373 {offsets = [5], sizes = [1], strides = [1]} : vector<16xf32> to vector<1xf32>
        %squeeze3A_798 = vector.extract %slice3A_797[0] : f32 from vector<1xf32>
        %broadcast_in_dim3A_799 = vector.broadcast %squeeze3A_798 : f32 to vector<16xf32>
        %mul3A_800 = arith.constant 1.250000e-01 : f32
        %mul3A_801 = vector.broadcast %mul3A_800 : f32 to vector<16xf32>
        %mul3A_802 = arith.mulf %broadcast_in_dim3A_799, %mul3A_801 : vector<16xf32>
        %add3A_803 = arith.constant 5 : i32
        %add3A_804 = arith.addi %add3A_379, %add3A_803 : i32
        %get3A_805 = arith.constant 0 : i32
        %get3A_806 = arith.index_cast %get3A_805 : i32 to index
        %get3A_807 = arith.index_cast %add3A_804 : i32 to index
        %get3A_808 = arith.constant 0 : index
        %get3A_809 = tpu.vector_load %arg9[%get3A_806, %get3A_807, %get3A_808] {strides = array<i32>} : memref<2x512x64xi32, #tpu.memory_space<vmem>>, vector<1x1x16xi32>,
        %get3A_810 = vector.shape_cast %get3A_809 : vector<1x1x16xi32> to vector<16xi32>
        %shift_left3A_811 = arith.constant 16 : i32
        %shift_left3A_812 = vector.broadcast %shift_left3A_811 : i32 to vector<16xi32>
        %shift_left3A_813 = arith.shli %get3A_810, %shift_left3A_812 : vector<16xi32>
        %bitcast_convert_type3A_814 = tpu.bitcast %shift_left3A_813 : vector<16xi32> -> vector<16xf32>
        %and3A_815 = arith.constant -65536 : i32
        %and3A_816 = vector.broadcast %and3A_815 : i32 to vector<16xi32>
        %and3A_817 = arith.andi %get3A_810, %and3A_816 : vector<16xi32>
        %bitcast_convert_type3A_818 = tpu.bitcast %and3A_817 : vector<16xi32> -> vector<16xf32>
        %mul3A_819 = arith.mulf %bitcast_convert_type3A_814, %mul3A_802 : vector<16xf32>
        %add3A_820 = arith.addf %add3A_734, %mul3A_819 : vector<16xf32>
        %mul3A_821 = arith.mulf %bitcast_convert_type3A_818, %mul3A_802 : vector<16xf32>
        %add3A_822 = arith.addf %add3A_736, %mul3A_821 : vector<16xf32>
        %add3A_823 = arith.constant 5 : i32
        %add3A_824 = arith.addi %add3A_379, %add3A_823 : i32
        %get3A_825 = arith.constant 0 : i32
        %get3A_826 = arith.index_cast %get3A_825 : i32 to index
        %get3A_827 = arith.index_cast %add3A_824 : i32 to index
        %get3A_828 = arith.constant 16 : index
        %get3A_829 = tpu.vector_load %arg9[%get3A_826, %get3A_827, %get3A_828] {strides = array<i32>} : memref<2x512x64xi32, #tpu.memory_space<vmem>>, vector<1x1x16xi32>,
        %get3A_830 = vector.shape_cast %get3A_829 : vector<1x1x16xi32> to vector<16xi32>
        %shift_left3A_831 = arith.constant 16 : i32
        %shift_left3A_832 = vector.broadcast %shift_left3A_831 : i32 to vector<16xi32>
        %shift_left3A_833 = arith.shli %get3A_830, %shift_left3A_832 : vector<16xi32>
        %bitcast_convert_type3A_834 = tpu.bitcast %shift_left3A_833 : vector<16xi32> -> vector<16xf32>
        %and3A_835 = arith.constant -65536 : i32
        %and3A_836 = vector.broadcast %and3A_835 : i32 to vector<16xi32>
        %and3A_837 = arith.andi %get3A_830, %and3A_836 : vector<16xi32>
        %bitcast_convert_type3A_838 = tpu.bitcast %and3A_837 : vector<16xi32> -> vector<16xf32>
        %mul3A_839 = arith.mulf %bitcast_convert_type3A_834, %mul3A_802 : vector<16xf32>
        %add3A_840 = arith.addf %add3A_754, %mul3A_839 : vector<16xf32>
        %mul3A_841 = arith.mulf %bitcast_convert_type3A_838, %mul3A_802 : vector<16xf32>
        %add3A_842 = arith.addf %add3A_756, %mul3A_841 : vector<16xf32>
        %add3A_843 = arith.constant 5 : i32
        %add3A_844 = arith.addi %add3A_379, %add3A_843 : i32
        %get3A_845 = arith.constant 0 : i32
        %get3A_846 = arith.index_cast %get3A_845 : i32 to index
        %get3A_847 = arith.index_cast %add3A_844 : i32 to index
        %get3A_848 = arith.constant 32 : index
        %get3A_849 = tpu.vector_load %arg9[%get3A_846, %get3A_847, %get3A_848] {strides = array<i32>} : memref<2x512x64xi32, #tpu.memory_space<vmem>>, vector<1x1x16xi32>,
        %get3A_850 = vector.shape_cast %get3A_849 : vector<1x1x16xi32> to vector<16xi32>
        %shift_left3A_851 = arith.constant 16 : i32
        %shift_left3A_852 = vector.broadcast %shift_left3A_851 : i32 to vector<16xi32>
        %shift_left3A_853 = arith.shli %get3A_850, %shift_left3A_852 : vector<16xi32>
        %bitcast_convert_type3A_854 = tpu.bitcast %shift_left3A_853 : vector<16xi32> -> vector<16xf32>
        %and3A_855 = arith.constant -65536 : i32
        %and3A_856 = vector.broadcast %and3A_855 : i32 to vector<16xi32>
        %and3A_857 = arith.andi %get3A_850, %and3A_856 : vector<16xi32>
        %bitcast_convert_type3A_858 = tpu.bitcast %and3A_857 : vector<16xi32> -> vector<16xf32>
        %mul3A_859 = arith.mulf %bitcast_convert_type3A_854, %mul3A_802 : vector<16xf32>
        %add3A_860 = arith.addf %add3A_774, %mul3A_859 : vector<16xf32>
        %mul3A_861 = arith.mulf %bitcast_convert_type3A_858, %mul3A_802 : vector<16xf32>
        %add3A_862 = arith.addf %add3A_776, %mul3A_861 : vector<16xf32>
        %add3A_863 = arith.constant 5 : i32
        %add3A_864 = arith.addi %add3A_379, %add3A_863 : i32
        %get3A_865 = arith.constant 0 : i32
        %get3A_866 = arith.index_cast %get3A_865 : i32 to index
        %get3A_867 = arith.index_cast %add3A_864 : i32 to index
        %get3A_868 = arith.constant 48 : index
        %get3A_869 = tpu.vector_load %arg9[%get3A_866, %get3A_867, %get3A_868] {strides = array<i32>} : memref<2x512x64xi32, #tpu.memory_space<vmem>>, vector<1x1x16xi32>,
        %get3A_870 = vector.shape_cast %get3A_869 : vector<1x1x16xi32> to vector<16xi32>
        %shift_left3A_871 = arith.constant 16 : i32
        %shift_left3A_872 = vector.broadcast %shift_left3A_871 : i32 to vector<16xi32>
        %shift_left3A_873 = arith.shli %get3A_870, %shift_left3A_872 : vector<16xi32>
        %bitcast_convert_type3A_874 = tpu.bitcast %shift_left3A_873 : vector<16xi32> -> vector<16xf32>
        %and3A_875 = arith.constant -65536 : i32
        %and3A_876 = vector.broadcast %and3A_875 : i32 to vector<16xi32>
        %and3A_877 = arith.andi %get3A_870, %and3A_876 : vector<16xi32>
        %bitcast_convert_type3A_878 = tpu.bitcast %and3A_877 : vector<16xi32> -> vector<16xf32>
        %mul3A_879 = arith.mulf %bitcast_convert_type3A_874, %mul3A_802 : vector<16xf32>
        %add3A_880 = arith.addf %add3A_794, %mul3A_879 : vector<16xf32>
        %mul3A_881 = arith.mulf %bitcast_convert_type3A_878, %mul3A_802 : vector<16xf32>
        %add3A_882 = arith.addf %add3A_796, %mul3A_881 : vector<16xf32>
        %slice3A_883 = vector.extract_strided_slice %get3A_373 {offsets = [6], sizes = [1], strides = [1]} : vector<16xf32> to vector<1xf32>
        %squeeze3A_884 = vector.extract %slice3A_883[0] : f32 from vector<1xf32>
        %broadcast_in_dim3A_885 = vector.broadcast %squeeze3A_884 : f32 to vector<16xf32>
        %mul3A_886 = arith.constant 1.250000e-01 : f32
        %mul3A_887 = vector.broadcast %mul3A_886 : f32 to vector<16xf32>
        %mul3A_888 = arith.mulf %broadcast_in_dim3A_885, %mul3A_887 : vector<16xf32>
        %add3A_889 = arith.constant 6 : i32
        %add3A_890 = arith.addi %add3A_379, %add3A_889 : i32
        %get3A_891 = arith.constant 0 : i32
        %get3A_892 = arith.index_cast %get3A_891 : i32 to index
        %get3A_893 = arith.index_cast %add3A_890 : i32 to index
        %get3A_894 = arith.constant 0 : index
        %get3A_895 = tpu.vector_load %arg9[%get3A_892, %get3A_893, %get3A_894] {strides = array<i32>} : memref<2x512x64xi32, #tpu.memory_space<vmem>>, vector<1x1x16xi32>,
        %get3A_896 = vector.shape_cast %get3A_895 : vector<1x1x16xi32> to vector<16xi32>
        %shift_left3A_897 = arith.constant 16 : i32
        %shift_left3A_898 = vector.broadcast %shift_left3A_897 : i32 to vector<16xi32>
        %shift_left3A_899 = arith.shli %get3A_896, %shift_left3A_898 : vector<16xi32>
        %bitcast_convert_type3A_900 = tpu.bitcast %shift_left3A_899 : vector<16xi32> -> vector<16xf32>
        %and3A_901 = arith.constant -65536 : i32
        %and3A_902 = vector.broadcast %and3A_901 : i32 to vector<16xi32>
        %and3A_903 = arith.andi %get3A_896, %and3A_902 : vector<16xi32>
        %bitcast_convert_type3A_904 = tpu.bitcast %and3A_903 : vector<16xi32> -> vector<16xf32>
        %mul3A_905 = arith.mulf %bitcast_convert_type3A_900, %mul3A_888 : vector<16xf32>
        %add3A_906 = arith.addf %add3A_820, %mul3A_905 : vector<16xf32>
        %mul3A_907 = arith.mulf %bitcast_convert_type3A_904, %mul3A_888 : vector<16xf32>
        %add3A_908 = arith.addf %add3A_822, %mul3A_907 : vector<16xf32>
        %add3A_909 = arith.constant 6 : i32
        %add3A_910 = arith.addi %add3A_379, %add3A_909 : i32
        %get3A_911 = arith.constant 0 : i32
        %get3A_912 = arith.index_cast %get3A_911 : i32 to index
        %get3A_913 = arith.index_cast %add3A_910 : i32 to index
        %get3A_914 = arith.constant 16 : index
        %get3A_915 = tpu.vector_load %arg9[%get3A_912, %get3A_913, %get3A_914] {strides = array<i32>} : memref<2x512x64xi32, #tpu.memory_space<vmem>>, vector<1x1x16xi32>,
        %get3A_916 = vector.shape_cast %get3A_915 : vector<1x1x16xi32> to vector<16xi32>
        %shift_left3A_917 = arith.constant 16 : i32
        %shift_left3A_918 = vector.broadcast %shift_left3A_917 : i32 to vector<16xi32>
        %shift_left3A_919 = arith.shli %get3A_916, %shift_left3A_918 : vector<16xi32>
        %bitcast_convert_type3A_920 = tpu.bitcast %shift_left3A_919 : vector<16xi32> -> vector<16xf32>
        %and3A_921 = arith.constant -65536 : i32
        %and3A_922 = vector.broadcast %and3A_921 : i32 to vector<16xi32>
        %and3A_923 = arith.andi %get3A_916, %and3A_922 : vector<16xi32>
        %bitcast_convert_type3A_924 = tpu.bitcast %and3A_923 : vector<16xi32> -> vector<16xf32>
        %mul3A_925 = arith.mulf %bitcast_convert_type3A_920, %mul3A_888 : vector<16xf32>
        %add3A_926 = arith.addf %add3A_840, %mul3A_925 : vector<16xf32>
        %mul3A_927 = arith.mulf %bitcast_convert_type3A_924, %mul3A_888 : vector<16xf32>
        %add3A_928 = arith.addf %add3A_842, %mul3A_927 : vector<16xf32>
        %add3A_929 = arith.constant 6 : i32
        %add3A_930 = arith.addi %add3A_379, %add3A_929 : i32
        %get3A_931 = arith.constant 0 : i32
        %get3A_932 = arith.index_cast %get3A_931 : i32 to index
        %get3A_933 = arith.index_cast %add3A_930 : i32 to index
        %get3A_934 = arith.constant 32 : index
        %get3A_935 = tpu.vector_load %arg9[%get3A_932, %get3A_933, %get3A_934] {strides = array<i32>} : memref<2x512x64xi32, #tpu.memory_space<vmem>>, vector<1x1x16xi32>,
        %get3A_936 = vector.shape_cast %get3A_935 : vector<1x1x16xi32> to vector<16xi32>
        %shift_left3A_937 = arith.constant 16 : i32
        %shift_left3A_938 = vector.broadcast %shift_left3A_937 : i32 to vector<16xi32>
        %shift_left3A_939 = arith.shli %get3A_936, %shift_left3A_938 : vector<16xi32>
        %bitcast_convert_type3A_940 = tpu.bitcast %shift_left3A_939 : vector<16xi32> -> vector<16xf32>
        %and3A_941 = arith.constant -65536 : i32
        %and3A_942 = vector.broadcast %and3A_941 : i32 to vector<16xi32>
        %and3A_943 = arith.andi %get3A_936, %and3A_942 : vector<16xi32>
        %bitcast_convert_type3A_944 = tpu.bitcast %and3A_943 : vector<16xi32> -> vector<16xf32>
        %mul3A_945 = arith.mulf %bitcast_convert_type3A_940, %mul3A_888 : vector<16xf32>
        %add3A_946 = arith.addf %add3A_860, %mul3A_945 : vector<16xf32>
        %mul3A_947 = arith.mulf %bitcast_convert_type3A_944, %mul3A_888 : vector<16xf32>
        %add3A_948 = arith.addf %add3A_862, %mul3A_947 : vector<16xf32>
        %add3A_949 = arith.constant 6 : i32
        %add3A_950 = arith.addi %add3A_379, %add3A_949 : i32
        %get3A_951 = arith.constant 0 : i32
        %get3A_952 = arith.index_cast %get3A_951 : i32 to index
        %get3A_953 = arith.index_cast %add3A_950 : i32 to index
        %get3A_954 = arith.constant 48 : index
        %get3A_955 = tpu.vector_load %arg9[%get3A_952, %get3A_953, %get3A_954] {strides = array<i32>} : memref<2x512x64xi32, #tpu.memory_space<vmem>>, vector<1x1x16xi32>,
        %get3A_956 = vector.shape_cast %get3A_955 : vector<1x1x16xi32> to vector<16xi32>
        %shift_left3A_957 = arith.constant 16 : i32
        %shift_left3A_958 = vector.broadcast %shift_left3A_957 : i32 to vector<16xi32>
        %shift_left3A_959 = arith.shli %get3A_956, %shift_left3A_958 : vector<16xi32>
        %bitcast_convert_type3A_960 = tpu.bitcast %shift_left3A_959 : vector<16xi32> -> vector<16xf32>
        %and3A_961 = arith.constant -65536 : i32
        %and3A_962 = vector.broadcast %and3A_961 : i32 to vector<16xi32>
        %and3A_963 = arith.andi %get3A_956, %and3A_962 : vector<16xi32>
        %bitcast_convert_type3A_964 = tpu.bitcast %and3A_963 : vector<16xi32> -> vector<16xf32>
        %mul3A_965 = arith.mulf %bitcast_convert_type3A_960, %mul3A_888 : vector<16xf32>
        %add3A_966 = arith.addf %add3A_880, %mul3A_965 : vector<16xf32>
        %mul3A_967 = arith.mulf %bitcast_convert_type3A_964, %mul3A_888 : vector<16xf32>
        %add3A_968 = arith.addf %add3A_882, %mul3A_967 : vector<16xf32>
        %slice3A_969 = vector.extract_strided_slice %get3A_373 {offsets = [7], sizes = [1], strides = [1]} : vector<16xf32> to vector<1xf32>
        %squeeze3A_970 = vector.extract %slice3A_969[0] : f32 from vector<1xf32>
        %broadcast_in_dim3A_971 = vector.broadcast %squeeze3A_970 : f32 to vector<16xf32>
        %mul3A_972 = arith.constant 1.250000e-01 : f32
        %mul3A_973 = vector.broadcast %mul3A_972 : f32 to vector<16xf32>
        %mul3A_974 = arith.mulf %broadcast_in_dim3A_971, %mul3A_973 : vector<16xf32>
        %add3A_975 = arith.constant 7 : i32
        %add3A_976 = arith.addi %add3A_379, %add3A_975 : i32
        %get3A_977 = arith.constant 0 : i32
        %get3A_978 = arith.index_cast %get3A_977 : i32 to index
        %get3A_979 = arith.index_cast %add3A_976 : i32 to index
        %get3A_980 = arith.constant 0 : index
        %get3A_981 = tpu.vector_load %arg9[%get3A_978, %get3A_979, %get3A_980] {strides = array<i32>} : memref<2x512x64xi32, #tpu.memory_space<vmem>>, vector<1x1x16xi32>,
        %get3A_982 = vector.shape_cast %get3A_981 : vector<1x1x16xi32> to vector<16xi32>
        %shift_left3A_983 = arith.constant 16 : i32
        %shift_left3A_984 = vector.broadcast %shift_left3A_983 : i32 to vector<16xi32>
        %shift_left3A_985 = arith.shli %get3A_982, %shift_left3A_984 : vector<16xi32>
        %bitcast_convert_type3A_986 = tpu.bitcast %shift_left3A_985 : vector<16xi32> -> vector<16xf32>
        %and3A_987 = arith.constant -65536 : i32
        %and3A_988 = vector.broadcast %and3A_987 : i32 to vector<16xi32>
        %and3A_989 = arith.andi %get3A_982, %and3A_988 : vector<16xi32>
        %bitcast_convert_type3A_990 = tpu.bitcast %and3A_989 : vector<16xi32> -> vector<16xf32>
        %mul3A_991 = arith.mulf %bitcast_convert_type3A_986, %mul3A_974 : vector<16xf32>
        %add3A_992 = arith.addf %add3A_906, %mul3A_991 : vector<16xf32>
        %mul3A_993 = arith.mulf %bitcast_convert_type3A_990, %mul3A_974 : vector<16xf32>
        %add3A_994 = arith.addf %add3A_908, %mul3A_993 : vector<16xf32>
        %add3A_995 = arith.constant 7 : i32
        %add3A_996 = arith.addi %add3A_379, %add3A_995 : i32
        %get3A_997 = arith.constant 0 : i32
        %get3A_998 = arith.index_cast %get3A_997 : i32 to index
        %get3A_999 = arith.index_cast %add3A_996 : i32 to index
        %get3A_1000 = arith.constant 16 : index
        %get3A_1001 = tpu.vector_load %arg9[%get3A_998, %get3A_999, %get3A_1000] {strides = array<i32>} : memref<2x512x64xi32, #tpu.memory_space<vmem>>, vector<1x1x16xi32>,
        %get3A_1002 = vector.shape_cast %get3A_1001 : vector<1x1x16xi32> to vector<16xi32>
        %shift_left3A_1003 = arith.constant 16 : i32
        %shift_left3A_1004 = vector.broadcast %shift_left3A_1003 : i32 to vector<16xi32>
        %shift_left3A_1005 = arith.shli %get3A_1002, %shift_left3A_1004 : vector<16xi32>
        %bitcast_convert_type3A_1006 = tpu.bitcast %shift_left3A_1005 : vector<16xi32> -> vector<16xf32>
        %and3A_1007 = arith.constant -65536 : i32
        %and3A_1008 = vector.broadcast %and3A_1007 : i32 to vector<16xi32>
        %and3A_1009 = arith.andi %get3A_1002, %and3A_1008 : vector<16xi32>
        %bitcast_convert_type3A_1010 = tpu.bitcast %and3A_1009 : vector<16xi32> -> vector<16xf32>
        %mul3A_1011 = arith.mulf %bitcast_convert_type3A_1006, %mul3A_974 : vector<16xf32>
        %add3A_1012 = arith.addf %add3A_926, %mul3A_1011 : vector<16xf32>
        %mul3A_1013 = arith.mulf %bitcast_convert_type3A_1010, %mul3A_974 : vector<16xf32>
        %add3A_1014 = arith.addf %add3A_928, %mul3A_1013 : vector<16xf32>
        %add3A_1015 = arith.constant 7 : i32
        %add3A_1016 = arith.addi %add3A_379, %add3A_1015 : i32
        %get3A_1017 = arith.constant 0 : i32
        %get3A_1018 = arith.index_cast %get3A_1017 : i32 to index
        %get3A_1019 = arith.index_cast %add3A_1016 : i32 to index
        %get3A_1020 = arith.constant 32 : index
        %get3A_1021 = tpu.vector_load %arg9[%get3A_1018, %get3A_1019, %get3A_1020] {strides = array<i32>} : memref<2x512x64xi32, #tpu.memory_space<vmem>>, vector<1x1x16xi32>,
        %get3A_1022 = vector.shape_cast %get3A_1021 : vector<1x1x16xi32> to vector<16xi32>
        %shift_left3A_1023 = arith.constant 16 : i32
        %shift_left3A_1024 = vector.broadcast %shift_left3A_1023 : i32 to vector<16xi32>
        %shift_left3A_1025 = arith.shli %get3A_1022, %shift_left3A_1024 : vector<16xi32>
        %bitcast_convert_type3A_1026 = tpu.bitcast %shift_left3A_1025 : vector<16xi32> -> vector<16xf32>
        %and3A_1027 = arith.constant -65536 : i32
        %and3A_1028 = vector.broadcast %and3A_1027 : i32 to vector<16xi32>
        %and3A_1029 = arith.andi %get3A_1022, %and3A_1028 : vector<16xi32>
        %bitcast_convert_type3A_1030 = tpu.bitcast %and3A_1029 : vector<16xi32> -> vector<16xf32>
        %mul3A_1031 = arith.mulf %bitcast_convert_type3A_1026, %mul3A_974 : vector<16xf32>
        %add3A_1032 = arith.addf %add3A_946, %mul3A_1031 : vector<16xf32>
        %mul3A_1033 = arith.mulf %bitcast_convert_type3A_1030, %mul3A_974 : vector<16xf32>
        %add3A_1034 = arith.addf %add3A_948, %mul3A_1033 : vector<16xf32>
        %add3A_1035 = arith.constant 7 : i32
        %add3A_1036 = arith.addi %add3A_379, %add3A_1035 : i32
        %get3A_1037 = arith.constant 0 : i32
        %get3A_1038 = arith.index_cast %get3A_1037 : i32 to index
        %get3A_1039 = arith.index_cast %add3A_1036 : i32 to index
        %get3A_1040 = arith.constant 48 : index
        %get3A_1041 = tpu.vector_load %arg9[%get3A_1038, %get3A_1039, %get3A_1040] {strides = array<i32>} : memref<2x512x64xi32, #tpu.memory_space<vmem>>, vector<1x1x16xi32>,
        %get3A_1042 = vector.shape_cast %get3A_1041 : vector<1x1x16xi32> to vector<16xi32>
        %shift_left3A_1043 = arith.constant 16 : i32
        %shift_left3A_1044 = vector.broadcast %shift_left3A_1043 : i32 to vector<16xi32>
        %shift_left3A_1045 = arith.shli %get3A_1042, %shift_left3A_1044 : vector<16xi32>
        %bitcast_convert_type3A_1046 = tpu.bitcast %shift_left3A_1045 : vector<16xi32> -> vector<16xf32>
        %and3A_1047 = arith.constant -65536 : i32
        %and3A_1048 = vector.broadcast %and3A_1047 : i32 to vector<16xi32>
        %and3A_1049 = arith.andi %get3A_1042, %and3A_1048 : vector<16xi32>
        %bitcast_convert_type3A_1050 = tpu.bitcast %and3A_1049 : vector<16xi32> -> vector<16xf32>
        %mul3A_1051 = arith.mulf %bitcast_convert_type3A_1046, %mul3A_974 : vector<16xf32>
        %add3A_1052 = arith.addf %add3A_966, %mul3A_1051 : vector<16xf32>
        %mul3A_1053 = arith.mulf %bitcast_convert_type3A_1050, %mul3A_974 : vector<16xf32>
        %add3A_1054 = arith.addf %add3A_968, %mul3A_1053 : vector<16xf32>
        %swap3A = arith.constant 0 : i32
        %swap3A_1055 = arith.index_cast %swap3A : i32 to index
        %swap3A_1056 = arith.index_cast %add3A_377 : i32 to index
        %swap3A_1057 = arith.constant 0 : index
        %swap3A_1058 = tpu.vector_load %arg10[%swap3A_1055, %swap3A_1056, %swap3A_1057] {strides = array<i32>} : memref<2x64x128xf32, #tpu.memory_space<vmem>>, vector<1x1x16xf32>,
        %swap3A_1059 = vector.shape_cast %swap3A_1058 : vector<1x1x16xf32> to vector<16xf32>
        %swap3A_1060 = vector.shape_cast %add3A_992 : vector<16xf32> to vector<1x1x16xf32>
        tpu.vector_store %arg10[%swap3A_1055, %swap3A_1056, %swap3A_1057], %swap3A_1060 {strides = array<i32>} : memref<2x64x128xf32, #tpu.memory_space<vmem>>, vector<1x1x16xf32>,
        %swap3A_1061 = arith.constant 0 : i32
        %swap3A_1062 = arith.index_cast %swap3A_1061 : i32 to index
        %swap3A_1063 = arith.index_cast %add3A_377 : i32 to index
        %swap3A_1064 = arith.constant 64 : index
        %swap3A_1065 = tpu.vector_load %arg10[%swap3A_1062, %swap3A_1063, %swap3A_1064] {strides = array<i32>} : memref<2x64x128xf32, #tpu.memory_space<vmem>>, vector<1x1x16xf32>,
        %swap3A_1066 = vector.shape_cast %swap3A_1065 : vector<1x1x16xf32> to vector<16xf32>
        %swap3A_1067 = vector.shape_cast %add3A_994 : vector<16xf32> to vector<1x1x16xf32>
        tpu.vector_store %arg10[%swap3A_1062, %swap3A_1063, %swap3A_1064], %swap3A_1067 {strides = array<i32>} : memref<2x64x128xf32, #tpu.memory_space<vmem>>, vector<1x1x16xf32>,
        %swap3A_1068 = arith.constant 0 : i32
        %swap3A_1069 = arith.index_cast %swap3A_1068 : i32 to index
        %swap3A_1070 = arith.index_cast %add3A_377 : i32 to index
        %swap3A_1071 = arith.constant 16 : index
        %swap3A_1072 = tpu.vector_load %arg10[%swap3A_1069, %swap3A_1070, %swap3A_1071] {strides = array<i32>} : memref<2x64x128xf32, #tpu.memory_space<vmem>>, vector<1x1x16xf32>,
        %swap3A_1073 = vector.shape_cast %swap3A_1072 : vector<1x1x16xf32> to vector<16xf32>
        %swap3A_1074 = vector.shape_cast %add3A_1012 : vector<16xf32> to vector<1x1x16xf32>
        tpu.vector_store %arg10[%swap3A_1069, %swap3A_1070, %swap3A_1071], %swap3A_1074 {strides = array<i32>} : memref<2x64x128xf32, #tpu.memory_space<vmem>>, vector<1x1x16xf32>,
        %swap3A_1075 = arith.constant 0 : i32
        %swap3A_1076 = arith.index_cast %swap3A_1075 : i32 to index
        %swap3A_1077 = arith.index_cast %add3A_377 : i32 to index
        %swap3A_1078 = arith.constant 80 : index
        %swap3A_1079 = tpu.vector_load %arg10[%swap3A_1076, %swap3A_1077, %swap3A_1078] {strides = array<i32>} : memref<2x64x128xf32, #tpu.memory_space<vmem>>, vector<1x1x16xf32>,
        %swap3A_1080 = vector.shape_cast %swap3A_1079 : vector<1x1x16xf32> to vector<16xf32>
        %swap3A_1081 = vector.shape_cast %add3A_1014 : vector<16xf32> to vector<1x1x16xf32>
        tpu.vector_store %arg10[%swap3A_1076, %swap3A_1077, %swap3A_1078], %swap3A_1081 {strides = array<i32>} : memref<2x64x128xf32, #tpu.memory_space<vmem>>, vector<1x1x16xf32>,
        %swap3A_1082 = arith.constant 0 : i32
        %swap3A_1083 = arith.index_cast %swap3A_1082 : i32 to index
        %swap3A_1084 = arith.index_cast %add3A_377 : i32 to index
        %swap3A_1085 = arith.constant 32 : index
        %swap3A_1086 = tpu.vector_load %arg10[%swap3A_1083, %swap3A_1084, %swap3A_1085] {strides = array<i32>} : memref<2x64x128xf32, #tpu.memory_space<vmem>>, vector<1x1x16xf32>,
        %swap3A_1087 = vector.shape_cast %swap3A_1086 : vector<1x1x16xf32> to vector<16xf32>
        %swap3A_1088 = vector.shape_cast %add3A_1032 : vector<16xf32> to vector<1x1x16xf32>
        tpu.vector_store %arg10[%swap3A_1083, %swap3A_1084, %swap3A_1085], %swap3A_1088 {strides = array<i32>} : memref<2x64x128xf32, #tpu.memory_space<vmem>>, vector<1x1x16xf32>,
        %swap3A_1089 = arith.constant 0 : i32
        %swap3A_1090 = arith.index_cast %swap3A_1089 : i32 to index
        %swap3A_1091 = arith.index_cast %add3A_377 : i32 to index
        %swap3A_1092 = arith.constant 96 : index
        %swap3A_1093 = tpu.vector_load %arg10[%swap3A_1090, %swap3A_1091, %swap3A_1092] {strides = array<i32>} : memref<2x64x128xf32, #tpu.memory_space<vmem>>, vector<1x1x16xf32>,
        %swap3A_1094 = vector.shape_cast %swap3A_1093 : vector<1x1x16xf32> to vector<16xf32>
        %swap3A_1095 = vector.shape_cast %add3A_1034 : vector<16xf32> to vector<1x1x16xf32>
        tpu.vector_store %arg10[%swap3A_1090, %swap3A_1091, %swap3A_1092], %swap3A_1095 {strides = array<i32>} : memref<2x64x128xf32, #tpu.memory_space<vmem>>, vector<1x1x16xf32>,
        %swap3A_1096 = arith.constant 0 : i32
        %swap3A_1097 = arith.index_cast %swap3A_1096 : i32 to index
        %swap3A_1098 = arith.index_cast %add3A_377 : i32 to index
        %swap3A_1099 = arith.constant 48 : index
        %swap3A_1100 = tpu.vector_load %arg10[%swap3A_1097, %swap3A_1098, %swap3A_1099] {strides = array<i32>} : memref<2x64x128xf32, #tpu.memory_space<vmem>>, vector<1x1x16xf32>,
        %swap3A_1101 = vector.shape_cast %swap3A_1100 : vector<1x1x16xf32> to vector<16xf32>
        %swap3A_1102 = vector.shape_cast %add3A_1052 : vector<16xf32> to vector<1x1x16xf32>
        tpu.vector_store %arg10[%swap3A_1097, %swap3A_1098, %swap3A_1099], %swap3A_1102 {strides = array<i32>} : memref<2x64x128xf32, #tpu.memory_space<vmem>>, vector<1x1x16xf32>,
        %swap3A_1103 = arith.constant 0 : i32
        %swap3A_1104 = arith.index_cast %swap3A_1103 : i32 to index
        %swap3A_1105 = arith.index_cast %add3A_377 : i32 to index
        %swap3A_1106 = arith.constant 112 : index
        %swap3A_1107 = tpu.vector_load %arg10[%swap3A_1104, %swap3A_1105, %swap3A_1106] {strides = array<i32>} : memref<2x64x128xf32, #tpu.memory_space<vmem>>, vector<1x1x16xf32>,
        %swap3A_1108 = vector.shape_cast %swap3A_1107 : vector<1x1x16xf32> to vector<16xf32>
        %swap3A_1109 = vector.shape_cast %add3A_1054 : vector<16xf32> to vector<1x1x16xf32>
        tpu.vector_store %arg10[%swap3A_1104, %swap3A_1105, %swap3A_1106], %swap3A_1109 {strides = array<i32>} : memref<2x64x128xf32, #tpu.memory_space<vmem>>, vector<1x1x16xf32>,
        %mul3A_1110 = arith.constant 2 : i32
        %mul3A_1111 = arith.muli %scan3A_362, %mul3A_1110 : i32
        %add3A_1112 = arith.constant 1 : i32
        %add3A_1113 = arith.addi %mul3A_1111, %add3A_1112 : i32
        %add3A_1114 = arith.constant 8 : i32
        %add3A_1115 = arith.addi %mul3A_366, %add3A_1114 : i32
        %slice3A_1116 = vector.extract_strided_slice %get3A_373 {offsets = [8], sizes = [1], strides = [1]} : vector<16xf32> to vector<1xf32>
        %squeeze3A_1117 = vector.extract %slice3A_1116[0] : f32 from vector<1xf32>
        %broadcast_in_dim3A_1118 = vector.broadcast %squeeze3A_1117 : f32 to vector<16xf32>
        %mul3A_1119 = arith.constant 1.250000e-01 : f32
        %mul3A_1120 = vector.broadcast %mul3A_1119 : f32 to vector<16xf32>
        %mul3A_1121 = arith.mulf %broadcast_in_dim3A_1118, %mul3A_1120 : vector<16xf32>
        %add3A_1122 = arith.constant 0 : i32
        %add3A_1123 = arith.addi %add3A_1115, %add3A_1122 : i32
        %get3A_1124 = arith.constant 0 : i32
        %get3A_1125 = arith.index_cast %get3A_1124 : i32 to index
        %get3A_1126 = arith.index_cast %add3A_1123 : i32 to index
        %get3A_1127 = arith.constant 0 : index
        %get3A_1128 = tpu.vector_load %arg9[%get3A_1125, %get3A_1126, %get3A_1127] {strides = array<i32>} : memref<2x512x64xi32, #tpu.memory_space<vmem>>, vector<1x1x16xi32>,
        %get3A_1129 = vector.shape_cast %get3A_1128 : vector<1x1x16xi32> to vector<16xi32>
        %shift_left3A_1130 = arith.constant 16 : i32
        %shift_left3A_1131 = vector.broadcast %shift_left3A_1130 : i32 to vector<16xi32>
        %shift_left3A_1132 = arith.shli %get3A_1129, %shift_left3A_1131 : vector<16xi32>
        %bitcast_convert_type3A_1133 = tpu.bitcast %shift_left3A_1132 : vector<16xi32> -> vector<16xf32>
        %and3A_1134 = arith.constant -65536 : i32
        %and3A_1135 = vector.broadcast %and3A_1134 : i32 to vector<16xi32>
        %and3A_1136 = arith.andi %get3A_1129, %and3A_1135 : vector<16xi32>
        %bitcast_convert_type3A_1137 = tpu.bitcast %and3A_1136 : vector<16xi32> -> vector<16xf32>
        %mul3A_1138 = arith.mulf %bitcast_convert_type3A_1133, %mul3A_1121 : vector<16xf32>
        %mul3A_1139 = arith.mulf %bitcast_convert_type3A_1137, %mul3A_1121 : vector<16xf32>
        %add3A_1140 = arith.constant 0 : i32
        %add3A_1141 = arith.addi %add3A_1115, %add3A_1140 : i32
        %get3A_1142 = arith.constant 0 : i32
        %get3A_1143 = arith.index_cast %get3A_1142 : i32 to index
        %get3A_1144 = arith.index_cast %add3A_1141 : i32 to index
        %get3A_1145 = arith.constant 16 : index
        %get3A_1146 = tpu.vector_load %arg9[%get3A_1143, %get3A_1144, %get3A_1145] {strides = array<i32>} : memref<2x512x64xi32, #tpu.memory_space<vmem>>, vector<1x1x16xi32>,
        %get3A_1147 = vector.shape_cast %get3A_1146 : vector<1x1x16xi32> to vector<16xi32>
        %shift_left3A_1148 = arith.constant 16 : i32
        %shift_left3A_1149 = vector.broadcast %shift_left3A_1148 : i32 to vector<16xi32>
        %shift_left3A_1150 = arith.shli %get3A_1147, %shift_left3A_1149 : vector<16xi32>
        %bitcast_convert_type3A_1151 = tpu.bitcast %shift_left3A_1150 : vector<16xi32> -> vector<16xf32>
        %and3A_1152 = arith.constant -65536 : i32
        %and3A_1153 = vector.broadcast %and3A_1152 : i32 to vector<16xi32>
        %and3A_1154 = arith.andi %get3A_1147, %and3A_1153 : vector<16xi32>
        %bitcast_convert_type3A_1155 = tpu.bitcast %and3A_1154 : vector<16xi32> -> vector<16xf32>
        %mul3A_1156 = arith.mulf %bitcast_convert_type3A_1151, %mul3A_1121 : vector<16xf32>
        %mul3A_1157 = arith.mulf %bitcast_convert_type3A_1155, %mul3A_1121 : vector<16xf32>
        %add3A_1158 = arith.constant 0 : i32
        %add3A_1159 = arith.addi %add3A_1115, %add3A_1158 : i32
        %get3A_1160 = arith.constant 0 : i32
        %get3A_1161 = arith.index_cast %get3A_1160 : i32 to index
        %get3A_1162 = arith.index_cast %add3A_1159 : i32 to index
        %get3A_1163 = arith.constant 32 : index
        %get3A_1164 = tpu.vector_load %arg9[%get3A_1161, %get3A_1162, %get3A_1163] {strides = array<i32>} : memref<2x512x64xi32, #tpu.memory_space<vmem>>, vector<1x1x16xi32>,
        %get3A_1165 = vector.shape_cast %get3A_1164 : vector<1x1x16xi32> to vector<16xi32>
        %shift_left3A_1166 = arith.constant 16 : i32
        %shift_left3A_1167 = vector.broadcast %shift_left3A_1166 : i32 to vector<16xi32>
        %shift_left3A_1168 = arith.shli %get3A_1165, %shift_left3A_1167 : vector<16xi32>
        %bitcast_convert_type3A_1169 = tpu.bitcast %shift_left3A_1168 : vector<16xi32> -> vector<16xf32>
        %and3A_1170 = arith.constant -65536 : i32
        %and3A_1171 = vector.broadcast %and3A_1170 : i32 to vector<16xi32>
        %and3A_1172 = arith.andi %get3A_1165, %and3A_1171 : vector<16xi32>
        %bitcast_convert_type3A_1173 = tpu.bitcast %and3A_1172 : vector<16xi32> -> vector<16xf32>
        %mul3A_1174 = arith.mulf %bitcast_convert_type3A_1169, %mul3A_1121 : vector<16xf32>
        %mul3A_1175 = arith.mulf %bitcast_convert_type3A_1173, %mul3A_1121 : vector<16xf32>
        %add3A_1176 = arith.constant 0 : i32
        %add3A_1177 = arith.addi %add3A_1115, %add3A_1176 : i32
        %get3A_1178 = arith.constant 0 : i32
        %get3A_1179 = arith.index_cast %get3A_1178 : i32 to index
        %get3A_1180 = arith.index_cast %add3A_1177 : i32 to index
        %get3A_1181 = arith.constant 48 : index
        %get3A_1182 = tpu.vector_load %arg9[%get3A_1179, %get3A_1180, %get3A_1181] {strides = array<i32>} : memref<2x512x64xi32, #tpu.memory_space<vmem>>, vector<1x1x16xi32>,
        %get3A_1183 = vector.shape_cast %get3A_1182 : vector<1x1x16xi32> to vector<16xi32>
        %shift_left3A_1184 = arith.constant 16 : i32
        %shift_left3A_1185 = vector.broadcast %shift_left3A_1184 : i32 to vector<16xi32>
        %shift_left3A_1186 = arith.shli %get3A_1183, %shift_left3A_1185 : vector<16xi32>
        %bitcast_convert_type3A_1187 = tpu.bitcast %shift_left3A_1186 : vector<16xi32> -> vector<16xf32>
        %and3A_1188 = arith.constant -65536 : i32
        %and3A_1189 = vector.broadcast %and3A_1188 : i32 to vector<16xi32>
        %and3A_1190 = arith.andi %get3A_1183, %and3A_1189 : vector<16xi32>
        %bitcast_convert_type3A_1191 = tpu.bitcast %and3A_1190 : vector<16xi32> -> vector<16xf32>
        %mul3A_1192 = arith.mulf %bitcast_convert_type3A_1187, %mul3A_1121 : vector<16xf32>
        %mul3A_1193 = arith.mulf %bitcast_convert_type3A_1191, %mul3A_1121 : vector<16xf32>
        %slice3A_1194 = vector.extract_strided_slice %get3A_373 {offsets = [9], sizes = [1], strides = [1]} : vector<16xf32> to vector<1xf32>
        %squeeze3A_1195 = vector.extract %slice3A_1194[0] : f32 from vector<1xf32>
        %broadcast_in_dim3A_1196 = vector.broadcast %squeeze3A_1195 : f32 to vector<16xf32>
        %mul3A_1197 = arith.constant 1.250000e-01 : f32
        %mul3A_1198 = vector.broadcast %mul3A_1197 : f32 to vector<16xf32>
        %mul3A_1199 = arith.mulf %broadcast_in_dim3A_1196, %mul3A_1198 : vector<16xf32>
        %add3A_1200 = arith.constant 1 : i32
        %add3A_1201 = arith.addi %add3A_1115, %add3A_1200 : i32
        %get3A_1202 = arith.constant 0 : i32
        %get3A_1203 = arith.index_cast %get3A_1202 : i32 to index
        %get3A_1204 = arith.index_cast %add3A_1201 : i32 to index
        %get3A_1205 = arith.constant 0 : index
        %get3A_1206 = tpu.vector_load %arg9[%get3A_1203, %get3A_1204, %get3A_1205] {strides = array<i32>} : memref<2x512x64xi32, #tpu.memory_space<vmem>>, vector<1x1x16xi32>,
        %get3A_1207 = vector.shape_cast %get3A_1206 : vector<1x1x16xi32> to vector<16xi32>
        %shift_left3A_1208 = arith.constant 16 : i32
        %shift_left3A_1209 = vector.broadcast %shift_left3A_1208 : i32 to vector<16xi32>
        %shift_left3A_1210 = arith.shli %get3A_1207, %shift_left3A_1209 : vector<16xi32>
        %bitcast_convert_type3A_1211 = tpu.bitcast %shift_left3A_1210 : vector<16xi32> -> vector<16xf32>
        %and3A_1212 = arith.constant -65536 : i32
        %and3A_1213 = vector.broadcast %and3A_1212 : i32 to vector<16xi32>
        %and3A_1214 = arith.andi %get3A_1207, %and3A_1213 : vector<16xi32>
        %bitcast_convert_type3A_1215 = tpu.bitcast %and3A_1214 : vector<16xi32> -> vector<16xf32>
        %mul3A_1216 = arith.mulf %bitcast_convert_type3A_1211, %mul3A_1199 : vector<16xf32>
        %add3A_1217 = arith.addf %mul3A_1138, %mul3A_1216 : vector<16xf32>
        %mul3A_1218 = arith.mulf %bitcast_convert_type3A_1215, %mul3A_1199 : vector<16xf32>
        %add3A_1219 = arith.addf %mul3A_1139, %mul3A_1218 : vector<16xf32>
        %add3A_1220 = arith.constant 1 : i32
        %add3A_1221 = arith.addi %add3A_1115, %add3A_1220 : i32
        %get3A_1222 = arith.constant 0 : i32
        %get3A_1223 = arith.index_cast %get3A_1222 : i32 to index
        %get3A_1224 = arith.index_cast %add3A_1221 : i32 to index
        %get3A_1225 = arith.constant 16 : index
        %get3A_1226 = tpu.vector_load %arg9[%get3A_1223, %get3A_1224, %get3A_1225] {strides = array<i32>} : memref<2x512x64xi32, #tpu.memory_space<vmem>>, vector<1x1x16xi32>,
        %get3A_1227 = vector.shape_cast %get3A_1226 : vector<1x1x16xi32> to vector<16xi32>
        %shift_left3A_1228 = arith.constant 16 : i32
        %shift_left3A_1229 = vector.broadcast %shift_left3A_1228 : i32 to vector<16xi32>
        %shift_left3A_1230 = arith.shli %get3A_1227, %shift_left3A_1229 : vector<16xi32>
        %bitcast_convert_type3A_1231 = tpu.bitcast %shift_left3A_1230 : vector<16xi32> -> vector<16xf32>
        %and3A_1232 = arith.constant -65536 : i32
        %and3A_1233 = vector.broadcast %and3A_1232 : i32 to vector<16xi32>
        %and3A_1234 = arith.andi %get3A_1227, %and3A_1233 : vector<16xi32>
        %bitcast_convert_type3A_1235 = tpu.bitcast %and3A_1234 : vector<16xi32> -> vector<16xf32>
        %mul3A_1236 = arith.mulf %bitcast_convert_type3A_1231, %mul3A_1199 : vector<16xf32>
        %add3A_1237 = arith.addf %mul3A_1156, %mul3A_1236 : vector<16xf32>
        %mul3A_1238 = arith.mulf %bitcast_convert_type3A_1235, %mul3A_1199 : vector<16xf32>
        %add3A_1239 = arith.addf %mul3A_1157, %mul3A_1238 : vector<16xf32>
        %add3A_1240 = arith.constant 1 : i32
        %add3A_1241 = arith.addi %add3A_1115, %add3A_1240 : i32
        %get3A_1242 = arith.constant 0 : i32
        %get3A_1243 = arith.index_cast %get3A_1242 : i32 to index
        %get3A_1244 = arith.index_cast %add3A_1241 : i32 to index
        %get3A_1245 = arith.constant 32 : index
        %get3A_1246 = tpu.vector_load %arg9[%get3A_1243, %get3A_1244, %get3A_1245] {strides = array<i32>} : memref<2x512x64xi32, #tpu.memory_space<vmem>>, vector<1x1x16xi32>,
        %get3A_1247 = vector.shape_cast %get3A_1246 : vector<1x1x16xi32> to vector<16xi32>
        %shift_left3A_1248 = arith.constant 16 : i32
        %shift_left3A_1249 = vector.broadcast %shift_left3A_1248 : i32 to vector<16xi32>
        %shift_left3A_1250 = arith.shli %get3A_1247, %shift_left3A_1249 : vector<16xi32>
        %bitcast_convert_type3A_1251 = tpu.bitcast %shift_left3A_1250 : vector<16xi32> -> vector<16xf32>
        %and3A_1252 = arith.constant -65536 : i32
        %and3A_1253 = vector.broadcast %and3A_1252 : i32 to vector<16xi32>
        %and3A_1254 = arith.andi %get3A_1247, %and3A_1253 : vector<16xi32>
        %bitcast_convert_type3A_1255 = tpu.bitcast %and3A_1254 : vector<16xi32> -> vector<16xf32>
        %mul3A_1256 = arith.mulf %bitcast_convert_type3A_1251, %mul3A_1199 : vector<16xf32>
        %add3A_1257 = arith.addf %mul3A_1174, %mul3A_1256 : vector<16xf32>
        %mul3A_1258 = arith.mulf %bitcast_convert_type3A_1255, %mul3A_1199 : vector<16xf32>
        %add3A_1259 = arith.addf %mul3A_1175, %mul3A_1258 : vector<16xf32>
        %add3A_1260 = arith.constant 1 : i32
        %add3A_1261 = arith.addi %add3A_1115, %add3A_1260 : i32
        %get3A_1262 = arith.constant 0 : i32
        %get3A_1263 = arith.index_cast %get3A_1262 : i32 to index
        %get3A_1264 = arith.index_cast %add3A_1261 : i32 to index
        %get3A_1265 = arith.constant 48 : index
        %get3A_1266 = tpu.vector_load %arg9[%get3A_1263, %get3A_1264, %get3A_1265] {strides = array<i32>} : memref<2x512x64xi32, #tpu.memory_space<vmem>>, vector<1x1x16xi32>,
        %get3A_1267 = vector.shape_cast %get3A_1266 : vector<1x1x16xi32> to vector<16xi32>
        %shift_left3A_1268 = arith.constant 16 : i32
        %shift_left3A_1269 = vector.broadcast %shift_left3A_1268 : i32 to vector<16xi32>
        %shift_left3A_1270 = arith.shli %get3A_1267, %shift_left3A_1269 : vector<16xi32>
        %bitcast_convert_type3A_1271 = tpu.bitcast %shift_left3A_1270 : vector<16xi32> -> vector<16xf32>
        %and3A_1272 = arith.constant -65536 : i32
        %and3A_1273 = vector.broadcast %and3A_1272 : i32 to vector<16xi32>
        %and3A_1274 = arith.andi %get3A_1267, %and3A_1273 : vector<16xi32>
        %bitcast_convert_type3A_1275 = tpu.bitcast %and3A_1274 : vector<16xi32> -> vector<16xf32>
        %mul3A_1276 = arith.mulf %bitcast_convert_type3A_1271, %mul3A_1199 : vector<16xf32>
        %add3A_1277 = arith.addf %mul3A_1192, %mul3A_1276 : vector<16xf32>
        %mul3A_1278 = arith.mulf %bitcast_convert_type3A_1275, %mul3A_1199 : vector<16xf32>
        %add3A_1279 = arith.addf %mul3A_1193, %mul3A_1278 : vector<16xf32>
        %slice3A_1280 = vector.extract_strided_slice %get3A_373 {offsets = [10], sizes = [1], strides = [1]} : vector<16xf32> to vector<1xf32>
        %squeeze3A_1281 = vector.extract %slice3A_1280[0] : f32 from vector<1xf32>
        %broadcast_in_dim3A_1282 = vector.broadcast %squeeze3A_1281 : f32 to vector<16xf32>
        %mul3A_1283 = arith.constant 1.250000e-01 : f32
        %mul3A_1284 = vector.broadcast %mul3A_1283 : f32 to vector<16xf32>
        %mul3A_1285 = arith.mulf %broadcast_in_dim3A_1282, %mul3A_1284 : vector<16xf32>
        %add3A_1286 = arith.constant 2 : i32
        %add3A_1287 = arith.addi %add3A_1115, %add3A_1286 : i32
        %get3A_1288 = arith.constant 0 : i32
        %get3A_1289 = arith.index_cast %get3A_1288 : i32 to index
        %get3A_1290 = arith.index_cast %add3A_1287 : i32 to index
        %get3A_1291 = arith.constant 0 : index
        %get3A_1292 = tpu.vector_load %arg9[%get3A_1289, %get3A_1290, %get3A_1291] {strides = array<i32>} : memref<2x512x64xi32, #tpu.memory_space<vmem>>, vector<1x1x16xi32>,
        %get3A_1293 = vector.shape_cast %get3A_1292 : vector<1x1x16xi32> to vector<16xi32>
        %shift_left3A_1294 = arith.constant 16 : i32
        %shift_left3A_1295 = vector.broadcast %shift_left3A_1294 : i32 to vector<16xi32>
        %shift_left3A_1296 = arith.shli %get3A_1293, %shift_left3A_1295 : vector<16xi32>
        %bitcast_convert_type3A_1297 = tpu.bitcast %shift_left3A_1296 : vector<16xi32> -> vector<16xf32>
        %and3A_1298 = arith.constant -65536 : i32
        %and3A_1299 = vector.broadcast %and3A_1298 : i32 to vector<16xi32>
        %and3A_1300 = arith.andi %get3A_1293, %and3A_1299 : vector<16xi32>
        %bitcast_convert_type3A_1301 = tpu.bitcast %and3A_1300 : vector<16xi32> -> vector<16xf32>
        %mul3A_1302 = arith.mulf %bitcast_convert_type3A_1297, %mul3A_1285 : vector<16xf32>
        %add3A_1303 = arith.addf %add3A_1217, %mul3A_1302 : vector<16xf32>
        %mul3A_1304 = arith.mulf %bitcast_convert_type3A_1301, %mul3A_1285 : vector<16xf32>
        %add3A_1305 = arith.addf %add3A_1219, %mul3A_1304 : vector<16xf32>
        %add3A_1306 = arith.constant 2 : i32
        %add3A_1307 = arith.addi %add3A_1115, %add3A_1306 : i32
        %get3A_1308 = arith.constant 0 : i32
        %get3A_1309 = arith.index_cast %get3A_1308 : i32 to index
        %get3A_1310 = arith.index_cast %add3A_1307 : i32 to index
        %get3A_1311 = arith.constant 16 : index
        %get3A_1312 = tpu.vector_load %arg9[%get3A_1309, %get3A_1310, %get3A_1311] {strides = array<i32>} : memref<2x512x64xi32, #tpu.memory_space<vmem>>, vector<1x1x16xi32>,
        %get3A_1313 = vector.shape_cast %get3A_1312 : vector<1x1x16xi32> to vector<16xi32>
        %shift_left3A_1314 = arith.constant 16 : i32
        %shift_left3A_1315 = vector.broadcast %shift_left3A_1314 : i32 to vector<16xi32>
        %shift_left3A_1316 = arith.shli %get3A_1313, %shift_left3A_1315 : vector<16xi32>
        %bitcast_convert_type3A_1317 = tpu.bitcast %shift_left3A_1316 : vector<16xi32> -> vector<16xf32>
        %and3A_1318 = arith.constant -65536 : i32
        %and3A_1319 = vector.broadcast %and3A_1318 : i32 to vector<16xi32>
        %and3A_1320 = arith.andi %get3A_1313, %and3A_1319 : vector<16xi32>
        %bitcast_convert_type3A_1321 = tpu.bitcast %and3A_1320 : vector<16xi32> -> vector<16xf32>
        %mul3A_1322 = arith.mulf %bitcast_convert_type3A_1317, %mul3A_1285 : vector<16xf32>
        %add3A_1323 = arith.addf %add3A_1237, %mul3A_1322 : vector<16xf32>
        %mul3A_1324 = arith.mulf %bitcast_convert_type3A_1321, %mul3A_1285 : vector<16xf32>
        %add3A_1325 = arith.addf %add3A_1239, %mul3A_1324 : vector<16xf32>
        %add3A_1326 = arith.constant 2 : i32
        %add3A_1327 = arith.addi %add3A_1115, %add3A_1326 : i32
        %get3A_1328 = arith.constant 0 : i32
        %get3A_1329 = arith.index_cast %get3A_1328 : i32 to index
        %get3A_1330 = arith.index_cast %add3A_1327 : i32 to index
        %get3A_1331 = arith.constant 32 : index
        %get3A_1332 = tpu.vector_load %arg9[%get3A_1329, %get3A_1330, %get3A_1331] {strides = array<i32>} : memref<2x512x64xi32, #tpu.memory_space<vmem>>, vector<1x1x16xi32>,
        %get3A_1333 = vector.shape_cast %get3A_1332 : vector<1x1x16xi32> to vector<16xi32>
        %shift_left3A_1334 = arith.constant 16 : i32
        %shift_left3A_1335 = vector.broadcast %shift_left3A_1334 : i32 to vector<16xi32>
        %shift_left3A_1336 = arith.shli %get3A_1333, %shift_left3A_1335 : vector<16xi32>
        %bitcast_convert_type3A_1337 = tpu.bitcast %shift_left3A_1336 : vector<16xi32> -> vector<16xf32>
        %and3A_1338 = arith.constant -65536 : i32
        %and3A_1339 = vector.broadcast %and3A_1338 : i32 to vector<16xi32>
        %and3A_1340 = arith.andi %get3A_1333, %and3A_1339 : vector<16xi32>
        %bitcast_convert_type3A_1341 = tpu.bitcast %and3A_1340 : vector<16xi32> -> vector<16xf32>
        %mul3A_1342 = arith.mulf %bitcast_convert_type3A_1337, %mul3A_1285 : vector<16xf32>
        %add3A_1343 = arith.addf %add3A_1257, %mul3A_1342 : vector<16xf32>
        %mul3A_1344 = arith.mulf %bitcast_convert_type3A_1341, %mul3A_1285 : vector<16xf32>
        %add3A_1345 = arith.addf %add3A_1259, %mul3A_1344 : vector<16xf32>
        %add3A_1346 = arith.constant 2 : i32
        %add3A_1347 = arith.addi %add3A_1115, %add3A_1346 : i32
        %get3A_1348 = arith.constant 0 : i32
        %get3A_1349 = arith.index_cast %get3A_1348 : i32 to index
        %get3A_1350 = arith.index_cast %add3A_1347 : i32 to index
        %get3A_1351 = arith.constant 48 : index
        %get3A_1352 = tpu.vector_load %arg9[%get3A_1349, %get3A_1350, %get3A_1351] {strides = array<i32>} : memref<2x512x64xi32, #tpu.memory_space<vmem>>, vector<1x1x16xi32>,
        %get3A_1353 = vector.shape_cast %get3A_1352 : vector<1x1x16xi32> to vector<16xi32>
        %shift_left3A_1354 = arith.constant 16 : i32
        %shift_left3A_1355 = vector.broadcast %shift_left3A_1354 : i32 to vector<16xi32>
        %shift_left3A_1356 = arith.shli %get3A_1353, %shift_left3A_1355 : vector<16xi32>
        %bitcast_convert_type3A_1357 = tpu.bitcast %shift_left3A_1356 : vector<16xi32> -> vector<16xf32>
        %and3A_1358 = arith.constant -65536 : i32
        %and3A_1359 = vector.broadcast %and3A_1358 : i32 to vector<16xi32>
        %and3A_1360 = arith.andi %get3A_1353, %and3A_1359 : vector<16xi32>
        %bitcast_convert_type3A_1361 = tpu.bitcast %and3A_1360 : vector<16xi32> -> vector<16xf32>
        %mul3A_1362 = arith.mulf %bitcast_convert_type3A_1357, %mul3A_1285 : vector<16xf32>
        %add3A_1363 = arith.addf %add3A_1277, %mul3A_1362 : vector<16xf32>
        %mul3A_1364 = arith.mulf %bitcast_convert_type3A_1361, %mul3A_1285 : vector<16xf32>
        %add3A_1365 = arith.addf %add3A_1279, %mul3A_1364 : vector<16xf32>
        %slice3A_1366 = vector.extract_strided_slice %get3A_373 {offsets = [11], sizes = [1], strides = [1]} : vector<16xf32> to vector<1xf32>
        %squeeze3A_1367 = vector.extract %slice3A_1366[0] : f32 from vector<1xf32>
        %broadcast_in_dim3A_1368 = vector.broadcast %squeeze3A_1367 : f32 to vector<16xf32>
        %mul3A_1369 = arith.constant 1.250000e-01 : f32
        %mul3A_1370 = vector.broadcast %mul3A_1369 : f32 to vector<16xf32>
        %mul3A_1371 = arith.mulf %broadcast_in_dim3A_1368, %mul3A_1370 : vector<16xf32>
        %add3A_1372 = arith.constant 3 : i32
        %add3A_1373 = arith.addi %add3A_1115, %add3A_1372 : i32
        %get3A_1374 = arith.constant 0 : i32
        %get3A_1375 = arith.index_cast %get3A_1374 : i32 to index
        %get3A_1376 = arith.index_cast %add3A_1373 : i32 to index
        %get3A_1377 = arith.constant 0 : index
        %get3A_1378 = tpu.vector_load %arg9[%get3A_1375, %get3A_1376, %get3A_1377] {strides = array<i32>} : memref<2x512x64xi32, #tpu.memory_space<vmem>>, vector<1x1x16xi32>,
        %get3A_1379 = vector.shape_cast %get3A_1378 : vector<1x1x16xi32> to vector<16xi32>
        %shift_left3A_1380 = arith.constant 16 : i32
        %shift_left3A_1381 = vector.broadcast %shift_left3A_1380 : i32 to vector<16xi32>
        %shift_left3A_1382 = arith.shli %get3A_1379, %shift_left3A_1381 : vector<16xi32>
        %bitcast_convert_type3A_1383 = tpu.bitcast %shift_left3A_1382 : vector<16xi32> -> vector<16xf32>
        %and3A_1384 = arith.constant -65536 : i32
        %and3A_1385 = vector.broadcast %and3A_1384 : i32 to vector<16xi32>
        %and3A_1386 = arith.andi %get3A_1379, %and3A_1385 : vector<16xi32>
        %bitcast_convert_type3A_1387 = tpu.bitcast %and3A_1386 : vector<16xi32> -> vector<16xf32>
        %mul3A_1388 = arith.mulf %bitcast_convert_type3A_1383, %mul3A_1371 : vector<16xf32>
        %add3A_1389 = arith.addf %add3A_1303, %mul3A_1388 : vector<16xf32>
        %mul3A_1390 = arith.mulf %bitcast_convert_type3A_1387, %mul3A_1371 : vector<16xf32>
        %add3A_1391 = arith.addf %add3A_1305, %mul3A_1390 : vector<16xf32>
        %add3A_1392 = arith.constant 3 : i32
        %add3A_1393 = arith.addi %add3A_1115, %add3A_1392 : i32
        %get3A_1394 = arith.constant 0 : i32
        %get3A_1395 = arith.index_cast %get3A_1394 : i32 to index
        %get3A_1396 = arith.index_cast %add3A_1393 : i32 to index
        %get3A_1397 = arith.constant 16 : index
        %get3A_1398 = tpu.vector_load %arg9[%get3A_1395, %get3A_1396, %get3A_1397] {strides = array<i32>} : memref<2x512x64xi32, #tpu.memory_space<vmem>>, vector<1x1x16xi32>,
        %get3A_1399 = vector.shape_cast %get3A_1398 : vector<1x1x16xi32> to vector<16xi32>
        %shift_left3A_1400 = arith.constant 16 : i32
        %shift_left3A_1401 = vector.broadcast %shift_left3A_1400 : i32 to vector<16xi32>
        %shift_left3A_1402 = arith.shli %get3A_1399, %shift_left3A_1401 : vector<16xi32>
        %bitcast_convert_type3A_1403 = tpu.bitcast %shift_left3A_1402 : vector<16xi32> -> vector<16xf32>
        %and3A_1404 = arith.constant -65536 : i32
        %and3A_1405 = vector.broadcast %and3A_1404 : i32 to vector<16xi32>
        %and3A_1406 = arith.andi %get3A_1399, %and3A_1405 : vector<16xi32>
        %bitcast_convert_type3A_1407 = tpu.bitcast %and3A_1406 : vector<16xi32> -> vector<16xf32>
        %mul3A_1408 = arith.mulf %bitcast_convert_type3A_1403, %mul3A_1371 : vector<16xf32>
        %add3A_1409 = arith.addf %add3A_1323, %mul3A_1408 : vector<16xf32>
        %mul3A_1410 = arith.mulf %bitcast_convert_type3A_1407, %mul3A_1371 : vector<16xf32>
        %add3A_1411 = arith.addf %add3A_1325, %mul3A_1410 : vector<16xf32>
        %add3A_1412 = arith.constant 3 : i32
        %add3A_1413 = arith.addi %add3A_1115, %add3A_1412 : i32
        %get3A_1414 = arith.constant 0 : i32
        %get3A_1415 = arith.index_cast %get3A_1414 : i32 to index
        %get3A_1416 = arith.index_cast %add3A_1413 : i32 to index
        %get3A_1417 = arith.constant 32 : index
        %get3A_1418 = tpu.vector_load %arg9[%get3A_1415, %get3A_1416, %get3A_1417] {strides = array<i32>} : memref<2x512x64xi32, #tpu.memory_space<vmem>>, vector<1x1x16xi32>,
        %get3A_1419 = vector.shape_cast %get3A_1418 : vector<1x1x16xi32> to vector<16xi32>
        %shift_left3A_1420 = arith.constant 16 : i32
        %shift_left3A_1421 = vector.broadcast %shift_left3A_1420 : i32 to vector<16xi32>
        %shift_left3A_1422 = arith.shli %get3A_1419, %shift_left3A_1421 : vector<16xi32>
        %bitcast_convert_type3A_1423 = tpu.bitcast %shift_left3A_1422 : vector<16xi32> -> vector<16xf32>
        %and3A_1424 = arith.constant -65536 : i32
        %and3A_1425 = vector.broadcast %and3A_1424 : i32 to vector<16xi32>
        %and3A_1426 = arith.andi %get3A_1419, %and3A_1425 : vector<16xi32>
        %bitcast_convert_type3A_1427 = tpu.bitcast %and3A_1426 : vector<16xi32> -> vector<16xf32>
        %mul3A_1428 = arith.mulf %bitcast_convert_type3A_1423, %mul3A_1371 : vector<16xf32>
        %add3A_1429 = arith.addf %add3A_1343, %mul3A_1428 : vector<16xf32>
        %mul3A_1430 = arith.mulf %bitcast_convert_type3A_1427, %mul3A_1371 : vector<16xf32>
        %add3A_1431 = arith.addf %add3A_1345, %mul3A_1430 : vector<16xf32>
        %add3A_1432 = arith.constant 3 : i32
        %add3A_1433 = arith.addi %add3A_1115, %add3A_1432 : i32
        %get3A_1434 = arith.constant 0 : i32
        %get3A_1435 = arith.index_cast %get3A_1434 : i32 to index
        %get3A_1436 = arith.index_cast %add3A_1433 : i32 to index
        %get3A_1437 = arith.constant 48 : index
        %get3A_1438 = tpu.vector_load %arg9[%get3A_1435, %get3A_1436, %get3A_1437] {strides = array<i32>} : memref<2x512x64xi32, #tpu.memory_space<vmem>>, vector<1x1x16xi32>,
        %get3A_1439 = vector.shape_cast %get3A_1438 : vector<1x1x16xi32> to vector<16xi32>
        %shift_left3A_1440 = arith.constant 16 : i32
        %shift_left3A_1441 = vector.broadcast %shift_left3A_1440 : i32 to vector<16xi32>
        %shift_left3A_1442 = arith.shli %get3A_1439, %shift_left3A_1441 : vector<16xi32>
        %bitcast_convert_type3A_1443 = tpu.bitcast %shift_left3A_1442 : vector<16xi32> -> vector<16xf32>
        %and3A_1444 = arith.constant -65536 : i32
        %and3A_1445 = vector.broadcast %and3A_1444 : i32 to vector<16xi32>
        %and3A_1446 = arith.andi %get3A_1439, %and3A_1445 : vector<16xi32>
        %bitcast_convert_type3A_1447 = tpu.bitcast %and3A_1446 : vector<16xi32> -> vector<16xf32>
        %mul3A_1448 = arith.mulf %bitcast_convert_type3A_1443, %mul3A_1371 : vector<16xf32>
        %add3A_1449 = arith.addf %add3A_1363, %mul3A_1448 : vector<16xf32>
        %mul3A_1450 = arith.mulf %bitcast_convert_type3A_1447, %mul3A_1371 : vector<16xf32>
        %add3A_1451 = arith.addf %add3A_1365, %mul3A_1450 : vector<16xf32>
        %slice3A_1452 = vector.extract_strided_slice %get3A_373 {offsets = [12], sizes = [1], strides = [1]} : vector<16xf32> to vector<1xf32>
        %squeeze3A_1453 = vector.extract %slice3A_1452[0] : f32 from vector<1xf32>
        %broadcast_in_dim3A_1454 = vector.broadcast %squeeze3A_1453 : f32 to vector<16xf32>
        %mul3A_1455 = arith.constant 1.250000e-01 : f32
        %mul3A_1456 = vector.broadcast %mul3A_1455 : f32 to vector<16xf32>
        %mul3A_1457 = arith.mulf %broadcast_in_dim3A_1454, %mul3A_1456 : vector<16xf32>
        %add3A_1458 = arith.constant 4 : i32
        %add3A_1459 = arith.addi %add3A_1115, %add3A_1458 : i32
        %get3A_1460 = arith.constant 0 : i32
        %get3A_1461 = arith.index_cast %get3A_1460 : i32 to index
        %get3A_1462 = arith.index_cast %add3A_1459 : i32 to index
        %get3A_1463 = arith.constant 0 : index
        %get3A_1464 = tpu.vector_load %arg9[%get3A_1461, %get3A_1462, %get3A_1463] {strides = array<i32>} : memref<2x512x64xi32, #tpu.memory_space<vmem>>, vector<1x1x16xi32>,
        %get3A_1465 = vector.shape_cast %get3A_1464 : vector<1x1x16xi32> to vector<16xi32>
        %shift_left3A_1466 = arith.constant 16 : i32
        %shift_left3A_1467 = vector.broadcast %shift_left3A_1466 : i32 to vector<16xi32>
        %shift_left3A_1468 = arith.shli %get3A_1465, %shift_left3A_1467 : vector<16xi32>
        %bitcast_convert_type3A_1469 = tpu.bitcast %shift_left3A_1468 : vector<16xi32> -> vector<16xf32>
        %and3A_1470 = arith.constant -65536 : i32
        %and3A_1471 = vector.broadcast %and3A_1470 : i32 to vector<16xi32>
        %and3A_1472 = arith.andi %get3A_1465, %and3A_1471 : vector<16xi32>
        %bitcast_convert_type3A_1473 = tpu.bitcast %and3A_1472 : vector<16xi32> -> vector<16xf32>
        %mul3A_1474 = arith.mulf %bitcast_convert_type3A_1469, %mul3A_1457 : vector<16xf32>
        %add3A_1475 = arith.addf %add3A_1389, %mul3A_1474 : vector<16xf32>
        %mul3A_1476 = arith.mulf %bitcast_convert_type3A_1473, %mul3A_1457 : vector<16xf32>
        %add3A_1477 = arith.addf %add3A_1391, %mul3A_1476 : vector<16xf32>
        %add3A_1478 = arith.constant 4 : i32
        %add3A_1479 = arith.addi %add3A_1115, %add3A_1478 : i32
        %get3A_1480 = arith.constant 0 : i32
        %get3A_1481 = arith.index_cast %get3A_1480 : i32 to index
        %get3A_1482 = arith.index_cast %add3A_1479 : i32 to index
        %get3A_1483 = arith.constant 16 : index
        %get3A_1484 = tpu.vector_load %arg9[%get3A_1481, %get3A_1482, %get3A_1483] {strides = array<i32>} : memref<2x512x64xi32, #tpu.memory_space<vmem>>, vector<1x1x16xi32>,
        %get3A_1485 = vector.shape_cast %get3A_1484 : vector<1x1x16xi32> to vector<16xi32>
        %shift_left3A_1486 = arith.constant 16 : i32
        %shift_left3A_1487 = vector.broadcast %shift_left3A_1486 : i32 to vector<16xi32>
        %shift_left3A_1488 = arith.shli %get3A_1485, %shift_left3A_1487 : vector<16xi32>
        %bitcast_convert_type3A_1489 = tpu.bitcast %shift_left3A_1488 : vector<16xi32> -> vector<16xf32>
        %and3A_1490 = arith.constant -65536 : i32
        %and3A_1491 = vector.broadcast %and3A_1490 : i32 to vector<16xi32>
        %and3A_1492 = arith.andi %get3A_1485, %and3A_1491 : vector<16xi32>
        %bitcast_convert_type3A_1493 = tpu.bitcast %and3A_1492 : vector<16xi32> -> vector<16xf32>
        %mul3A_1494 = arith.mulf %bitcast_convert_type3A_1489, %mul3A_1457 : vector<16xf32>
        %add3A_1495 = arith.addf %add3A_1409, %mul3A_1494 : vector<16xf32>
        %mul3A_1496 = arith.mulf %bitcast_convert_type3A_1493, %mul3A_1457 : vector<16xf32>
        %add3A_1497 = arith.addf %add3A_1411, %mul3A_1496 : vector<16xf32>
        %add3A_1498 = arith.constant 4 : i32
        %add3A_1499 = arith.addi %add3A_1115, %add3A_1498 : i32
        %get3A_1500 = arith.constant 0 : i32
        %get3A_1501 = arith.index_cast %get3A_1500 : i32 to index
        %get3A_1502 = arith.index_cast %add3A_1499 : i32 to index
        %get3A_1503 = arith.constant 32 : index
        %get3A_1504 = tpu.vector_load %arg9[%get3A_1501, %get3A_1502, %get3A_1503] {strides = array<i32>} : memref<2x512x64xi32, #tpu.memory_space<vmem>>, vector<1x1x16xi32>,
        %get3A_1505 = vector.shape_cast %get3A_1504 : vector<1x1x16xi32> to vector<16xi32>
        %shift_left3A_1506 = arith.constant 16 : i32
        %shift_left3A_1507 = vector.broadcast %shift_left3A_1506 : i32 to vector<16xi32>
        %shift_left3A_1508 = arith.shli %get3A_1505, %shift_left3A_1507 : vector<16xi32>
        %bitcast_convert_type3A_1509 = tpu.bitcast %shift_left3A_1508 : vector<16xi32> -> vector<16xf32>
        %and3A_1510 = arith.constant -65536 : i32
        %and3A_1511 = vector.broadcast %and3A_1510 : i32 to vector<16xi32>
        %and3A_1512 = arith.andi %get3A_1505, %and3A_1511 : vector<16xi32>
        %bitcast_convert_type3A_1513 = tpu.bitcast %and3A_1512 : vector<16xi32> -> vector<16xf32>
        %mul3A_1514 = arith.mulf %bitcast_convert_type3A_1509, %mul3A_1457 : vector<16xf32>
        %add3A_1515 = arith.addf %add3A_1429, %mul3A_1514 : vector<16xf32>
        %mul3A_1516 = arith.mulf %bitcast_convert_type3A_1513, %mul3A_1457 : vector<16xf32>
        %add3A_1517 = arith.addf %add3A_1431, %mul3A_1516 : vector<16xf32>
        %add3A_1518 = arith.constant 4 : i32
        %add3A_1519 = arith.addi %add3A_1115, %add3A_1518 : i32
        %get3A_1520 = arith.constant 0 : i32
        %get3A_1521 = arith.index_cast %get3A_1520 : i32 to index
        %get3A_1522 = arith.index_cast %add3A_1519 : i32 to index
        %get3A_1523 = arith.constant 48 : index
        %get3A_1524 = tpu.vector_load %arg9[%get3A_1521, %get3A_1522, %get3A_1523] {strides = array<i32>} : memref<2x512x64xi32, #tpu.memory_space<vmem>>, vector<1x1x16xi32>,
        %get3A_1525 = vector.shape_cast %get3A_1524 : vector<1x1x16xi32> to vector<16xi32>
        %shift_left3A_1526 = arith.constant 16 : i32
        %shift_left3A_1527 = vector.broadcast %shift_left3A_1526 : i32 to vector<16xi32>
        %shift_left3A_1528 = arith.shli %get3A_1525, %shift_left3A_1527 : vector<16xi32>
        %bitcast_convert_type3A_1529 = tpu.bitcast %shift_left3A_1528 : vector<16xi32> -> vector<16xf32>
        %and3A_1530 = arith.constant -65536 : i32
        %and3A_1531 = vector.broadcast %and3A_1530 : i32 to vector<16xi32>
        %and3A_1532 = arith.andi %get3A_1525, %and3A_1531 : vector<16xi32>
        %bitcast_convert_type3A_1533 = tpu.bitcast %and3A_1532 : vector<16xi32> -> vector<16xf32>
        %mul3A_1534 = arith.mulf %bitcast_convert_type3A_1529, %mul3A_1457 : vector<16xf32>
        %add3A_1535 = arith.addf %add3A_1449, %mul3A_1534 : vector<16xf32>
        %mul3A_1536 = arith.mulf %bitcast_convert_type3A_1533, %mul3A_1457 : vector<16xf32>
        %add3A_1537 = arith.addf %add3A_1451, %mul3A_1536 : vector<16xf32>
        %slice3A_1538 = vector.extract_strided_slice %get3A_373 {offsets = [13], sizes = [1], strides = [1]} : vector<16xf32> to vector<1xf32>
        %squeeze3A_1539 = vector.extract %slice3A_1538[0] : f32 from vector<1xf32>
        %broadcast_in_dim3A_1540 = vector.broadcast %squeeze3A_1539 : f32 to vector<16xf32>
        %mul3A_1541 = arith.constant 1.250000e-01 : f32
        %mul3A_1542 = vector.broadcast %mul3A_1541 : f32 to vector<16xf32>
        %mul3A_1543 = arith.mulf %broadcast_in_dim3A_1540, %mul3A_1542 : vector<16xf32>
        %add3A_1544 = arith.constant 5 : i32
        %add3A_1545 = arith.addi %add3A_1115, %add3A_1544 : i32
        %get3A_1546 = arith.constant 0 : i32
        %get3A_1547 = arith.index_cast %get3A_1546 : i32 to index
        %get3A_1548 = arith.index_cast %add3A_1545 : i32 to index
        %get3A_1549 = arith.constant 0 : index
        %get3A_1550 = tpu.vector_load %arg9[%get3A_1547, %get3A_1548, %get3A_1549] {strides = array<i32>} : memref<2x512x64xi32, #tpu.memory_space<vmem>>, vector<1x1x16xi32>,
        %get3A_1551 = vector.shape_cast %get3A_1550 : vector<1x1x16xi32> to vector<16xi32>
        %shift_left3A_1552 = arith.constant 16 : i32
        %shift_left3A_1553 = vector.broadcast %shift_left3A_1552 : i32 to vector<16xi32>
        %shift_left3A_1554 = arith.shli %get3A_1551, %shift_left3A_1553 : vector<16xi32>
        %bitcast_convert_type3A_1555 = tpu.bitcast %shift_left3A_1554 : vector<16xi32> -> vector<16xf32>
        %and3A_1556 = arith.constant -65536 : i32
        %and3A_1557 = vector.broadcast %and3A_1556 : i32 to vector<16xi32>
        %and3A_1558 = arith.andi %get3A_1551, %and3A_1557 : vector<16xi32>
        %bitcast_convert_type3A_1559 = tpu.bitcast %and3A_1558 : vector<16xi32> -> vector<16xf32>
        %mul3A_1560 = arith.mulf %bitcast_convert_type3A_1555, %mul3A_1543 : vector<16xf32>
        %add3A_1561 = arith.addf %add3A_1475, %mul3A_1560 : vector<16xf32>
        %mul3A_1562 = arith.mulf %bitcast_convert_type3A_1559, %mul3A_1543 : vector<16xf32>
        %add3A_1563 = arith.addf %add3A_1477, %mul3A_1562 : vector<16xf32>
        %add3A_1564 = arith.constant 5 : i32
        %add3A_1565 = arith.addi %add3A_1115, %add3A_1564 : i32
        %get3A_1566 = arith.constant 0 : i32
        %get3A_1567 = arith.index_cast %get3A_1566 : i32 to index
        %get3A_1568 = arith.index_cast %add3A_1565 : i32 to index
        %get3A_1569 = arith.constant 16 : index
        %get3A_1570 = tpu.vector_load %arg9[%get3A_1567, %get3A_1568, %get3A_1569] {strides = array<i32>} : memref<2x512x64xi32, #tpu.memory_space<vmem>>, vector<1x1x16xi32>,
        %get3A_1571 = vector.shape_cast %get3A_1570 : vector<1x1x16xi32> to vector<16xi32>
        %shift_left3A_1572 = arith.constant 16 : i32
        %shift_left3A_1573 = vector.broadcast %shift_left3A_1572 : i32 to vector<16xi32>
        %shift_left3A_1574 = arith.shli %get3A_1571, %shift_left3A_1573 : vector<16xi32>
        %bitcast_convert_type3A_1575 = tpu.bitcast %shift_left3A_1574 : vector<16xi32> -> vector<16xf32>
        %and3A_1576 = arith.constant -65536 : i32
        %and3A_1577 = vector.broadcast %and3A_1576 : i32 to vector<16xi32>
        %and3A_1578 = arith.andi %get3A_1571, %and3A_1577 : vector<16xi32>
        %bitcast_convert_type3A_1579 = tpu.bitcast %and3A_1578 : vector<16xi32> -> vector<16xf32>
        %mul3A_1580 = arith.mulf %bitcast_convert_type3A_1575, %mul3A_1543 : vector<16xf32>
        %add3A_1581 = arith.addf %add3A_1495, %mul3A_1580 : vector<16xf32>
        %mul3A_1582 = arith.mulf %bitcast_convert_type3A_1579, %mul3A_1543 : vector<16xf32>
        %add3A_1583 = arith.addf %add3A_1497, %mul3A_1582 : vector<16xf32>
        %add3A_1584 = arith.constant 5 : i32
        %add3A_1585 = arith.addi %add3A_1115, %add3A_1584 : i32
        %get3A_1586 = arith.constant 0 : i32
        %get3A_1587 = arith.index_cast %get3A_1586 : i32 to index
        %get3A_1588 = arith.index_cast %add3A_1585 : i32 to index
        %get3A_1589 = arith.constant 32 : index
        %get3A_1590 = tpu.vector_load %arg9[%get3A_1587, %get3A_1588, %get3A_1589] {strides = array<i32>} : memref<2x512x64xi32, #tpu.memory_space<vmem>>, vector<1x1x16xi32>,
        %get3A_1591 = vector.shape_cast %get3A_1590 : vector<1x1x16xi32> to vector<16xi32>
        %shift_left3A_1592 = arith.constant 16 : i32
        %shift_left3A_1593 = vector.broadcast %shift_left3A_1592 : i32 to vector<16xi32>
        %shift_left3A_1594 = arith.shli %get3A_1591, %shift_left3A_1593 : vector<16xi32>
        %bitcast_convert_type3A_1595 = tpu.bitcast %shift_left3A_1594 : vector<16xi32> -> vector<16xf32>
        %and3A_1596 = arith.constant -65536 : i32
        %and3A_1597 = vector.broadcast %and3A_1596 : i32 to vector<16xi32>
        %and3A_1598 = arith.andi %get3A_1591, %and3A_1597 : vector<16xi32>
        %bitcast_convert_type3A_1599 = tpu.bitcast %and3A_1598 : vector<16xi32> -> vector<16xf32>
        %mul3A_1600 = arith.mulf %bitcast_convert_type3A_1595, %mul3A_1543 : vector<16xf32>
        %add3A_1601 = arith.addf %add3A_1515, %mul3A_1600 : vector<16xf32>
        %mul3A_1602 = arith.mulf %bitcast_convert_type3A_1599, %mul3A_1543 : vector<16xf32>
        %add3A_1603 = arith.addf %add3A_1517, %mul3A_1602 : vector<16xf32>
        %add3A_1604 = arith.constant 5 : i32
        %add3A_1605 = arith.addi %add3A_1115, %add3A_1604 : i32
        %get3A_1606 = arith.constant 0 : i32
        %get3A_1607 = arith.index_cast %get3A_1606 : i32 to index
        %get3A_1608 = arith.index_cast %add3A_1605 : i32 to index
        %get3A_1609 = arith.constant 48 : index
        %get3A_1610 = tpu.vector_load %arg9[%get3A_1607, %get3A_1608, %get3A_1609] {strides = array<i32>} : memref<2x512x64xi32, #tpu.memory_space<vmem>>, vector<1x1x16xi32>,
        %get3A_1611 = vector.shape_cast %get3A_1610 : vector<1x1x16xi32> to vector<16xi32>
        %shift_left3A_1612 = arith.constant 16 : i32
        %shift_left3A_1613 = vector.broadcast %shift_left3A_1612 : i32 to vector<16xi32>
        %shift_left3A_1614 = arith.shli %get3A_1611, %shift_left3A_1613 : vector<16xi32>
        %bitcast_convert_type3A_1615 = tpu.bitcast %shift_left3A_1614 : vector<16xi32> -> vector<16xf32>
        %and3A_1616 = arith.constant -65536 : i32
        %and3A_1617 = vector.broadcast %and3A_1616 : i32 to vector<16xi32>
        %and3A_1618 = arith.andi %get3A_1611, %and3A_1617 : vector<16xi32>
        %bitcast_convert_type3A_1619 = tpu.bitcast %and3A_1618 : vector<16xi32> -> vector<16xf32>
        %mul3A_1620 = arith.mulf %bitcast_convert_type3A_1615, %mul3A_1543 : vector<16xf32>
        %add3A_1621 = arith.addf %add3A_1535, %mul3A_1620 : vector<16xf32>
        %mul3A_1622 = arith.mulf %bitcast_convert_type3A_1619, %mul3A_1543 : vector<16xf32>
        %add3A_1623 = arith.addf %add3A_1537, %mul3A_1622 : vector<16xf32>
        %slice3A_1624 = vector.extract_strided_slice %get3A_373 {offsets = [14], sizes = [1], strides = [1]} : vector<16xf32> to vector<1xf32>
        %squeeze3A_1625 = vector.extract %slice3A_1624[0] : f32 from vector<1xf32>
        %broadcast_in_dim3A_1626 = vector.broadcast %squeeze3A_1625 : f32 to vector<16xf32>
        %mul3A_1627 = arith.constant 1.250000e-01 : f32
        %mul3A_1628 = vector.broadcast %mul3A_1627 : f32 to vector<16xf32>
        %mul3A_1629 = arith.mulf %broadcast_in_dim3A_1626, %mul3A_1628 : vector<16xf32>
        %add3A_1630 = arith.constant 6 : i32
        %add3A_1631 = arith.addi %add3A_1115, %add3A_1630 : i32
        %get3A_1632 = arith.constant 0 : i32
        %get3A_1633 = arith.index_cast %get3A_1632 : i32 to index
        %get3A_1634 = arith.index_cast %add3A_1631 : i32 to index
        %get3A_1635 = arith.constant 0 : index
        %get3A_1636 = tpu.vector_load %arg9[%get3A_1633, %get3A_1634, %get3A_1635] {strides = array<i32>} : memref<2x512x64xi32, #tpu.memory_space<vmem>>, vector<1x1x16xi32>,
        %get3A_1637 = vector.shape_cast %get3A_1636 : vector<1x1x16xi32> to vector<16xi32>
        %shift_left3A_1638 = arith.constant 16 : i32
        %shift_left3A_1639 = vector.broadcast %shift_left3A_1638 : i32 to vector<16xi32>
        %shift_left3A_1640 = arith.shli %get3A_1637, %shift_left3A_1639 : vector<16xi32>
        %bitcast_convert_type3A_1641 = tpu.bitcast %shift_left3A_1640 : vector<16xi32> -> vector<16xf32>
        %and3A_1642 = arith.constant -65536 : i32
        %and3A_1643 = vector.broadcast %and3A_1642 : i32 to vector<16xi32>
        %and3A_1644 = arith.andi %get3A_1637, %and3A_1643 : vector<16xi32>
        %bitcast_convert_type3A_1645 = tpu.bitcast %and3A_1644 : vector<16xi32> -> vector<16xf32>
        %mul3A_1646 = arith.mulf %bitcast_convert_type3A_1641, %mul3A_1629 : vector<16xf32>
        %add3A_1647 = arith.addf %add3A_1561, %mul3A_1646 : vector<16xf32>
        %mul3A_1648 = arith.mulf %bitcast_convert_type3A_1645, %mul3A_1629 : vector<16xf32>
        %add3A_1649 = arith.addf %add3A_1563, %mul3A_1648 : vector<16xf32>
        %add3A_1650 = arith.constant 6 : i32
        %add3A_1651 = arith.addi %add3A_1115, %add3A_1650 : i32
        %get3A_1652 = arith.constant 0 : i32
        %get3A_1653 = arith.index_cast %get3A_1652 : i32 to index
        %get3A_1654 = arith.index_cast %add3A_1651 : i32 to index
        %get3A_1655 = arith.constant 16 : index
        %get3A_1656 = tpu.vector_load %arg9[%get3A_1653, %get3A_1654, %get3A_1655] {strides = array<i32>} : memref<2x512x64xi32, #tpu.memory_space<vmem>>, vector<1x1x16xi32>,
        %get3A_1657 = vector.shape_cast %get3A_1656 : vector<1x1x16xi32> to vector<16xi32>
        %shift_left3A_1658 = arith.constant 16 : i32
        %shift_left3A_1659 = vector.broadcast %shift_left3A_1658 : i32 to vector<16xi32>
        %shift_left3A_1660 = arith.shli %get3A_1657, %shift_left3A_1659 : vector<16xi32>
        %bitcast_convert_type3A_1661 = tpu.bitcast %shift_left3A_1660 : vector<16xi32> -> vector<16xf32>
        %and3A_1662 = arith.constant -65536 : i32
        %and3A_1663 = vector.broadcast %and3A_1662 : i32 to vector<16xi32>
        %and3A_1664 = arith.andi %get3A_1657, %and3A_1663 : vector<16xi32>
        %bitcast_convert_type3A_1665 = tpu.bitcast %and3A_1664 : vector<16xi32> -> vector<16xf32>
        %mul3A_1666 = arith.mulf %bitcast_convert_type3A_1661, %mul3A_1629 : vector<16xf32>
        %add3A_1667 = arith.addf %add3A_1581, %mul3A_1666 : vector<16xf32>
        %mul3A_1668 = arith.mulf %bitcast_convert_type3A_1665, %mul3A_1629 : vector<16xf32>
        %add3A_1669 = arith.addf %add3A_1583, %mul3A_1668 : vector<16xf32>
        %add3A_1670 = arith.constant 6 : i32
        %add3A_1671 = arith.addi %add3A_1115, %add3A_1670 : i32
        %get3A_1672 = arith.constant 0 : i32
        %get3A_1673 = arith.index_cast %get3A_1672 : i32 to index
        %get3A_1674 = arith.index_cast %add3A_1671 : i32 to index
        %get3A_1675 = arith.constant 32 : index
        %get3A_1676 = tpu.vector_load %arg9[%get3A_1673, %get3A_1674, %get3A_1675] {strides = array<i32>} : memref<2x512x64xi32, #tpu.memory_space<vmem>>, vector<1x1x16xi32>,
        %get3A_1677 = vector.shape_cast %get3A_1676 : vector<1x1x16xi32> to vector<16xi32>
        %shift_left3A_1678 = arith.constant 16 : i32
        %shift_left3A_1679 = vector.broadcast %shift_left3A_1678 : i32 to vector<16xi32>
        %shift_left3A_1680 = arith.shli %get3A_1677, %shift_left3A_1679 : vector<16xi32>
        %bitcast_convert_type3A_1681 = tpu.bitcast %shift_left3A_1680 : vector<16xi32> -> vector<16xf32>
        %and3A_1682 = arith.constant -65536 : i32
        %and3A_1683 = vector.broadcast %and3A_1682 : i32 to vector<16xi32>
        %and3A_1684 = arith.andi %get3A_1677, %and3A_1683 : vector<16xi32>
        %bitcast_convert_type3A_1685 = tpu.bitcast %and3A_1684 : vector<16xi32> -> vector<16xf32>
        %mul3A_1686 = arith.mulf %bitcast_convert_type3A_1681, %mul3A_1629 : vector<16xf32>
        %add3A_1687 = arith.addf %add3A_1601, %mul3A_1686 : vector<16xf32>
        %mul3A_1688 = arith.mulf %bitcast_convert_type3A_1685, %mul3A_1629 : vector<16xf32>
        %add3A_1689 = arith.addf %add3A_1603, %mul3A_1688 : vector<16xf32>
        %add3A_1690 = arith.constant 6 : i32
        %add3A_1691 = arith.addi %add3A_1115, %add3A_1690 : i32
        %get3A_1692 = arith.constant 0 : i32
        %get3A_1693 = arith.index_cast %get3A_1692 : i32 to index
        %get3A_1694 = arith.index_cast %add3A_1691 : i32 to index
        %get3A_1695 = arith.constant 48 : index
        %get3A_1696 = tpu.vector_load %arg9[%get3A_1693, %get3A_1694, %get3A_1695] {strides = array<i32>} : memref<2x512x64xi32, #tpu.memory_space<vmem>>, vector<1x1x16xi32>,
        %get3A_1697 = vector.shape_cast %get3A_1696 : vector<1x1x16xi32> to vector<16xi32>
        %shift_left3A_1698 = arith.constant 16 : i32
        %shift_left3A_1699 = vector.broadcast %shift_left3A_1698 : i32 to vector<16xi32>
        %shift_left3A_1700 = arith.shli %get3A_1697, %shift_left3A_1699 : vector<16xi32>
        %bitcast_convert_type3A_1701 = tpu.bitcast %shift_left3A_1700 : vector<16xi32> -> vector<16xf32>
        %and3A_1702 = arith.constant -65536 : i32
        %and3A_1703 = vector.broadcast %and3A_1702 : i32 to vector<16xi32>
        %and3A_1704 = arith.andi %get3A_1697, %and3A_1703 : vector<16xi32>
        %bitcast_convert_type3A_1705 = tpu.bitcast %and3A_1704 : vector<16xi32> -> vector<16xf32>
        %mul3A_1706 = arith.mulf %bitcast_convert_type3A_1701, %mul3A_1629 : vector<16xf32>
        %add3A_1707 = arith.addf %add3A_1621, %mul3A_1706 : vector<16xf32>
        %mul3A_1708 = arith.mulf %bitcast_convert_type3A_1705, %mul3A_1629 : vector<16xf32>
        %add3A_1709 = arith.addf %add3A_1623, %mul3A_1708 : vector<16xf32>
        %slice3A_1710 = vector.extract_strided_slice %get3A_373 {offsets = [15], sizes = [1], strides = [1]} : vector<16xf32> to vector<1xf32>
        %squeeze3A_1711 = vector.extract %slice3A_1710[0] : f32 from vector<1xf32>
        %broadcast_in_dim3A_1712 = vector.broadcast %squeeze3A_1711 : f32 to vector<16xf32>
        %mul3A_1713 = arith.constant 1.250000e-01 : f32
        %mul3A_1714 = vector.broadcast %mul3A_1713 : f32 to vector<16xf32>
        %mul3A_1715 = arith.mulf %broadcast_in_dim3A_1712, %mul3A_1714 : vector<16xf32>
        %add3A_1716 = arith.constant 7 : i32
        %add3A_1717 = arith.addi %add3A_1115, %add3A_1716 : i32
        %get3A_1718 = arith.constant 0 : i32
        %get3A_1719 = arith.index_cast %get3A_1718 : i32 to index
        %get3A_1720 = arith.index_cast %add3A_1717 : i32 to index
        %get3A_1721 = arith.constant 0 : index
        %get3A_1722 = tpu.vector_load %arg9[%get3A_1719, %get3A_1720, %get3A_1721] {strides = array<i32>} : memref<2x512x64xi32, #tpu.memory_space<vmem>>, vector<1x1x16xi32>,
        %get3A_1723 = vector.shape_cast %get3A_1722 : vector<1x1x16xi32> to vector<16xi32>
        %shift_left3A_1724 = arith.constant 16 : i32
        %shift_left3A_1725 = vector.broadcast %shift_left3A_1724 : i32 to vector<16xi32>
        %shift_left3A_1726 = arith.shli %get3A_1723, %shift_left3A_1725 : vector<16xi32>
        %bitcast_convert_type3A_1727 = tpu.bitcast %shift_left3A_1726 : vector<16xi32> -> vector<16xf32>
        %and3A_1728 = arith.constant -65536 : i32
        %and3A_1729 = vector.broadcast %and3A_1728 : i32 to vector<16xi32>
        %and3A_1730 = arith.andi %get3A_1723, %and3A_1729 : vector<16xi32>
        %bitcast_convert_type3A_1731 = tpu.bitcast %and3A_1730 : vector<16xi32> -> vector<16xf32>
        %mul3A_1732 = arith.mulf %bitcast_convert_type3A_1727, %mul3A_1715 : vector<16xf32>
        %add3A_1733 = arith.addf %add3A_1647, %mul3A_1732 : vector<16xf32>
        %mul3A_1734 = arith.mulf %bitcast_convert_type3A_1731, %mul3A_1715 : vector<16xf32>
        %add3A_1735 = arith.addf %add3A_1649, %mul3A_1734 : vector<16xf32>
        %add3A_1736 = arith.constant 7 : i32
        %add3A_1737 = arith.addi %add3A_1115, %add3A_1736 : i32
        %get3A_1738 = arith.constant 0 : i32
        %get3A_1739 = arith.index_cast %get3A_1738 : i32 to index
        %get3A_1740 = arith.index_cast %add3A_1737 : i32 to index
        %get3A_1741 = arith.constant 16 : index
        %get3A_1742 = tpu.vector_load %arg9[%get3A_1739, %get3A_1740, %get3A_1741] {strides = array<i32>} : memref<2x512x64xi32, #tpu.memory_space<vmem>>, vector<1x1x16xi32>,
        %get3A_1743 = vector.shape_cast %get3A_1742 : vector<1x1x16xi32> to vector<16xi32>
        %shift_left3A_1744 = arith.constant 16 : i32
        %shift_left3A_1745 = vector.broadcast %shift_left3A_1744 : i32 to vector<16xi32>
        %shift_left3A_1746 = arith.shli %get3A_1743, %shift_left3A_1745 : vector<16xi32>
        %bitcast_convert_type3A_1747 = tpu.bitcast %shift_left3A_1746 : vector<16xi32> -> vector<16xf32>
        %and3A_1748 = arith.constant -65536 : i32
        %and3A_1749 = vector.broadcast %and3A_1748 : i32 to vector<16xi32>
        %and3A_1750 = arith.andi %get3A_1743, %and3A_1749 : vector<16xi32>
        %bitcast_convert_type3A_1751 = tpu.bitcast %and3A_1750 : vector<16xi32> -> vector<16xf32>
        %mul3A_1752 = arith.mulf %bitcast_convert_type3A_1747, %mul3A_1715 : vector<16xf32>
        %add3A_1753 = arith.addf %add3A_1667, %mul3A_1752 : vector<16xf32>
        %mul3A_1754 = arith.mulf %bitcast_convert_type3A_1751, %mul3A_1715 : vector<16xf32>
        %add3A_1755 = arith.addf %add3A_1669, %mul3A_1754 : vector<16xf32>
        %add3A_1756 = arith.constant 7 : i32
        %add3A_1757 = arith.addi %add3A_1115, %add3A_1756 : i32
        %get3A_1758 = arith.constant 0 : i32
        %get3A_1759 = arith.index_cast %get3A_1758 : i32 to index
        %get3A_1760 = arith.index_cast %add3A_1757 : i32 to index
        %get3A_1761 = arith.constant 32 : index
        %get3A_1762 = tpu.vector_load %arg9[%get3A_1759, %get3A_1760, %get3A_1761] {strides = array<i32>} : memref<2x512x64xi32, #tpu.memory_space<vmem>>, vector<1x1x16xi32>,
        %get3A_1763 = vector.shape_cast %get3A_1762 : vector<1x1x16xi32> to vector<16xi32>
        %shift_left3A_1764 = arith.constant 16 : i32
        %shift_left3A_1765 = vector.broadcast %shift_left3A_1764 : i32 to vector<16xi32>
        %shift_left3A_1766 = arith.shli %get3A_1763, %shift_left3A_1765 : vector<16xi32>
        %bitcast_convert_type3A_1767 = tpu.bitcast %shift_left3A_1766 : vector<16xi32> -> vector<16xf32>
        %and3A_1768 = arith.constant -65536 : i32
        %and3A_1769 = vector.broadcast %and3A_1768 : i32 to vector<16xi32>
        %and3A_1770 = arith.andi %get3A_1763, %and3A_1769 : vector<16xi32>
        %bitcast_convert_type3A_1771 = tpu.bitcast %and3A_1770 : vector<16xi32> -> vector<16xf32>
        %mul3A_1772 = arith.mulf %bitcast_convert_type3A_1767, %mul3A_1715 : vector<16xf32>
        %add3A_1773 = arith.addf %add3A_1687, %mul3A_1772 : vector<16xf32>
        %mul3A_1774 = arith.mulf %bitcast_convert_type3A_1771, %mul3A_1715 : vector<16xf32>
        %add3A_1775 = arith.addf %add3A_1689, %mul3A_1774 : vector<16xf32>
        %add3A_1776 = arith.constant 7 : i32
        %add3A_1777 = arith.addi %add3A_1115, %add3A_1776 : i32
        %get3A_1778 = arith.constant 0 : i32
        %get3A_1779 = arith.index_cast %get3A_1778 : i32 to index
        %get3A_1780 = arith.index_cast %add3A_1777 : i32 to index
        %get3A_1781 = arith.constant 48 : index
        %get3A_1782 = tpu.vector_load %arg9[%get3A_1779, %get3A_1780, %get3A_1781] {strides = array<i32>} : memref<2x512x64xi32, #tpu.memory_space<vmem>>, vector<1x1x16xi32>,
        %get3A_1783 = vector.shape_cast %get3A_1782 : vector<1x1x16xi32> to vector<16xi32>
        %shift_left3A_1784 = arith.constant 16 : i32
        %shift_left3A_1785 = vector.broadcast %shift_left3A_1784 : i32 to vector<16xi32>
        %shift_left3A_1786 = arith.shli %get3A_1783, %shift_left3A_1785 : vector<16xi32>
        %bitcast_convert_type3A_1787 = tpu.bitcast %shift_left3A_1786 : vector<16xi32> -> vector<16xf32>
        %and3A_1788 = arith.constant -65536 : i32
        %and3A_1789 = vector.broadcast %and3A_1788 : i32 to vector<16xi32>
        %and3A_1790 = arith.andi %get3A_1783, %and3A_1789 : vector<16xi32>
        %bitcast_convert_type3A_1791 = tpu.bitcast %and3A_1790 : vector<16xi32> -> vector<16xf32>
        %mul3A_1792 = arith.mulf %bitcast_convert_type3A_1787, %mul3A_1715 : vector<16xf32>
        %add3A_1793 = arith.addf %add3A_1707, %mul3A_1792 : vector<16xf32>
        %mul3A_1794 = arith.mulf %bitcast_convert_type3A_1791, %mul3A_1715 : vector<16xf32>
        %add3A_1795 = arith.addf %add3A_1709, %mul3A_1794 : vector<16xf32>
        %swap3A_1796 = arith.constant 0 : i32
        %swap3A_1797 = arith.index_cast %swap3A_1796 : i32 to index
        %swap3A_1798 = arith.index_cast %add3A_1113 : i32 to index
        %swap3A_1799 = arith.constant 0 : index
        %swap3A_1800 = tpu.vector_load %arg10[%swap3A_1797, %swap3A_1798, %swap3A_1799] {strides = array<i32>} : memref<2x64x128xf32, #tpu.memory_space<vmem>>, vector<1x1x16xf32>,
        %swap3A_1801 = vector.shape_cast %swap3A_1800 : vector<1x1x16xf32> to vector<16xf32>
        %swap3A_1802 = vector.shape_cast %add3A_1733 : vector<16xf32> to vector<1x1x16xf32>
        tpu.vector_store %arg10[%swap3A_1797, %swap3A_1798, %swap3A_1799], %swap3A_1802 {strides = array<i32>} : memref<2x64x128xf32, #tpu.memory_space<vmem>>, vector<1x1x16xf32>,
        %swap3A_1803 = arith.constant 0 : i32
        %swap3A_1804 = arith.index_cast %swap3A_1803 : i32 to index
        %swap3A_1805 = arith.index_cast %add3A_1113 : i32 to index
        %swap3A_1806 = arith.constant 64 : index
        %swap3A_1807 = tpu.vector_load %arg10[%swap3A_1804, %swap3A_1805, %swap3A_1806] {strides = array<i32>} : memref<2x64x128xf32, #tpu.memory_space<vmem>>, vector<1x1x16xf32>,
        %swap3A_1808 = vector.shape_cast %swap3A_1807 : vector<1x1x16xf32> to vector<16xf32>
        %swap3A_1809 = vector.shape_cast %add3A_1735 : vector<16xf32> to vector<1x1x16xf32>
        tpu.vector_store %arg10[%swap3A_1804, %swap3A_1805, %swap3A_1806], %swap3A_1809 {strides = array<i32>} : memref<2x64x128xf32, #tpu.memory_space<vmem>>, vector<1x1x16xf32>,
        %swap3A_1810 = arith.constant 0 : i32
        %swap3A_1811 = arith.index_cast %swap3A_1810 : i32 to index
        %swap3A_1812 = arith.index_cast %add3A_1113 : i32 to index
        %swap3A_1813 = arith.constant 16 : index
        %swap3A_1814 = tpu.vector_load %arg10[%swap3A_1811, %swap3A_1812, %swap3A_1813] {strides = array<i32>} : memref<2x64x128xf32, #tpu.memory_space<vmem>>, vector<1x1x16xf32>,
        %swap3A_1815 = vector.shape_cast %swap3A_1814 : vector<1x1x16xf32> to vector<16xf32>
        %swap3A_1816 = vector.shape_cast %add3A_1753 : vector<16xf32> to vector<1x1x16xf32>
        tpu.vector_store %arg10[%swap3A_1811, %swap3A_1812, %swap3A_1813], %swap3A_1816 {strides = array<i32>} : memref<2x64x128xf32, #tpu.memory_space<vmem>>, vector<1x1x16xf32>,
        %swap3A_1817 = arith.constant 0 : i32
        %swap3A_1818 = arith.index_cast %swap3A_1817 : i32 to index
        %swap3A_1819 = arith.index_cast %add3A_1113 : i32 to index
        %swap3A_1820 = arith.constant 80 : index
        %swap3A_1821 = tpu.vector_load %arg10[%swap3A_1818, %swap3A_1819, %swap3A_1820] {strides = array<i32>} : memref<2x64x128xf32, #tpu.memory_space<vmem>>, vector<1x1x16xf32>,
        %swap3A_1822 = vector.shape_cast %swap3A_1821 : vector<1x1x16xf32> to vector<16xf32>
        %swap3A_1823 = vector.shape_cast %add3A_1755 : vector<16xf32> to vector<1x1x16xf32>
        tpu.vector_store %arg10[%swap3A_1818, %swap3A_1819, %swap3A_1820], %swap3A_1823 {strides = array<i32>} : memref<2x64x128xf32, #tpu.memory_space<vmem>>, vector<1x1x16xf32>,
        %swap3A_1824 = arith.constant 0 : i32
        %swap3A_1825 = arith.index_cast %swap3A_1824 : i32 to index
        %swap3A_1826 = arith.index_cast %add3A_1113 : i32 to index
        %swap3A_1827 = arith.constant 32 : index
        %swap3A_1828 = tpu.vector_load %arg10[%swap3A_1825, %swap3A_1826, %swap3A_1827] {strides = array<i32>} : memref<2x64x128xf32, #tpu.memory_space<vmem>>, vector<1x1x16xf32>,
        %swap3A_1829 = vector.shape_cast %swap3A_1828 : vector<1x1x16xf32> to vector<16xf32>
        %swap3A_1830 = vector.shape_cast %add3A_1773 : vector<16xf32> to vector<1x1x16xf32>
        tpu.vector_store %arg10[%swap3A_1825, %swap3A_1826, %swap3A_1827], %swap3A_1830 {strides = array<i32>} : memref<2x64x128xf32, #tpu.memory_space<vmem>>, vector<1x1x16xf32>,
        %swap3A_1831 = arith.constant 0 : i32
        %swap3A_1832 = arith.index_cast %swap3A_1831 : i32 to index
        %swap3A_1833 = arith.index_cast %add3A_1113 : i32 to index
        %swap3A_1834 = arith.constant 96 : index
        %swap3A_1835 = tpu.vector_load %arg10[%swap3A_1832, %swap3A_1833, %swap3A_1834] {strides = array<i32>} : memref<2x64x128xf32, #tpu.memory_space<vmem>>, vector<1x1x16xf32>,
        %swap3A_1836 = vector.shape_cast %swap3A_1835 : vector<1x1x16xf32> to vector<16xf32>
        %swap3A_1837 = vector.shape_cast %add3A_1775 : vector<16xf32> to vector<1x1x16xf32>
        tpu.vector_store %arg10[%swap3A_1832, %swap3A_1833, %swap3A_1834], %swap3A_1837 {strides = array<i32>} : memref<2x64x128xf32, #tpu.memory_space<vmem>>, vector<1x1x16xf32>,
        %swap3A_1838 = arith.constant 0 : i32
        %swap3A_1839 = arith.index_cast %swap3A_1838 : i32 to index
        %swap3A_1840 = arith.index_cast %add3A_1113 : i32 to index
        %swap3A_1841 = arith.constant 48 : index
        %swap3A_1842 = tpu.vector_load %arg10[%swap3A_1839, %swap3A_1840, %swap3A_1841] {strides = array<i32>} : memref<2x64x128xf32, #tpu.memory_space<vmem>>, vector<1x1x16xf32>,
        %swap3A_1843 = vector.shape_cast %swap3A_1842 : vector<1x1x16xf32> to vector<16xf32>
        %swap3A_1844 = vector.shape_cast %add3A_1793 : vector<16xf32> to vector<1x1x16xf32>
        tpu.vector_store %arg10[%swap3A_1839, %swap3A_1840, %swap3A_1841], %swap3A_1844 {strides = array<i32>} : memref<2x64x128xf32, #tpu.memory_space<vmem>>, vector<1x1x16xf32>,
        %swap3A_1845 = arith.constant 0 : i32
        %swap3A_1846 = arith.index_cast %swap3A_1845 : i32 to index
        %swap3A_1847 = arith.index_cast %add3A_1113 : i32 to index
        %swap3A_1848 = arith.constant 112 : index
        %swap3A_1849 = tpu.vector_load %arg10[%swap3A_1846, %swap3A_1847, %swap3A_1848] {strides = array<i32>} : memref<2x64x128xf32, #tpu.memory_space<vmem>>, vector<1x1x16xf32>,
        %swap3A_1850 = vector.shape_cast %swap3A_1849 : vector<1x1x16xf32> to vector<16xf32>
        %swap3A_1851 = vector.shape_cast %add3A_1795 : vector<16xf32> to vector<1x1x16xf32>
        tpu.vector_store %arg10[%swap3A_1846, %swap3A_1847, %swap3A_1848], %swap3A_1851 {strides = array<i32>} : memref<2x64x128xf32, #tpu.memory_space<vmem>>, vector<1x1x16xf32>,
      }
      %scan3A_239 = arith.constant 32 : i32
      %mul3A_240 = arith.constant 64 : i32
      %mul3A_241 = arith.muli %add3A_110, %mul3A_240 : i32
      %add3A_242 = arith.addi %mul3A_2, %mul3A_241 : i32
      %shift_right_logical3A_243 = arith.constant 8 : i32
      %shift_right_logical3A_244 = arith.shrui %add3A_242, %shift_right_logical3A_243 : i32
      %and3A_245 = arith.constant 255 : i32
      %and3A_246 = arith.andi %add3A_242, %and3A_245 : i32
      %dma_start3A_247 = arith.constant 0 : i32
      %dma_start3A_248 = arith.constant 0 : i32
      %dma_start3A_249 = arith.constant 0 : i32
      %dma_start3A_250 = tpu.memref_slice %arg10[%dma_start3A_247, %dma_start3A_248, %dma_start3A_249] : memref<2x64x128xf32, #tpu.memory_space<vmem>> -> memref<1x64x128xf32, #tpu.memory_space<vmem>>
      %dma_start3A_251 = tpu.memref_squeeze %dma_start3A_250 : memref<1x64x128xf32, #tpu.memory_space<vmem>> -> memref<64x128xf32, #tpu.memory_space<vmem>>
      %dma_start3A_252 = arith.constant 0 : i32
      %dma_start3A_253 = tpu.memref_slice %arg5[%shift_right_logical3A_244, %and3A_246, %dma_start3A_252] : memref<256x256x128xf32, #tpu.memory_space<hbm>> -> memref<1x64x128xf32, #tpu.memory_space<hbm>>
      %dma_start3A_254 = tpu.memref_squeeze %dma_start3A_253 : memref<1x64x128xf32, #tpu.memory_space<hbm>> -> memref<64x128xf32, #tpu.memory_space<hbm>>
      %dma_start3A_255 = arith.constant 0 : i32
      %dma_start3A_256 = tpu.memref_slice %arg5[%shift_right_logical3A_244, %and3A_246, %dma_start3A_255] : memref<256x256x128xf32, #tpu.memory_space<hbm>> -> memref<1x64x128xf32, #tpu.memory_space<hbm>>
      %dma_start3A_257 = tpu.memref_squeeze %dma_start3A_256 : memref<1x64x128xf32, #tpu.memory_space<hbm>> -> memref<64x128xf32, #tpu.memory_space<hbm>>
      %dma_start3A_258 = arith.constant 0 : i32
      %dma_start3A_259 = arith.constant 0 : i32
      %dma_start3A_260 = tpu.memref_slice %arg10[%dma_start3A_247, %dma_start3A_258, %dma_start3A_259] : memref<2x64x128xf32, #tpu.memory_space<vmem>> -> memref<1x64x128xf32, #tpu.memory_space<vmem>>
      %dma_start3A_261 = tpu.memref_squeeze %dma_start3A_260 : memref<1x64x128xf32, #tpu.memory_space<vmem>> -> memref<64x128xf32, #tpu.memory_space<vmem>>
      tpu.enqueue_dma source(%dma_start3A_261 : memref<64x128xf32, #tpu.memory_space<vmem>>) target(%dma_start3A_257 : memref<64x128xf32, #tpu.memory_space<hbm>>) target_semaphore(%arg13 : memref<!tpu.dma_semaphore, #tpu.memory_space<semaphore_mem>>)
      %mul3A_262 = arith.constant 2 : i32
      %mul3A_263 = arith.muli %mul3A_262, %scan3A_106 : i32
      %add3A_264 = arith.constant 1 : i32
      %add3A_265 = arith.addi %mul3A_263, %add3A_264 : i32
      %lt3A = arith.constant 15 : i32
      %lt3A_266 = arith.cmpi slt, %scan3A_106, %lt3A : i32
      %convert_element_type3A_267 = arith.extui %lt3A_266 : i1 to i32
      %cond3A_268 = arith.constant 0 : i32
      %cond3A_269 = arith.cmpi ne, %convert_element_type3A_267, %cond3A_268 : i32
      scf.if %cond3A_269 {
        %add3A_362 = arith.constant 1 : i32
        %add3A_363 = arith.addi %add3A_265, %add3A_362 : i32
        %mul3A_364 = arith.constant 4 : i32
        %mul3A_365 = arith.muli %add3A_363, %mul3A_364 : i32
        %add3A_366 = arith.addi %mul3A_4, %mul3A_365 : i32
        %run_scoped3A_367 = arith.constant 0 : i32
        "tpu.region"() ({
          %run_scoped3A_424 = tpu.sem_alloc : memref<!tpu.dma_semaphore, #tpu.memory_space<semaphore_mem>>
          %dma_start3A_425 = arith.constant 0 : i32
          %dma_start3A_426 = arith.constant 0 : i32
          %dma_start3A_427 = tpu.memref_slice %arg6[%run_scoped3A_367, %dma_start3A_425, %dma_start3A_426] : memref<2x4x128xi32, #tpu.memory_space<vmem>> -> memref<1x4x128xi32, #tpu.memory_space<vmem>>
          %dma_start3A_428 = tpu.memref_squeeze %dma_start3A_427 : memref<1x4x128xi32, #tpu.memory_space<vmem>> -> memref<4x128xi32, #tpu.memory_space<vmem>>
          %dma_start3A_429 = arith.constant 0 : i32
          %dma_start3A_430 = tpu.memref_slice %arg3[%add3A_366, %dma_start3A_429] : memref<4096x128xi32, #tpu.memory_space<hbm>> -> memref<4x128xi32, #tpu.memory_space<hbm>>
          %dma_start3A_431 = arith.constant 0 : i32
          %dma_start3A_432 = arith.constant 0 : i32
          %dma_start3A_433 = tpu.memref_slice %arg6[%run_scoped3A_367, %dma_start3A_431, %dma_start3A_432] : memref<2x4x128xi32, #tpu.memory_space<vmem>> -> memref<1x4x128xi32, #tpu.memory_space<vmem>>
          %dma_start3A_434 = tpu.memref_squeeze %dma_start3A_433 : memref<1x4x128xi32, #tpu.memory_space<vmem>> -> memref<4x128xi32, #tpu.memory_space<vmem>>
          %dma_start3A_435 = arith.constant 0 : i32
          %dma_start3A_436 = tpu.memref_slice %arg3[%add3A_366, %dma_start3A_435] : memref<4096x128xi32, #tpu.memory_space<hbm>> -> memref<4x128xi32, #tpu.memory_space<hbm>>
          tpu.enqueue_dma source(%dma_start3A_436 : memref<4x128xi32, #tpu.memory_space<hbm>>) target(%dma_start3A_434 : memref<4x128xi32, #tpu.memory_space<vmem>>) target_semaphore(%run_scoped3A_424 : memref<!tpu.dma_semaphore, #tpu.memory_space<semaphore_mem>>)
          %dma_wait3A_437 = arith.constant 0 : i32
          %dma_wait3A_438 = arith.constant 0 : i32
          %dma_wait3A_439 = tpu.memref_slice %arg6[%run_scoped3A_367, %dma_wait3A_437, %dma_wait3A_438] : memref<2x4x128xi32, #tpu.memory_space<vmem>> -> memref<1x4x128xi32, #tpu.memory_space<vmem>>
          %dma_wait3A_440 = tpu.memref_squeeze %dma_wait3A_439 : memref<1x4x128xi32, #tpu.memory_space<vmem>> -> memref<4x128xi32, #tpu.memory_space<vmem>>
          %dma_wait3A_441 = arith.constant 0 : i32
          %dma_wait3A_442 = tpu.memref_slice %arg3[%add3A_366, %dma_wait3A_441] : memref<4096x128xi32, #tpu.memory_space<hbm>> -> memref<4x128xi32, #tpu.memory_space<hbm>>
          %dma_wait3A_443 = arith.constant 0 : i32
          %dma_wait3A_444 = arith.constant 0 : i32
          %dma_wait3A_445 = tpu.memref_slice %arg6[%run_scoped3A_367, %dma_wait3A_443, %dma_wait3A_444] : memref<2x4x128xi32, #tpu.memory_space<vmem>> -> memref<1x4x128xi32, #tpu.memory_space<vmem>>
          %dma_wait3A_446 = tpu.memref_squeeze %dma_wait3A_445 : memref<1x4x128xi32, #tpu.memory_space<vmem>> -> memref<4x128xi32, #tpu.memory_space<vmem>>
          %dma_wait3A_447 = arith.constant 0 : i32
          %dma_wait3A_448 = tpu.memref_slice %arg3[%add3A_366, %dma_wait3A_447] : memref<4096x128xi32, #tpu.memory_space<hbm>> -> memref<4x128xi32, #tpu.memory_space<hbm>>
          tpu.wait_dma2 semaphore(%run_scoped3A_424 : memref<!tpu.dma_semaphore, #tpu.memory_space<semaphore_mem>>) src(%dma_wait3A_448 : memref<4x128xi32, #tpu.memory_space<hbm>>) dst(%dma_wait3A_446 : memref<4x128xi32, #tpu.memory_space<vmem>>)
          tpu.yield
        }) : () -> ()
        %dma_start3A_368 = arith.constant 0 : i32
        %dma_start3A_369 = arith.constant 0 : i32
        %dma_start3A_370 = arith.constant 0 : i32
        %dma_start3A_371 = arith.constant 0 : i32
        %dma_start3A_372 = arith.constant 0 : i32
        %dma_start3A_373 = tpu.memref_slice %arg9[%dma_start3A_370, %dma_start3A_371, %dma_start3A_372] : memref<2x512x64xi32, #tpu.memory_space<vmem>> -> memref<1x128x64xi32, #tpu.memory_space<vmem>>
        %dma_start3A_374 = tpu.memref_squeeze %dma_start3A_373 : memref<1x128x64xi32, #tpu.memory_space<vmem>> -> memref<128x64xi32, #tpu.memory_space<vmem>>
        %dma_start3A_375 = arith.constant 0 : i32
        %dma_start3A_376 = tpu.memref_slice %arg6[%dma_start3A_368, %dma_start3A_369, %dma_start3A_375] : memref<2x4x128xi32, #tpu.memory_space<vmem>> -> memref<1x1x128xi32, #tpu.memory_space<vmem>>
        %dma_start3A_377 = tpu.memref_squeeze %dma_start3A_376 : memref<1x1x128xi32, #tpu.memory_space<vmem>> -> memref<128xi32, #tpu.memory_space<vmem>>
        %dma_start3A_378 = arith.constant 0 : i32
        %dma_start3A_379 = arith.constant 0 : i32
        %dma_start3A_380 = tpu.memref_slice %arg2[%dma_start3A_378, %dma_start3A_379] : memref<65536x64xi32, #tpu.memory_space<hbm>> -> memref<65536x64xi32, #tpu.memory_space<hbm>>
        tpu.enqueue_indirect_dma source(%dma_start3A_380 : memref<65536x64xi32, #tpu.memory_space<hbm>>) target(%dma_start3A_374 : memref<128x64xi32, #tpu.memory_space<vmem>>) offsets(%dma_start3A_377 : memref<128xi32, #tpu.memory_space<vmem>>) semaphore(%arg11 : memref<!tpu.dma_semaphore, #tpu.memory_space<semaphore_mem>>)
        %dma_start3A_381 = arith.constant 0 : i32
        %dma_start3A_382 = arith.constant 1 : i32
        %dma_start3A_383 = arith.constant 0 : i32
        %dma_start3A_384 = arith.constant 128 : i32
        %dma_start3A_385 = arith.constant 0 : i32
        %dma_start3A_386 = tpu.memref_slice %arg9[%dma_start3A_383, %dma_start3A_384, %dma_start3A_385] : memref<2x512x64xi32, #tpu.memory_space<vmem>> -> memref<1x128x64xi32, #tpu.memory_space<vmem>>
        %dma_start3A_387 = tpu.memref_squeeze %dma_start3A_386 : memref<1x128x64xi32, #tpu.memory_space<vmem>> -> memref<128x64xi32, #tpu.memory_space<vmem>>
        %dma_start3A_388 = arith.constant 0 : i32
        %dma_start3A_389 = tpu.memref_slice %arg6[%dma_start3A_381, %dma_start3A_382, %dma_start3A_388] : memref<2x4x128xi32, #tpu.memory_space<vmem>> -> memref<1x1x128xi32, #tpu.memory_space<vmem>>
        %dma_start3A_390 = tpu.memref_squeeze %dma_start3A_389 : memref<1x1x128xi32, #tpu.memory_space<vmem>> -> memref<128xi32, #tpu.memory_space<vmem>>
        %dma_start3A_391 = arith.constant 0 : i32
        %dma_start3A_392 = arith.constant 0 : i32
        %dma_start3A_393 = tpu.memref_slice %arg2[%dma_start3A_391, %dma_start3A_392] : memref<65536x64xi32, #tpu.memory_space<hbm>> -> memref<65536x64xi32, #tpu.memory_space<hbm>>
        tpu.enqueue_indirect_dma source(%dma_start3A_393 : memref<65536x64xi32, #tpu.memory_space<hbm>>) target(%dma_start3A_387 : memref<128x64xi32, #tpu.memory_space<vmem>>) offsets(%dma_start3A_390 : memref<128xi32, #tpu.memory_space<vmem>>) semaphore(%arg11 : memref<!tpu.dma_semaphore, #tpu.memory_space<semaphore_mem>>)
        %dma_start3A_394 = arith.constant 0 : i32
        %dma_start3A_395 = arith.constant 2 : i32
        %dma_start3A_396 = arith.constant 0 : i32
        %dma_start3A_397 = arith.constant 256 : i32
        %dma_start3A_398 = arith.constant 0 : i32
        %dma_start3A_399 = tpu.memref_slice %arg9[%dma_start3A_396, %dma_start3A_397, %dma_start3A_398] : memref<2x512x64xi32, #tpu.memory_space<vmem>> -> memref<1x128x64xi32, #tpu.memory_space<vmem>>
        %dma_start3A_400 = tpu.memref_squeeze %dma_start3A_399 : memref<1x128x64xi32, #tpu.memory_space<vmem>> -> memref<128x64xi32, #tpu.memory_space<vmem>>
        %dma_start3A_401 = arith.constant 0 : i32
        %dma_start3A_402 = tpu.memref_slice %arg6[%dma_start3A_394, %dma_start3A_395, %dma_start3A_401] : memref<2x4x128xi32, #tpu.memory_space<vmem>> -> memref<1x1x128xi32, #tpu.memory_space<vmem>>
        %dma_start3A_403 = tpu.memref_squeeze %dma_start3A_402 : memref<1x1x128xi32, #tpu.memory_space<vmem>> -> memref<128xi32, #tpu.memory_space<vmem>>
        %dma_start3A_404 = arith.constant 0 : i32
        %dma_start3A_405 = arith.constant 0 : i32
        %dma_start3A_406 = tpu.memref_slice %arg2[%dma_start3A_404, %dma_start3A_405] : memref<65536x64xi32, #tpu.memory_space<hbm>> -> memref<65536x64xi32, #tpu.memory_space<hbm>>
        tpu.enqueue_indirect_dma source(%dma_start3A_406 : memref<65536x64xi32, #tpu.memory_space<hbm>>) target(%dma_start3A_400 : memref<128x64xi32, #tpu.memory_space<vmem>>) offsets(%dma_start3A_403 : memref<128xi32, #tpu.memory_space<vmem>>) semaphore(%arg11 : memref<!tpu.dma_semaphore, #tpu.memory_space<semaphore_mem>>)
        %dma_start3A_407 = arith.constant 0 : i32
        %dma_start3A_408 = arith.constant 3 : i32
        %dma_start3A_409 = arith.constant 0 : i32
        %dma_start3A_410 = arith.constant 384 : i32
        %dma_start3A_411 = arith.constant 0 : i32
        %dma_start3A_412 = tpu.memref_slice %arg9[%dma_start3A_409, %dma_start3A_410, %dma_start3A_411] : memref<2x512x64xi32, #tpu.memory_space<vmem>> -> memref<1x128x64xi32, #tpu.memory_space<vmem>>
        %dma_start3A_413 = tpu.memref_squeeze %dma_start3A_412 : memref<1x128x64xi32, #tpu.memory_space<vmem>> -> memref<128x64xi32, #tpu.memory_space<vmem>>
        %dma_start3A_414 = arith.constant 0 : i32
        %dma_start3A_415 = tpu.memref_slice %arg6[%dma_start3A_407, %dma_start3A_408, %dma_start3A_414] : memref<2x4x128xi32, #tpu.memory_space<vmem>> -> memref<1x1x128xi32, #tpu.memory_space<vmem>>
        %dma_start3A_416 = tpu.memref_squeeze %dma_start3A_415 : memref<1x1x128xi32, #tpu.memory_space<vmem>> -> memref<128xi32, #tpu.memory_space<vmem>>
        %dma_start3A_417 = arith.constant 0 : i32
        %dma_start3A_418 = arith.constant 0 : i32
        %dma_start3A_419 = tpu.memref_slice %arg2[%dma_start3A_417, %dma_start3A_418] : memref<65536x64xi32, #tpu.memory_space<hbm>> -> memref<65536x64xi32, #tpu.memory_space<hbm>>
        tpu.enqueue_indirect_dma source(%dma_start3A_419 : memref<65536x64xi32, #tpu.memory_space<hbm>>) target(%dma_start3A_413 : memref<128x64xi32, #tpu.memory_space<vmem>>) offsets(%dma_start3A_416 : memref<128xi32, #tpu.memory_space<vmem>>) semaphore(%arg11 : memref<!tpu.dma_semaphore, #tpu.memory_space<semaphore_mem>>)
        %dma_start3A_420 = arith.constant 0 : i32
        %dma_start3A_421 = tpu.memref_slice %arg4[%add3A_366, %dma_start3A_420] : memref<4096x128xf32, #tpu.memory_space<hbm>> -> memref<4x128xf32, #tpu.memory_space<hbm>>
        %dma_start3A_422 = arith.constant 0 : i32
        %dma_start3A_423 = tpu.memref_slice %arg4[%add3A_366, %dma_start3A_422] : memref<4096x128xf32, #tpu.memory_space<hbm>> -> memref<4x128xf32, #tpu.memory_space<hbm>>
        tpu.enqueue_dma source(%dma_start3A_423 : memref<4x128xf32, #tpu.memory_space<hbm>>) target(%arg7 : memref<4x128xf32, #tpu.memory_space<vmem>>) target_semaphore(%arg11 : memref<!tpu.dma_semaphore, #tpu.memory_space<semaphore_mem>>)
      } else {
      }
      %mul3A_270 = arith.constant 4 : i32
      %mul3A_271 = arith.muli %add3A_265, %mul3A_270 : i32
      %add3A_272 = arith.addi %mul3A_4, %mul3A_271 : i32
      %dma_wait3A_273 = arith.constant 1 : i32
      %dma_wait3A_274 = arith.constant 0 : i32
      %dma_wait3A_275 = arith.constant 1 : i32
      %dma_wait3A_276 = arith.constant 0 : i32
      %dma_wait3A_277 = arith.constant 0 : i32
      %dma_wait3A_278 = tpu.memref_slice %arg9[%dma_wait3A_275, %dma_wait3A_276, %dma_wait3A_277] : memref<2x512x64xi32, #tpu.memory_space<vmem>> -> memref<1x128x64xi32, #tpu.memory_space<vmem>>
      %dma_wait3A_279 = tpu.memref_squeeze %dma_wait3A_278 : memref<1x128x64xi32, #tpu.memory_space<vmem>> -> memref<128x64xi32, #tpu.memory_space<vmem>>
      %dma_wait3A_280 = arith.constant 0 : i32
      %dma_wait3A_281 = tpu.memref_slice %arg6[%dma_wait3A_273, %dma_wait3A_274, %dma_wait3A_280] : memref<2x4x128xi32, #tpu.memory_space<vmem>> -> memref<1x1x128xi32, #tpu.memory_space<vmem>>
      %dma_wait3A_282 = tpu.memref_squeeze %dma_wait3A_281 : memref<1x1x128xi32, #tpu.memory_space<vmem>> -> memref<128xi32, #tpu.memory_space<vmem>>
      %dma_wait3A_283 = arith.constant 0 : i32
      %dma_wait3A_284 = arith.constant 0 : i32
      %dma_wait3A_285 = tpu.memref_slice %arg2[%dma_wait3A_283, %dma_wait3A_284] : memref<65536x64xi32, #tpu.memory_space<hbm>> -> memref<65536x64xi32, #tpu.memory_space<hbm>>
      tpu.wait_indirect_dma semaphore(%arg12 : memref<!tpu.dma_semaphore, #tpu.memory_space<semaphore_mem>>) src(%dma_wait3A_285 : memref<65536x64xi32, #tpu.memory_space<hbm>>) dst(%dma_wait3A_279 : memref<128x64xi32, #tpu.memory_space<vmem>>)
      %dma_wait3A_286 = arith.constant 1 : i32
      %dma_wait3A_287 = arith.constant 1 : i32
      %dma_wait3A_288 = arith.constant 1 : i32
      %dma_wait3A_289 = arith.constant 128 : i32
      %dma_wait3A_290 = arith.constant 0 : i32
      %dma_wait3A_291 = tpu.memref_slice %arg9[%dma_wait3A_288, %dma_wait3A_289, %dma_wait3A_290] : memref<2x512x64xi32, #tpu.memory_space<vmem>> -> memref<1x128x64xi32, #tpu.memory_space<vmem>>
      %dma_wait3A_292 = tpu.memref_squeeze %dma_wait3A_291 : memref<1x128x64xi32, #tpu.memory_space<vmem>> -> memref<128x64xi32, #tpu.memory_space<vmem>>
      %dma_wait3A_293 = arith.constant 0 : i32
      %dma_wait3A_294 = tpu.memref_slice %arg6[%dma_wait3A_286, %dma_wait3A_287, %dma_wait3A_293] : memref<2x4x128xi32, #tpu.memory_space<vmem>> -> memref<1x1x128xi32, #tpu.memory_space<vmem>>
      %dma_wait3A_295 = tpu.memref_squeeze %dma_wait3A_294 : memref<1x1x128xi32, #tpu.memory_space<vmem>> -> memref<128xi32, #tpu.memory_space<vmem>>
      %dma_wait3A_296 = arith.constant 0 : i32
      %dma_wait3A_297 = arith.constant 0 : i32
      %dma_wait3A_298 = tpu.memref_slice %arg2[%dma_wait3A_296, %dma_wait3A_297] : memref<65536x64xi32, #tpu.memory_space<hbm>> -> memref<65536x64xi32, #tpu.memory_space<hbm>>
      tpu.wait_indirect_dma semaphore(%arg12 : memref<!tpu.dma_semaphore, #tpu.memory_space<semaphore_mem>>) src(%dma_wait3A_298 : memref<65536x64xi32, #tpu.memory_space<hbm>>) dst(%dma_wait3A_292 : memref<128x64xi32, #tpu.memory_space<vmem>>)
      %dma_wait3A_299 = arith.constant 1 : i32
      %dma_wait3A_300 = arith.constant 2 : i32
      %dma_wait3A_301 = arith.constant 1 : i32
      %dma_wait3A_302 = arith.constant 256 : i32
      %dma_wait3A_303 = arith.constant 0 : i32
      %dma_wait3A_304 = tpu.memref_slice %arg9[%dma_wait3A_301, %dma_wait3A_302, %dma_wait3A_303] : memref<2x512x64xi32, #tpu.memory_space<vmem>> -> memref<1x128x64xi32, #tpu.memory_space<vmem>>
      %dma_wait3A_305 = tpu.memref_squeeze %dma_wait3A_304 : memref<1x128x64xi32, #tpu.memory_space<vmem>> -> memref<128x64xi32, #tpu.memory_space<vmem>>
      %dma_wait3A_306 = arith.constant 0 : i32
      %dma_wait3A_307 = tpu.memref_slice %arg6[%dma_wait3A_299, %dma_wait3A_300, %dma_wait3A_306] : memref<2x4x128xi32, #tpu.memory_space<vmem>> -> memref<1x1x128xi32, #tpu.memory_space<vmem>>
      %dma_wait3A_308 = tpu.memref_squeeze %dma_wait3A_307 : memref<1x1x128xi32, #tpu.memory_space<vmem>> -> memref<128xi32, #tpu.memory_space<vmem>>
      %dma_wait3A_309 = arith.constant 0 : i32
      %dma_wait3A_310 = arith.constant 0 : i32
      %dma_wait3A_311 = tpu.memref_slice %arg2[%dma_wait3A_309, %dma_wait3A_310] : memref<65536x64xi32, #tpu.memory_space<hbm>> -> memref<65536x64xi32, #tpu.memory_space<hbm>>
      tpu.wait_indirect_dma semaphore(%arg12 : memref<!tpu.dma_semaphore, #tpu.memory_space<semaphore_mem>>) src(%dma_wait3A_311 : memref<65536x64xi32, #tpu.memory_space<hbm>>) dst(%dma_wait3A_305 : memref<128x64xi32, #tpu.memory_space<vmem>>)
      %dma_wait3A_312 = arith.constant 1 : i32
      %dma_wait3A_313 = arith.constant 3 : i32
      %dma_wait3A_314 = arith.constant 1 : i32
      %dma_wait3A_315 = arith.constant 384 : i32
      %dma_wait3A_316 = arith.constant 0 : i32
      %dma_wait3A_317 = tpu.memref_slice %arg9[%dma_wait3A_314, %dma_wait3A_315, %dma_wait3A_316] : memref<2x512x64xi32, #tpu.memory_space<vmem>> -> memref<1x128x64xi32, #tpu.memory_space<vmem>>
      %dma_wait3A_318 = tpu.memref_squeeze %dma_wait3A_317 : memref<1x128x64xi32, #tpu.memory_space<vmem>> -> memref<128x64xi32, #tpu.memory_space<vmem>>
      %dma_wait3A_319 = arith.constant 0 : i32
      %dma_wait3A_320 = tpu.memref_slice %arg6[%dma_wait3A_312, %dma_wait3A_313, %dma_wait3A_319] : memref<2x4x128xi32, #tpu.memory_space<vmem>> -> memref<1x1x128xi32, #tpu.memory_space<vmem>>
      %dma_wait3A_321 = tpu.memref_squeeze %dma_wait3A_320 : memref<1x1x128xi32, #tpu.memory_space<vmem>> -> memref<128xi32, #tpu.memory_space<vmem>>
      %dma_wait3A_322 = arith.constant 0 : i32
      %dma_wait3A_323 = arith.constant 0 : i32
      %dma_wait3A_324 = tpu.memref_slice %arg2[%dma_wait3A_322, %dma_wait3A_323] : memref<65536x64xi32, #tpu.memory_space<hbm>> -> memref<65536x64xi32, #tpu.memory_space<hbm>>
      tpu.wait_indirect_dma semaphore(%arg12 : memref<!tpu.dma_semaphore, #tpu.memory_space<semaphore_mem>>) src(%dma_wait3A_324 : memref<65536x64xi32, #tpu.memory_space<hbm>>) dst(%dma_wait3A_318 : memref<128x64xi32, #tpu.memory_space<vmem>>)
      %dma_wait3A_325 = arith.constant 0 : i32
      %dma_wait3A_326 = tpu.memref_slice %arg4[%add3A_272, %dma_wait3A_325] : memref<4096x128xf32, #tpu.memory_space<hbm>> -> memref<4x128xf32, #tpu.memory_space<hbm>>
      %dma_wait3A_327 = arith.constant 0 : i32
      %dma_wait3A_328 = tpu.memref_slice %arg4[%add3A_272, %dma_wait3A_327] : memref<4096x128xf32, #tpu.memory_space<hbm>> -> memref<4x128xf32, #tpu.memory_space<hbm>>
      tpu.wait_dma2 semaphore(%arg12 : memref<!tpu.dma_semaphore, #tpu.memory_space<semaphore_mem>>) src(%dma_wait3A_328 : memref<4x128xf32, #tpu.memory_space<hbm>>) dst(%arg8 : memref<4x128xf32, #tpu.memory_space<vmem>>)
      %ge3A_329 = arith.constant 1 : i32
      %ge3A_330 = arith.cmpi sge, %scan3A_106, %ge3A_329 : i32
      %convert_element_type3A_331 = arith.extui %ge3A_330 : i1 to i32
      %cond3A_332 = arith.constant 0 : i32
      %cond3A_333 = arith.cmpi ne, %convert_element_type3A_331, %cond3A_332 : i32
      scf.if %cond3A_333 {
        %sub3A = arith.constant 2 : i32
        %sub3A_362 = arith.subi %add3A_265, %sub3A : i32
        %mul3A_363 = arith.constant 64 : i32
        %mul3A_364 = arith.muli %sub3A_362, %mul3A_363 : i32
        %add3A_365 = arith.addi %mul3A_2, %mul3A_364 : i32
        %shift_right_logical3A_366 = arith.constant 8 : i32
        %shift_right_logical3A_367 = arith.shrui %add3A_365, %shift_right_logical3A_366 : i32
        %and3A_368 = arith.constant 255 : i32
        %and3A_369 = arith.andi %add3A_365, %and3A_368 : i32
        %dma_wait3A_370 = arith.constant 1 : i32
        %dma_wait3A_371 = arith.constant 0 : i32
        %dma_wait3A_372 = arith.constant 0 : i32
        %dma_wait3A_373 = tpu.memref_slice %arg10[%dma_wait3A_370, %dma_wait3A_371, %dma_wait3A_372] : memref<2x64x128xf32, #tpu.memory_space<vmem>> -> memref<1x64x128xf32, #tpu.memory_space<vmem>>
        %dma_wait3A_374 = tpu.memref_squeeze %dma_wait3A_373 : memref<1x64x128xf32, #tpu.memory_space<vmem>> -> memref<64x128xf32, #tpu.memory_space<vmem>>
        %dma_wait3A_375 = arith.constant 0 : i32
        %dma_wait3A_376 = tpu.memref_slice %arg5[%shift_right_logical3A_367, %and3A_369, %dma_wait3A_375] : memref<256x256x128xf32, #tpu.memory_space<hbm>> -> memref<1x64x128xf32, #tpu.memory_space<hbm>>
        %dma_wait3A_377 = tpu.memref_squeeze %dma_wait3A_376 : memref<1x64x128xf32, #tpu.memory_space<hbm>> -> memref<64x128xf32, #tpu.memory_space<hbm>>
        %dma_wait3A_378 = arith.constant 0 : i32
        %dma_wait3A_379 = tpu.memref_slice %arg5[%shift_right_logical3A_367, %and3A_369, %dma_wait3A_378] : memref<256x256x128xf32, #tpu.memory_space<hbm>> -> memref<1x64x128xf32, #tpu.memory_space<hbm>>
        %dma_wait3A_380 = tpu.memref_squeeze %dma_wait3A_379 : memref<1x64x128xf32, #tpu.memory_space<hbm>> -> memref<64x128xf32, #tpu.memory_space<hbm>>
        %dma_wait3A_381 = arith.constant 0 : i32
        %dma_wait3A_382 = arith.constant 0 : i32
        %dma_wait3A_383 = tpu.memref_slice %arg10[%dma_wait3A_370, %dma_wait3A_381, %dma_wait3A_382] : memref<2x64x128xf32, #tpu.memory_space<vmem>> -> memref<1x64x128xf32, #tpu.memory_space<vmem>>
        %dma_wait3A_384 = tpu.memref_squeeze %dma_wait3A_383 : memref<1x64x128xf32, #tpu.memory_space<vmem>> -> memref<64x128xf32, #tpu.memory_space<vmem>>
        tpu.wait_dma2 semaphore(%arg14 : memref<!tpu.dma_semaphore, #tpu.memory_space<semaphore_mem>>) src(%dma_wait3A_384 : memref<64x128xf32, #tpu.memory_space<vmem>>) dst(%dma_wait3A_380 : memref<64x128xf32, #tpu.memory_space<hbm>>)
      } else {
      }
      %scan3A_334 = arith.constant 0 : i32
      %scan3A_335 = arith.constant 0 : i32
      %scan3A_336 = arith.constant 32 : i32
      %scan3A_337 = arith.addi %scan3A_335, %scan3A_336 : i32
      %scan3A_338 = arith.constant 1 : i32
      scf.for %scan3A_362 = %scan3A_335 to %scan3A_337 step %scan3A_338  : i32 {
        %mul3A_363 = arith.constant 2 : i32
        %mul3A_364 = arith.muli %scan3A_362, %mul3A_363 : i32
        %mul3A_365 = arith.constant 8 : i32
        %mul3A_366 = arith.muli %mul3A_364, %mul3A_365 : i32
        %shift_right_logical3A_367 = arith.constant 7 : i32
        %shift_right_logical3A_368 = arith.shrui %mul3A_366, %shift_right_logical3A_367 : i32
        %and3A_369 = arith.constant 127 : i32
        %and3A_370 = arith.andi %mul3A_366, %and3A_369 : i32
        %get3A = arith.index_cast %shift_right_logical3A_368 : i32 to index
        %get3A_371 = arith.index_cast %and3A_370 : i32 to index
        %get3A_372 = tpu.vector_load %arg8[%get3A, %get3A_371] {strides = array<i32>} : memref<4x128xf32, #tpu.memory_space<vmem>>, vector<1x16xf32>,
        %get3A_373 = vector.shape_cast %get3A_372 : vector<1x16xf32> to vector<16xf32>
        %mul3A_374 = arith.constant 2 : i32
        %mul3A_375 = arith.muli %scan3A_362, %mul3A_374 : i32
        %add3A_376 = arith.constant 0 : i32
        %add3A_377 = arith.addi %mul3A_375, %add3A_376 : i32
        %add3A_378 = arith.constant 0 : i32
        %add3A_379 = arith.addi %mul3A_366, %add3A_378 : i32
        %slice3A = vector.extract_strided_slice %get3A_373 {offsets = [0], sizes = [1], strides = [1]} : vector<16xf32> to vector<1xf32>
        %squeeze3A = vector.extract %slice3A[0] : f32 from vector<1xf32>
        %broadcast_in_dim3A = vector.broadcast %squeeze3A : f32 to vector<16xf32>
        %mul3A_380 = arith.constant 1.250000e-01 : f32
        %mul3A_381 = vector.broadcast %mul3A_380 : f32 to vector<16xf32>
        %mul3A_382 = arith.mulf %broadcast_in_dim3A, %mul3A_381 : vector<16xf32>
        %add3A_383 = arith.constant 0 : i32
        %add3A_384 = arith.addi %add3A_379, %add3A_383 : i32
        %get3A_385 = arith.constant 1 : i32
        %get3A_386 = arith.index_cast %get3A_385 : i32 to index
        %get3A_387 = arith.index_cast %add3A_384 : i32 to index
        %get3A_388 = arith.constant 0 : index
        %get3A_389 = tpu.vector_load %arg9[%get3A_386, %get3A_387, %get3A_388] {strides = array<i32>} : memref<2x512x64xi32, #tpu.memory_space<vmem>>, vector<1x1x16xi32>,
        %get3A_390 = vector.shape_cast %get3A_389 : vector<1x1x16xi32> to vector<16xi32>
        %shift_left3A = arith.constant 16 : i32
        %shift_left3A_391 = vector.broadcast %shift_left3A : i32 to vector<16xi32>
        %shift_left3A_392 = arith.shli %get3A_390, %shift_left3A_391 : vector<16xi32>
        %bitcast_convert_type3A = tpu.bitcast %shift_left3A_392 : vector<16xi32> -> vector<16xf32>
        %and3A_393 = arith.constant -65536 : i32
        %and3A_394 = vector.broadcast %and3A_393 : i32 to vector<16xi32>
        %and3A_395 = arith.andi %get3A_390, %and3A_394 : vector<16xi32>
        %bitcast_convert_type3A_396 = tpu.bitcast %and3A_395 : vector<16xi32> -> vector<16xf32>
        %mul3A_397 = arith.mulf %bitcast_convert_type3A, %mul3A_382 : vector<16xf32>
        %mul3A_398 = arith.mulf %bitcast_convert_type3A_396, %mul3A_382 : vector<16xf32>
        %add3A_399 = arith.constant 0 : i32
        %add3A_400 = arith.addi %add3A_379, %add3A_399 : i32
        %get3A_401 = arith.constant 1 : i32
        %get3A_402 = arith.index_cast %get3A_401 : i32 to index
        %get3A_403 = arith.index_cast %add3A_400 : i32 to index
        %get3A_404 = arith.constant 16 : index
        %get3A_405 = tpu.vector_load %arg9[%get3A_402, %get3A_403, %get3A_404] {strides = array<i32>} : memref<2x512x64xi32, #tpu.memory_space<vmem>>, vector<1x1x16xi32>,
        %get3A_406 = vector.shape_cast %get3A_405 : vector<1x1x16xi32> to vector<16xi32>
        %shift_left3A_407 = arith.constant 16 : i32
        %shift_left3A_408 = vector.broadcast %shift_left3A_407 : i32 to vector<16xi32>
        %shift_left3A_409 = arith.shli %get3A_406, %shift_left3A_408 : vector<16xi32>
        %bitcast_convert_type3A_410 = tpu.bitcast %shift_left3A_409 : vector<16xi32> -> vector<16xf32>
        %and3A_411 = arith.constant -65536 : i32
        %and3A_412 = vector.broadcast %and3A_411 : i32 to vector<16xi32>
        %and3A_413 = arith.andi %get3A_406, %and3A_412 : vector<16xi32>
        %bitcast_convert_type3A_414 = tpu.bitcast %and3A_413 : vector<16xi32> -> vector<16xf32>
        %mul3A_415 = arith.mulf %bitcast_convert_type3A_410, %mul3A_382 : vector<16xf32>
        %mul3A_416 = arith.mulf %bitcast_convert_type3A_414, %mul3A_382 : vector<16xf32>
        %add3A_417 = arith.constant 0 : i32
        %add3A_418 = arith.addi %add3A_379, %add3A_417 : i32
        %get3A_419 = arith.constant 1 : i32
        %get3A_420 = arith.index_cast %get3A_419 : i32 to index
        %get3A_421 = arith.index_cast %add3A_418 : i32 to index
        %get3A_422 = arith.constant 32 : index
        %get3A_423 = tpu.vector_load %arg9[%get3A_420, %get3A_421, %get3A_422] {strides = array<i32>} : memref<2x512x64xi32, #tpu.memory_space<vmem>>, vector<1x1x16xi32>,
        %get3A_424 = vector.shape_cast %get3A_423 : vector<1x1x16xi32> to vector<16xi32>
        %shift_left3A_425 = arith.constant 16 : i32
        %shift_left3A_426 = vector.broadcast %shift_left3A_425 : i32 to vector<16xi32>
        %shift_left3A_427 = arith.shli %get3A_424, %shift_left3A_426 : vector<16xi32>
        %bitcast_convert_type3A_428 = tpu.bitcast %shift_left3A_427 : vector<16xi32> -> vector<16xf32>
        %and3A_429 = arith.constant -65536 : i32
        %and3A_430 = vector.broadcast %and3A_429 : i32 to vector<16xi32>
        %and3A_431 = arith.andi %get3A_424, %and3A_430 : vector<16xi32>
        %bitcast_convert_type3A_432 = tpu.bitcast %and3A_431 : vector<16xi32> -> vector<16xf32>
        %mul3A_433 = arith.mulf %bitcast_convert_type3A_428, %mul3A_382 : vector<16xf32>
        %mul3A_434 = arith.mulf %bitcast_convert_type3A_432, %mul3A_382 : vector<16xf32>
        %add3A_435 = arith.constant 0 : i32
        %add3A_436 = arith.addi %add3A_379, %add3A_435 : i32
        %get3A_437 = arith.constant 1 : i32
        %get3A_438 = arith.index_cast %get3A_437 : i32 to index
        %get3A_439 = arith.index_cast %add3A_436 : i32 to index
        %get3A_440 = arith.constant 48 : index
        %get3A_441 = tpu.vector_load %arg9[%get3A_438, %get3A_439, %get3A_440] {strides = array<i32>} : memref<2x512x64xi32, #tpu.memory_space<vmem>>, vector<1x1x16xi32>,
        %get3A_442 = vector.shape_cast %get3A_441 : vector<1x1x16xi32> to vector<16xi32>
        %shift_left3A_443 = arith.constant 16 : i32
        %shift_left3A_444 = vector.broadcast %shift_left3A_443 : i32 to vector<16xi32>
        %shift_left3A_445 = arith.shli %get3A_442, %shift_left3A_444 : vector<16xi32>
        %bitcast_convert_type3A_446 = tpu.bitcast %shift_left3A_445 : vector<16xi32> -> vector<16xf32>
        %and3A_447 = arith.constant -65536 : i32
        %and3A_448 = vector.broadcast %and3A_447 : i32 to vector<16xi32>
        %and3A_449 = arith.andi %get3A_442, %and3A_448 : vector<16xi32>
        %bitcast_convert_type3A_450 = tpu.bitcast %and3A_449 : vector<16xi32> -> vector<16xf32>
        %mul3A_451 = arith.mulf %bitcast_convert_type3A_446, %mul3A_382 : vector<16xf32>
        %mul3A_452 = arith.mulf %bitcast_convert_type3A_450, %mul3A_382 : vector<16xf32>
        %slice3A_453 = vector.extract_strided_slice %get3A_373 {offsets = [1], sizes = [1], strides = [1]} : vector<16xf32> to vector<1xf32>
        %squeeze3A_454 = vector.extract %slice3A_453[0] : f32 from vector<1xf32>
        %broadcast_in_dim3A_455 = vector.broadcast %squeeze3A_454 : f32 to vector<16xf32>
        %mul3A_456 = arith.constant 1.250000e-01 : f32
        %mul3A_457 = vector.broadcast %mul3A_456 : f32 to vector<16xf32>
        %mul3A_458 = arith.mulf %broadcast_in_dim3A_455, %mul3A_457 : vector<16xf32>
        %add3A_459 = arith.constant 1 : i32
        %add3A_460 = arith.addi %add3A_379, %add3A_459 : i32
        %get3A_461 = arith.constant 1 : i32
        %get3A_462 = arith.index_cast %get3A_461 : i32 to index
        %get3A_463 = arith.index_cast %add3A_460 : i32 to index
        %get3A_464 = arith.constant 0 : index
        %get3A_465 = tpu.vector_load %arg9[%get3A_462, %get3A_463, %get3A_464] {strides = array<i32>} : memref<2x512x64xi32, #tpu.memory_space<vmem>>, vector<1x1x16xi32>,
        %get3A_466 = vector.shape_cast %get3A_465 : vector<1x1x16xi32> to vector<16xi32>
        %shift_left3A_467 = arith.constant 16 : i32
        %shift_left3A_468 = vector.broadcast %shift_left3A_467 : i32 to vector<16xi32>
        %shift_left3A_469 = arith.shli %get3A_466, %shift_left3A_468 : vector<16xi32>
        %bitcast_convert_type3A_470 = tpu.bitcast %shift_left3A_469 : vector<16xi32> -> vector<16xf32>
        %and3A_471 = arith.constant -65536 : i32
        %and3A_472 = vector.broadcast %and3A_471 : i32 to vector<16xi32>
        %and3A_473 = arith.andi %get3A_466, %and3A_472 : vector<16xi32>
        %bitcast_convert_type3A_474 = tpu.bitcast %and3A_473 : vector<16xi32> -> vector<16xf32>
        %mul3A_475 = arith.mulf %bitcast_convert_type3A_470, %mul3A_458 : vector<16xf32>
        %add3A_476 = arith.addf %mul3A_397, %mul3A_475 : vector<16xf32>
        %mul3A_477 = arith.mulf %bitcast_convert_type3A_474, %mul3A_458 : vector<16xf32>
        %add3A_478 = arith.addf %mul3A_398, %mul3A_477 : vector<16xf32>
        %add3A_479 = arith.constant 1 : i32
        %add3A_480 = arith.addi %add3A_379, %add3A_479 : i32
        %get3A_481 = arith.constant 1 : i32
        %get3A_482 = arith.index_cast %get3A_481 : i32 to index
        %get3A_483 = arith.index_cast %add3A_480 : i32 to index
        %get3A_484 = arith.constant 16 : index
        %get3A_485 = tpu.vector_load %arg9[%get3A_482, %get3A_483, %get3A_484] {strides = array<i32>} : memref<2x512x64xi32, #tpu.memory_space<vmem>>, vector<1x1x16xi32>,
        %get3A_486 = vector.shape_cast %get3A_485 : vector<1x1x16xi32> to vector<16xi32>
        %shift_left3A_487 = arith.constant 16 : i32
        %shift_left3A_488 = vector.broadcast %shift_left3A_487 : i32 to vector<16xi32>
        %shift_left3A_489 = arith.shli %get3A_486, %shift_left3A_488 : vector<16xi32>
        %bitcast_convert_type3A_490 = tpu.bitcast %shift_left3A_489 : vector<16xi32> -> vector<16xf32>
        %and3A_491 = arith.constant -65536 : i32
        %and3A_492 = vector.broadcast %and3A_491 : i32 to vector<16xi32>
        %and3A_493 = arith.andi %get3A_486, %and3A_492 : vector<16xi32>
        %bitcast_convert_type3A_494 = tpu.bitcast %and3A_493 : vector<16xi32> -> vector<16xf32>
        %mul3A_495 = arith.mulf %bitcast_convert_type3A_490, %mul3A_458 : vector<16xf32>
        %add3A_496 = arith.addf %mul3A_415, %mul3A_495 : vector<16xf32>
        %mul3A_497 = arith.mulf %bitcast_convert_type3A_494, %mul3A_458 : vector<16xf32>
        %add3A_498 = arith.addf %mul3A_416, %mul3A_497 : vector<16xf32>
        %add3A_499 = arith.constant 1 : i32
        %add3A_500 = arith.addi %add3A_379, %add3A_499 : i32
        %get3A_501 = arith.constant 1 : i32
        %get3A_502 = arith.index_cast %get3A_501 : i32 to index
        %get3A_503 = arith.index_cast %add3A_500 : i32 to index
        %get3A_504 = arith.constant 32 : index
        %get3A_505 = tpu.vector_load %arg9[%get3A_502, %get3A_503, %get3A_504] {strides = array<i32>} : memref<2x512x64xi32, #tpu.memory_space<vmem>>, vector<1x1x16xi32>,
        %get3A_506 = vector.shape_cast %get3A_505 : vector<1x1x16xi32> to vector<16xi32>
        %shift_left3A_507 = arith.constant 16 : i32
        %shift_left3A_508 = vector.broadcast %shift_left3A_507 : i32 to vector<16xi32>
        %shift_left3A_509 = arith.shli %get3A_506, %shift_left3A_508 : vector<16xi32>
        %bitcast_convert_type3A_510 = tpu.bitcast %shift_left3A_509 : vector<16xi32> -> vector<16xf32>
        %and3A_511 = arith.constant -65536 : i32
        %and3A_512 = vector.broadcast %and3A_511 : i32 to vector<16xi32>
        %and3A_513 = arith.andi %get3A_506, %and3A_512 : vector<16xi32>
        %bitcast_convert_type3A_514 = tpu.bitcast %and3A_513 : vector<16xi32> -> vector<16xf32>
        %mul3A_515 = arith.mulf %bitcast_convert_type3A_510, %mul3A_458 : vector<16xf32>
        %add3A_516 = arith.addf %mul3A_433, %mul3A_515 : vector<16xf32>
        %mul3A_517 = arith.mulf %bitcast_convert_type3A_514, %mul3A_458 : vector<16xf32>
        %add3A_518 = arith.addf %mul3A_434, %mul3A_517 : vector<16xf32>
        %add3A_519 = arith.constant 1 : i32
        %add3A_520 = arith.addi %add3A_379, %add3A_519 : i32
        %get3A_521 = arith.constant 1 : i32
        %get3A_522 = arith.index_cast %get3A_521 : i32 to index
        %get3A_523 = arith.index_cast %add3A_520 : i32 to index
        %get3A_524 = arith.constant 48 : index
        %get3A_525 = tpu.vector_load %arg9[%get3A_522, %get3A_523, %get3A_524] {strides = array<i32>} : memref<2x512x64xi32, #tpu.memory_space<vmem>>, vector<1x1x16xi32>,
        %get3A_526 = vector.shape_cast %get3A_525 : vector<1x1x16xi32> to vector<16xi32>
        %shift_left3A_527 = arith.constant 16 : i32
        %shift_left3A_528 = vector.broadcast %shift_left3A_527 : i32 to vector<16xi32>
        %shift_left3A_529 = arith.shli %get3A_526, %shift_left3A_528 : vector<16xi32>
        %bitcast_convert_type3A_530 = tpu.bitcast %shift_left3A_529 : vector<16xi32> -> vector<16xf32>
        %and3A_531 = arith.constant -65536 : i32
        %and3A_532 = vector.broadcast %and3A_531 : i32 to vector<16xi32>
        %and3A_533 = arith.andi %get3A_526, %and3A_532 : vector<16xi32>
        %bitcast_convert_type3A_534 = tpu.bitcast %and3A_533 : vector<16xi32> -> vector<16xf32>
        %mul3A_535 = arith.mulf %bitcast_convert_type3A_530, %mul3A_458 : vector<16xf32>
        %add3A_536 = arith.addf %mul3A_451, %mul3A_535 : vector<16xf32>
        %mul3A_537 = arith.mulf %bitcast_convert_type3A_534, %mul3A_458 : vector<16xf32>
        %add3A_538 = arith.addf %mul3A_452, %mul3A_537 : vector<16xf32>
        %slice3A_539 = vector.extract_strided_slice %get3A_373 {offsets = [2], sizes = [1], strides = [1]} : vector<16xf32> to vector<1xf32>
        %squeeze3A_540 = vector.extract %slice3A_539[0] : f32 from vector<1xf32>
        %broadcast_in_dim3A_541 = vector.broadcast %squeeze3A_540 : f32 to vector<16xf32>
        %mul3A_542 = arith.constant 1.250000e-01 : f32
        %mul3A_543 = vector.broadcast %mul3A_542 : f32 to vector<16xf32>
        %mul3A_544 = arith.mulf %broadcast_in_dim3A_541, %mul3A_543 : vector<16xf32>
        %add3A_545 = arith.constant 2 : i32
        %add3A_546 = arith.addi %add3A_379, %add3A_545 : i32
        %get3A_547 = arith.constant 1 : i32
        %get3A_548 = arith.index_cast %get3A_547 : i32 to index
        %get3A_549 = arith.index_cast %add3A_546 : i32 to index
        %get3A_550 = arith.constant 0 : index
        %get3A_551 = tpu.vector_load %arg9[%get3A_548, %get3A_549, %get3A_550] {strides = array<i32>} : memref<2x512x64xi32, #tpu.memory_space<vmem>>, vector<1x1x16xi32>,
        %get3A_552 = vector.shape_cast %get3A_551 : vector<1x1x16xi32> to vector<16xi32>
        %shift_left3A_553 = arith.constant 16 : i32
        %shift_left3A_554 = vector.broadcast %shift_left3A_553 : i32 to vector<16xi32>
        %shift_left3A_555 = arith.shli %get3A_552, %shift_left3A_554 : vector<16xi32>
        %bitcast_convert_type3A_556 = tpu.bitcast %shift_left3A_555 : vector<16xi32> -> vector<16xf32>
        %and3A_557 = arith.constant -65536 : i32
        %and3A_558 = vector.broadcast %and3A_557 : i32 to vector<16xi32>
        %and3A_559 = arith.andi %get3A_552, %and3A_558 : vector<16xi32>
        %bitcast_convert_type3A_560 = tpu.bitcast %and3A_559 : vector<16xi32> -> vector<16xf32>
        %mul3A_561 = arith.mulf %bitcast_convert_type3A_556, %mul3A_544 : vector<16xf32>
        %add3A_562 = arith.addf %add3A_476, %mul3A_561 : vector<16xf32>
        %mul3A_563 = arith.mulf %bitcast_convert_type3A_560, %mul3A_544 : vector<16xf32>
        %add3A_564 = arith.addf %add3A_478, %mul3A_563 : vector<16xf32>
        %add3A_565 = arith.constant 2 : i32
        %add3A_566 = arith.addi %add3A_379, %add3A_565 : i32
        %get3A_567 = arith.constant 1 : i32
        %get3A_568 = arith.index_cast %get3A_567 : i32 to index
        %get3A_569 = arith.index_cast %add3A_566 : i32 to index
        %get3A_570 = arith.constant 16 : index
        %get3A_571 = tpu.vector_load %arg9[%get3A_568, %get3A_569, %get3A_570] {strides = array<i32>} : memref<2x512x64xi32, #tpu.memory_space<vmem>>, vector<1x1x16xi32>,
        %get3A_572 = vector.shape_cast %get3A_571 : vector<1x1x16xi32> to vector<16xi32>
        %shift_left3A_573 = arith.constant 16 : i32
        %shift_left3A_574 = vector.broadcast %shift_left3A_573 : i32 to vector<16xi32>
        %shift_left3A_575 = arith.shli %get3A_572, %shift_left3A_574 : vector<16xi32>
        %bitcast_convert_type3A_576 = tpu.bitcast %shift_left3A_575 : vector<16xi32> -> vector<16xf32>
        %and3A_577 = arith.constant -65536 : i32
        %and3A_578 = vector.broadcast %and3A_577 : i32 to vector<16xi32>
        %and3A_579 = arith.andi %get3A_572, %and3A_578 : vector<16xi32>
        %bitcast_convert_type3A_580 = tpu.bitcast %and3A_579 : vector<16xi32> -> vector<16xf32>
        %mul3A_581 = arith.mulf %bitcast_convert_type3A_576, %mul3A_544 : vector<16xf32>
        %add3A_582 = arith.addf %add3A_496, %mul3A_581 : vector<16xf32>
        %mul3A_583 = arith.mulf %bitcast_convert_type3A_580, %mul3A_544 : vector<16xf32>
        %add3A_584 = arith.addf %add3A_498, %mul3A_583 : vector<16xf32>
        %add3A_585 = arith.constant 2 : i32
        %add3A_586 = arith.addi %add3A_379, %add3A_585 : i32
        %get3A_587 = arith.constant 1 : i32
        %get3A_588 = arith.index_cast %get3A_587 : i32 to index
        %get3A_589 = arith.index_cast %add3A_586 : i32 to index
        %get3A_590 = arith.constant 32 : index
        %get3A_591 = tpu.vector_load %arg9[%get3A_588, %get3A_589, %get3A_590] {strides = array<i32>} : memref<2x512x64xi32, #tpu.memory_space<vmem>>, vector<1x1x16xi32>,
        %get3A_592 = vector.shape_cast %get3A_591 : vector<1x1x16xi32> to vector<16xi32>
        %shift_left3A_593 = arith.constant 16 : i32
        %shift_left3A_594 = vector.broadcast %shift_left3A_593 : i32 to vector<16xi32>
        %shift_left3A_595 = arith.shli %get3A_592, %shift_left3A_594 : vector<16xi32>
        %bitcast_convert_type3A_596 = tpu.bitcast %shift_left3A_595 : vector<16xi32> -> vector<16xf32>
        %and3A_597 = arith.constant -65536 : i32
        %and3A_598 = vector.broadcast %and3A_597 : i32 to vector<16xi32>
        %and3A_599 = arith.andi %get3A_592, %and3A_598 : vector<16xi32>
        %bitcast_convert_type3A_600 = tpu.bitcast %and3A_599 : vector<16xi32> -> vector<16xf32>
        %mul3A_601 = arith.mulf %bitcast_convert_type3A_596, %mul3A_544 : vector<16xf32>
        %add3A_602 = arith.addf %add3A_516, %mul3A_601 : vector<16xf32>
        %mul3A_603 = arith.mulf %bitcast_convert_type3A_600, %mul3A_544 : vector<16xf32>
        %add3A_604 = arith.addf %add3A_518, %mul3A_603 : vector<16xf32>
        %add3A_605 = arith.constant 2 : i32
        %add3A_606 = arith.addi %add3A_379, %add3A_605 : i32
        %get3A_607 = arith.constant 1 : i32
        %get3A_608 = arith.index_cast %get3A_607 : i32 to index
        %get3A_609 = arith.index_cast %add3A_606 : i32 to index
        %get3A_610 = arith.constant 48 : index
        %get3A_611 = tpu.vector_load %arg9[%get3A_608, %get3A_609, %get3A_610] {strides = array<i32>} : memref<2x512x64xi32, #tpu.memory_space<vmem>>, vector<1x1x16xi32>,
        %get3A_612 = vector.shape_cast %get3A_611 : vector<1x1x16xi32> to vector<16xi32>
        %shift_left3A_613 = arith.constant 16 : i32
        %shift_left3A_614 = vector.broadcast %shift_left3A_613 : i32 to vector<16xi32>
        %shift_left3A_615 = arith.shli %get3A_612, %shift_left3A_614 : vector<16xi32>
        %bitcast_convert_type3A_616 = tpu.bitcast %shift_left3A_615 : vector<16xi32> -> vector<16xf32>
        %and3A_617 = arith.constant -65536 : i32
        %and3A_618 = vector.broadcast %and3A_617 : i32 to vector<16xi32>
        %and3A_619 = arith.andi %get3A_612, %and3A_618 : vector<16xi32>
        %bitcast_convert_type3A_620 = tpu.bitcast %and3A_619 : vector<16xi32> -> vector<16xf32>
        %mul3A_621 = arith.mulf %bitcast_convert_type3A_616, %mul3A_544 : vector<16xf32>
        %add3A_622 = arith.addf %add3A_536, %mul3A_621 : vector<16xf32>
        %mul3A_623 = arith.mulf %bitcast_convert_type3A_620, %mul3A_544 : vector<16xf32>
        %add3A_624 = arith.addf %add3A_538, %mul3A_623 : vector<16xf32>
        %slice3A_625 = vector.extract_strided_slice %get3A_373 {offsets = [3], sizes = [1], strides = [1]} : vector<16xf32> to vector<1xf32>
        %squeeze3A_626 = vector.extract %slice3A_625[0] : f32 from vector<1xf32>
        %broadcast_in_dim3A_627 = vector.broadcast %squeeze3A_626 : f32 to vector<16xf32>
        %mul3A_628 = arith.constant 1.250000e-01 : f32
        %mul3A_629 = vector.broadcast %mul3A_628 : f32 to vector<16xf32>
        %mul3A_630 = arith.mulf %broadcast_in_dim3A_627, %mul3A_629 : vector<16xf32>
        %add3A_631 = arith.constant 3 : i32
        %add3A_632 = arith.addi %add3A_379, %add3A_631 : i32
        %get3A_633 = arith.constant 1 : i32
        %get3A_634 = arith.index_cast %get3A_633 : i32 to index
        %get3A_635 = arith.index_cast %add3A_632 : i32 to index
        %get3A_636 = arith.constant 0 : index
        %get3A_637 = tpu.vector_load %arg9[%get3A_634, %get3A_635, %get3A_636] {strides = array<i32>} : memref<2x512x64xi32, #tpu.memory_space<vmem>>, vector<1x1x16xi32>,
        %get3A_638 = vector.shape_cast %get3A_637 : vector<1x1x16xi32> to vector<16xi32>
        %shift_left3A_639 = arith.constant 16 : i32
        %shift_left3A_640 = vector.broadcast %shift_left3A_639 : i32 to vector<16xi32>
        %shift_left3A_641 = arith.shli %get3A_638, %shift_left3A_640 : vector<16xi32>
        %bitcast_convert_type3A_642 = tpu.bitcast %shift_left3A_641 : vector<16xi32> -> vector<16xf32>
        %and3A_643 = arith.constant -65536 : i32
        %and3A_644 = vector.broadcast %and3A_643 : i32 to vector<16xi32>
        %and3A_645 = arith.andi %get3A_638, %and3A_644 : vector<16xi32>
        %bitcast_convert_type3A_646 = tpu.bitcast %and3A_645 : vector<16xi32> -> vector<16xf32>
        %mul3A_647 = arith.mulf %bitcast_convert_type3A_642, %mul3A_630 : vector<16xf32>
        %add3A_648 = arith.addf %add3A_562, %mul3A_647 : vector<16xf32>
        %mul3A_649 = arith.mulf %bitcast_convert_type3A_646, %mul3A_630 : vector<16xf32>
        %add3A_650 = arith.addf %add3A_564, %mul3A_649 : vector<16xf32>
        %add3A_651 = arith.constant 3 : i32
        %add3A_652 = arith.addi %add3A_379, %add3A_651 : i32
        %get3A_653 = arith.constant 1 : i32
        %get3A_654 = arith.index_cast %get3A_653 : i32 to index
        %get3A_655 = arith.index_cast %add3A_652 : i32 to index
        %get3A_656 = arith.constant 16 : index
        %get3A_657 = tpu.vector_load %arg9[%get3A_654, %get3A_655, %get3A_656] {strides = array<i32>} : memref<2x512x64xi32, #tpu.memory_space<vmem>>, vector<1x1x16xi32>,
        %get3A_658 = vector.shape_cast %get3A_657 : vector<1x1x16xi32> to vector<16xi32>
        %shift_left3A_659 = arith.constant 16 : i32
        %shift_left3A_660 = vector.broadcast %shift_left3A_659 : i32 to vector<16xi32>
        %shift_left3A_661 = arith.shli %get3A_658, %shift_left3A_660 : vector<16xi32>
        %bitcast_convert_type3A_662 = tpu.bitcast %shift_left3A_661 : vector<16xi32> -> vector<16xf32>
        %and3A_663 = arith.constant -65536 : i32
        %and3A_664 = vector.broadcast %and3A_663 : i32 to vector<16xi32>
        %and3A_665 = arith.andi %get3A_658, %and3A_664 : vector<16xi32>
        %bitcast_convert_type3A_666 = tpu.bitcast %and3A_665 : vector<16xi32> -> vector<16xf32>
        %mul3A_667 = arith.mulf %bitcast_convert_type3A_662, %mul3A_630 : vector<16xf32>
        %add3A_668 = arith.addf %add3A_582, %mul3A_667 : vector<16xf32>
        %mul3A_669 = arith.mulf %bitcast_convert_type3A_666, %mul3A_630 : vector<16xf32>
        %add3A_670 = arith.addf %add3A_584, %mul3A_669 : vector<16xf32>
        %add3A_671 = arith.constant 3 : i32
        %add3A_672 = arith.addi %add3A_379, %add3A_671 : i32
        %get3A_673 = arith.constant 1 : i32
        %get3A_674 = arith.index_cast %get3A_673 : i32 to index
        %get3A_675 = arith.index_cast %add3A_672 : i32 to index
        %get3A_676 = arith.constant 32 : index
        %get3A_677 = tpu.vector_load %arg9[%get3A_674, %get3A_675, %get3A_676] {strides = array<i32>} : memref<2x512x64xi32, #tpu.memory_space<vmem>>, vector<1x1x16xi32>,
        %get3A_678 = vector.shape_cast %get3A_677 : vector<1x1x16xi32> to vector<16xi32>
        %shift_left3A_679 = arith.constant 16 : i32
        %shift_left3A_680 = vector.broadcast %shift_left3A_679 : i32 to vector<16xi32>
        %shift_left3A_681 = arith.shli %get3A_678, %shift_left3A_680 : vector<16xi32>
        %bitcast_convert_type3A_682 = tpu.bitcast %shift_left3A_681 : vector<16xi32> -> vector<16xf32>
        %and3A_683 = arith.constant -65536 : i32
        %and3A_684 = vector.broadcast %and3A_683 : i32 to vector<16xi32>
        %and3A_685 = arith.andi %get3A_678, %and3A_684 : vector<16xi32>
        %bitcast_convert_type3A_686 = tpu.bitcast %and3A_685 : vector<16xi32> -> vector<16xf32>
        %mul3A_687 = arith.mulf %bitcast_convert_type3A_682, %mul3A_630 : vector<16xf32>
        %add3A_688 = arith.addf %add3A_602, %mul3A_687 : vector<16xf32>
        %mul3A_689 = arith.mulf %bitcast_convert_type3A_686, %mul3A_630 : vector<16xf32>
        %add3A_690 = arith.addf %add3A_604, %mul3A_689 : vector<16xf32>
        %add3A_691 = arith.constant 3 : i32
        %add3A_692 = arith.addi %add3A_379, %add3A_691 : i32
        %get3A_693 = arith.constant 1 : i32
        %get3A_694 = arith.index_cast %get3A_693 : i32 to index
        %get3A_695 = arith.index_cast %add3A_692 : i32 to index
        %get3A_696 = arith.constant 48 : index
        %get3A_697 = tpu.vector_load %arg9[%get3A_694, %get3A_695, %get3A_696] {strides = array<i32>} : memref<2x512x64xi32, #tpu.memory_space<vmem>>, vector<1x1x16xi32>,
        %get3A_698 = vector.shape_cast %get3A_697 : vector<1x1x16xi32> to vector<16xi32>
        %shift_left3A_699 = arith.constant 16 : i32
        %shift_left3A_700 = vector.broadcast %shift_left3A_699 : i32 to vector<16xi32>
        %shift_left3A_701 = arith.shli %get3A_698, %shift_left3A_700 : vector<16xi32>
        %bitcast_convert_type3A_702 = tpu.bitcast %shift_left3A_701 : vector<16xi32> -> vector<16xf32>
        %and3A_703 = arith.constant -65536 : i32
        %and3A_704 = vector.broadcast %and3A_703 : i32 to vector<16xi32>
        %and3A_705 = arith.andi %get3A_698, %and3A_704 : vector<16xi32>
        %bitcast_convert_type3A_706 = tpu.bitcast %and3A_705 : vector<16xi32> -> vector<16xf32>
        %mul3A_707 = arith.mulf %bitcast_convert_type3A_702, %mul3A_630 : vector<16xf32>
        %add3A_708 = arith.addf %add3A_622, %mul3A_707 : vector<16xf32>
        %mul3A_709 = arith.mulf %bitcast_convert_type3A_706, %mul3A_630 : vector<16xf32>
        %add3A_710 = arith.addf %add3A_624, %mul3A_709 : vector<16xf32>
        %slice3A_711 = vector.extract_strided_slice %get3A_373 {offsets = [4], sizes = [1], strides = [1]} : vector<16xf32> to vector<1xf32>
        %squeeze3A_712 = vector.extract %slice3A_711[0] : f32 from vector<1xf32>
        %broadcast_in_dim3A_713 = vector.broadcast %squeeze3A_712 : f32 to vector<16xf32>
        %mul3A_714 = arith.constant 1.250000e-01 : f32
        %mul3A_715 = vector.broadcast %mul3A_714 : f32 to vector<16xf32>
        %mul3A_716 = arith.mulf %broadcast_in_dim3A_713, %mul3A_715 : vector<16xf32>
        %add3A_717 = arith.constant 4 : i32
        %add3A_718 = arith.addi %add3A_379, %add3A_717 : i32
        %get3A_719 = arith.constant 1 : i32
        %get3A_720 = arith.index_cast %get3A_719 : i32 to index
        %get3A_721 = arith.index_cast %add3A_718 : i32 to index
        %get3A_722 = arith.constant 0 : index
        %get3A_723 = tpu.vector_load %arg9[%get3A_720, %get3A_721, %get3A_722] {strides = array<i32>} : memref<2x512x64xi32, #tpu.memory_space<vmem>>, vector<1x1x16xi32>,
        %get3A_724 = vector.shape_cast %get3A_723 : vector<1x1x16xi32> to vector<16xi32>
        %shift_left3A_725 = arith.constant 16 : i32
        %shift_left3A_726 = vector.broadcast %shift_left3A_725 : i32 to vector<16xi32>
        %shift_left3A_727 = arith.shli %get3A_724, %shift_left3A_726 : vector<16xi32>
        %bitcast_convert_type3A_728 = tpu.bitcast %shift_left3A_727 : vector<16xi32> -> vector<16xf32>
        %and3A_729 = arith.constant -65536 : i32
        %and3A_730 = vector.broadcast %and3A_729 : i32 to vector<16xi32>
        %and3A_731 = arith.andi %get3A_724, %and3A_730 : vector<16xi32>
        %bitcast_convert_type3A_732 = tpu.bitcast %and3A_731 : vector<16xi32> -> vector<16xf32>
        %mul3A_733 = arith.mulf %bitcast_convert_type3A_728, %mul3A_716 : vector<16xf32>
        %add3A_734 = arith.addf %add3A_648, %mul3A_733 : vector<16xf32>
        %mul3A_735 = arith.mulf %bitcast_convert_type3A_732, %mul3A_716 : vector<16xf32>
        %add3A_736 = arith.addf %add3A_650, %mul3A_735 : vector<16xf32>
        %add3A_737 = arith.constant 4 : i32
        %add3A_738 = arith.addi %add3A_379, %add3A_737 : i32
        %get3A_739 = arith.constant 1 : i32
        %get3A_740 = arith.index_cast %get3A_739 : i32 to index
        %get3A_741 = arith.index_cast %add3A_738 : i32 to index
        %get3A_742 = arith.constant 16 : index
        %get3A_743 = tpu.vector_load %arg9[%get3A_740, %get3A_741, %get3A_742] {strides = array<i32>} : memref<2x512x64xi32, #tpu.memory_space<vmem>>, vector<1x1x16xi32>,
        %get3A_744 = vector.shape_cast %get3A_743 : vector<1x1x16xi32> to vector<16xi32>
        %shift_left3A_745 = arith.constant 16 : i32
        %shift_left3A_746 = vector.broadcast %shift_left3A_745 : i32 to vector<16xi32>
        %shift_left3A_747 = arith.shli %get3A_744, %shift_left3A_746 : vector<16xi32>
        %bitcast_convert_type3A_748 = tpu.bitcast %shift_left3A_747 : vector<16xi32> -> vector<16xf32>
        %and3A_749 = arith.constant -65536 : i32
        %and3A_750 = vector.broadcast %and3A_749 : i32 to vector<16xi32>
        %and3A_751 = arith.andi %get3A_744, %and3A_750 : vector<16xi32>
        %bitcast_convert_type3A_752 = tpu.bitcast %and3A_751 : vector<16xi32> -> vector<16xf32>
        %mul3A_753 = arith.mulf %bitcast_convert_type3A_748, %mul3A_716 : vector<16xf32>
        %add3A_754 = arith.addf %add3A_668, %mul3A_753 : vector<16xf32>
        %mul3A_755 = arith.mulf %bitcast_convert_type3A_752, %mul3A_716 : vector<16xf32>
        %add3A_756 = arith.addf %add3A_670, %mul3A_755 : vector<16xf32>
        %add3A_757 = arith.constant 4 : i32
        %add3A_758 = arith.addi %add3A_379, %add3A_757 : i32
        %get3A_759 = arith.constant 1 : i32
        %get3A_760 = arith.index_cast %get3A_759 : i32 to index
        %get3A_761 = arith.index_cast %add3A_758 : i32 to index
        %get3A_762 = arith.constant 32 : index
        %get3A_763 = tpu.vector_load %arg9[%get3A_760, %get3A_761, %get3A_762] {strides = array<i32>} : memref<2x512x64xi32, #tpu.memory_space<vmem>>, vector<1x1x16xi32>,
        %get3A_764 = vector.shape_cast %get3A_763 : vector<1x1x16xi32> to vector<16xi32>
        %shift_left3A_765 = arith.constant 16 : i32
        %shift_left3A_766 = vector.broadcast %shift_left3A_765 : i32 to vector<16xi32>
        %shift_left3A_767 = arith.shli %get3A_764, %shift_left3A_766 : vector<16xi32>
        %bitcast_convert_type3A_768 = tpu.bitcast %shift_left3A_767 : vector<16xi32> -> vector<16xf32>
        %and3A_769 = arith.constant -65536 : i32
        %and3A_770 = vector.broadcast %and3A_769 : i32 to vector<16xi32>
        %and3A_771 = arith.andi %get3A_764, %and3A_770 : vector<16xi32>
        %bitcast_convert_type3A_772 = tpu.bitcast %and3A_771 : vector<16xi32> -> vector<16xf32>
        %mul3A_773 = arith.mulf %bitcast_convert_type3A_768, %mul3A_716 : vector<16xf32>
        %add3A_774 = arith.addf %add3A_688, %mul3A_773 : vector<16xf32>
        %mul3A_775 = arith.mulf %bitcast_convert_type3A_772, %mul3A_716 : vector<16xf32>
        %add3A_776 = arith.addf %add3A_690, %mul3A_775 : vector<16xf32>
        %add3A_777 = arith.constant 4 : i32
        %add3A_778 = arith.addi %add3A_379, %add3A_777 : i32
        %get3A_779 = arith.constant 1 : i32
        %get3A_780 = arith.index_cast %get3A_779 : i32 to index
        %get3A_781 = arith.index_cast %add3A_778 : i32 to index
        %get3A_782 = arith.constant 48 : index
        %get3A_783 = tpu.vector_load %arg9[%get3A_780, %get3A_781, %get3A_782] {strides = array<i32>} : memref<2x512x64xi32, #tpu.memory_space<vmem>>, vector<1x1x16xi32>,
        %get3A_784 = vector.shape_cast %get3A_783 : vector<1x1x16xi32> to vector<16xi32>
        %shift_left3A_785 = arith.constant 16 : i32
        %shift_left3A_786 = vector.broadcast %shift_left3A_785 : i32 to vector<16xi32>
        %shift_left3A_787 = arith.shli %get3A_784, %shift_left3A_786 : vector<16xi32>
        %bitcast_convert_type3A_788 = tpu.bitcast %shift_left3A_787 : vector<16xi32> -> vector<16xf32>
        %and3A_789 = arith.constant -65536 : i32
        %and3A_790 = vector.broadcast %and3A_789 : i32 to vector<16xi32>
        %and3A_791 = arith.andi %get3A_784, %and3A_790 : vector<16xi32>
        %bitcast_convert_type3A_792 = tpu.bitcast %and3A_791 : vector<16xi32> -> vector<16xf32>
        %mul3A_793 = arith.mulf %bitcast_convert_type3A_788, %mul3A_716 : vector<16xf32>
        %add3A_794 = arith.addf %add3A_708, %mul3A_793 : vector<16xf32>
        %mul3A_795 = arith.mulf %bitcast_convert_type3A_792, %mul3A_716 : vector<16xf32>
        %add3A_796 = arith.addf %add3A_710, %mul3A_795 : vector<16xf32>
        %slice3A_797 = vector.extract_strided_slice %get3A_373 {offsets = [5], sizes = [1], strides = [1]} : vector<16xf32> to vector<1xf32>
        %squeeze3A_798 = vector.extract %slice3A_797[0] : f32 from vector<1xf32>
        %broadcast_in_dim3A_799 = vector.broadcast %squeeze3A_798 : f32 to vector<16xf32>
        %mul3A_800 = arith.constant 1.250000e-01 : f32
        %mul3A_801 = vector.broadcast %mul3A_800 : f32 to vector<16xf32>
        %mul3A_802 = arith.mulf %broadcast_in_dim3A_799, %mul3A_801 : vector<16xf32>
        %add3A_803 = arith.constant 5 : i32
        %add3A_804 = arith.addi %add3A_379, %add3A_803 : i32
        %get3A_805 = arith.constant 1 : i32
        %get3A_806 = arith.index_cast %get3A_805 : i32 to index
        %get3A_807 = arith.index_cast %add3A_804 : i32 to index
        %get3A_808 = arith.constant 0 : index
        %get3A_809 = tpu.vector_load %arg9[%get3A_806, %get3A_807, %get3A_808] {strides = array<i32>} : memref<2x512x64xi32, #tpu.memory_space<vmem>>, vector<1x1x16xi32>,
        %get3A_810 = vector.shape_cast %get3A_809 : vector<1x1x16xi32> to vector<16xi32>
        %shift_left3A_811 = arith.constant 16 : i32
        %shift_left3A_812 = vector.broadcast %shift_left3A_811 : i32 to vector<16xi32>
        %shift_left3A_813 = arith.shli %get3A_810, %shift_left3A_812 : vector<16xi32>
        %bitcast_convert_type3A_814 = tpu.bitcast %shift_left3A_813 : vector<16xi32> -> vector<16xf32>
        %and3A_815 = arith.constant -65536 : i32
        %and3A_816 = vector.broadcast %and3A_815 : i32 to vector<16xi32>
        %and3A_817 = arith.andi %get3A_810, %and3A_816 : vector<16xi32>
        %bitcast_convert_type3A_818 = tpu.bitcast %and3A_817 : vector<16xi32> -> vector<16xf32>
        %mul3A_819 = arith.mulf %bitcast_convert_type3A_814, %mul3A_802 : vector<16xf32>
        %add3A_820 = arith.addf %add3A_734, %mul3A_819 : vector<16xf32>
        %mul3A_821 = arith.mulf %bitcast_convert_type3A_818, %mul3A_802 : vector<16xf32>
        %add3A_822 = arith.addf %add3A_736, %mul3A_821 : vector<16xf32>
        %add3A_823 = arith.constant 5 : i32
        %add3A_824 = arith.addi %add3A_379, %add3A_823 : i32
        %get3A_825 = arith.constant 1 : i32
        %get3A_826 = arith.index_cast %get3A_825 : i32 to index
        %get3A_827 = arith.index_cast %add3A_824 : i32 to index
        %get3A_828 = arith.constant 16 : index
        %get3A_829 = tpu.vector_load %arg9[%get3A_826, %get3A_827, %get3A_828] {strides = array<i32>} : memref<2x512x64xi32, #tpu.memory_space<vmem>>, vector<1x1x16xi32>,
        %get3A_830 = vector.shape_cast %get3A_829 : vector<1x1x16xi32> to vector<16xi32>
        %shift_left3A_831 = arith.constant 16 : i32
        %shift_left3A_832 = vector.broadcast %shift_left3A_831 : i32 to vector<16xi32>
        %shift_left3A_833 = arith.shli %get3A_830, %shift_left3A_832 : vector<16xi32>
        %bitcast_convert_type3A_834 = tpu.bitcast %shift_left3A_833 : vector<16xi32> -> vector<16xf32>
        %and3A_835 = arith.constant -65536 : i32
        %and3A_836 = vector.broadcast %and3A_835 : i32 to vector<16xi32>
        %and3A_837 = arith.andi %get3A_830, %and3A_836 : vector<16xi32>
        %bitcast_convert_type3A_838 = tpu.bitcast %and3A_837 : vector<16xi32> -> vector<16xf32>
        %mul3A_839 = arith.mulf %bitcast_convert_type3A_834, %mul3A_802 : vector<16xf32>
        %add3A_840 = arith.addf %add3A_754, %mul3A_839 : vector<16xf32>
        %mul3A_841 = arith.mulf %bitcast_convert_type3A_838, %mul3A_802 : vector<16xf32>
        %add3A_842 = arith.addf %add3A_756, %mul3A_841 : vector<16xf32>
        %add3A_843 = arith.constant 5 : i32
        %add3A_844 = arith.addi %add3A_379, %add3A_843 : i32
        %get3A_845 = arith.constant 1 : i32
        %get3A_846 = arith.index_cast %get3A_845 : i32 to index
        %get3A_847 = arith.index_cast %add3A_844 : i32 to index
        %get3A_848 = arith.constant 32 : index
        %get3A_849 = tpu.vector_load %arg9[%get3A_846, %get3A_847, %get3A_848] {strides = array<i32>} : memref<2x512x64xi32, #tpu.memory_space<vmem>>, vector<1x1x16xi32>,
        %get3A_850 = vector.shape_cast %get3A_849 : vector<1x1x16xi32> to vector<16xi32>
        %shift_left3A_851 = arith.constant 16 : i32
        %shift_left3A_852 = vector.broadcast %shift_left3A_851 : i32 to vector<16xi32>
        %shift_left3A_853 = arith.shli %get3A_850, %shift_left3A_852 : vector<16xi32>
        %bitcast_convert_type3A_854 = tpu.bitcast %shift_left3A_853 : vector<16xi32> -> vector<16xf32>
        %and3A_855 = arith.constant -65536 : i32
        %and3A_856 = vector.broadcast %and3A_855 : i32 to vector<16xi32>
        %and3A_857 = arith.andi %get3A_850, %and3A_856 : vector<16xi32>
        %bitcast_convert_type3A_858 = tpu.bitcast %and3A_857 : vector<16xi32> -> vector<16xf32>
        %mul3A_859 = arith.mulf %bitcast_convert_type3A_854, %mul3A_802 : vector<16xf32>
        %add3A_860 = arith.addf %add3A_774, %mul3A_859 : vector<16xf32>
        %mul3A_861 = arith.mulf %bitcast_convert_type3A_858, %mul3A_802 : vector<16xf32>
        %add3A_862 = arith.addf %add3A_776, %mul3A_861 : vector<16xf32>
        %add3A_863 = arith.constant 5 : i32
        %add3A_864 = arith.addi %add3A_379, %add3A_863 : i32
        %get3A_865 = arith.constant 1 : i32
        %get3A_866 = arith.index_cast %get3A_865 : i32 to index
        %get3A_867 = arith.index_cast %add3A_864 : i32 to index
        %get3A_868 = arith.constant 48 : index
        %get3A_869 = tpu.vector_load %arg9[%get3A_866, %get3A_867, %get3A_868] {strides = array<i32>} : memref<2x512x64xi32, #tpu.memory_space<vmem>>, vector<1x1x16xi32>,
        %get3A_870 = vector.shape_cast %get3A_869 : vector<1x1x16xi32> to vector<16xi32>
        %shift_left3A_871 = arith.constant 16 : i32
        %shift_left3A_872 = vector.broadcast %shift_left3A_871 : i32 to vector<16xi32>
        %shift_left3A_873 = arith.shli %get3A_870, %shift_left3A_872 : vector<16xi32>
        %bitcast_convert_type3A_874 = tpu.bitcast %shift_left3A_873 : vector<16xi32> -> vector<16xf32>
        %and3A_875 = arith.constant -65536 : i32
        %and3A_876 = vector.broadcast %and3A_875 : i32 to vector<16xi32>
        %and3A_877 = arith.andi %get3A_870, %and3A_876 : vector<16xi32>
        %bitcast_convert_type3A_878 = tpu.bitcast %and3A_877 : vector<16xi32> -> vector<16xf32>
        %mul3A_879 = arith.mulf %bitcast_convert_type3A_874, %mul3A_802 : vector<16xf32>
        %add3A_880 = arith.addf %add3A_794, %mul3A_879 : vector<16xf32>
        %mul3A_881 = arith.mulf %bitcast_convert_type3A_878, %mul3A_802 : vector<16xf32>
        %add3A_882 = arith.addf %add3A_796, %mul3A_881 : vector<16xf32>
        %slice3A_883 = vector.extract_strided_slice %get3A_373 {offsets = [6], sizes = [1], strides = [1]} : vector<16xf32> to vector<1xf32>
        %squeeze3A_884 = vector.extract %slice3A_883[0] : f32 from vector<1xf32>
        %broadcast_in_dim3A_885 = vector.broadcast %squeeze3A_884 : f32 to vector<16xf32>
        %mul3A_886 = arith.constant 1.250000e-01 : f32
        %mul3A_887 = vector.broadcast %mul3A_886 : f32 to vector<16xf32>
        %mul3A_888 = arith.mulf %broadcast_in_dim3A_885, %mul3A_887 : vector<16xf32>
        %add3A_889 = arith.constant 6 : i32
        %add3A_890 = arith.addi %add3A_379, %add3A_889 : i32
        %get3A_891 = arith.constant 1 : i32
        %get3A_892 = arith.index_cast %get3A_891 : i32 to index
        %get3A_893 = arith.index_cast %add3A_890 : i32 to index
        %get3A_894 = arith.constant 0 : index
        %get3A_895 = tpu.vector_load %arg9[%get3A_892, %get3A_893, %get3A_894] {strides = array<i32>} : memref<2x512x64xi32, #tpu.memory_space<vmem>>, vector<1x1x16xi32>,
        %get3A_896 = vector.shape_cast %get3A_895 : vector<1x1x16xi32> to vector<16xi32>
        %shift_left3A_897 = arith.constant 16 : i32
        %shift_left3A_898 = vector.broadcast %shift_left3A_897 : i32 to vector<16xi32>
        %shift_left3A_899 = arith.shli %get3A_896, %shift_left3A_898 : vector<16xi32>
        %bitcast_convert_type3A_900 = tpu.bitcast %shift_left3A_899 : vector<16xi32> -> vector<16xf32>
        %and3A_901 = arith.constant -65536 : i32
        %and3A_902 = vector.broadcast %and3A_901 : i32 to vector<16xi32>
        %and3A_903 = arith.andi %get3A_896, %and3A_902 : vector<16xi32>
        %bitcast_convert_type3A_904 = tpu.bitcast %and3A_903 : vector<16xi32> -> vector<16xf32>
        %mul3A_905 = arith.mulf %bitcast_convert_type3A_900, %mul3A_888 : vector<16xf32>
        %add3A_906 = arith.addf %add3A_820, %mul3A_905 : vector<16xf32>
        %mul3A_907 = arith.mulf %bitcast_convert_type3A_904, %mul3A_888 : vector<16xf32>
        %add3A_908 = arith.addf %add3A_822, %mul3A_907 : vector<16xf32>
        %add3A_909 = arith.constant 6 : i32
        %add3A_910 = arith.addi %add3A_379, %add3A_909 : i32
        %get3A_911 = arith.constant 1 : i32
        %get3A_912 = arith.index_cast %get3A_911 : i32 to index
        %get3A_913 = arith.index_cast %add3A_910 : i32 to index
        %get3A_914 = arith.constant 16 : index
        %get3A_915 = tpu.vector_load %arg9[%get3A_912, %get3A_913, %get3A_914] {strides = array<i32>} : memref<2x512x64xi32, #tpu.memory_space<vmem>>, vector<1x1x16xi32>,
        %get3A_916 = vector.shape_cast %get3A_915 : vector<1x1x16xi32> to vector<16xi32>
        %shift_left3A_917 = arith.constant 16 : i32
        %shift_left3A_918 = vector.broadcast %shift_left3A_917 : i32 to vector<16xi32>
        %shift_left3A_919 = arith.shli %get3A_916, %shift_left3A_918 : vector<16xi32>
        %bitcast_convert_type3A_920 = tpu.bitcast %shift_left3A_919 : vector<16xi32> -> vector<16xf32>
        %and3A_921 = arith.constant -65536 : i32
        %and3A_922 = vector.broadcast %and3A_921 : i32 to vector<16xi32>
        %and3A_923 = arith.andi %get3A_916, %and3A_922 : vector<16xi32>
        %bitcast_convert_type3A_924 = tpu.bitcast %and3A_923 : vector<16xi32> -> vector<16xf32>
        %mul3A_925 = arith.mulf %bitcast_convert_type3A_920, %mul3A_888 : vector<16xf32>
        %add3A_926 = arith.addf %add3A_840, %mul3A_925 : vector<16xf32>
        %mul3A_927 = arith.mulf %bitcast_convert_type3A_924, %mul3A_888 : vector<16xf32>
        %add3A_928 = arith.addf %add3A_842, %mul3A_927 : vector<16xf32>
        %add3A_929 = arith.constant 6 : i32
        %add3A_930 = arith.addi %add3A_379, %add3A_929 : i32
        %get3A_931 = arith.constant 1 : i32
        %get3A_932 = arith.index_cast %get3A_931 : i32 to index
        %get3A_933 = arith.index_cast %add3A_930 : i32 to index
        %get3A_934 = arith.constant 32 : index
        %get3A_935 = tpu.vector_load %arg9[%get3A_932, %get3A_933, %get3A_934] {strides = array<i32>} : memref<2x512x64xi32, #tpu.memory_space<vmem>>, vector<1x1x16xi32>,
        %get3A_936 = vector.shape_cast %get3A_935 : vector<1x1x16xi32> to vector<16xi32>
        %shift_left3A_937 = arith.constant 16 : i32
        %shift_left3A_938 = vector.broadcast %shift_left3A_937 : i32 to vector<16xi32>
        %shift_left3A_939 = arith.shli %get3A_936, %shift_left3A_938 : vector<16xi32>
        %bitcast_convert_type3A_940 = tpu.bitcast %shift_left3A_939 : vector<16xi32> -> vector<16xf32>
        %and3A_941 = arith.constant -65536 : i32
        %and3A_942 = vector.broadcast %and3A_941 : i32 to vector<16xi32>
        %and3A_943 = arith.andi %get3A_936, %and3A_942 : vector<16xi32>
        %bitcast_convert_type3A_944 = tpu.bitcast %and3A_943 : vector<16xi32> -> vector<16xf32>
        %mul3A_945 = arith.mulf %bitcast_convert_type3A_940, %mul3A_888 : vector<16xf32>
        %add3A_946 = arith.addf %add3A_860, %mul3A_945 : vector<16xf32>
        %mul3A_947 = arith.mulf %bitcast_convert_type3A_944, %mul3A_888 : vector<16xf32>
        %add3A_948 = arith.addf %add3A_862, %mul3A_947 : vector<16xf32>
        %add3A_949 = arith.constant 6 : i32
        %add3A_950 = arith.addi %add3A_379, %add3A_949 : i32
        %get3A_951 = arith.constant 1 : i32
        %get3A_952 = arith.index_cast %get3A_951 : i32 to index
        %get3A_953 = arith.index_cast %add3A_950 : i32 to index
        %get3A_954 = arith.constant 48 : index
        %get3A_955 = tpu.vector_load %arg9[%get3A_952, %get3A_953, %get3A_954] {strides = array<i32>} : memref<2x512x64xi32, #tpu.memory_space<vmem>>, vector<1x1x16xi32>,
        %get3A_956 = vector.shape_cast %get3A_955 : vector<1x1x16xi32> to vector<16xi32>
        %shift_left3A_957 = arith.constant 16 : i32
        %shift_left3A_958 = vector.broadcast %shift_left3A_957 : i32 to vector<16xi32>
        %shift_left3A_959 = arith.shli %get3A_956, %shift_left3A_958 : vector<16xi32>
        %bitcast_convert_type3A_960 = tpu.bitcast %shift_left3A_959 : vector<16xi32> -> vector<16xf32>
        %and3A_961 = arith.constant -65536 : i32
        %and3A_962 = vector.broadcast %and3A_961 : i32 to vector<16xi32>
        %and3A_963 = arith.andi %get3A_956, %and3A_962 : vector<16xi32>
        %bitcast_convert_type3A_964 = tpu.bitcast %and3A_963 : vector<16xi32> -> vector<16xf32>
        %mul3A_965 = arith.mulf %bitcast_convert_type3A_960, %mul3A_888 : vector<16xf32>
        %add3A_966 = arith.addf %add3A_880, %mul3A_965 : vector<16xf32>
        %mul3A_967 = arith.mulf %bitcast_convert_type3A_964, %mul3A_888 : vector<16xf32>
        %add3A_968 = arith.addf %add3A_882, %mul3A_967 : vector<16xf32>
        %slice3A_969 = vector.extract_strided_slice %get3A_373 {offsets = [7], sizes = [1], strides = [1]} : vector<16xf32> to vector<1xf32>
        %squeeze3A_970 = vector.extract %slice3A_969[0] : f32 from vector<1xf32>
        %broadcast_in_dim3A_971 = vector.broadcast %squeeze3A_970 : f32 to vector<16xf32>
        %mul3A_972 = arith.constant 1.250000e-01 : f32
        %mul3A_973 = vector.broadcast %mul3A_972 : f32 to vector<16xf32>
        %mul3A_974 = arith.mulf %broadcast_in_dim3A_971, %mul3A_973 : vector<16xf32>
        %add3A_975 = arith.constant 7 : i32
        %add3A_976 = arith.addi %add3A_379, %add3A_975 : i32
        %get3A_977 = arith.constant 1 : i32
        %get3A_978 = arith.index_cast %get3A_977 : i32 to index
        %get3A_979 = arith.index_cast %add3A_976 : i32 to index
        %get3A_980 = arith.constant 0 : index
        %get3A_981 = tpu.vector_load %arg9[%get3A_978, %get3A_979, %get3A_980] {strides = array<i32>} : memref<2x512x64xi32, #tpu.memory_space<vmem>>, vector<1x1x16xi32>,
        %get3A_982 = vector.shape_cast %get3A_981 : vector<1x1x16xi32> to vector<16xi32>
        %shift_left3A_983 = arith.constant 16 : i32
        %shift_left3A_984 = vector.broadcast %shift_left3A_983 : i32 to vector<16xi32>
        %shift_left3A_985 = arith.shli %get3A_982, %shift_left3A_984 : vector<16xi32>
        %bitcast_convert_type3A_986 = tpu.bitcast %shift_left3A_985 : vector<16xi32> -> vector<16xf32>
        %and3A_987 = arith.constant -65536 : i32
        %and3A_988 = vector.broadcast %and3A_987 : i32 to vector<16xi32>
        %and3A_989 = arith.andi %get3A_982, %and3A_988 : vector<16xi32>
        %bitcast_convert_type3A_990 = tpu.bitcast %and3A_989 : vector<16xi32> -> vector<16xf32>
        %mul3A_991 = arith.mulf %bitcast_convert_type3A_986, %mul3A_974 : vector<16xf32>
        %add3A_992 = arith.addf %add3A_906, %mul3A_991 : vector<16xf32>
        %mul3A_993 = arith.mulf %bitcast_convert_type3A_990, %mul3A_974 : vector<16xf32>
        %add3A_994 = arith.addf %add3A_908, %mul3A_993 : vector<16xf32>
        %add3A_995 = arith.constant 7 : i32
        %add3A_996 = arith.addi %add3A_379, %add3A_995 : i32
        %get3A_997 = arith.constant 1 : i32
        %get3A_998 = arith.index_cast %get3A_997 : i32 to index
        %get3A_999 = arith.index_cast %add3A_996 : i32 to index
        %get3A_1000 = arith.constant 16 : index
        %get3A_1001 = tpu.vector_load %arg9[%get3A_998, %get3A_999, %get3A_1000] {strides = array<i32>} : memref<2x512x64xi32, #tpu.memory_space<vmem>>, vector<1x1x16xi32>,
        %get3A_1002 = vector.shape_cast %get3A_1001 : vector<1x1x16xi32> to vector<16xi32>
        %shift_left3A_1003 = arith.constant 16 : i32
        %shift_left3A_1004 = vector.broadcast %shift_left3A_1003 : i32 to vector<16xi32>
        %shift_left3A_1005 = arith.shli %get3A_1002, %shift_left3A_1004 : vector<16xi32>
        %bitcast_convert_type3A_1006 = tpu.bitcast %shift_left3A_1005 : vector<16xi32> -> vector<16xf32>
        %and3A_1007 = arith.constant -65536 : i32
        %and3A_1008 = vector.broadcast %and3A_1007 : i32 to vector<16xi32>
        %and3A_1009 = arith.andi %get3A_1002, %and3A_1008 : vector<16xi32>
        %bitcast_convert_type3A_1010 = tpu.bitcast %and3A_1009 : vector<16xi32> -> vector<16xf32>
        %mul3A_1011 = arith.mulf %bitcast_convert_type3A_1006, %mul3A_974 : vector<16xf32>
        %add3A_1012 = arith.addf %add3A_926, %mul3A_1011 : vector<16xf32>
        %mul3A_1013 = arith.mulf %bitcast_convert_type3A_1010, %mul3A_974 : vector<16xf32>
        %add3A_1014 = arith.addf %add3A_928, %mul3A_1013 : vector<16xf32>
        %add3A_1015 = arith.constant 7 : i32
        %add3A_1016 = arith.addi %add3A_379, %add3A_1015 : i32
        %get3A_1017 = arith.constant 1 : i32
        %get3A_1018 = arith.index_cast %get3A_1017 : i32 to index
        %get3A_1019 = arith.index_cast %add3A_1016 : i32 to index
        %get3A_1020 = arith.constant 32 : index
        %get3A_1021 = tpu.vector_load %arg9[%get3A_1018, %get3A_1019, %get3A_1020] {strides = array<i32>} : memref<2x512x64xi32, #tpu.memory_space<vmem>>, vector<1x1x16xi32>,
        %get3A_1022 = vector.shape_cast %get3A_1021 : vector<1x1x16xi32> to vector<16xi32>
        %shift_left3A_1023 = arith.constant 16 : i32
        %shift_left3A_1024 = vector.broadcast %shift_left3A_1023 : i32 to vector<16xi32>
        %shift_left3A_1025 = arith.shli %get3A_1022, %shift_left3A_1024 : vector<16xi32>
        %bitcast_convert_type3A_1026 = tpu.bitcast %shift_left3A_1025 : vector<16xi32> -> vector<16xf32>
        %and3A_1027 = arith.constant -65536 : i32
        %and3A_1028 = vector.broadcast %and3A_1027 : i32 to vector<16xi32>
        %and3A_1029 = arith.andi %get3A_1022, %and3A_1028 : vector<16xi32>
        %bitcast_convert_type3A_1030 = tpu.bitcast %and3A_1029 : vector<16xi32> -> vector<16xf32>
        %mul3A_1031 = arith.mulf %bitcast_convert_type3A_1026, %mul3A_974 : vector<16xf32>
        %add3A_1032 = arith.addf %add3A_946, %mul3A_1031 : vector<16xf32>
        %mul3A_1033 = arith.mulf %bitcast_convert_type3A_1030, %mul3A_974 : vector<16xf32>
        %add3A_1034 = arith.addf %add3A_948, %mul3A_1033 : vector<16xf32>
        %add3A_1035 = arith.constant 7 : i32
        %add3A_1036 = arith.addi %add3A_379, %add3A_1035 : i32
        %get3A_1037 = arith.constant 1 : i32
        %get3A_1038 = arith.index_cast %get3A_1037 : i32 to index
        %get3A_1039 = arith.index_cast %add3A_1036 : i32 to index
        %get3A_1040 = arith.constant 48 : index
        %get3A_1041 = tpu.vector_load %arg9[%get3A_1038, %get3A_1039, %get3A_1040] {strides = array<i32>} : memref<2x512x64xi32, #tpu.memory_space<vmem>>, vector<1x1x16xi32>,
        %get3A_1042 = vector.shape_cast %get3A_1041 : vector<1x1x16xi32> to vector<16xi32>
        %shift_left3A_1043 = arith.constant 16 : i32
        %shift_left3A_1044 = vector.broadcast %shift_left3A_1043 : i32 to vector<16xi32>
        %shift_left3A_1045 = arith.shli %get3A_1042, %shift_left3A_1044 : vector<16xi32>
        %bitcast_convert_type3A_1046 = tpu.bitcast %shift_left3A_1045 : vector<16xi32> -> vector<16xf32>
        %and3A_1047 = arith.constant -65536 : i32
        %and3A_1048 = vector.broadcast %and3A_1047 : i32 to vector<16xi32>
        %and3A_1049 = arith.andi %get3A_1042, %and3A_1048 : vector<16xi32>
        %bitcast_convert_type3A_1050 = tpu.bitcast %and3A_1049 : vector<16xi32> -> vector<16xf32>
        %mul3A_1051 = arith.mulf %bitcast_convert_type3A_1046, %mul3A_974 : vector<16xf32>
        %add3A_1052 = arith.addf %add3A_966, %mul3A_1051 : vector<16xf32>
        %mul3A_1053 = arith.mulf %bitcast_convert_type3A_1050, %mul3A_974 : vector<16xf32>
        %add3A_1054 = arith.addf %add3A_968, %mul3A_1053 : vector<16xf32>
        %swap3A = arith.constant 1 : i32
        %swap3A_1055 = arith.index_cast %swap3A : i32 to index
        %swap3A_1056 = arith.index_cast %add3A_377 : i32 to index
        %swap3A_1057 = arith.constant 0 : index
        %swap3A_1058 = tpu.vector_load %arg10[%swap3A_1055, %swap3A_1056, %swap3A_1057] {strides = array<i32>} : memref<2x64x128xf32, #tpu.memory_space<vmem>>, vector<1x1x16xf32>,
        %swap3A_1059 = vector.shape_cast %swap3A_1058 : vector<1x1x16xf32> to vector<16xf32>
        %swap3A_1060 = vector.shape_cast %add3A_992 : vector<16xf32> to vector<1x1x16xf32>
        tpu.vector_store %arg10[%swap3A_1055, %swap3A_1056, %swap3A_1057], %swap3A_1060 {strides = array<i32>} : memref<2x64x128xf32, #tpu.memory_space<vmem>>, vector<1x1x16xf32>,
        %swap3A_1061 = arith.constant 1 : i32
        %swap3A_1062 = arith.index_cast %swap3A_1061 : i32 to index
        %swap3A_1063 = arith.index_cast %add3A_377 : i32 to index
        %swap3A_1064 = arith.constant 64 : index
        %swap3A_1065 = tpu.vector_load %arg10[%swap3A_1062, %swap3A_1063, %swap3A_1064] {strides = array<i32>} : memref<2x64x128xf32, #tpu.memory_space<vmem>>, vector<1x1x16xf32>,
        %swap3A_1066 = vector.shape_cast %swap3A_1065 : vector<1x1x16xf32> to vector<16xf32>
        %swap3A_1067 = vector.shape_cast %add3A_994 : vector<16xf32> to vector<1x1x16xf32>
        tpu.vector_store %arg10[%swap3A_1062, %swap3A_1063, %swap3A_1064], %swap3A_1067 {strides = array<i32>} : memref<2x64x128xf32, #tpu.memory_space<vmem>>, vector<1x1x16xf32>,
        %swap3A_1068 = arith.constant 1 : i32
        %swap3A_1069 = arith.index_cast %swap3A_1068 : i32 to index
        %swap3A_1070 = arith.index_cast %add3A_377 : i32 to index
        %swap3A_1071 = arith.constant 16 : index
        %swap3A_1072 = tpu.vector_load %arg10[%swap3A_1069, %swap3A_1070, %swap3A_1071] {strides = array<i32>} : memref<2x64x128xf32, #tpu.memory_space<vmem>>, vector<1x1x16xf32>,
        %swap3A_1073 = vector.shape_cast %swap3A_1072 : vector<1x1x16xf32> to vector<16xf32>
        %swap3A_1074 = vector.shape_cast %add3A_1012 : vector<16xf32> to vector<1x1x16xf32>
        tpu.vector_store %arg10[%swap3A_1069, %swap3A_1070, %swap3A_1071], %swap3A_1074 {strides = array<i32>} : memref<2x64x128xf32, #tpu.memory_space<vmem>>, vector<1x1x16xf32>,
        %swap3A_1075 = arith.constant 1 : i32
        %swap3A_1076 = arith.index_cast %swap3A_1075 : i32 to index
        %swap3A_1077 = arith.index_cast %add3A_377 : i32 to index
        %swap3A_1078 = arith.constant 80 : index
        %swap3A_1079 = tpu.vector_load %arg10[%swap3A_1076, %swap3A_1077, %swap3A_1078] {strides = array<i32>} : memref<2x64x128xf32, #tpu.memory_space<vmem>>, vector<1x1x16xf32>,
        %swap3A_1080 = vector.shape_cast %swap3A_1079 : vector<1x1x16xf32> to vector<16xf32>
        %swap3A_1081 = vector.shape_cast %add3A_1014 : vector<16xf32> to vector<1x1x16xf32>
        tpu.vector_store %arg10[%swap3A_1076, %swap3A_1077, %swap3A_1078], %swap3A_1081 {strides = array<i32>} : memref<2x64x128xf32, #tpu.memory_space<vmem>>, vector<1x1x16xf32>,
        %swap3A_1082 = arith.constant 1 : i32
        %swap3A_1083 = arith.index_cast %swap3A_1082 : i32 to index
        %swap3A_1084 = arith.index_cast %add3A_377 : i32 to index
        %swap3A_1085 = arith.constant 32 : index
        %swap3A_1086 = tpu.vector_load %arg10[%swap3A_1083, %swap3A_1084, %swap3A_1085] {strides = array<i32>} : memref<2x64x128xf32, #tpu.memory_space<vmem>>, vector<1x1x16xf32>,
        %swap3A_1087 = vector.shape_cast %swap3A_1086 : vector<1x1x16xf32> to vector<16xf32>
        %swap3A_1088 = vector.shape_cast %add3A_1032 : vector<16xf32> to vector<1x1x16xf32>
        tpu.vector_store %arg10[%swap3A_1083, %swap3A_1084, %swap3A_1085], %swap3A_1088 {strides = array<i32>} : memref<2x64x128xf32, #tpu.memory_space<vmem>>, vector<1x1x16xf32>,
        %swap3A_1089 = arith.constant 1 : i32
        %swap3A_1090 = arith.index_cast %swap3A_1089 : i32 to index
        %swap3A_1091 = arith.index_cast %add3A_377 : i32 to index
        %swap3A_1092 = arith.constant 96 : index
        %swap3A_1093 = tpu.vector_load %arg10[%swap3A_1090, %swap3A_1091, %swap3A_1092] {strides = array<i32>} : memref<2x64x128xf32, #tpu.memory_space<vmem>>, vector<1x1x16xf32>,
        %swap3A_1094 = vector.shape_cast %swap3A_1093 : vector<1x1x16xf32> to vector<16xf32>
        %swap3A_1095 = vector.shape_cast %add3A_1034 : vector<16xf32> to vector<1x1x16xf32>
        tpu.vector_store %arg10[%swap3A_1090, %swap3A_1091, %swap3A_1092], %swap3A_1095 {strides = array<i32>} : memref<2x64x128xf32, #tpu.memory_space<vmem>>, vector<1x1x16xf32>,
        %swap3A_1096 = arith.constant 1 : i32
        %swap3A_1097 = arith.index_cast %swap3A_1096 : i32 to index
        %swap3A_1098 = arith.index_cast %add3A_377 : i32 to index
        %swap3A_1099 = arith.constant 48 : index
        %swap3A_1100 = tpu.vector_load %arg10[%swap3A_1097, %swap3A_1098, %swap3A_1099] {strides = array<i32>} : memref<2x64x128xf32, #tpu.memory_space<vmem>>, vector<1x1x16xf32>,
        %swap3A_1101 = vector.shape_cast %swap3A_1100 : vector<1x1x16xf32> to vector<16xf32>
        %swap3A_1102 = vector.shape_cast %add3A_1052 : vector<16xf32> to vector<1x1x16xf32>
        tpu.vector_store %arg10[%swap3A_1097, %swap3A_1098, %swap3A_1099], %swap3A_1102 {strides = array<i32>} : memref<2x64x128xf32, #tpu.memory_space<vmem>>, vector<1x1x16xf32>,
        %swap3A_1103 = arith.constant 1 : i32
        %swap3A_1104 = arith.index_cast %swap3A_1103 : i32 to index
        %swap3A_1105 = arith.index_cast %add3A_377 : i32 to index
        %swap3A_1106 = arith.constant 112 : index
        %swap3A_1107 = tpu.vector_load %arg10[%swap3A_1104, %swap3A_1105, %swap3A_1106] {strides = array<i32>} : memref<2x64x128xf32, #tpu.memory_space<vmem>>, vector<1x1x16xf32>,
        %swap3A_1108 = vector.shape_cast %swap3A_1107 : vector<1x1x16xf32> to vector<16xf32>
        %swap3A_1109 = vector.shape_cast %add3A_1054 : vector<16xf32> to vector<1x1x16xf32>
        tpu.vector_store %arg10[%swap3A_1104, %swap3A_1105, %swap3A_1106], %swap3A_1109 {strides = array<i32>} : memref<2x64x128xf32, #tpu.memory_space<vmem>>, vector<1x1x16xf32>,
        %mul3A_1110 = arith.constant 2 : i32
        %mul3A_1111 = arith.muli %scan3A_362, %mul3A_1110 : i32
        %add3A_1112 = arith.constant 1 : i32
        %add3A_1113 = arith.addi %mul3A_1111, %add3A_1112 : i32
        %add3A_1114 = arith.constant 8 : i32
        %add3A_1115 = arith.addi %mul3A_366, %add3A_1114 : i32
        %slice3A_1116 = vector.extract_strided_slice %get3A_373 {offsets = [8], sizes = [1], strides = [1]} : vector<16xf32> to vector<1xf32>
        %squeeze3A_1117 = vector.extract %slice3A_1116[0] : f32 from vector<1xf32>
        %broadcast_in_dim3A_1118 = vector.broadcast %squeeze3A_1117 : f32 to vector<16xf32>
        %mul3A_1119 = arith.constant 1.250000e-01 : f32
        %mul3A_1120 = vector.broadcast %mul3A_1119 : f32 to vector<16xf32>
        %mul3A_1121 = arith.mulf %broadcast_in_dim3A_1118, %mul3A_1120 : vector<16xf32>
        %add3A_1122 = arith.constant 0 : i32
        %add3A_1123 = arith.addi %add3A_1115, %add3A_1122 : i32
        %get3A_1124 = arith.constant 1 : i32
        %get3A_1125 = arith.index_cast %get3A_1124 : i32 to index
        %get3A_1126 = arith.index_cast %add3A_1123 : i32 to index
        %get3A_1127 = arith.constant 0 : index
        %get3A_1128 = tpu.vector_load %arg9[%get3A_1125, %get3A_1126, %get3A_1127] {strides = array<i32>} : memref<2x512x64xi32, #tpu.memory_space<vmem>>, vector<1x1x16xi32>,
        %get3A_1129 = vector.shape_cast %get3A_1128 : vector<1x1x16xi32> to vector<16xi32>
        %shift_left3A_1130 = arith.constant 16 : i32
        %shift_left3A_1131 = vector.broadcast %shift_left3A_1130 : i32 to vector<16xi32>
        %shift_left3A_1132 = arith.shli %get3A_1129, %shift_left3A_1131 : vector<16xi32>
        %bitcast_convert_type3A_1133 = tpu.bitcast %shift_left3A_1132 : vector<16xi32> -> vector<16xf32>
        %and3A_1134 = arith.constant -65536 : i32
        %and3A_1135 = vector.broadcast %and3A_1134 : i32 to vector<16xi32>
        %and3A_1136 = arith.andi %get3A_1129, %and3A_1135 : vector<16xi32>
        %bitcast_convert_type3A_1137 = tpu.bitcast %and3A_1136 : vector<16xi32> -> vector<16xf32>
        %mul3A_1138 = arith.mulf %bitcast_convert_type3A_1133, %mul3A_1121 : vector<16xf32>
        %mul3A_1139 = arith.mulf %bitcast_convert_type3A_1137, %mul3A_1121 : vector<16xf32>
        %add3A_1140 = arith.constant 0 : i32
        %add3A_1141 = arith.addi %add3A_1115, %add3A_1140 : i32
        %get3A_1142 = arith.constant 1 : i32
        %get3A_1143 = arith.index_cast %get3A_1142 : i32 to index
        %get3A_1144 = arith.index_cast %add3A_1141 : i32 to index
        %get3A_1145 = arith.constant 16 : index
        %get3A_1146 = tpu.vector_load %arg9[%get3A_1143, %get3A_1144, %get3A_1145] {strides = array<i32>} : memref<2x512x64xi32, #tpu.memory_space<vmem>>, vector<1x1x16xi32>,
        %get3A_1147 = vector.shape_cast %get3A_1146 : vector<1x1x16xi32> to vector<16xi32>
        %shift_left3A_1148 = arith.constant 16 : i32
        %shift_left3A_1149 = vector.broadcast %shift_left3A_1148 : i32 to vector<16xi32>
        %shift_left3A_1150 = arith.shli %get3A_1147, %shift_left3A_1149 : vector<16xi32>
        %bitcast_convert_type3A_1151 = tpu.bitcast %shift_left3A_1150 : vector<16xi32> -> vector<16xf32>
        %and3A_1152 = arith.constant -65536 : i32
        %and3A_1153 = vector.broadcast %and3A_1152 : i32 to vector<16xi32>
        %and3A_1154 = arith.andi %get3A_1147, %and3A_1153 : vector<16xi32>
        %bitcast_convert_type3A_1155 = tpu.bitcast %and3A_1154 : vector<16xi32> -> vector<16xf32>
        %mul3A_1156 = arith.mulf %bitcast_convert_type3A_1151, %mul3A_1121 : vector<16xf32>
        %mul3A_1157 = arith.mulf %bitcast_convert_type3A_1155, %mul3A_1121 : vector<16xf32>
        %add3A_1158 = arith.constant 0 : i32
        %add3A_1159 = arith.addi %add3A_1115, %add3A_1158 : i32
        %get3A_1160 = arith.constant 1 : i32
        %get3A_1161 = arith.index_cast %get3A_1160 : i32 to index
        %get3A_1162 = arith.index_cast %add3A_1159 : i32 to index
        %get3A_1163 = arith.constant 32 : index
        %get3A_1164 = tpu.vector_load %arg9[%get3A_1161, %get3A_1162, %get3A_1163] {strides = array<i32>} : memref<2x512x64xi32, #tpu.memory_space<vmem>>, vector<1x1x16xi32>,
        %get3A_1165 = vector.shape_cast %get3A_1164 : vector<1x1x16xi32> to vector<16xi32>
        %shift_left3A_1166 = arith.constant 16 : i32
        %shift_left3A_1167 = vector.broadcast %shift_left3A_1166 : i32 to vector<16xi32>
        %shift_left3A_1168 = arith.shli %get3A_1165, %shift_left3A_1167 : vector<16xi32>
        %bitcast_convert_type3A_1169 = tpu.bitcast %shift_left3A_1168 : vector<16xi32> -> vector<16xf32>
        %and3A_1170 = arith.constant -65536 : i32
        %and3A_1171 = vector.broadcast %and3A_1170 : i32 to vector<16xi32>
        %and3A_1172 = arith.andi %get3A_1165, %and3A_1171 : vector<16xi32>
        %bitcast_convert_type3A_1173 = tpu.bitcast %and3A_1172 : vector<16xi32> -> vector<16xf32>
        %mul3A_1174 = arith.mulf %bitcast_convert_type3A_1169, %mul3A_1121 : vector<16xf32>
        %mul3A_1175 = arith.mulf %bitcast_convert_type3A_1173, %mul3A_1121 : vector<16xf32>
        %add3A_1176 = arith.constant 0 : i32
        %add3A_1177 = arith.addi %add3A_1115, %add3A_1176 : i32
        %get3A_1178 = arith.constant 1 : i32
        %get3A_1179 = arith.index_cast %get3A_1178 : i32 to index
        %get3A_1180 = arith.index_cast %add3A_1177 : i32 to index
        %get3A_1181 = arith.constant 48 : index
        %get3A_1182 = tpu.vector_load %arg9[%get3A_1179, %get3A_1180, %get3A_1181] {strides = array<i32>} : memref<2x512x64xi32, #tpu.memory_space<vmem>>, vector<1x1x16xi32>,
        %get3A_1183 = vector.shape_cast %get3A_1182 : vector<1x1x16xi32> to vector<16xi32>
        %shift_left3A_1184 = arith.constant 16 : i32
        %shift_left3A_1185 = vector.broadcast %shift_left3A_1184 : i32 to vector<16xi32>
        %shift_left3A_1186 = arith.shli %get3A_1183, %shift_left3A_1185 : vector<16xi32>
        %bitcast_convert_type3A_1187 = tpu.bitcast %shift_left3A_1186 : vector<16xi32> -> vector<16xf32>
        %and3A_1188 = arith.constant -65536 : i32
        %and3A_1189 = vector.broadcast %and3A_1188 : i32 to vector<16xi32>
        %and3A_1190 = arith.andi %get3A_1183, %and3A_1189 : vector<16xi32>
        %bitcast_convert_type3A_1191 = tpu.bitcast %and3A_1190 : vector<16xi32> -> vector<16xf32>
        %mul3A_1192 = arith.mulf %bitcast_convert_type3A_1187, %mul3A_1121 : vector<16xf32>
        %mul3A_1193 = arith.mulf %bitcast_convert_type3A_1191, %mul3A_1121 : vector<16xf32>
        %slice3A_1194 = vector.extract_strided_slice %get3A_373 {offsets = [9], sizes = [1], strides = [1]} : vector<16xf32> to vector<1xf32>
        %squeeze3A_1195 = vector.extract %slice3A_1194[0] : f32 from vector<1xf32>
        %broadcast_in_dim3A_1196 = vector.broadcast %squeeze3A_1195 : f32 to vector<16xf32>
        %mul3A_1197 = arith.constant 1.250000e-01 : f32
        %mul3A_1198 = vector.broadcast %mul3A_1197 : f32 to vector<16xf32>
        %mul3A_1199 = arith.mulf %broadcast_in_dim3A_1196, %mul3A_1198 : vector<16xf32>
        %add3A_1200 = arith.constant 1 : i32
        %add3A_1201 = arith.addi %add3A_1115, %add3A_1200 : i32
        %get3A_1202 = arith.constant 1 : i32
        %get3A_1203 = arith.index_cast %get3A_1202 : i32 to index
        %get3A_1204 = arith.index_cast %add3A_1201 : i32 to index
        %get3A_1205 = arith.constant 0 : index
        %get3A_1206 = tpu.vector_load %arg9[%get3A_1203, %get3A_1204, %get3A_1205] {strides = array<i32>} : memref<2x512x64xi32, #tpu.memory_space<vmem>>, vector<1x1x16xi32>,
        %get3A_1207 = vector.shape_cast %get3A_1206 : vector<1x1x16xi32> to vector<16xi32>
        %shift_left3A_1208 = arith.constant 16 : i32
        %shift_left3A_1209 = vector.broadcast %shift_left3A_1208 : i32 to vector<16xi32>
        %shift_left3A_1210 = arith.shli %get3A_1207, %shift_left3A_1209 : vector<16xi32>
        %bitcast_convert_type3A_1211 = tpu.bitcast %shift_left3A_1210 : vector<16xi32> -> vector<16xf32>
        %and3A_1212 = arith.constant -65536 : i32
        %and3A_1213 = vector.broadcast %and3A_1212 : i32 to vector<16xi32>
        %and3A_1214 = arith.andi %get3A_1207, %and3A_1213 : vector<16xi32>
        %bitcast_convert_type3A_1215 = tpu.bitcast %and3A_1214 : vector<16xi32> -> vector<16xf32>
        %mul3A_1216 = arith.mulf %bitcast_convert_type3A_1211, %mul3A_1199 : vector<16xf32>
        %add3A_1217 = arith.addf %mul3A_1138, %mul3A_1216 : vector<16xf32>
        %mul3A_1218 = arith.mulf %bitcast_convert_type3A_1215, %mul3A_1199 : vector<16xf32>
        %add3A_1219 = arith.addf %mul3A_1139, %mul3A_1218 : vector<16xf32>
        %add3A_1220 = arith.constant 1 : i32
        %add3A_1221 = arith.addi %add3A_1115, %add3A_1220 : i32
        %get3A_1222 = arith.constant 1 : i32
        %get3A_1223 = arith.index_cast %get3A_1222 : i32 to index
        %get3A_1224 = arith.index_cast %add3A_1221 : i32 to index
        %get3A_1225 = arith.constant 16 : index
        %get3A_1226 = tpu.vector_load %arg9[%get3A_1223, %get3A_1224, %get3A_1225] {strides = array<i32>} : memref<2x512x64xi32, #tpu.memory_space<vmem>>, vector<1x1x16xi32>,
        %get3A_1227 = vector.shape_cast %get3A_1226 : vector<1x1x16xi32> to vector<16xi32>
        %shift_left3A_1228 = arith.constant 16 : i32
        %shift_left3A_1229 = vector.broadcast %shift_left3A_1228 : i32 to vector<16xi32>
        %shift_left3A_1230 = arith.shli %get3A_1227, %shift_left3A_1229 : vector<16xi32>
        %bitcast_convert_type3A_1231 = tpu.bitcast %shift_left3A_1230 : vector<16xi32> -> vector<16xf32>
        %and3A_1232 = arith.constant -65536 : i32
        %and3A_1233 = vector.broadcast %and3A_1232 : i32 to vector<16xi32>
        %and3A_1234 = arith.andi %get3A_1227, %and3A_1233 : vector<16xi32>
        %bitcast_convert_type3A_1235 = tpu.bitcast %and3A_1234 : vector<16xi32> -> vector<16xf32>
        %mul3A_1236 = arith.mulf %bitcast_convert_type3A_1231, %mul3A_1199 : vector<16xf32>
        %add3A_1237 = arith.addf %mul3A_1156, %mul3A_1236 : vector<16xf32>
        %mul3A_1238 = arith.mulf %bitcast_convert_type3A_1235, %mul3A_1199 : vector<16xf32>
        %add3A_1239 = arith.addf %mul3A_1157, %mul3A_1238 : vector<16xf32>
        %add3A_1240 = arith.constant 1 : i32
        %add3A_1241 = arith.addi %add3A_1115, %add3A_1240 : i32
        %get3A_1242 = arith.constant 1 : i32
        %get3A_1243 = arith.index_cast %get3A_1242 : i32 to index
        %get3A_1244 = arith.index_cast %add3A_1241 : i32 to index
        %get3A_1245 = arith.constant 32 : index
        %get3A_1246 = tpu.vector_load %arg9[%get3A_1243, %get3A_1244, %get3A_1245] {strides = array<i32>} : memref<2x512x64xi32, #tpu.memory_space<vmem>>, vector<1x1x16xi32>,
        %get3A_1247 = vector.shape_cast %get3A_1246 : vector<1x1x16xi32> to vector<16xi32>
        %shift_left3A_1248 = arith.constant 16 : i32
        %shift_left3A_1249 = vector.broadcast %shift_left3A_1248 : i32 to vector<16xi32>
        %shift_left3A_1250 = arith.shli %get3A_1247, %shift_left3A_1249 : vector<16xi32>
        %bitcast_convert_type3A_1251 = tpu.bitcast %shift_left3A_1250 : vector<16xi32> -> vector<16xf32>
        %and3A_1252 = arith.constant -65536 : i32
        %and3A_1253 = vector.broadcast %and3A_1252 : i32 to vector<16xi32>
        %and3A_1254 = arith.andi %get3A_1247, %and3A_1253 : vector<16xi32>
        %bitcast_convert_type3A_1255 = tpu.bitcast %and3A_1254 : vector<16xi32> -> vector<16xf32>
        %mul3A_1256 = arith.mulf %bitcast_convert_type3A_1251, %mul3A_1199 : vector<16xf32>
        %add3A_1257 = arith.addf %mul3A_1174, %mul3A_1256 : vector<16xf32>
        %mul3A_1258 = arith.mulf %bitcast_convert_type3A_1255, %mul3A_1199 : vector<16xf32>
        %add3A_1259 = arith.addf %mul3A_1175, %mul3A_1258 : vector<16xf32>
        %add3A_1260 = arith.constant 1 : i32
        %add3A_1261 = arith.addi %add3A_1115, %add3A_1260 : i32
        %get3A_1262 = arith.constant 1 : i32
        %get3A_1263 = arith.index_cast %get3A_1262 : i32 to index
        %get3A_1264 = arith.index_cast %add3A_1261 : i32 to index
        %get3A_1265 = arith.constant 48 : index
        %get3A_1266 = tpu.vector_load %arg9[%get3A_1263, %get3A_1264, %get3A_1265] {strides = array<i32>} : memref<2x512x64xi32, #tpu.memory_space<vmem>>, vector<1x1x16xi32>,
        %get3A_1267 = vector.shape_cast %get3A_1266 : vector<1x1x16xi32> to vector<16xi32>
        %shift_left3A_1268 = arith.constant 16 : i32
        %shift_left3A_1269 = vector.broadcast %shift_left3A_1268 : i32 to vector<16xi32>
        %shift_left3A_1270 = arith.shli %get3A_1267, %shift_left3A_1269 : vector<16xi32>
        %bitcast_convert_type3A_1271 = tpu.bitcast %shift_left3A_1270 : vector<16xi32> -> vector<16xf32>
        %and3A_1272 = arith.constant -65536 : i32
        %and3A_1273 = vector.broadcast %and3A_1272 : i32 to vector<16xi32>
        %and3A_1274 = arith.andi %get3A_1267, %and3A_1273 : vector<16xi32>
        %bitcast_convert_type3A_1275 = tpu.bitcast %and3A_1274 : vector<16xi32> -> vector<16xf32>
        %mul3A_1276 = arith.mulf %bitcast_convert_type3A_1271, %mul3A_1199 : vector<16xf32>
        %add3A_1277 = arith.addf %mul3A_1192, %mul3A_1276 : vector<16xf32>
        %mul3A_1278 = arith.mulf %bitcast_convert_type3A_1275, %mul3A_1199 : vector<16xf32>
        %add3A_1279 = arith.addf %mul3A_1193, %mul3A_1278 : vector<16xf32>
        %slice3A_1280 = vector.extract_strided_slice %get3A_373 {offsets = [10], sizes = [1], strides = [1]} : vector<16xf32> to vector<1xf32>
        %squeeze3A_1281 = vector.extract %slice3A_1280[0] : f32 from vector<1xf32>
        %broadcast_in_dim3A_1282 = vector.broadcast %squeeze3A_1281 : f32 to vector<16xf32>
        %mul3A_1283 = arith.constant 1.250000e-01 : f32
        %mul3A_1284 = vector.broadcast %mul3A_1283 : f32 to vector<16xf32>
        %mul3A_1285 = arith.mulf %broadcast_in_dim3A_1282, %mul3A_1284 : vector<16xf32>
        %add3A_1286 = arith.constant 2 : i32
        %add3A_1287 = arith.addi %add3A_1115, %add3A_1286 : i32
        %get3A_1288 = arith.constant 1 : i32
        %get3A_1289 = arith.index_cast %get3A_1288 : i32 to index
        %get3A_1290 = arith.index_cast %add3A_1287 : i32 to index
        %get3A_1291 = arith.constant 0 : index
        %get3A_1292 = tpu.vector_load %arg9[%get3A_1289, %get3A_1290, %get3A_1291] {strides = array<i32>} : memref<2x512x64xi32, #tpu.memory_space<vmem>>, vector<1x1x16xi32>,
        %get3A_1293 = vector.shape_cast %get3A_1292 : vector<1x1x16xi32> to vector<16xi32>
        %shift_left3A_1294 = arith.constant 16 : i32
        %shift_left3A_1295 = vector.broadcast %shift_left3A_1294 : i32 to vector<16xi32>
        %shift_left3A_1296 = arith.shli %get3A_1293, %shift_left3A_1295 : vector<16xi32>
        %bitcast_convert_type3A_1297 = tpu.bitcast %shift_left3A_1296 : vector<16xi32> -> vector<16xf32>
        %and3A_1298 = arith.constant -65536 : i32
        %and3A_1299 = vector.broadcast %and3A_1298 : i32 to vector<16xi32>
        %and3A_1300 = arith.andi %get3A_1293, %and3A_1299 : vector<16xi32>
        %bitcast_convert_type3A_1301 = tpu.bitcast %and3A_1300 : vector<16xi32> -> vector<16xf32>
        %mul3A_1302 = arith.mulf %bitcast_convert_type3A_1297, %mul3A_1285 : vector<16xf32>
        %add3A_1303 = arith.addf %add3A_1217, %mul3A_1302 : vector<16xf32>
        %mul3A_1304 = arith.mulf %bitcast_convert_type3A_1301, %mul3A_1285 : vector<16xf32>
        %add3A_1305 = arith.addf %add3A_1219, %mul3A_1304 : vector<16xf32>
        %add3A_1306 = arith.constant 2 : i32
        %add3A_1307 = arith.addi %add3A_1115, %add3A_1306 : i32
        %get3A_1308 = arith.constant 1 : i32
        %get3A_1309 = arith.index_cast %get3A_1308 : i32 to index
        %get3A_1310 = arith.index_cast %add3A_1307 : i32 to index
        %get3A_1311 = arith.constant 16 : index
        %get3A_1312 = tpu.vector_load %arg9[%get3A_1309, %get3A_1310, %get3A_1311] {strides = array<i32>} : memref<2x512x64xi32, #tpu.memory_space<vmem>>, vector<1x1x16xi32>,
        %get3A_1313 = vector.shape_cast %get3A_1312 : vector<1x1x16xi32> to vector<16xi32>
        %shift_left3A_1314 = arith.constant 16 : i32
        %shift_left3A_1315 = vector.broadcast %shift_left3A_1314 : i32 to vector<16xi32>
        %shift_left3A_1316 = arith.shli %get3A_1313, %shift_left3A_1315 : vector<16xi32>
        %bitcast_convert_type3A_1317 = tpu.bitcast %shift_left3A_1316 : vector<16xi32> -> vector<16xf32>
        %and3A_1318 = arith.constant -65536 : i32
        %and3A_1319 = vector.broadcast %and3A_1318 : i32 to vector<16xi32>
        %and3A_1320 = arith.andi %get3A_1313, %and3A_1319 : vector<16xi32>
        %bitcast_convert_type3A_1321 = tpu.bitcast %and3A_1320 : vector<16xi32> -> vector<16xf32>
        %mul3A_1322 = arith.mulf %bitcast_convert_type3A_1317, %mul3A_1285 : vector<16xf32>
        %add3A_1323 = arith.addf %add3A_1237, %mul3A_1322 : vector<16xf32>
        %mul3A_1324 = arith.mulf %bitcast_convert_type3A_1321, %mul3A_1285 : vector<16xf32>
        %add3A_1325 = arith.addf %add3A_1239, %mul3A_1324 : vector<16xf32>
        %add3A_1326 = arith.constant 2 : i32
        %add3A_1327 = arith.addi %add3A_1115, %add3A_1326 : i32
        %get3A_1328 = arith.constant 1 : i32
        %get3A_1329 = arith.index_cast %get3A_1328 : i32 to index
        %get3A_1330 = arith.index_cast %add3A_1327 : i32 to index
        %get3A_1331 = arith.constant 32 : index
        %get3A_1332 = tpu.vector_load %arg9[%get3A_1329, %get3A_1330, %get3A_1331] {strides = array<i32>} : memref<2x512x64xi32, #tpu.memory_space<vmem>>, vector<1x1x16xi32>,
        %get3A_1333 = vector.shape_cast %get3A_1332 : vector<1x1x16xi32> to vector<16xi32>
        %shift_left3A_1334 = arith.constant 16 : i32
        %shift_left3A_1335 = vector.broadcast %shift_left3A_1334 : i32 to vector<16xi32>
        %shift_left3A_1336 = arith.shli %get3A_1333, %shift_left3A_1335 : vector<16xi32>
        %bitcast_convert_type3A_1337 = tpu.bitcast %shift_left3A_1336 : vector<16xi32> -> vector<16xf32>
        %and3A_1338 = arith.constant -65536 : i32
        %and3A_1339 = vector.broadcast %and3A_1338 : i32 to vector<16xi32>
        %and3A_1340 = arith.andi %get3A_1333, %and3A_1339 : vector<16xi32>
        %bitcast_convert_type3A_1341 = tpu.bitcast %and3A_1340 : vector<16xi32> -> vector<16xf32>
        %mul3A_1342 = arith.mulf %bitcast_convert_type3A_1337, %mul3A_1285 : vector<16xf32>
        %add3A_1343 = arith.addf %add3A_1257, %mul3A_1342 : vector<16xf32>
        %mul3A_1344 = arith.mulf %bitcast_convert_type3A_1341, %mul3A_1285 : vector<16xf32>
        %add3A_1345 = arith.addf %add3A_1259, %mul3A_1344 : vector<16xf32>
        %add3A_1346 = arith.constant 2 : i32
        %add3A_1347 = arith.addi %add3A_1115, %add3A_1346 : i32
        %get3A_1348 = arith.constant 1 : i32
        %get3A_1349 = arith.index_cast %get3A_1348 : i32 to index
        %get3A_1350 = arith.index_cast %add3A_1347 : i32 to index
        %get3A_1351 = arith.constant 48 : index
        %get3A_1352 = tpu.vector_load %arg9[%get3A_1349, %get3A_1350, %get3A_1351] {strides = array<i32>} : memref<2x512x64xi32, #tpu.memory_space<vmem>>, vector<1x1x16xi32>,
        %get3A_1353 = vector.shape_cast %get3A_1352 : vector<1x1x16xi32> to vector<16xi32>
        %shift_left3A_1354 = arith.constant 16 : i32
        %shift_left3A_1355 = vector.broadcast %shift_left3A_1354 : i32 to vector<16xi32>
        %shift_left3A_1356 = arith.shli %get3A_1353, %shift_left3A_1355 : vector<16xi32>
        %bitcast_convert_type3A_1357 = tpu.bitcast %shift_left3A_1356 : vector<16xi32> -> vector<16xf32>
        %and3A_1358 = arith.constant -65536 : i32
        %and3A_1359 = vector.broadcast %and3A_1358 : i32 to vector<16xi32>
        %and3A_1360 = arith.andi %get3A_1353, %and3A_1359 : vector<16xi32>
        %bitcast_convert_type3A_1361 = tpu.bitcast %and3A_1360 : vector<16xi32> -> vector<16xf32>
        %mul3A_1362 = arith.mulf %bitcast_convert_type3A_1357, %mul3A_1285 : vector<16xf32>
        %add3A_1363 = arith.addf %add3A_1277, %mul3A_1362 : vector<16xf32>
        %mul3A_1364 = arith.mulf %bitcast_convert_type3A_1361, %mul3A_1285 : vector<16xf32>
        %add3A_1365 = arith.addf %add3A_1279, %mul3A_1364 : vector<16xf32>
        %slice3A_1366 = vector.extract_strided_slice %get3A_373 {offsets = [11], sizes = [1], strides = [1]} : vector<16xf32> to vector<1xf32>
        %squeeze3A_1367 = vector.extract %slice3A_1366[0] : f32 from vector<1xf32>
        %broadcast_in_dim3A_1368 = vector.broadcast %squeeze3A_1367 : f32 to vector<16xf32>
        %mul3A_1369 = arith.constant 1.250000e-01 : f32
        %mul3A_1370 = vector.broadcast %mul3A_1369 : f32 to vector<16xf32>
        %mul3A_1371 = arith.mulf %broadcast_in_dim3A_1368, %mul3A_1370 : vector<16xf32>
        %add3A_1372 = arith.constant 3 : i32
        %add3A_1373 = arith.addi %add3A_1115, %add3A_1372 : i32
        %get3A_1374 = arith.constant 1 : i32
        %get3A_1375 = arith.index_cast %get3A_1374 : i32 to index
        %get3A_1376 = arith.index_cast %add3A_1373 : i32 to index
        %get3A_1377 = arith.constant 0 : index
        %get3A_1378 = tpu.vector_load %arg9[%get3A_1375, %get3A_1376, %get3A_1377] {strides = array<i32>} : memref<2x512x64xi32, #tpu.memory_space<vmem>>, vector<1x1x16xi32>,
        %get3A_1379 = vector.shape_cast %get3A_1378 : vector<1x1x16xi32> to vector<16xi32>
        %shift_left3A_1380 = arith.constant 16 : i32
        %shift_left3A_1381 = vector.broadcast %shift_left3A_1380 : i32 to vector<16xi32>
        %shift_left3A_1382 = arith.shli %get3A_1379, %shift_left3A_1381 : vector<16xi32>
        %bitcast_convert_type3A_1383 = tpu.bitcast %shift_left3A_1382 : vector<16xi32> -> vector<16xf32>
        %and3A_1384 = arith.constant -65536 : i32
        %and3A_1385 = vector.broadcast %and3A_1384 : i32 to vector<16xi32>
        %and3A_1386 = arith.andi %get3A_1379, %and3A_1385 : vector<16xi32>
        %bitcast_convert_type3A_1387 = tpu.bitcast %and3A_1386 : vector<16xi32> -> vector<16xf32>
        %mul3A_1388 = arith.mulf %bitcast_convert_type3A_1383, %mul3A_1371 : vector<16xf32>
        %add3A_1389 = arith.addf %add3A_1303, %mul3A_1388 : vector<16xf32>
        %mul3A_1390 = arith.mulf %bitcast_convert_type3A_1387, %mul3A_1371 : vector<16xf32>
        %add3A_1391 = arith.addf %add3A_1305, %mul3A_1390 : vector<16xf32>
        %add3A_1392 = arith.constant 3 : i32
        %add3A_1393 = arith.addi %add3A_1115, %add3A_1392 : i32
        %get3A_1394 = arith.constant 1 : i32
        %get3A_1395 = arith.index_cast %get3A_1394 : i32 to index
        %get3A_1396 = arith.index_cast %add3A_1393 : i32 to index
        %get3A_1397 = arith.constant 16 : index
        %get3A_1398 = tpu.vector_load %arg9[%get3A_1395, %get3A_1396, %get3A_1397] {strides = array<i32>} : memref<2x512x64xi32, #tpu.memory_space<vmem>>, vector<1x1x16xi32>,
        %get3A_1399 = vector.shape_cast %get3A_1398 : vector<1x1x16xi32> to vector<16xi32>
        %shift_left3A_1400 = arith.constant 16 : i32
        %shift_left3A_1401 = vector.broadcast %shift_left3A_1400 : i32 to vector<16xi32>
        %shift_left3A_1402 = arith.shli %get3A_1399, %shift_left3A_1401 : vector<16xi32>
        %bitcast_convert_type3A_1403 = tpu.bitcast %shift_left3A_1402 : vector<16xi32> -> vector<16xf32>
        %and3A_1404 = arith.constant -65536 : i32
        %and3A_1405 = vector.broadcast %and3A_1404 : i32 to vector<16xi32>
        %and3A_1406 = arith.andi %get3A_1399, %and3A_1405 : vector<16xi32>
        %bitcast_convert_type3A_1407 = tpu.bitcast %and3A_1406 : vector<16xi32> -> vector<16xf32>
        %mul3A_1408 = arith.mulf %bitcast_convert_type3A_1403, %mul3A_1371 : vector<16xf32>
        %add3A_1409 = arith.addf %add3A_1323, %mul3A_1408 : vector<16xf32>
        %mul3A_1410 = arith.mulf %bitcast_convert_type3A_1407, %mul3A_1371 : vector<16xf32>
        %add3A_1411 = arith.addf %add3A_1325, %mul3A_1410 : vector<16xf32>
        %add3A_1412 = arith.constant 3 : i32
        %add3A_1413 = arith.addi %add3A_1115, %add3A_1412 : i32
        %get3A_1414 = arith.constant 1 : i32
        %get3A_1415 = arith.index_cast %get3A_1414 : i32 to index
        %get3A_1416 = arith.index_cast %add3A_1413 : i32 to index
        %get3A_1417 = arith.constant 32 : index
        %get3A_1418 = tpu.vector_load %arg9[%get3A_1415, %get3A_1416, %get3A_1417] {strides = array<i32>} : memref<2x512x64xi32, #tpu.memory_space<vmem>>, vector<1x1x16xi32>,
        %get3A_1419 = vector.shape_cast %get3A_1418 : vector<1x1x16xi32> to vector<16xi32>
        %shift_left3A_1420 = arith.constant 16 : i32
        %shift_left3A_1421 = vector.broadcast %shift_left3A_1420 : i32 to vector<16xi32>
        %shift_left3A_1422 = arith.shli %get3A_1419, %shift_left3A_1421 : vector<16xi32>
        %bitcast_convert_type3A_1423 = tpu.bitcast %shift_left3A_1422 : vector<16xi32> -> vector<16xf32>
        %and3A_1424 = arith.constant -65536 : i32
        %and3A_1425 = vector.broadcast %and3A_1424 : i32 to vector<16xi32>
        %and3A_1426 = arith.andi %get3A_1419, %and3A_1425 : vector<16xi32>
        %bitcast_convert_type3A_1427 = tpu.bitcast %and3A_1426 : vector<16xi32> -> vector<16xf32>
        %mul3A_1428 = arith.mulf %bitcast_convert_type3A_1423, %mul3A_1371 : vector<16xf32>
        %add3A_1429 = arith.addf %add3A_1343, %mul3A_1428 : vector<16xf32>
        %mul3A_1430 = arith.mulf %bitcast_convert_type3A_1427, %mul3A_1371 : vector<16xf32>
        %add3A_1431 = arith.addf %add3A_1345, %mul3A_1430 : vector<16xf32>
        %add3A_1432 = arith.constant 3 : i32
        %add3A_1433 = arith.addi %add3A_1115, %add3A_1432 : i32
        %get3A_1434 = arith.constant 1 : i32
        %get3A_1435 = arith.index_cast %get3A_1434 : i32 to index
        %get3A_1436 = arith.index_cast %add3A_1433 : i32 to index
        %get3A_1437 = arith.constant 48 : index
        %get3A_1438 = tpu.vector_load %arg9[%get3A_1435, %get3A_1436, %get3A_1437] {strides = array<i32>} : memref<2x512x64xi32, #tpu.memory_space<vmem>>, vector<1x1x16xi32>,
        %get3A_1439 = vector.shape_cast %get3A_1438 : vector<1x1x16xi32> to vector<16xi32>
        %shift_left3A_1440 = arith.constant 16 : i32
        %shift_left3A_1441 = vector.broadcast %shift_left3A_1440 : i32 to vector<16xi32>
        %shift_left3A_1442 = arith.shli %get3A_1439, %shift_left3A_1441 : vector<16xi32>
        %bitcast_convert_type3A_1443 = tpu.bitcast %shift_left3A_1442 : vector<16xi32> -> vector<16xf32>
        %and3A_1444 = arith.constant -65536 : i32
        %and3A_1445 = vector.broadcast %and3A_1444 : i32 to vector<16xi32>
        %and3A_1446 = arith.andi %get3A_1439, %and3A_1445 : vector<16xi32>
        %bitcast_convert_type3A_1447 = tpu.bitcast %and3A_1446 : vector<16xi32> -> vector<16xf32>
        %mul3A_1448 = arith.mulf %bitcast_convert_type3A_1443, %mul3A_1371 : vector<16xf32>
        %add3A_1449 = arith.addf %add3A_1363, %mul3A_1448 : vector<16xf32>
        %mul3A_1450 = arith.mulf %bitcast_convert_type3A_1447, %mul3A_1371 : vector<16xf32>
        %add3A_1451 = arith.addf %add3A_1365, %mul3A_1450 : vector<16xf32>
        %slice3A_1452 = vector.extract_strided_slice %get3A_373 {offsets = [12], sizes = [1], strides = [1]} : vector<16xf32> to vector<1xf32>
        %squeeze3A_1453 = vector.extract %slice3A_1452[0] : f32 from vector<1xf32>
        %broadcast_in_dim3A_1454 = vector.broadcast %squeeze3A_1453 : f32 to vector<16xf32>
        %mul3A_1455 = arith.constant 1.250000e-01 : f32
        %mul3A_1456 = vector.broadcast %mul3A_1455 : f32 to vector<16xf32>
        %mul3A_1457 = arith.mulf %broadcast_in_dim3A_1454, %mul3A_1456 : vector<16xf32>
        %add3A_1458 = arith.constant 4 : i32
        %add3A_1459 = arith.addi %add3A_1115, %add3A_1458 : i32
        %get3A_1460 = arith.constant 1 : i32
        %get3A_1461 = arith.index_cast %get3A_1460 : i32 to index
        %get3A_1462 = arith.index_cast %add3A_1459 : i32 to index
        %get3A_1463 = arith.constant 0 : index
        %get3A_1464 = tpu.vector_load %arg9[%get3A_1461, %get3A_1462, %get3A_1463] {strides = array<i32>} : memref<2x512x64xi32, #tpu.memory_space<vmem>>, vector<1x1x16xi32>,
        %get3A_1465 = vector.shape_cast %get3A_1464 : vector<1x1x16xi32> to vector<16xi32>
        %shift_left3A_1466 = arith.constant 16 : i32
        %shift_left3A_1467 = vector.broadcast %shift_left3A_1466 : i32 to vector<16xi32>
        %shift_left3A_1468 = arith.shli %get3A_1465, %shift_left3A_1467 : vector<16xi32>
        %bitcast_convert_type3A_1469 = tpu.bitcast %shift_left3A_1468 : vector<16xi32> -> vector<16xf32>
        %and3A_1470 = arith.constant -65536 : i32
        %and3A_1471 = vector.broadcast %and3A_1470 : i32 to vector<16xi32>
        %and3A_1472 = arith.andi %get3A_1465, %and3A_1471 : vector<16xi32>
        %bitcast_convert_type3A_1473 = tpu.bitcast %and3A_1472 : vector<16xi32> -> vector<16xf32>
        %mul3A_1474 = arith.mulf %bitcast_convert_type3A_1469, %mul3A_1457 : vector<16xf32>
        %add3A_1475 = arith.addf %add3A_1389, %mul3A_1474 : vector<16xf32>
        %mul3A_1476 = arith.mulf %bitcast_convert_type3A_1473, %mul3A_1457 : vector<16xf32>
        %add3A_1477 = arith.addf %add3A_1391, %mul3A_1476 : vector<16xf32>
        %add3A_1478 = arith.constant 4 : i32
        %add3A_1479 = arith.addi %add3A_1115, %add3A_1478 : i32
        %get3A_1480 = arith.constant 1 : i32
        %get3A_1481 = arith.index_cast %get3A_1480 : i32 to index
        %get3A_1482 = arith.index_cast %add3A_1479 : i32 to index
        %get3A_1483 = arith.constant 16 : index
        %get3A_1484 = tpu.vector_load %arg9[%get3A_1481, %get3A_1482, %get3A_1483] {strides = array<i32>} : memref<2x512x64xi32, #tpu.memory_space<vmem>>, vector<1x1x16xi32>,
        %get3A_1485 = vector.shape_cast %get3A_1484 : vector<1x1x16xi32> to vector<16xi32>
        %shift_left3A_1486 = arith.constant 16 : i32
        %shift_left3A_1487 = vector.broadcast %shift_left3A_1486 : i32 to vector<16xi32>
        %shift_left3A_1488 = arith.shli %get3A_1485, %shift_left3A_1487 : vector<16xi32>
        %bitcast_convert_type3A_1489 = tpu.bitcast %shift_left3A_1488 : vector<16xi32> -> vector<16xf32>
        %and3A_1490 = arith.constant -65536 : i32
        %and3A_1491 = vector.broadcast %and3A_1490 : i32 to vector<16xi32>
        %and3A_1492 = arith.andi %get3A_1485, %and3A_1491 : vector<16xi32>
        %bitcast_convert_type3A_1493 = tpu.bitcast %and3A_1492 : vector<16xi32> -> vector<16xf32>
        %mul3A_1494 = arith.mulf %bitcast_convert_type3A_1489, %mul3A_1457 : vector<16xf32>
        %add3A_1495 = arith.addf %add3A_1409, %mul3A_1494 : vector<16xf32>
        %mul3A_1496 = arith.mulf %bitcast_convert_type3A_1493, %mul3A_1457 : vector<16xf32>
        %add3A_1497 = arith.addf %add3A_1411, %mul3A_1496 : vector<16xf32>
        %add3A_1498 = arith.constant 4 : i32
        %add3A_1499 = arith.addi %add3A_1115, %add3A_1498 : i32
        %get3A_1500 = arith.constant 1 : i32
        %get3A_1501 = arith.index_cast %get3A_1500 : i32 to index
        %get3A_1502 = arith.index_cast %add3A_1499 : i32 to index
        %get3A_1503 = arith.constant 32 : index
        %get3A_1504 = tpu.vector_load %arg9[%get3A_1501, %get3A_1502, %get3A_1503] {strides = array<i32>} : memref<2x512x64xi32, #tpu.memory_space<vmem>>, vector<1x1x16xi32>,
        %get3A_1505 = vector.shape_cast %get3A_1504 : vector<1x1x16xi32> to vector<16xi32>
        %shift_left3A_1506 = arith.constant 16 : i32
        %shift_left3A_1507 = vector.broadcast %shift_left3A_1506 : i32 to vector<16xi32>
        %shift_left3A_1508 = arith.shli %get3A_1505, %shift_left3A_1507 : vector<16xi32>
        %bitcast_convert_type3A_1509 = tpu.bitcast %shift_left3A_1508 : vector<16xi32> -> vector<16xf32>
        %and3A_1510 = arith.constant -65536 : i32
        %and3A_1511 = vector.broadcast %and3A_1510 : i32 to vector<16xi32>
        %and3A_1512 = arith.andi %get3A_1505, %and3A_1511 : vector<16xi32>
        %bitcast_convert_type3A_1513 = tpu.bitcast %and3A_1512 : vector<16xi32> -> vector<16xf32>
        %mul3A_1514 = arith.mulf %bitcast_convert_type3A_1509, %mul3A_1457 : vector<16xf32>
        %add3A_1515 = arith.addf %add3A_1429, %mul3A_1514 : vector<16xf32>
        %mul3A_1516 = arith.mulf %bitcast_convert_type3A_1513, %mul3A_1457 : vector<16xf32>
        %add3A_1517 = arith.addf %add3A_1431, %mul3A_1516 : vector<16xf32>
        %add3A_1518 = arith.constant 4 : i32
        %add3A_1519 = arith.addi %add3A_1115, %add3A_1518 : i32
        %get3A_1520 = arith.constant 1 : i32
        %get3A_1521 = arith.index_cast %get3A_1520 : i32 to index
        %get3A_1522 = arith.index_cast %add3A_1519 : i32 to index
        %get3A_1523 = arith.constant 48 : index
        %get3A_1524 = tpu.vector_load %arg9[%get3A_1521, %get3A_1522, %get3A_1523] {strides = array<i32>} : memref<2x512x64xi32, #tpu.memory_space<vmem>>, vector<1x1x16xi32>,
        %get3A_1525 = vector.shape_cast %get3A_1524 : vector<1x1x16xi32> to vector<16xi32>
        %shift_left3A_1526 = arith.constant 16 : i32
        %shift_left3A_1527 = vector.broadcast %shift_left3A_1526 : i32 to vector<16xi32>
        %shift_left3A_1528 = arith.shli %get3A_1525, %shift_left3A_1527 : vector<16xi32>
        %bitcast_convert_type3A_1529 = tpu.bitcast %shift_left3A_1528 : vector<16xi32> -> vector<16xf32>
        %and3A_1530 = arith.constant -65536 : i32
        %and3A_1531 = vector.broadcast %and3A_1530 : i32 to vector<16xi32>
        %and3A_1532 = arith.andi %get3A_1525, %and3A_1531 : vector<16xi32>
        %bitcast_convert_type3A_1533 = tpu.bitcast %and3A_1532 : vector<16xi32> -> vector<16xf32>
        %mul3A_1534 = arith.mulf %bitcast_convert_type3A_1529, %mul3A_1457 : vector<16xf32>
        %add3A_1535 = arith.addf %add3A_1449, %mul3A_1534 : vector<16xf32>
        %mul3A_1536 = arith.mulf %bitcast_convert_type3A_1533, %mul3A_1457 : vector<16xf32>
        %add3A_1537 = arith.addf %add3A_1451, %mul3A_1536 : vector<16xf32>
        %slice3A_1538 = vector.extract_strided_slice %get3A_373 {offsets = [13], sizes = [1], strides = [1]} : vector<16xf32> to vector<1xf32>
        %squeeze3A_1539 = vector.extract %slice3A_1538[0] : f32 from vector<1xf32>
        %broadcast_in_dim3A_1540 = vector.broadcast %squeeze3A_1539 : f32 to vector<16xf32>
        %mul3A_1541 = arith.constant 1.250000e-01 : f32
        %mul3A_1542 = vector.broadcast %mul3A_1541 : f32 to vector<16xf32>
        %mul3A_1543 = arith.mulf %broadcast_in_dim3A_1540, %mul3A_1542 : vector<16xf32>
        %add3A_1544 = arith.constant 5 : i32
        %add3A_1545 = arith.addi %add3A_1115, %add3A_1544 : i32
        %get3A_1546 = arith.constant 1 : i32
        %get3A_1547 = arith.index_cast %get3A_1546 : i32 to index
        %get3A_1548 = arith.index_cast %add3A_1545 : i32 to index
        %get3A_1549 = arith.constant 0 : index
        %get3A_1550 = tpu.vector_load %arg9[%get3A_1547, %get3A_1548, %get3A_1549] {strides = array<i32>} : memref<2x512x64xi32, #tpu.memory_space<vmem>>, vector<1x1x16xi32>,
        %get3A_1551 = vector.shape_cast %get3A_1550 : vector<1x1x16xi32> to vector<16xi32>
        %shift_left3A_1552 = arith.constant 16 : i32
        %shift_left3A_1553 = vector.broadcast %shift_left3A_1552 : i32 to vector<16xi32>
        %shift_left3A_1554 = arith.shli %get3A_1551, %shift_left3A_1553 : vector<16xi32>
        %bitcast_convert_type3A_1555 = tpu.bitcast %shift_left3A_1554 : vector<16xi32> -> vector<16xf32>
        %and3A_1556 = arith.constant -65536 : i32
        %and3A_1557 = vector.broadcast %and3A_1556 : i32 to vector<16xi32>
        %and3A_1558 = arith.andi %get3A_1551, %and3A_1557 : vector<16xi32>
        %bitcast_convert_type3A_1559 = tpu.bitcast %and3A_1558 : vector<16xi32> -> vector<16xf32>
        %mul3A_1560 = arith.mulf %bitcast_convert_type3A_1555, %mul3A_1543 : vector<16xf32>
        %add3A_1561 = arith.addf %add3A_1475, %mul3A_1560 : vector<16xf32>
        %mul3A_1562 = arith.mulf %bitcast_convert_type3A_1559, %mul3A_1543 : vector<16xf32>
        %add3A_1563 = arith.addf %add3A_1477, %mul3A_1562 : vector<16xf32>
        %add3A_1564 = arith.constant 5 : i32
        %add3A_1565 = arith.addi %add3A_1115, %add3A_1564 : i32
        %get3A_1566 = arith.constant 1 : i32
        %get3A_1567 = arith.index_cast %get3A_1566 : i32 to index
        %get3A_1568 = arith.index_cast %add3A_1565 : i32 to index
        %get3A_1569 = arith.constant 16 : index
        %get3A_1570 = tpu.vector_load %arg9[%get3A_1567, %get3A_1568, %get3A_1569] {strides = array<i32>} : memref<2x512x64xi32, #tpu.memory_space<vmem>>, vector<1x1x16xi32>,
        %get3A_1571 = vector.shape_cast %get3A_1570 : vector<1x1x16xi32> to vector<16xi32>
        %shift_left3A_1572 = arith.constant 16 : i32
        %shift_left3A_1573 = vector.broadcast %shift_left3A_1572 : i32 to vector<16xi32>
        %shift_left3A_1574 = arith.shli %get3A_1571, %shift_left3A_1573 : vector<16xi32>
        %bitcast_convert_type3A_1575 = tpu.bitcast %shift_left3A_1574 : vector<16xi32> -> vector<16xf32>
        %and3A_1576 = arith.constant -65536 : i32
        %and3A_1577 = vector.broadcast %and3A_1576 : i32 to vector<16xi32>
        %and3A_1578 = arith.andi %get3A_1571, %and3A_1577 : vector<16xi32>
        %bitcast_convert_type3A_1579 = tpu.bitcast %and3A_1578 : vector<16xi32> -> vector<16xf32>
        %mul3A_1580 = arith.mulf %bitcast_convert_type3A_1575, %mul3A_1543 : vector<16xf32>
        %add3A_1581 = arith.addf %add3A_1495, %mul3A_1580 : vector<16xf32>
        %mul3A_1582 = arith.mulf %bitcast_convert_type3A_1579, %mul3A_1543 : vector<16xf32>
        %add3A_1583 = arith.addf %add3A_1497, %mul3A_1582 : vector<16xf32>
        %add3A_1584 = arith.constant 5 : i32
        %add3A_1585 = arith.addi %add3A_1115, %add3A_1584 : i32
        %get3A_1586 = arith.constant 1 : i32
        %get3A_1587 = arith.index_cast %get3A_1586 : i32 to index
        %get3A_1588 = arith.index_cast %add3A_1585 : i32 to index
        %get3A_1589 = arith.constant 32 : index
        %get3A_1590 = tpu.vector_load %arg9[%get3A_1587, %get3A_1588, %get3A_1589] {strides = array<i32>} : memref<2x512x64xi32, #tpu.memory_space<vmem>>, vector<1x1x16xi32>,
        %get3A_1591 = vector.shape_cast %get3A_1590 : vector<1x1x16xi32> to vector<16xi32>
        %shift_left3A_1592 = arith.constant 16 : i32
        %shift_left3A_1593 = vector.broadcast %shift_left3A_1592 : i32 to vector<16xi32>
        %shift_left3A_1594 = arith.shli %get3A_1591, %shift_left3A_1593 : vector<16xi32>
        %bitcast_convert_type3A_1595 = tpu.bitcast %shift_left3A_1594 : vector<16xi32> -> vector<16xf32>
        %and3A_1596 = arith.constant -65536 : i32
        %and3A_1597 = vector.broadcast %and3A_1596 : i32 to vector<16xi32>
        %and3A_1598 = arith.andi %get3A_1591, %and3A_1597 : vector<16xi32>
        %bitcast_convert_type3A_1599 = tpu.bitcast %and3A_1598 : vector<16xi32> -> vector<16xf32>
        %mul3A_1600 = arith.mulf %bitcast_convert_type3A_1595, %mul3A_1543 : vector<16xf32>
        %add3A_1601 = arith.addf %add3A_1515, %mul3A_1600 : vector<16xf32>
        %mul3A_1602 = arith.mulf %bitcast_convert_type3A_1599, %mul3A_1543 : vector<16xf32>
        %add3A_1603 = arith.addf %add3A_1517, %mul3A_1602 : vector<16xf32>
        %add3A_1604 = arith.constant 5 : i32
        %add3A_1605 = arith.addi %add3A_1115, %add3A_1604 : i32
        %get3A_1606 = arith.constant 1 : i32
        %get3A_1607 = arith.index_cast %get3A_1606 : i32 to index
        %get3A_1608 = arith.index_cast %add3A_1605 : i32 to index
        %get3A_1609 = arith.constant 48 : index
        %get3A_1610 = tpu.vector_load %arg9[%get3A_1607, %get3A_1608, %get3A_1609] {strides = array<i32>} : memref<2x512x64xi32, #tpu.memory_space<vmem>>, vector<1x1x16xi32>,
        %get3A_1611 = vector.shape_cast %get3A_1610 : vector<1x1x16xi32> to vector<16xi32>
        %shift_left3A_1612 = arith.constant 16 : i32
        %shift_left3A_1613 = vector.broadcast %shift_left3A_1612 : i32 to vector<16xi32>
        %shift_left3A_1614 = arith.shli %get3A_1611, %shift_left3A_1613 : vector<16xi32>
        %bitcast_convert_type3A_1615 = tpu.bitcast %shift_left3A_1614 : vector<16xi32> -> vector<16xf32>
        %and3A_1616 = arith.constant -65536 : i32
        %and3A_1617 = vector.broadcast %and3A_1616 : i32 to vector<16xi32>
        %and3A_1618 = arith.andi %get3A_1611, %and3A_1617 : vector<16xi32>
        %bitcast_convert_type3A_1619 = tpu.bitcast %and3A_1618 : vector<16xi32> -> vector<16xf32>
        %mul3A_1620 = arith.mulf %bitcast_convert_type3A_1615, %mul3A_1543 : vector<16xf32>
        %add3A_1621 = arith.addf %add3A_1535, %mul3A_1620 : vector<16xf32>
        %mul3A_1622 = arith.mulf %bitcast_convert_type3A_1619, %mul3A_1543 : vector<16xf32>
        %add3A_1623 = arith.addf %add3A_1537, %mul3A_1622 : vector<16xf32>
        %slice3A_1624 = vector.extract_strided_slice %get3A_373 {offsets = [14], sizes = [1], strides = [1]} : vector<16xf32> to vector<1xf32>
        %squeeze3A_1625 = vector.extract %slice3A_1624[0] : f32 from vector<1xf32>
        %broadcast_in_dim3A_1626 = vector.broadcast %squeeze3A_1625 : f32 to vector<16xf32>
        %mul3A_1627 = arith.constant 1.250000e-01 : f32
        %mul3A_1628 = vector.broadcast %mul3A_1627 : f32 to vector<16xf32>
        %mul3A_1629 = arith.mulf %broadcast_in_dim3A_1626, %mul3A_1628 : vector<16xf32>
        %add3A_1630 = arith.constant 6 : i32
        %add3A_1631 = arith.addi %add3A_1115, %add3A_1630 : i32
        %get3A_1632 = arith.constant 1 : i32
        %get3A_1633 = arith.index_cast %get3A_1632 : i32 to index
        %get3A_1634 = arith.index_cast %add3A_1631 : i32 to index
        %get3A_1635 = arith.constant 0 : index
        %get3A_1636 = tpu.vector_load %arg9[%get3A_1633, %get3A_1634, %get3A_1635] {strides = array<i32>} : memref<2x512x64xi32, #tpu.memory_space<vmem>>, vector<1x1x16xi32>,
        %get3A_1637 = vector.shape_cast %get3A_1636 : vector<1x1x16xi32> to vector<16xi32>
        %shift_left3A_1638 = arith.constant 16 : i32
        %shift_left3A_1639 = vector.broadcast %shift_left3A_1638 : i32 to vector<16xi32>
        %shift_left3A_1640 = arith.shli %get3A_1637, %shift_left3A_1639 : vector<16xi32>
        %bitcast_convert_type3A_1641 = tpu.bitcast %shift_left3A_1640 : vector<16xi32> -> vector<16xf32>
        %and3A_1642 = arith.constant -65536 : i32
        %and3A_1643 = vector.broadcast %and3A_1642 : i32 to vector<16xi32>
        %and3A_1644 = arith.andi %get3A_1637, %and3A_1643 : vector<16xi32>
        %bitcast_convert_type3A_1645 = tpu.bitcast %and3A_1644 : vector<16xi32> -> vector<16xf32>
        %mul3A_1646 = arith.mulf %bitcast_convert_type3A_1641, %mul3A_1629 : vector<16xf32>
        %add3A_1647 = arith.addf %add3A_1561, %mul3A_1646 : vector<16xf32>
        %mul3A_1648 = arith.mulf %bitcast_convert_type3A_1645, %mul3A_1629 : vector<16xf32>
        %add3A_1649 = arith.addf %add3A_1563, %mul3A_1648 : vector<16xf32>
        %add3A_1650 = arith.constant 6 : i32
        %add3A_1651 = arith.addi %add3A_1115, %add3A_1650 : i32
        %get3A_1652 = arith.constant 1 : i32
        %get3A_1653 = arith.index_cast %get3A_1652 : i32 to index
        %get3A_1654 = arith.index_cast %add3A_1651 : i32 to index
        %get3A_1655 = arith.constant 16 : index
        %get3A_1656 = tpu.vector_load %arg9[%get3A_1653, %get3A_1654, %get3A_1655] {strides = array<i32>} : memref<2x512x64xi32, #tpu.memory_space<vmem>>, vector<1x1x16xi32>,
        %get3A_1657 = vector.shape_cast %get3A_1656 : vector<1x1x16xi32> to vector<16xi32>
        %shift_left3A_1658 = arith.constant 16 : i32
        %shift_left3A_1659 = vector.broadcast %shift_left3A_1658 : i32 to vector<16xi32>
        %shift_left3A_1660 = arith.shli %get3A_1657, %shift_left3A_1659 : vector<16xi32>
        %bitcast_convert_type3A_1661 = tpu.bitcast %shift_left3A_1660 : vector<16xi32> -> vector<16xf32>
        %and3A_1662 = arith.constant -65536 : i32
        %and3A_1663 = vector.broadcast %and3A_1662 : i32 to vector<16xi32>
        %and3A_1664 = arith.andi %get3A_1657, %and3A_1663 : vector<16xi32>
        %bitcast_convert_type3A_1665 = tpu.bitcast %and3A_1664 : vector<16xi32> -> vector<16xf32>
        %mul3A_1666 = arith.mulf %bitcast_convert_type3A_1661, %mul3A_1629 : vector<16xf32>
        %add3A_1667 = arith.addf %add3A_1581, %mul3A_1666 : vector<16xf32>
        %mul3A_1668 = arith.mulf %bitcast_convert_type3A_1665, %mul3A_1629 : vector<16xf32>
        %add3A_1669 = arith.addf %add3A_1583, %mul3A_1668 : vector<16xf32>
        %add3A_1670 = arith.constant 6 : i32
        %add3A_1671 = arith.addi %add3A_1115, %add3A_1670 : i32
        %get3A_1672 = arith.constant 1 : i32
        %get3A_1673 = arith.index_cast %get3A_1672 : i32 to index
        %get3A_1674 = arith.index_cast %add3A_1671 : i32 to index
        %get3A_1675 = arith.constant 32 : index
        %get3A_1676 = tpu.vector_load %arg9[%get3A_1673, %get3A_1674, %get3A_1675] {strides = array<i32>} : memref<2x512x64xi32, #tpu.memory_space<vmem>>, vector<1x1x16xi32>,
        %get3A_1677 = vector.shape_cast %get3A_1676 : vector<1x1x16xi32> to vector<16xi32>
        %shift_left3A_1678 = arith.constant 16 : i32
        %shift_left3A_1679 = vector.broadcast %shift_left3A_1678 : i32 to vector<16xi32>
        %shift_left3A_1680 = arith.shli %get3A_1677, %shift_left3A_1679 : vector<16xi32>
        %bitcast_convert_type3A_1681 = tpu.bitcast %shift_left3A_1680 : vector<16xi32> -> vector<16xf32>
        %and3A_1682 = arith.constant -65536 : i32
        %and3A_1683 = vector.broadcast %and3A_1682 : i32 to vector<16xi32>
        %and3A_1684 = arith.andi %get3A_1677, %and3A_1683 : vector<16xi32>
        %bitcast_convert_type3A_1685 = tpu.bitcast %and3A_1684 : vector<16xi32> -> vector<16xf32>
        %mul3A_1686 = arith.mulf %bitcast_convert_type3A_1681, %mul3A_1629 : vector<16xf32>
        %add3A_1687 = arith.addf %add3A_1601, %mul3A_1686 : vector<16xf32>
        %mul3A_1688 = arith.mulf %bitcast_convert_type3A_1685, %mul3A_1629 : vector<16xf32>
        %add3A_1689 = arith.addf %add3A_1603, %mul3A_1688 : vector<16xf32>
        %add3A_1690 = arith.constant 6 : i32
        %add3A_1691 = arith.addi %add3A_1115, %add3A_1690 : i32
        %get3A_1692 = arith.constant 1 : i32
        %get3A_1693 = arith.index_cast %get3A_1692 : i32 to index
        %get3A_1694 = arith.index_cast %add3A_1691 : i32 to index
        %get3A_1695 = arith.constant 48 : index
        %get3A_1696 = tpu.vector_load %arg9[%get3A_1693, %get3A_1694, %get3A_1695] {strides = array<i32>} : memref<2x512x64xi32, #tpu.memory_space<vmem>>, vector<1x1x16xi32>,
        %get3A_1697 = vector.shape_cast %get3A_1696 : vector<1x1x16xi32> to vector<16xi32>
        %shift_left3A_1698 = arith.constant 16 : i32
        %shift_left3A_1699 = vector.broadcast %shift_left3A_1698 : i32 to vector<16xi32>
        %shift_left3A_1700 = arith.shli %get3A_1697, %shift_left3A_1699 : vector<16xi32>
        %bitcast_convert_type3A_1701 = tpu.bitcast %shift_left3A_1700 : vector<16xi32> -> vector<16xf32>
        %and3A_1702 = arith.constant -65536 : i32
        %and3A_1703 = vector.broadcast %and3A_1702 : i32 to vector<16xi32>
        %and3A_1704 = arith.andi %get3A_1697, %and3A_1703 : vector<16xi32>
        %bitcast_convert_type3A_1705 = tpu.bitcast %and3A_1704 : vector<16xi32> -> vector<16xf32>
        %mul3A_1706 = arith.mulf %bitcast_convert_type3A_1701, %mul3A_1629 : vector<16xf32>
        %add3A_1707 = arith.addf %add3A_1621, %mul3A_1706 : vector<16xf32>
        %mul3A_1708 = arith.mulf %bitcast_convert_type3A_1705, %mul3A_1629 : vector<16xf32>
        %add3A_1709 = arith.addf %add3A_1623, %mul3A_1708 : vector<16xf32>
        %slice3A_1710 = vector.extract_strided_slice %get3A_373 {offsets = [15], sizes = [1], strides = [1]} : vector<16xf32> to vector<1xf32>
        %squeeze3A_1711 = vector.extract %slice3A_1710[0] : f32 from vector<1xf32>
        %broadcast_in_dim3A_1712 = vector.broadcast %squeeze3A_1711 : f32 to vector<16xf32>
        %mul3A_1713 = arith.constant 1.250000e-01 : f32
        %mul3A_1714 = vector.broadcast %mul3A_1713 : f32 to vector<16xf32>
        %mul3A_1715 = arith.mulf %broadcast_in_dim3A_1712, %mul3A_1714 : vector<16xf32>
        %add3A_1716 = arith.constant 7 : i32
        %add3A_1717 = arith.addi %add3A_1115, %add3A_1716 : i32
        %get3A_1718 = arith.constant 1 : i32
        %get3A_1719 = arith.index_cast %get3A_1718 : i32 to index
        %get3A_1720 = arith.index_cast %add3A_1717 : i32 to index
        %get3A_1721 = arith.constant 0 : index
        %get3A_1722 = tpu.vector_load %arg9[%get3A_1719, %get3A_1720, %get3A_1721] {strides = array<i32>} : memref<2x512x64xi32, #tpu.memory_space<vmem>>, vector<1x1x16xi32>,
        %get3A_1723 = vector.shape_cast %get3A_1722 : vector<1x1x16xi32> to vector<16xi32>
        %shift_left3A_1724 = arith.constant 16 : i32
        %shift_left3A_1725 = vector.broadcast %shift_left3A_1724 : i32 to vector<16xi32>
        %shift_left3A_1726 = arith.shli %get3A_1723, %shift_left3A_1725 : vector<16xi32>
        %bitcast_convert_type3A_1727 = tpu.bitcast %shift_left3A_1726 : vector<16xi32> -> vector<16xf32>
        %and3A_1728 = arith.constant -65536 : i32
        %and3A_1729 = vector.broadcast %and3A_1728 : i32 to vector<16xi32>
        %and3A_1730 = arith.andi %get3A_1723, %and3A_1729 : vector<16xi32>
        %bitcast_convert_type3A_1731 = tpu.bitcast %and3A_1730 : vector<16xi32> -> vector<16xf32>
        %mul3A_1732 = arith.mulf %bitcast_convert_type3A_1727, %mul3A_1715 : vector<16xf32>
        %add3A_1733 = arith.addf %add3A_1647, %mul3A_1732 : vector<16xf32>
        %mul3A_1734 = arith.mulf %bitcast_convert_type3A_1731, %mul3A_1715 : vector<16xf32>
        %add3A_1735 = arith.addf %add3A_1649, %mul3A_1734 : vector<16xf32>
        %add3A_1736 = arith.constant 7 : i32
        %add3A_1737 = arith.addi %add3A_1115, %add3A_1736 : i32
        %get3A_1738 = arith.constant 1 : i32
        %get3A_1739 = arith.index_cast %get3A_1738 : i32 to index
        %get3A_1740 = arith.index_cast %add3A_1737 : i32 to index
        %get3A_1741 = arith.constant 16 : index
        %get3A_1742 = tpu.vector_load %arg9[%get3A_1739, %get3A_1740, %get3A_1741] {strides = array<i32>} : memref<2x512x64xi32, #tpu.memory_space<vmem>>, vector<1x1x16xi32>,
        %get3A_1743 = vector.shape_cast %get3A_1742 : vector<1x1x16xi32> to vector<16xi32>
        %shift_left3A_1744 = arith.constant 16 : i32
        %shift_left3A_1745 = vector.broadcast %shift_left3A_1744 : i32 to vector<16xi32>
        %shift_left3A_1746 = arith.shli %get3A_1743, %shift_left3A_1745 : vector<16xi32>
        %bitcast_convert_type3A_1747 = tpu.bitcast %shift_left3A_1746 : vector<16xi32> -> vector<16xf32>
        %and3A_1748 = arith.constant -65536 : i32
        %and3A_1749 = vector.broadcast %and3A_1748 : i32 to vector<16xi32>
        %and3A_1750 = arith.andi %get3A_1743, %and3A_1749 : vector<16xi32>
        %bitcast_convert_type3A_1751 = tpu.bitcast %and3A_1750 : vector<16xi32> -> vector<16xf32>
        %mul3A_1752 = arith.mulf %bitcast_convert_type3A_1747, %mul3A_1715 : vector<16xf32>
        %add3A_1753 = arith.addf %add3A_1667, %mul3A_1752 : vector<16xf32>
        %mul3A_1754 = arith.mulf %bitcast_convert_type3A_1751, %mul3A_1715 : vector<16xf32>
        %add3A_1755 = arith.addf %add3A_1669, %mul3A_1754 : vector<16xf32>
        %add3A_1756 = arith.constant 7 : i32
        %add3A_1757 = arith.addi %add3A_1115, %add3A_1756 : i32
        %get3A_1758 = arith.constant 1 : i32
        %get3A_1759 = arith.index_cast %get3A_1758 : i32 to index
        %get3A_1760 = arith.index_cast %add3A_1757 : i32 to index
        %get3A_1761 = arith.constant 32 : index
        %get3A_1762 = tpu.vector_load %arg9[%get3A_1759, %get3A_1760, %get3A_1761] {strides = array<i32>} : memref<2x512x64xi32, #tpu.memory_space<vmem>>, vector<1x1x16xi32>,
        %get3A_1763 = vector.shape_cast %get3A_1762 : vector<1x1x16xi32> to vector<16xi32>
        %shift_left3A_1764 = arith.constant 16 : i32
        %shift_left3A_1765 = vector.broadcast %shift_left3A_1764 : i32 to vector<16xi32>
        %shift_left3A_1766 = arith.shli %get3A_1763, %shift_left3A_1765 : vector<16xi32>
        %bitcast_convert_type3A_1767 = tpu.bitcast %shift_left3A_1766 : vector<16xi32> -> vector<16xf32>
        %and3A_1768 = arith.constant -65536 : i32
        %and3A_1769 = vector.broadcast %and3A_1768 : i32 to vector<16xi32>
        %and3A_1770 = arith.andi %get3A_1763, %and3A_1769 : vector<16xi32>
        %bitcast_convert_type3A_1771 = tpu.bitcast %and3A_1770 : vector<16xi32> -> vector<16xf32>
        %mul3A_1772 = arith.mulf %bitcast_convert_type3A_1767, %mul3A_1715 : vector<16xf32>
        %add3A_1773 = arith.addf %add3A_1687, %mul3A_1772 : vector<16xf32>
        %mul3A_1774 = arith.mulf %bitcast_convert_type3A_1771, %mul3A_1715 : vector<16xf32>
        %add3A_1775 = arith.addf %add3A_1689, %mul3A_1774 : vector<16xf32>
        %add3A_1776 = arith.constant 7 : i32
        %add3A_1777 = arith.addi %add3A_1115, %add3A_1776 : i32
        %get3A_1778 = arith.constant 1 : i32
        %get3A_1779 = arith.index_cast %get3A_1778 : i32 to index
        %get3A_1780 = arith.index_cast %add3A_1777 : i32 to index
        %get3A_1781 = arith.constant 48 : index
        %get3A_1782 = tpu.vector_load %arg9[%get3A_1779, %get3A_1780, %get3A_1781] {strides = array<i32>} : memref<2x512x64xi32, #tpu.memory_space<vmem>>, vector<1x1x16xi32>,
        %get3A_1783 = vector.shape_cast %get3A_1782 : vector<1x1x16xi32> to vector<16xi32>
        %shift_left3A_1784 = arith.constant 16 : i32
        %shift_left3A_1785 = vector.broadcast %shift_left3A_1784 : i32 to vector<16xi32>
        %shift_left3A_1786 = arith.shli %get3A_1783, %shift_left3A_1785 : vector<16xi32>
        %bitcast_convert_type3A_1787 = tpu.bitcast %shift_left3A_1786 : vector<16xi32> -> vector<16xf32>
        %and3A_1788 = arith.constant -65536 : i32
        %and3A_1789 = vector.broadcast %and3A_1788 : i32 to vector<16xi32>
        %and3A_1790 = arith.andi %get3A_1783, %and3A_1789 : vector<16xi32>
        %bitcast_convert_type3A_1791 = tpu.bitcast %and3A_1790 : vector<16xi32> -> vector<16xf32>
        %mul3A_1792 = arith.mulf %bitcast_convert_type3A_1787, %mul3A_1715 : vector<16xf32>
        %add3A_1793 = arith.addf %add3A_1707, %mul3A_1792 : vector<16xf32>
        %mul3A_1794 = arith.mulf %bitcast_convert_type3A_1791, %mul3A_1715 : vector<16xf32>
        %add3A_1795 = arith.addf %add3A_1709, %mul3A_1794 : vector<16xf32>
        %swap3A_1796 = arith.constant 1 : i32
        %swap3A_1797 = arith.index_cast %swap3A_1796 : i32 to index
        %swap3A_1798 = arith.index_cast %add3A_1113 : i32 to index
        %swap3A_1799 = arith.constant 0 : index
        %swap3A_1800 = tpu.vector_load %arg10[%swap3A_1797, %swap3A_1798, %swap3A_1799] {strides = array<i32>} : memref<2x64x128xf32, #tpu.memory_space<vmem>>, vector<1x1x16xf32>,
        %swap3A_1801 = vector.shape_cast %swap3A_1800 : vector<1x1x16xf32> to vector<16xf32>
        %swap3A_1802 = vector.shape_cast %add3A_1733 : vector<16xf32> to vector<1x1x16xf32>
        tpu.vector_store %arg10[%swap3A_1797, %swap3A_1798, %swap3A_1799], %swap3A_1802 {strides = array<i32>} : memref<2x64x128xf32, #tpu.memory_space<vmem>>, vector<1x1x16xf32>,
        %swap3A_1803 = arith.constant 1 : i32
        %swap3A_1804 = arith.index_cast %swap3A_1803 : i32 to index
        %swap3A_1805 = arith.index_cast %add3A_1113 : i32 to index
        %swap3A_1806 = arith.constant 64 : index
        %swap3A_1807 = tpu.vector_load %arg10[%swap3A_1804, %swap3A_1805, %swap3A_1806] {strides = array<i32>} : memref<2x64x128xf32, #tpu.memory_space<vmem>>, vector<1x1x16xf32>,
        %swap3A_1808 = vector.shape_cast %swap3A_1807 : vector<1x1x16xf32> to vector<16xf32>
        %swap3A_1809 = vector.shape_cast %add3A_1735 : vector<16xf32> to vector<1x1x16xf32>
        tpu.vector_store %arg10[%swap3A_1804, %swap3A_1805, %swap3A_1806], %swap3A_1809 {strides = array<i32>} : memref<2x64x128xf32, #tpu.memory_space<vmem>>, vector<1x1x16xf32>,
        %swap3A_1810 = arith.constant 1 : i32
        %swap3A_1811 = arith.index_cast %swap3A_1810 : i32 to index
        %swap3A_1812 = arith.index_cast %add3A_1113 : i32 to index
        %swap3A_1813 = arith.constant 16 : index
        %swap3A_1814 = tpu.vector_load %arg10[%swap3A_1811, %swap3A_1812, %swap3A_1813] {strides = array<i32>} : memref<2x64x128xf32, #tpu.memory_space<vmem>>, vector<1x1x16xf32>,
        %swap3A_1815 = vector.shape_cast %swap3A_1814 : vector<1x1x16xf32> to vector<16xf32>
        %swap3A_1816 = vector.shape_cast %add3A_1753 : vector<16xf32> to vector<1x1x16xf32>
        tpu.vector_store %arg10[%swap3A_1811, %swap3A_1812, %swap3A_1813], %swap3A_1816 {strides = array<i32>} : memref<2x64x128xf32, #tpu.memory_space<vmem>>, vector<1x1x16xf32>,
        %swap3A_1817 = arith.constant 1 : i32
        %swap3A_1818 = arith.index_cast %swap3A_1817 : i32 to index
        %swap3A_1819 = arith.index_cast %add3A_1113 : i32 to index
        %swap3A_1820 = arith.constant 80 : index
        %swap3A_1821 = tpu.vector_load %arg10[%swap3A_1818, %swap3A_1819, %swap3A_1820] {strides = array<i32>} : memref<2x64x128xf32, #tpu.memory_space<vmem>>, vector<1x1x16xf32>,
        %swap3A_1822 = vector.shape_cast %swap3A_1821 : vector<1x1x16xf32> to vector<16xf32>
        %swap3A_1823 = vector.shape_cast %add3A_1755 : vector<16xf32> to vector<1x1x16xf32>
        tpu.vector_store %arg10[%swap3A_1818, %swap3A_1819, %swap3A_1820], %swap3A_1823 {strides = array<i32>} : memref<2x64x128xf32, #tpu.memory_space<vmem>>, vector<1x1x16xf32>,
        %swap3A_1824 = arith.constant 1 : i32
        %swap3A_1825 = arith.index_cast %swap3A_1824 : i32 to index
        %swap3A_1826 = arith.index_cast %add3A_1113 : i32 to index
        %swap3A_1827 = arith.constant 32 : index
        %swap3A_1828 = tpu.vector_load %arg10[%swap3A_1825, %swap3A_1826, %swap3A_1827] {strides = array<i32>} : memref<2x64x128xf32, #tpu.memory_space<vmem>>, vector<1x1x16xf32>,
        %swap3A_1829 = vector.shape_cast %swap3A_1828 : vector<1x1x16xf32> to vector<16xf32>
        %swap3A_1830 = vector.shape_cast %add3A_1773 : vector<16xf32> to vector<1x1x16xf32>
        tpu.vector_store %arg10[%swap3A_1825, %swap3A_1826, %swap3A_1827], %swap3A_1830 {strides = array<i32>} : memref<2x64x128xf32, #tpu.memory_space<vmem>>, vector<1x1x16xf32>,
        %swap3A_1831 = arith.constant 1 : i32
        %swap3A_1832 = arith.index_cast %swap3A_1831 : i32 to index
        %swap3A_1833 = arith.index_cast %add3A_1113 : i32 to index
        %swap3A_1834 = arith.constant 96 : index
        %swap3A_1835 = tpu.vector_load %arg10[%swap3A_1832, %swap3A_1833, %swap3A_1834] {strides = array<i32>} : memref<2x64x128xf32, #tpu.memory_space<vmem>>, vector<1x1x16xf32>,
        %swap3A_1836 = vector.shape_cast %swap3A_1835 : vector<1x1x16xf32> to vector<16xf32>
        %swap3A_1837 = vector.shape_cast %add3A_1775 : vector<16xf32> to vector<1x1x16xf32>
        tpu.vector_store %arg10[%swap3A_1832, %swap3A_1833, %swap3A_1834], %swap3A_1837 {strides = array<i32>} : memref<2x64x128xf32, #tpu.memory_space<vmem>>, vector<1x1x16xf32>,
        %swap3A_1838 = arith.constant 1 : i32
        %swap3A_1839 = arith.index_cast %swap3A_1838 : i32 to index
        %swap3A_1840 = arith.index_cast %add3A_1113 : i32 to index
        %swap3A_1841 = arith.constant 48 : index
        %swap3A_1842 = tpu.vector_load %arg10[%swap3A_1839, %swap3A_1840, %swap3A_1841] {strides = array<i32>} : memref<2x64x128xf32, #tpu.memory_space<vmem>>, vector<1x1x16xf32>,
        %swap3A_1843 = vector.shape_cast %swap3A_1842 : vector<1x1x16xf32> to vector<16xf32>
        %swap3A_1844 = vector.shape_cast %add3A_1793 : vector<16xf32> to vector<1x1x16xf32>
        tpu.vector_store %arg10[%swap3A_1839, %swap3A_1840, %swap3A_1841], %swap3A_1844 {strides = array<i32>} : memref<2x64x128xf32, #tpu.memory_space<vmem>>, vector<1x1x16xf32>,
        %swap3A_1845 = arith.constant 1 : i32
        %swap3A_1846 = arith.index_cast %swap3A_1845 : i32 to index
        %swap3A_1847 = arith.index_cast %add3A_1113 : i32 to index
        %swap3A_1848 = arith.constant 112 : index
        %swap3A_1849 = tpu.vector_load %arg10[%swap3A_1846, %swap3A_1847, %swap3A_1848] {strides = array<i32>} : memref<2x64x128xf32, #tpu.memory_space<vmem>>, vector<1x1x16xf32>,
        %swap3A_1850 = vector.shape_cast %swap3A_1849 : vector<1x1x16xf32> to vector<16xf32>
        %swap3A_1851 = vector.shape_cast %add3A_1795 : vector<16xf32> to vector<1x1x16xf32>
        tpu.vector_store %arg10[%swap3A_1846, %swap3A_1847, %swap3A_1848], %swap3A_1851 {strides = array<i32>} : memref<2x64x128xf32, #tpu.memory_space<vmem>>, vector<1x1x16xf32>,
      }
      %scan3A_339 = arith.constant 32 : i32
      %mul3A_340 = arith.constant 64 : i32
      %mul3A_341 = arith.muli %add3A_265, %mul3A_340 : i32
      %add3A_342 = arith.addi %mul3A_2, %mul3A_341 : i32
      %shift_right_logical3A_343 = arith.constant 8 : i32
      %shift_right_logical3A_344 = arith.shrui %add3A_342, %shift_right_logical3A_343 : i32
      %and3A_345 = arith.constant 255 : i32
      %and3A_346 = arith.andi %add3A_342, %and3A_345 : i32
      %dma_start3A_347 = arith.constant 1 : i32
      %dma_start3A_348 = arith.constant 0 : i32
      %dma_start3A_349 = arith.constant 0 : i32
      %dma_start3A_350 = tpu.memref_slice %arg10[%dma_start3A_347, %dma_start3A_348, %dma_start3A_349] : memref<2x64x128xf32, #tpu.memory_space<vmem>> -> memref<1x64x128xf32, #tpu.memory_space<vmem>>
      %dma_start3A_351 = tpu.memref_squeeze %dma_start3A_350 : memref<1x64x128xf32, #tpu.memory_space<vmem>> -> memref<64x128xf32, #tpu.memory_space<vmem>>
      %dma_start3A_352 = arith.constant 0 : i32
      %dma_start3A_353 = tpu.memref_slice %arg5[%shift_right_logical3A_344, %and3A_346, %dma_start3A_352] : memref<256x256x128xf32, #tpu.memory_space<hbm>> -> memref<1x64x128xf32, #tpu.memory_space<hbm>>
      %dma_start3A_354 = tpu.memref_squeeze %dma_start3A_353 : memref<1x64x128xf32, #tpu.memory_space<hbm>> -> memref<64x128xf32, #tpu.memory_space<hbm>>
      %dma_start3A_355 = arith.constant 0 : i32
      %dma_start3A_356 = tpu.memref_slice %arg5[%shift_right_logical3A_344, %and3A_346, %dma_start3A_355] : memref<256x256x128xf32, #tpu.memory_space<hbm>> -> memref<1x64x128xf32, #tpu.memory_space<hbm>>
      %dma_start3A_357 = tpu.memref_squeeze %dma_start3A_356 : memref<1x64x128xf32, #tpu.memory_space<hbm>> -> memref<64x128xf32, #tpu.memory_space<hbm>>
      %dma_start3A_358 = arith.constant 0 : i32
      %dma_start3A_359 = arith.constant 0 : i32
      %dma_start3A_360 = tpu.memref_slice %arg10[%dma_start3A_347, %dma_start3A_358, %dma_start3A_359] : memref<2x64x128xf32, #tpu.memory_space<vmem>> -> memref<1x64x128xf32, #tpu.memory_space<vmem>>
      %dma_start3A_361 = tpu.memref_squeeze %dma_start3A_360 : memref<1x64x128xf32, #tpu.memory_space<vmem>> -> memref<64x128xf32, #tpu.memory_space<vmem>>
      tpu.enqueue_dma source(%dma_start3A_361 : memref<64x128xf32, #tpu.memory_space<vmem>>) target(%dma_start3A_357 : memref<64x128xf32, #tpu.memory_space<hbm>>) target_semaphore(%arg14 : memref<!tpu.dma_semaphore, #tpu.memory_space<semaphore_mem>>)
    }
    %scan3A_66 = arith.constant 16 : i32
    %add3A_67 = arith.constant 1920 : i32
    %add3A_68 = arith.addi %mul3A_2, %add3A_67 : i32
    %shift_right_logical3A = arith.constant 8 : i32
    %shift_right_logical3A_69 = arith.shrui %add3A_68, %shift_right_logical3A : i32
    %and3A = arith.constant 255 : i32
    %and3A_70 = arith.andi %add3A_68, %and3A : i32
    %dma_wait3A = arith.constant 0 : i32
    %dma_wait3A_71 = arith.constant 0 : i32
    %dma_wait3A_72 = arith.constant 0 : i32
    %dma_wait3A_73 = tpu.memref_slice %arg10[%dma_wait3A, %dma_wait3A_71, %dma_wait3A_72] : memref<2x64x128xf32, #tpu.memory_space<vmem>> -> memref<1x64x128xf32, #tpu.memory_space<vmem>>
    %dma_wait3A_74 = tpu.memref_squeeze %dma_wait3A_73 : memref<1x64x128xf32, #tpu.memory_space<vmem>> -> memref<64x128xf32, #tpu.memory_space<vmem>>
    %dma_wait3A_75 = arith.constant 0 : i32
    %dma_wait3A_76 = tpu.memref_slice %arg5[%shift_right_logical3A_69, %and3A_70, %dma_wait3A_75] : memref<256x256x128xf32, #tpu.memory_space<hbm>> -> memref<1x64x128xf32, #tpu.memory_space<hbm>>
    %dma_wait3A_77 = tpu.memref_squeeze %dma_wait3A_76 : memref<1x64x128xf32, #tpu.memory_space<hbm>> -> memref<64x128xf32, #tpu.memory_space<hbm>>
    %dma_wait3A_78 = arith.constant 0 : i32
    %dma_wait3A_79 = tpu.memref_slice %arg5[%shift_right_logical3A_69, %and3A_70, %dma_wait3A_78] : memref<256x256x128xf32, #tpu.memory_space<hbm>> -> memref<1x64x128xf32, #tpu.memory_space<hbm>>
    %dma_wait3A_80 = tpu.memref_squeeze %dma_wait3A_79 : memref<1x64x128xf32, #tpu.memory_space<hbm>> -> memref<64x128xf32, #tpu.memory_space<hbm>>
    %dma_wait3A_81 = arith.constant 0 : i32
    %dma_wait3A_82 = arith.constant 0 : i32
    %dma_wait3A_83 = tpu.memref_slice %arg10[%dma_wait3A, %dma_wait3A_81, %dma_wait3A_82] : memref<2x64x128xf32, #tpu.memory_space<vmem>> -> memref<1x64x128xf32, #tpu.memory_space<vmem>>
    %dma_wait3A_84 = tpu.memref_squeeze %dma_wait3A_83 : memref<1x64x128xf32, #tpu.memory_space<vmem>> -> memref<64x128xf32, #tpu.memory_space<vmem>>
    tpu.wait_dma2 semaphore(%arg13 : memref<!tpu.dma_semaphore, #tpu.memory_space<semaphore_mem>>) src(%dma_wait3A_84 : memref<64x128xf32, #tpu.memory_space<vmem>>) dst(%dma_wait3A_80 : memref<64x128xf32, #tpu.memory_space<hbm>>)
    %add3A_85 = arith.constant 1984 : i32
    %add3A_86 = arith.addi %mul3A_2, %add3A_85 : i32
    %shift_right_logical3A_87 = arith.constant 8 : i32
    %shift_right_logical3A_88 = arith.shrui %add3A_86, %shift_right_logical3A_87 : i32
    %and3A_89 = arith.constant 255 : i32
    %and3A_90 = arith.andi %add3A_86, %and3A_89 : i32
    %dma_wait3A_91 = arith.constant 1 : i32
    %dma_wait3A_92 = arith.constant 0 : i32
    %dma_wait3A_93 = arith.constant 0 : i32
    %dma_wait3A_94 = tpu.memref_slice %arg10[%dma_wait3A_91, %dma_wait3A_92, %dma_wait3A_93] : memref<2x64x128xf32, #tpu.memory_space<vmem>> -> memref<1x64x128xf32, #tpu.memory_space<vmem>>
    %dma_wait3A_95 = tpu.memref_squeeze %dma_wait3A_94 : memref<1x64x128xf32, #tpu.memory_space<vmem>> -> memref<64x128xf32, #tpu.memory_space<vmem>>
    %dma_wait3A_96 = arith.constant 0 : i32
    %dma_wait3A_97 = tpu.memref_slice %arg5[%shift_right_logical3A_88, %and3A_90, %dma_wait3A_96] : memref<256x256x128xf32, #tpu.memory_space<hbm>> -> memref<1x64x128xf32, #tpu.memory_space<hbm>>
    %dma_wait3A_98 = tpu.memref_squeeze %dma_wait3A_97 : memref<1x64x128xf32, #tpu.memory_space<hbm>> -> memref<64x128xf32, #tpu.memory_space<hbm>>
    %dma_wait3A_99 = arith.constant 0 : i32
    %dma_wait3A_100 = tpu.memref_slice %arg5[%shift_right_logical3A_88, %and3A_90, %dma_wait3A_99] : memref<256x256x128xf32, #tpu.memory_space<hbm>> -> memref<1x64x128xf32, #tpu.memory_space<hbm>>
    %dma_wait3A_101 = tpu.memref_squeeze %dma_wait3A_100 : memref<1x64x128xf32, #tpu.memory_space<hbm>> -> memref<64x128xf32, #tpu.memory_space<hbm>>
    %dma_wait3A_102 = arith.constant 0 : i32
    %dma_wait3A_103 = arith.constant 0 : i32
    %dma_wait3A_104 = tpu.memref_slice %arg10[%dma_wait3A_91, %dma_wait3A_102, %dma_wait3A_103] : memref<2x64x128xf32, #tpu.memory_space<vmem>> -> memref<1x64x128xf32, #tpu.memory_space<vmem>>
    %dma_wait3A_105 = tpu.memref_squeeze %dma_wait3A_104 : memref<1x64x128xf32, #tpu.memory_space<vmem>> -> memref<64x128xf32, #tpu.memory_space<vmem>>
    tpu.wait_dma2 semaphore(%arg14 : memref<!tpu.dma_semaphore, #tpu.memory_space<semaphore_mem>>) src(%dma_wait3A_105 : memref<64x128xf32, #tpu.memory_space<vmem>>) dst(%dma_wait3A_101 : memref<64x128xf32, #tpu.memory_space<hbm>>)
    return
  }
}

#map = affine_map<(d0, d1) -> (0, 0)>
module attributes {stable_mosaic.version = 14 : i64} {
  func.func @k(%arg0: i32, %arg1: i32, %arg2: memref<65536x128xf32, #tpu.memory_space<hbm>>, %arg3: memref<65536x64xi32, #tpu.memory_space<hbm>>, %arg4: memref<2x64x128xf32, #tpu.memory_space<vmem>>, %arg5: memref<2x64x64xi32, #tpu.memory_space<vmem>>, %arg6: memref<!tpu.dma_semaphore, #tpu.memory_space<semaphore_mem>>, %arg7: memref<!tpu.dma_semaphore, #tpu.memory_space<semaphore_mem>>, %arg8: memref<!tpu.dma_semaphore, #tpu.memory_space<semaphore_mem>>, %arg9: memref<!tpu.dma_semaphore, #tpu.memory_space<semaphore_mem>>) attributes {dimension_semantics = [#tpu.dimension_semantics<core_parallel>, #tpu.dimension_semantics<subcore_parallel>], iteration_bounds = array<i64: 2, 16>, scalar_prefetch = 0 : i64, scratch_operands = 6 : i64, tpu.core_type = #tpu.core_type<sc_vector_subcore>, window_params = [{transform_indices = #map}, {transform_indices = #map}]} {
    %mul3A = arith.constant 2 : i32
    %mul3A_0 = arith.muli %arg1, %mul3A : i32
    %add3A = arith.addi %mul3A_0, %arg0 : i32
    %mul3A_1 = arith.constant 2048 : i32
    %mul3A_2 = arith.muli %add3A, %mul3A_1 : i32
    %add3A_3 = arith.constant 0 : i32
    %add3A_4 = arith.addi %mul3A_2, %add3A_3 : i32
    %dma_start3A = arith.constant 0 : i32
    %dma_start3A_5 = arith.constant 0 : i32
    %dma_start3A_6 = arith.constant 0 : i32
    %dma_start3A_7 = tpu.memref_slice %arg4[%dma_start3A, %dma_start3A_5, %dma_start3A_6] : memref<2x64x128xf32, #tpu.memory_space<vmem>> -> memref<1x64x128xf32, #tpu.memory_space<vmem>>
    %dma_start3A_8 = tpu.memref_squeeze %dma_start3A_7 : memref<1x64x128xf32, #tpu.memory_space<vmem>> -> memref<64x128xf32, #tpu.memory_space<vmem>>
    %dma_start3A_9 = arith.constant 0 : i32
    %dma_start3A_10 = tpu.memref_slice %arg2[%add3A_4, %dma_start3A_9] : memref<65536x128xf32, #tpu.memory_space<hbm>> -> memref<64x128xf32, #tpu.memory_space<hbm>>
    %dma_start3A_11 = arith.constant 0 : i32
    %dma_start3A_12 = arith.constant 0 : i32
    %dma_start3A_13 = tpu.memref_slice %arg4[%dma_start3A, %dma_start3A_11, %dma_start3A_12] : memref<2x64x128xf32, #tpu.memory_space<vmem>> -> memref<1x64x128xf32, #tpu.memory_space<vmem>>
    %dma_start3A_14 = tpu.memref_squeeze %dma_start3A_13 : memref<1x64x128xf32, #tpu.memory_space<vmem>> -> memref<64x128xf32, #tpu.memory_space<vmem>>
    %dma_start3A_15 = arith.constant 0 : i32
    %dma_start3A_16 = tpu.memref_slice %arg2[%add3A_4, %dma_start3A_15] : memref<65536x128xf32, #tpu.memory_space<hbm>> -> memref<64x128xf32, #tpu.memory_space<hbm>>
    tpu.enqueue_dma source(%dma_start3A_16 : memref<64x128xf32, #tpu.memory_space<hbm>>) target(%dma_start3A_14 : memref<64x128xf32, #tpu.memory_space<vmem>>) target_semaphore(%arg6 : memref<!tpu.dma_semaphore, #tpu.memory_space<semaphore_mem>>)
    %add3A_17 = arith.constant 64 : i32
    %add3A_18 = arith.addi %mul3A_2, %add3A_17 : i32
    %dma_start3A_19 = arith.constant 1 : i32
    %dma_start3A_20 = arith.constant 0 : i32
    %dma_start3A_21 = arith.constant 0 : i32
    %dma_start3A_22 = tpu.memref_slice %arg4[%dma_start3A_19, %dma_start3A_20, %dma_start3A_21] : memref<2x64x128xf32, #tpu.memory_space<vmem>> -> memref<1x64x128xf32, #tpu.memory_space<vmem>>
    %dma_start3A_23 = tpu.memref_squeeze %dma_start3A_22 : memref<1x64x128xf32, #tpu.memory_space<vmem>> -> memref<64x128xf32, #tpu.memory_space<vmem>>
    %dma_start3A_24 = arith.constant 0 : i32
    %dma_start3A_25 = tpu.memref_slice %arg2[%add3A_18, %dma_start3A_24] : memref<65536x128xf32, #tpu.memory_space<hbm>> -> memref<64x128xf32, #tpu.memory_space<hbm>>
    %dma_start3A_26 = arith.constant 0 : i32
    %dma_start3A_27 = arith.constant 0 : i32
    %dma_start3A_28 = tpu.memref_slice %arg4[%dma_start3A_19, %dma_start3A_26, %dma_start3A_27] : memref<2x64x128xf32, #tpu.memory_space<vmem>> -> memref<1x64x128xf32, #tpu.memory_space<vmem>>
    %dma_start3A_29 = tpu.memref_squeeze %dma_start3A_28 : memref<1x64x128xf32, #tpu.memory_space<vmem>> -> memref<64x128xf32, #tpu.memory_space<vmem>>
    %dma_start3A_30 = arith.constant 0 : i32
    %dma_start3A_31 = tpu.memref_slice %arg2[%add3A_18, %dma_start3A_30] : memref<65536x128xf32, #tpu.memory_space<hbm>> -> memref<64x128xf32, #tpu.memory_space<hbm>>
    tpu.enqueue_dma source(%dma_start3A_31 : memref<64x128xf32, #tpu.memory_space<hbm>>) target(%dma_start3A_29 : memref<64x128xf32, #tpu.memory_space<vmem>>) target_semaphore(%arg7 : memref<!tpu.dma_semaphore, #tpu.memory_space<semaphore_mem>>)
    %scan3A = arith.constant 0 : i32
    %scan3A_32 = arith.constant 0 : i32
    %scan3A_33 = arith.constant 16 : i32
    %scan3A_34 = arith.addi %scan3A_32, %scan3A_33 : i32
    %scan3A_35 = arith.constant 1 : i32
    scf.for %scan3A_66 = %scan3A_32 to %scan3A_34 step %scan3A_35  : i32 {
      %mul3A_67 = arith.constant 2 : i32
      %mul3A_68 = arith.muli %mul3A_67, %scan3A_66 : i32
      %add3A_69 = arith.constant 0 : i32
      %add3A_70 = arith.addi %mul3A_68, %add3A_69 : i32
      %mul3A_71 = arith.constant 64 : i32
      %mul3A_72 = arith.muli %add3A_70, %mul3A_71 : i32
      %add3A_73 = arith.addi %mul3A_2, %mul3A_72 : i32
      %dma_wait3A_74 = arith.constant 0 : i32
      %dma_wait3A_75 = arith.constant 0 : i32
      %dma_wait3A_76 = arith.constant 0 : i32
      %dma_wait3A_77 = tpu.memref_slice %arg4[%dma_wait3A_74, %dma_wait3A_75, %dma_wait3A_76] : memref<2x64x128xf32, #tpu.memory_space<vmem>> -> memref<1x64x128xf32, #tpu.memory_space<vmem>>
      %dma_wait3A_78 = tpu.memref_squeeze %dma_wait3A_77 : memref<1x64x128xf32, #tpu.memory_space<vmem>> -> memref<64x128xf32, #tpu.memory_space<vmem>>
      %dma_wait3A_79 = arith.constant 0 : i32
      %dma_wait3A_80 = tpu.memref_slice %arg2[%add3A_73, %dma_wait3A_79] : memref<65536x128xf32, #tpu.memory_space<hbm>> -> memref<64x128xf32, #tpu.memory_space<hbm>>
      %dma_wait3A_81 = arith.constant 0 : i32
      %dma_wait3A_82 = arith.constant 0 : i32
      %dma_wait3A_83 = tpu.memref_slice %arg4[%dma_wait3A_74, %dma_wait3A_81, %dma_wait3A_82] : memref<2x64x128xf32, #tpu.memory_space<vmem>> -> memref<1x64x128xf32, #tpu.memory_space<vmem>>
      %dma_wait3A_84 = tpu.memref_squeeze %dma_wait3A_83 : memref<1x64x128xf32, #tpu.memory_space<vmem>> -> memref<64x128xf32, #tpu.memory_space<vmem>>
      %dma_wait3A_85 = arith.constant 0 : i32
      %dma_wait3A_86 = tpu.memref_slice %arg2[%add3A_73, %dma_wait3A_85] : memref<65536x128xf32, #tpu.memory_space<hbm>> -> memref<64x128xf32, #tpu.memory_space<hbm>>
      tpu.wait_dma2 semaphore(%arg6 : memref<!tpu.dma_semaphore, #tpu.memory_space<semaphore_mem>>) src(%dma_wait3A_86 : memref<64x128xf32, #tpu.memory_space<hbm>>) dst(%dma_wait3A_84 : memref<64x128xf32, #tpu.memory_space<vmem>>)
      %ge3A = arith.constant 2 : i32
      %ge3A_87 = arith.cmpi sge, %add3A_70, %ge3A : i32
      %convert_element_type3A = arith.extui %ge3A_87 : i1 to i32
      %cond3A = arith.constant 0 : i32
      %cond3A_88 = arith.cmpi ne, %convert_element_type3A, %cond3A : i32
      scf.if %cond3A_88 {
        %sub3A = arith.constant 2 : i32
        %sub3A_171 = arith.subi %add3A_70, %sub3A : i32
        %mul3A_172 = arith.constant 64 : i32
        %mul3A_173 = arith.muli %sub3A_171, %mul3A_172 : i32
        %add3A_174 = arith.addi %mul3A_2, %mul3A_173 : i32
        %dma_wait3A_175 = arith.constant 0 : i32
        %dma_wait3A_176 = arith.constant 0 : i32
        %dma_wait3A_177 = arith.constant 0 : i32
        %dma_wait3A_178 = tpu.memref_slice %arg5[%dma_wait3A_175, %dma_wait3A_176, %dma_wait3A_177] : memref<2x64x64xi32, #tpu.memory_space<vmem>> -> memref<1x64x64xi32, #tpu.memory_space<vmem>>
        %dma_wait3A_179 = tpu.memref_squeeze %dma_wait3A_178 : memref<1x64x64xi32, #tpu.memory_space<vmem>> -> memref<64x64xi32, #tpu.memory_space<vmem>>
        %dma_wait3A_180 = arith.constant 0 : i32
        %dma_wait3A_181 = tpu.memref_slice %arg3[%add3A_174, %dma_wait3A_180] : memref<65536x64xi32, #tpu.memory_space<hbm>> -> memref<64x64xi32, #tpu.memory_space<hbm>>
        %dma_wait3A_182 = arith.constant 0 : i32
        %dma_wait3A_183 = tpu.memref_slice %arg3[%add3A_174, %dma_wait3A_182] : memref<65536x64xi32, #tpu.memory_space<hbm>> -> memref<64x64xi32, #tpu.memory_space<hbm>>
        %dma_wait3A_184 = arith.constant 0 : i32
        %dma_wait3A_185 = arith.constant 0 : i32
        %dma_wait3A_186 = tpu.memref_slice %arg5[%dma_wait3A_175, %dma_wait3A_184, %dma_wait3A_185] : memref<2x64x64xi32, #tpu.memory_space<vmem>> -> memref<1x64x64xi32, #tpu.memory_space<vmem>>
        %dma_wait3A_187 = tpu.memref_squeeze %dma_wait3A_186 : memref<1x64x64xi32, #tpu.memory_space<vmem>> -> memref<64x64xi32, #tpu.memory_space<vmem>>
        tpu.wait_dma2 semaphore(%arg8 : memref<!tpu.dma_semaphore, #tpu.memory_space<semaphore_mem>>) src(%dma_wait3A_187 : memref<64x64xi32, #tpu.memory_space<vmem>>) dst(%dma_wait3A_183 : memref<64x64xi32, #tpu.memory_space<hbm>>)
      } else {
      }
      %scan3A_89 = arith.constant 0 : i32
      %scan3A_90 = arith.constant 0 : i32
      %scan3A_91 = arith.constant 64 : i32
      %scan3A_92 = arith.addi %scan3A_90, %scan3A_91 : i32
      %scan3A_93 = arith.constant 1 : i32
      scf.for %scan3A_171 = %scan3A_90 to %scan3A_92 step %scan3A_93  : i32 {
        %get3A = arith.constant 0 : i32
        %get3A_172 = arith.index_cast %get3A : i32 to index
        %get3A_173 = arith.index_cast %scan3A_171 : i32 to index
        %get3A_174 = arith.constant 0 : index
        %get3A_175 = tpu.vector_load %arg4[%get3A_172, %get3A_173, %get3A_174] {strides = array<i32>} : memref<2x64x128xf32, #tpu.memory_space<vmem>>, vector<1x1x16xf32>,
        %get3A_176 = vector.shape_cast %get3A_175 : vector<1x1x16xf32> to vector<16xf32>
        %bitcast_convert_type3A = tpu.bitcast %get3A_176 : vector<16xf32> -> vector<16xi32>
        %get3A_177 = arith.constant 0 : i32
        %get3A_178 = arith.index_cast %get3A_177 : i32 to index
        %get3A_179 = arith.index_cast %scan3A_171 : i32 to index
        %get3A_180 = arith.constant 64 : index
        %get3A_181 = tpu.vector_load %arg4[%get3A_178, %get3A_179, %get3A_180] {strides = array<i32>} : memref<2x64x128xf32, #tpu.memory_space<vmem>>, vector<1x1x16xf32>,
        %get3A_182 = vector.shape_cast %get3A_181 : vector<1x1x16xf32> to vector<16xf32>
        %bitcast_convert_type3A_183 = tpu.bitcast %get3A_182 : vector<16xf32> -> vector<16xi32>
        %add3A_184 = arith.constant 32768 : i32
        %add3A_185 = vector.broadcast %add3A_184 : i32 to vector<16xi32>
        %add3A_186 = arith.addi %bitcast_convert_type3A, %add3A_185 : vector<16xi32>
        %shift_right_logical3A = arith.constant 16 : i32
        %shift_right_logical3A_187 = vector.broadcast %shift_right_logical3A : i32 to vector<16xi32>
        %shift_right_logical3A_188 = arith.shrui %add3A_186, %shift_right_logical3A_187 : vector<16xi32>
        %add3A_189 = arith.constant 32768 : i32
        %add3A_190 = vector.broadcast %add3A_189 : i32 to vector<16xi32>
        %add3A_191 = arith.addi %bitcast_convert_type3A_183, %add3A_190 : vector<16xi32>
        %and3A = arith.constant -65536 : i32
        %and3A_192 = vector.broadcast %and3A : i32 to vector<16xi32>
        %and3A_193 = arith.andi %add3A_191, %and3A_192 : vector<16xi32>
        %or3A = arith.ori %shift_right_logical3A_188, %and3A_193 : vector<16xi32>
        %swap3A = arith.constant 0 : i32
        %swap3A_194 = arith.index_cast %swap3A : i32 to index
        %swap3A_195 = arith.index_cast %scan3A_171 : i32 to index
        %swap3A_196 = arith.constant 0 : index
        %swap3A_197 = tpu.vector_load %arg5[%swap3A_194, %swap3A_195, %swap3A_196] {strides = array<i32>} : memref<2x64x64xi32, #tpu.memory_space<vmem>>, vector<1x1x16xi32>,
        %swap3A_198 = vector.shape_cast %swap3A_197 : vector<1x1x16xi32> to vector<16xi32>
        %swap3A_199 = vector.shape_cast %or3A : vector<16xi32> to vector<1x1x16xi32>
        tpu.vector_store %arg5[%swap3A_194, %swap3A_195, %swap3A_196], %swap3A_199 {strides = array<i32>} : memref<2x64x64xi32, #tpu.memory_space<vmem>>, vector<1x1x16xi32>,
        %get3A_200 = arith.constant 0 : i32
        %get3A_201 = arith.index_cast %get3A_200 : i32 to index
        %get3A_202 = arith.index_cast %scan3A_171 : i32 to index
        %get3A_203 = arith.constant 16 : index
        %get3A_204 = tpu.vector_load %arg4[%get3A_201, %get3A_202, %get3A_203] {strides = array<i32>} : memref<2x64x128xf32, #tpu.memory_space<vmem>>, vector<1x1x16xf32>,
        %get3A_205 = vector.shape_cast %get3A_204 : vector<1x1x16xf32> to vector<16xf32>
        %bitcast_convert_type3A_206 = tpu.bitcast %get3A_205 : vector<16xf32> -> vector<16xi32>
        %get3A_207 = arith.constant 0 : i32
        %get3A_208 = arith.index_cast %get3A_207 : i32 to index
        %get3A_209 = arith.index_cast %scan3A_171 : i32 to index
        %get3A_210 = arith.constant 80 : index
        %get3A_211 = tpu.vector_load %arg4[%get3A_208, %get3A_209, %get3A_210] {strides = array<i32>} : memref<2x64x128xf32, #tpu.memory_space<vmem>>, vector<1x1x16xf32>,
        %get3A_212 = vector.shape_cast %get3A_211 : vector<1x1x16xf32> to vector<16xf32>
        %bitcast_convert_type3A_213 = tpu.bitcast %get3A_212 : vector<16xf32> -> vector<16xi32>
        %add3A_214 = arith.constant 32768 : i32
        %add3A_215 = vector.broadcast %add3A_214 : i32 to vector<16xi32>
        %add3A_216 = arith.addi %bitcast_convert_type3A_206, %add3A_215 : vector<16xi32>
        %shift_right_logical3A_217 = arith.constant 16 : i32
        %shift_right_logical3A_218 = vector.broadcast %shift_right_logical3A_217 : i32 to vector<16xi32>
        %shift_right_logical3A_219 = arith.shrui %add3A_216, %shift_right_logical3A_218 : vector<16xi32>
        %add3A_220 = arith.constant 32768 : i32
        %add3A_221 = vector.broadcast %add3A_220 : i32 to vector<16xi32>
        %add3A_222 = arith.addi %bitcast_convert_type3A_213, %add3A_221 : vector<16xi32>
        %and3A_223 = arith.constant -65536 : i32
        %and3A_224 = vector.broadcast %and3A_223 : i32 to vector<16xi32>
        %and3A_225 = arith.andi %add3A_222, %and3A_224 : vector<16xi32>
        %or3A_226 = arith.ori %shift_right_logical3A_219, %and3A_225 : vector<16xi32>
        %swap3A_227 = arith.constant 0 : i32
        %swap3A_228 = arith.index_cast %swap3A_227 : i32 to index
        %swap3A_229 = arith.index_cast %scan3A_171 : i32 to index
        %swap3A_230 = arith.constant 16 : index
        %swap3A_231 = tpu.vector_load %arg5[%swap3A_228, %swap3A_229, %swap3A_230] {strides = array<i32>} : memref<2x64x64xi32, #tpu.memory_space<vmem>>, vector<1x1x16xi32>,
        %swap3A_232 = vector.shape_cast %swap3A_231 : vector<1x1x16xi32> to vector<16xi32>
        %swap3A_233 = vector.shape_cast %or3A_226 : vector<16xi32> to vector<1x1x16xi32>
        tpu.vector_store %arg5[%swap3A_228, %swap3A_229, %swap3A_230], %swap3A_233 {strides = array<i32>} : memref<2x64x64xi32, #tpu.memory_space<vmem>>, vector<1x1x16xi32>,
        %get3A_234 = arith.constant 0 : i32
        %get3A_235 = arith.index_cast %get3A_234 : i32 to index
        %get3A_236 = arith.index_cast %scan3A_171 : i32 to index
        %get3A_237 = arith.constant 32 : index
        %get3A_238 = tpu.vector_load %arg4[%get3A_235, %get3A_236, %get3A_237] {strides = array<i32>} : memref<2x64x128xf32, #tpu.memory_space<vmem>>, vector<1x1x16xf32>,
        %get3A_239 = vector.shape_cast %get3A_238 : vector<1x1x16xf32> to vector<16xf32>
        %bitcast_convert_type3A_240 = tpu.bitcast %get3A_239 : vector<16xf32> -> vector<16xi32>
        %get3A_241 = arith.constant 0 : i32
        %get3A_242 = arith.index_cast %get3A_241 : i32 to index
        %get3A_243 = arith.index_cast %scan3A_171 : i32 to index
        %get3A_244 = arith.constant 96 : index
        %get3A_245 = tpu.vector_load %arg4[%get3A_242, %get3A_243, %get3A_244] {strides = array<i32>} : memref<2x64x128xf32, #tpu.memory_space<vmem>>, vector<1x1x16xf32>,
        %get3A_246 = vector.shape_cast %get3A_245 : vector<1x1x16xf32> to vector<16xf32>
        %bitcast_convert_type3A_247 = tpu.bitcast %get3A_246 : vector<16xf32> -> vector<16xi32>
        %add3A_248 = arith.constant 32768 : i32
        %add3A_249 = vector.broadcast %add3A_248 : i32 to vector<16xi32>
        %add3A_250 = arith.addi %bitcast_convert_type3A_240, %add3A_249 : vector<16xi32>
        %shift_right_logical3A_251 = arith.constant 16 : i32
        %shift_right_logical3A_252 = vector.broadcast %shift_right_logical3A_251 : i32 to vector<16xi32>
        %shift_right_logical3A_253 = arith.shrui %add3A_250, %shift_right_logical3A_252 : vector<16xi32>
        %add3A_254 = arith.constant 32768 : i32
        %add3A_255 = vector.broadcast %add3A_254 : i32 to vector<16xi32>
        %add3A_256 = arith.addi %bitcast_convert_type3A_247, %add3A_255 : vector<16xi32>
        %and3A_257 = arith.constant -65536 : i32
        %and3A_258 = vector.broadcast %and3A_257 : i32 to vector<16xi32>
        %and3A_259 = arith.andi %add3A_256, %and3A_258 : vector<16xi32>
        %or3A_260 = arith.ori %shift_right_logical3A_253, %and3A_259 : vector<16xi32>
        %swap3A_261 = arith.constant 0 : i32
        %swap3A_262 = arith.index_cast %swap3A_261 : i32 to index
        %swap3A_263 = arith.index_cast %scan3A_171 : i32 to index
        %swap3A_264 = arith.constant 32 : index
        %swap3A_265 = tpu.vector_load %arg5[%swap3A_262, %swap3A_263, %swap3A_264] {strides = array<i32>} : memref<2x64x64xi32, #tpu.memory_space<vmem>>, vector<1x1x16xi32>,
        %swap3A_266 = vector.shape_cast %swap3A_265 : vector<1x1x16xi32> to vector<16xi32>
        %swap3A_267 = vector.shape_cast %or3A_260 : vector<16xi32> to vector<1x1x16xi32>
        tpu.vector_store %arg5[%swap3A_262, %swap3A_263, %swap3A_264], %swap3A_267 {strides = array<i32>} : memref<2x64x64xi32, #tpu.memory_space<vmem>>, vector<1x1x16xi32>,
        %get3A_268 = arith.constant 0 : i32
        %get3A_269 = arith.index_cast %get3A_268 : i32 to index
        %get3A_270 = arith.index_cast %scan3A_171 : i32 to index
        %get3A_271 = arith.constant 48 : index
        %get3A_272 = tpu.vector_load %arg4[%get3A_269, %get3A_270, %get3A_271] {strides = array<i32>} : memref<2x64x128xf32, #tpu.memory_space<vmem>>, vector<1x1x16xf32>,
        %get3A_273 = vector.shape_cast %get3A_272 : vector<1x1x16xf32> to vector<16xf32>
        %bitcast_convert_type3A_274 = tpu.bitcast %get3A_273 : vector<16xf32> -> vector<16xi32>
        %get3A_275 = arith.constant 0 : i32
        %get3A_276 = arith.index_cast %get3A_275 : i32 to index
        %get3A_277 = arith.index_cast %scan3A_171 : i32 to index
        %get3A_278 = arith.constant 112 : index
        %get3A_279 = tpu.vector_load %arg4[%get3A_276, %get3A_277, %get3A_278] {strides = array<i32>} : memref<2x64x128xf32, #tpu.memory_space<vmem>>, vector<1x1x16xf32>,
        %get3A_280 = vector.shape_cast %get3A_279 : vector<1x1x16xf32> to vector<16xf32>
        %bitcast_convert_type3A_281 = tpu.bitcast %get3A_280 : vector<16xf32> -> vector<16xi32>
        %add3A_282 = arith.constant 32768 : i32
        %add3A_283 = vector.broadcast %add3A_282 : i32 to vector<16xi32>
        %add3A_284 = arith.addi %bitcast_convert_type3A_274, %add3A_283 : vector<16xi32>
        %shift_right_logical3A_285 = arith.constant 16 : i32
        %shift_right_logical3A_286 = vector.broadcast %shift_right_logical3A_285 : i32 to vector<16xi32>
        %shift_right_logical3A_287 = arith.shrui %add3A_284, %shift_right_logical3A_286 : vector<16xi32>
        %add3A_288 = arith.constant 32768 : i32
        %add3A_289 = vector.broadcast %add3A_288 : i32 to vector<16xi32>
        %add3A_290 = arith.addi %bitcast_convert_type3A_281, %add3A_289 : vector<16xi32>
        %and3A_291 = arith.constant -65536 : i32
        %and3A_292 = vector.broadcast %and3A_291 : i32 to vector<16xi32>
        %and3A_293 = arith.andi %add3A_290, %and3A_292 : vector<16xi32>
        %or3A_294 = arith.ori %shift_right_logical3A_287, %and3A_293 : vector<16xi32>
        %swap3A_295 = arith.constant 0 : i32
        %swap3A_296 = arith.index_cast %swap3A_295 : i32 to index
        %swap3A_297 = arith.index_cast %scan3A_171 : i32 to index
        %swap3A_298 = arith.constant 48 : index
        %swap3A_299 = tpu.vector_load %arg5[%swap3A_296, %swap3A_297, %swap3A_298] {strides = array<i32>} : memref<2x64x64xi32, #tpu.memory_space<vmem>>, vector<1x1x16xi32>,
        %swap3A_300 = vector.shape_cast %swap3A_299 : vector<1x1x16xi32> to vector<16xi32>
        %swap3A_301 = vector.shape_cast %or3A_294 : vector<16xi32> to vector<1x1x16xi32>
        tpu.vector_store %arg5[%swap3A_296, %swap3A_297, %swap3A_298], %swap3A_301 {strides = array<i32>} : memref<2x64x64xi32, #tpu.memory_space<vmem>>, vector<1x1x16xi32>,
      }
      %scan3A_94 = arith.constant 64 : i32
      %mul3A_95 = arith.constant 64 : i32
      %mul3A_96 = arith.muli %add3A_70, %mul3A_95 : i32
      %add3A_97 = arith.addi %mul3A_2, %mul3A_96 : i32
      %dma_start3A_98 = arith.constant 0 : i32
      %dma_start3A_99 = arith.constant 0 : i32
      %dma_start3A_100 = arith.constant 0 : i32
      %dma_start3A_101 = tpu.memref_slice %arg5[%dma_start3A_98, %dma_start3A_99, %dma_start3A_100] : memref<2x64x64xi32, #tpu.memory_space<vmem>> -> memref<1x64x64xi32, #tpu.memory_space<vmem>>
      %dma_start3A_102 = tpu.memref_squeeze %dma_start3A_101 : memref<1x64x64xi32, #tpu.memory_space<vmem>> -> memref<64x64xi32, #tpu.memory_space<vmem>>
      %dma_start3A_103 = arith.constant 0 : i32
      %dma_start3A_104 = tpu.memref_slice %arg3[%add3A_97, %dma_start3A_103] : memref<65536x64xi32, #tpu.memory_space<hbm>> -> memref<64x64xi32, #tpu.memory_space<hbm>>
      %dma_start3A_105 = arith.constant 0 : i32
      %dma_start3A_106 = tpu.memref_slice %arg3[%add3A_97, %dma_start3A_105] : memref<65536x64xi32, #tpu.memory_space<hbm>> -> memref<64x64xi32, #tpu.memory_space<hbm>>
      %dma_start3A_107 = arith.constant 0 : i32
      %dma_start3A_108 = arith.constant 0 : i32
      %dma_start3A_109 = tpu.memref_slice %arg5[%dma_start3A_98, %dma_start3A_107, %dma_start3A_108] : memref<2x64x64xi32, #tpu.memory_space<vmem>> -> memref<1x64x64xi32, #tpu.memory_space<vmem>>
      %dma_start3A_110 = tpu.memref_squeeze %dma_start3A_109 : memref<1x64x64xi32, #tpu.memory_space<vmem>> -> memref<64x64xi32, #tpu.memory_space<vmem>>
      tpu.enqueue_dma source(%dma_start3A_110 : memref<64x64xi32, #tpu.memory_space<vmem>>) target(%dma_start3A_106 : memref<64x64xi32, #tpu.memory_space<hbm>>) target_semaphore(%arg8 : memref<!tpu.dma_semaphore, #tpu.memory_space<semaphore_mem>>)
      %add3A_111 = arith.constant 2 : i32
      %add3A_112 = arith.addi %add3A_70, %add3A_111 : i32
      %lt3A = arith.constant 32 : i32
      %lt3A_113 = arith.cmpi slt, %add3A_112, %lt3A : i32
      %convert_element_type3A_114 = arith.extui %lt3A_113 : i1 to i32
      %cond3A_115 = arith.constant 0 : i32
      %cond3A_116 = arith.cmpi ne, %convert_element_type3A_114, %cond3A_115 : i32
      scf.if %cond3A_116 {
        %add3A_171 = arith.constant 2 : i32
        %add3A_172 = arith.addi %add3A_70, %add3A_171 : i32
        %mul3A_173 = arith.constant 64 : i32
        %mul3A_174 = arith.muli %add3A_172, %mul3A_173 : i32
        %add3A_175 = arith.addi %mul3A_2, %mul3A_174 : i32
        %dma_start3A_176 = arith.constant 0 : i32
        %dma_start3A_177 = arith.constant 0 : i32
        %dma_start3A_178 = arith.constant 0 : i32
        %dma_start3A_179 = tpu.memref_slice %arg4[%dma_start3A_176, %dma_start3A_177, %dma_start3A_178] : memref<2x64x128xf32, #tpu.memory_space<vmem>> -> memref<1x64x128xf32, #tpu.memory_space<vmem>>
        %dma_start3A_180 = tpu.memref_squeeze %dma_start3A_179 : memref<1x64x128xf32, #tpu.memory_space<vmem>> -> memref<64x128xf32, #tpu.memory_space<vmem>>
        %dma_start3A_181 = arith.constant 0 : i32
        %dma_start3A_182 = tpu.memref_slice %arg2[%add3A_175, %dma_start3A_181] : memref<65536x128xf32, #tpu.memory_space<hbm>> -> memref<64x128xf32, #tpu.memory_space<hbm>>
        %dma_start3A_183 = arith.constant 0 : i32
        %dma_start3A_184 = arith.constant 0 : i32
        %dma_start3A_185 = tpu.memref_slice %arg4[%dma_start3A_176, %dma_start3A_183, %dma_start3A_184] : memref<2x64x128xf32, #tpu.memory_space<vmem>> -> memref<1x64x128xf32, #tpu.memory_space<vmem>>
        %dma_start3A_186 = tpu.memref_squeeze %dma_start3A_185 : memref<1x64x128xf32, #tpu.memory_space<vmem>> -> memref<64x128xf32, #tpu.memory_space<vmem>>
        %dma_start3A_187 = arith.constant 0 : i32
        %dma_start3A_188 = tpu.memref_slice %arg2[%add3A_175, %dma_start3A_187] : memref<65536x128xf32, #tpu.memory_space<hbm>> -> memref<64x128xf32, #tpu.memory_space<hbm>>
        tpu.enqueue_dma source(%dma_start3A_188 : memref<64x128xf32, #tpu.memory_space<hbm>>) target(%dma_start3A_186 : memref<64x128xf32, #tpu.memory_space<vmem>>) target_semaphore(%arg6 : memref<!tpu.dma_semaphore, #tpu.memory_space<semaphore_mem>>)
      } else {
      }
      %mul3A_117 = arith.constant 2 : i32
      %mul3A_118 = arith.muli %mul3A_117, %scan3A_66 : i32
      %add3A_119 = arith.constant 1 : i32
      %add3A_120 = arith.addi %mul3A_118, %add3A_119 : i32
      %mul3A_121 = arith.constant 64 : i32
      %mul3A_122 = arith.muli %add3A_120, %mul3A_121 : i32
      %add3A_123 = arith.addi %mul3A_2, %mul3A_122 : i32
      %dma_wait3A_124 = arith.constant 1 : i32
      %dma_wait3A_125 = arith.constant 0 : i32
      %dma_wait3A_126 = arith.constant 0 : i32
      %dma_wait3A_127 = tpu.memref_slice %arg4[%dma_wait3A_124, %dma_wait3A_125, %dma_wait3A_126] : memref<2x64x128xf32, #tpu.memory_space<vmem>> -> memref<1x64x128xf32, #tpu.memory_space<vmem>>
      %dma_wait3A_128 = tpu.memref_squeeze %dma_wait3A_127 : memref<1x64x128xf32, #tpu.memory_space<vmem>> -> memref<64x128xf32, #tpu.memory_space<vmem>>
      %dma_wait3A_129 = arith.constant 0 : i32
      %dma_wait3A_130 = tpu.memref_slice %arg2[%add3A_123, %dma_wait3A_129] : memref<65536x128xf32, #tpu.memory_space<hbm>> -> memref<64x128xf32, #tpu.memory_space<hbm>>
      %dma_wait3A_131 = arith.constant 0 : i32
      %dma_wait3A_132 = arith.constant 0 : i32
      %dma_wait3A_133 = tpu.memref_slice %arg4[%dma_wait3A_124, %dma_wait3A_131, %dma_wait3A_132] : memref<2x64x128xf32, #tpu.memory_space<vmem>> -> memref<1x64x128xf32, #tpu.memory_space<vmem>>
      %dma_wait3A_134 = tpu.memref_squeeze %dma_wait3A_133 : memref<1x64x128xf32, #tpu.memory_space<vmem>> -> memref<64x128xf32, #tpu.memory_space<vmem>>
      %dma_wait3A_135 = arith.constant 0 : i32
      %dma_wait3A_136 = tpu.memref_slice %arg2[%add3A_123, %dma_wait3A_135] : memref<65536x128xf32, #tpu.memory_space<hbm>> -> memref<64x128xf32, #tpu.memory_space<hbm>>
      tpu.wait_dma2 semaphore(%arg7 : memref<!tpu.dma_semaphore, #tpu.memory_space<semaphore_mem>>) src(%dma_wait3A_136 : memref<64x128xf32, #tpu.memory_space<hbm>>) dst(%dma_wait3A_134 : memref<64x128xf32, #tpu.memory_space<vmem>>)
      %ge3A_137 = arith.constant 2 : i32
      %ge3A_138 = arith.cmpi sge, %add3A_120, %ge3A_137 : i32
      %convert_element_type3A_139 = arith.extui %ge3A_138 : i1 to i32
      %cond3A_140 = arith.constant 0 : i32
      %cond3A_141 = arith.cmpi ne, %convert_element_type3A_139, %cond3A_140 : i32
      scf.if %cond3A_141 {
        %sub3A = arith.constant 2 : i32
        %sub3A_171 = arith.subi %add3A_120, %sub3A : i32
        %mul3A_172 = arith.constant 64 : i32
        %mul3A_173 = arith.muli %sub3A_171, %mul3A_172 : i32
        %add3A_174 = arith.addi %mul3A_2, %mul3A_173 : i32
        %dma_wait3A_175 = arith.constant 1 : i32
        %dma_wait3A_176 = arith.constant 0 : i32
        %dma_wait3A_177 = arith.constant 0 : i32
        %dma_wait3A_178 = tpu.memref_slice %arg5[%dma_wait3A_175, %dma_wait3A_176, %dma_wait3A_177] : memref<2x64x64xi32, #tpu.memory_space<vmem>> -> memref<1x64x64xi32, #tpu.memory_space<vmem>>
        %dma_wait3A_179 = tpu.memref_squeeze %dma_wait3A_178 : memref<1x64x64xi32, #tpu.memory_space<vmem>> -> memref<64x64xi32, #tpu.memory_space<vmem>>
        %dma_wait3A_180 = arith.constant 0 : i32
        %dma_wait3A_181 = tpu.memref_slice %arg3[%add3A_174, %dma_wait3A_180] : memref<65536x64xi32, #tpu.memory_space<hbm>> -> memref<64x64xi32, #tpu.memory_space<hbm>>
        %dma_wait3A_182 = arith.constant 0 : i32
        %dma_wait3A_183 = tpu.memref_slice %arg3[%add3A_174, %dma_wait3A_182] : memref<65536x64xi32, #tpu.memory_space<hbm>> -> memref<64x64xi32, #tpu.memory_space<hbm>>
        %dma_wait3A_184 = arith.constant 0 : i32
        %dma_wait3A_185 = arith.constant 0 : i32
        %dma_wait3A_186 = tpu.memref_slice %arg5[%dma_wait3A_175, %dma_wait3A_184, %dma_wait3A_185] : memref<2x64x64xi32, #tpu.memory_space<vmem>> -> memref<1x64x64xi32, #tpu.memory_space<vmem>>
        %dma_wait3A_187 = tpu.memref_squeeze %dma_wait3A_186 : memref<1x64x64xi32, #tpu.memory_space<vmem>> -> memref<64x64xi32, #tpu.memory_space<vmem>>
        tpu.wait_dma2 semaphore(%arg9 : memref<!tpu.dma_semaphore, #tpu.memory_space<semaphore_mem>>) src(%dma_wait3A_187 : memref<64x64xi32, #tpu.memory_space<vmem>>) dst(%dma_wait3A_183 : memref<64x64xi32, #tpu.memory_space<hbm>>)
      } else {
      }
      %scan3A_142 = arith.constant 0 : i32
      %scan3A_143 = arith.constant 0 : i32
      %scan3A_144 = arith.constant 64 : i32
      %scan3A_145 = arith.addi %scan3A_143, %scan3A_144 : i32
      %scan3A_146 = arith.constant 1 : i32
      scf.for %scan3A_171 = %scan3A_143 to %scan3A_145 step %scan3A_146  : i32 {
        %get3A = arith.constant 1 : i32
        %get3A_172 = arith.index_cast %get3A : i32 to index
        %get3A_173 = arith.index_cast %scan3A_171 : i32 to index
        %get3A_174 = arith.constant 0 : index
        %get3A_175 = tpu.vector_load %arg4[%get3A_172, %get3A_173, %get3A_174] {strides = array<i32>} : memref<2x64x128xf32, #tpu.memory_space<vmem>>, vector<1x1x16xf32>,
        %get3A_176 = vector.shape_cast %get3A_175 : vector<1x1x16xf32> to vector<16xf32>
        %bitcast_convert_type3A = tpu.bitcast %get3A_176 : vector<16xf32> -> vector<16xi32>
        %get3A_177 = arith.constant 1 : i32
        %get3A_178 = arith.index_cast %get3A_177 : i32 to index
        %get3A_179 = arith.index_cast %scan3A_171 : i32 to index
        %get3A_180 = arith.constant 64 : index
        %get3A_181 = tpu.vector_load %arg4[%get3A_178, %get3A_179, %get3A_180] {strides = array<i32>} : memref<2x64x128xf32, #tpu.memory_space<vmem>>, vector<1x1x16xf32>,
        %get3A_182 = vector.shape_cast %get3A_181 : vector<1x1x16xf32> to vector<16xf32>
        %bitcast_convert_type3A_183 = tpu.bitcast %get3A_182 : vector<16xf32> -> vector<16xi32>
        %add3A_184 = arith.constant 32768 : i32
        %add3A_185 = vector.broadcast %add3A_184 : i32 to vector<16xi32>
        %add3A_186 = arith.addi %bitcast_convert_type3A, %add3A_185 : vector<16xi32>
        %shift_right_logical3A = arith.constant 16 : i32
        %shift_right_logical3A_187 = vector.broadcast %shift_right_logical3A : i32 to vector<16xi32>
        %shift_right_logical3A_188 = arith.shrui %add3A_186, %shift_right_logical3A_187 : vector<16xi32>
        %add3A_189 = arith.constant 32768 : i32
        %add3A_190 = vector.broadcast %add3A_189 : i32 to vector<16xi32>
        %add3A_191 = arith.addi %bitcast_convert_type3A_183, %add3A_190 : vector<16xi32>
        %and3A = arith.constant -65536 : i32
        %and3A_192 = vector.broadcast %and3A : i32 to vector<16xi32>
        %and3A_193 = arith.andi %add3A_191, %and3A_192 : vector<16xi32>
        %or3A = arith.ori %shift_right_logical3A_188, %and3A_193 : vector<16xi32>
        %swap3A = arith.constant 1 : i32
        %swap3A_194 = arith.index_cast %swap3A : i32 to index
        %swap3A_195 = arith.index_cast %scan3A_171 : i32 to index
        %swap3A_196 = arith.constant 0 : index
        %swap3A_197 = tpu.vector_load %arg5[%swap3A_194, %swap3A_195, %swap3A_196] {strides = array<i32>} : memref<2x64x64xi32, #tpu.memory_space<vmem>>, vector<1x1x16xi32>,
        %swap3A_198 = vector.shape_cast %swap3A_197 : vector<1x1x16xi32> to vector<16xi32>
        %swap3A_199 = vector.shape_cast %or3A : vector<16xi32> to vector<1x1x16xi32>
        tpu.vector_store %arg5[%swap3A_194, %swap3A_195, %swap3A_196], %swap3A_199 {strides = array<i32>} : memref<2x64x64xi32, #tpu.memory_space<vmem>>, vector<1x1x16xi32>,
        %get3A_200 = arith.constant 1 : i32
        %get3A_201 = arith.index_cast %get3A_200 : i32 to index
        %get3A_202 = arith.index_cast %scan3A_171 : i32 to index
        %get3A_203 = arith.constant 16 : index
        %get3A_204 = tpu.vector_load %arg4[%get3A_201, %get3A_202, %get3A_203] {strides = array<i32>} : memref<2x64x128xf32, #tpu.memory_space<vmem>>, vector<1x1x16xf32>,
        %get3A_205 = vector.shape_cast %get3A_204 : vector<1x1x16xf32> to vector<16xf32>
        %bitcast_convert_type3A_206 = tpu.bitcast %get3A_205 : vector<16xf32> -> vector<16xi32>
        %get3A_207 = arith.constant 1 : i32
        %get3A_208 = arith.index_cast %get3A_207 : i32 to index
        %get3A_209 = arith.index_cast %scan3A_171 : i32 to index
        %get3A_210 = arith.constant 80 : index
        %get3A_211 = tpu.vector_load %arg4[%get3A_208, %get3A_209, %get3A_210] {strides = array<i32>} : memref<2x64x128xf32, #tpu.memory_space<vmem>>, vector<1x1x16xf32>,
        %get3A_212 = vector.shape_cast %get3A_211 : vector<1x1x16xf32> to vector<16xf32>
        %bitcast_convert_type3A_213 = tpu.bitcast %get3A_212 : vector<16xf32> -> vector<16xi32>
        %add3A_214 = arith.constant 32768 : i32
        %add3A_215 = vector.broadcast %add3A_214 : i32 to vector<16xi32>
        %add3A_216 = arith.addi %bitcast_convert_type3A_206, %add3A_215 : vector<16xi32>
        %shift_right_logical3A_217 = arith.constant 16 : i32
        %shift_right_logical3A_218 = vector.broadcast %shift_right_logical3A_217 : i32 to vector<16xi32>
        %shift_right_logical3A_219 = arith.shrui %add3A_216, %shift_right_logical3A_218 : vector<16xi32>
        %add3A_220 = arith.constant 32768 : i32
        %add3A_221 = vector.broadcast %add3A_220 : i32 to vector<16xi32>
        %add3A_222 = arith.addi %bitcast_convert_type3A_213, %add3A_221 : vector<16xi32>
        %and3A_223 = arith.constant -65536 : i32
        %and3A_224 = vector.broadcast %and3A_223 : i32 to vector<16xi32>
        %and3A_225 = arith.andi %add3A_222, %and3A_224 : vector<16xi32>
        %or3A_226 = arith.ori %shift_right_logical3A_219, %and3A_225 : vector<16xi32>
        %swap3A_227 = arith.constant 1 : i32
        %swap3A_228 = arith.index_cast %swap3A_227 : i32 to index
        %swap3A_229 = arith.index_cast %scan3A_171 : i32 to index
        %swap3A_230 = arith.constant 16 : index
        %swap3A_231 = tpu.vector_load %arg5[%swap3A_228, %swap3A_229, %swap3A_230] {strides = array<i32>} : memref<2x64x64xi32, #tpu.memory_space<vmem>>, vector<1x1x16xi32>,
        %swap3A_232 = vector.shape_cast %swap3A_231 : vector<1x1x16xi32> to vector<16xi32>
        %swap3A_233 = vector.shape_cast %or3A_226 : vector<16xi32> to vector<1x1x16xi32>
        tpu.vector_store %arg5[%swap3A_228, %swap3A_229, %swap3A_230], %swap3A_233 {strides = array<i32>} : memref<2x64x64xi32, #tpu.memory_space<vmem>>, vector<1x1x16xi32>,
        %get3A_234 = arith.constant 1 : i32
        %get3A_235 = arith.index_cast %get3A_234 : i32 to index
        %get3A_236 = arith.index_cast %scan3A_171 : i32 to index
        %get3A_237 = arith.constant 32 : index
        %get3A_238 = tpu.vector_load %arg4[%get3A_235, %get3A_236, %get3A_237] {strides = array<i32>} : memref<2x64x128xf32, #tpu.memory_space<vmem>>, vector<1x1x16xf32>,
        %get3A_239 = vector.shape_cast %get3A_238 : vector<1x1x16xf32> to vector<16xf32>
        %bitcast_convert_type3A_240 = tpu.bitcast %get3A_239 : vector<16xf32> -> vector<16xi32>
        %get3A_241 = arith.constant 1 : i32
        %get3A_242 = arith.index_cast %get3A_241 : i32 to index
        %get3A_243 = arith.index_cast %scan3A_171 : i32 to index
        %get3A_244 = arith.constant 96 : index
        %get3A_245 = tpu.vector_load %arg4[%get3A_242, %get3A_243, %get3A_244] {strides = array<i32>} : memref<2x64x128xf32, #tpu.memory_space<vmem>>, vector<1x1x16xf32>,
        %get3A_246 = vector.shape_cast %get3A_245 : vector<1x1x16xf32> to vector<16xf32>
        %bitcast_convert_type3A_247 = tpu.bitcast %get3A_246 : vector<16xf32> -> vector<16xi32>
        %add3A_248 = arith.constant 32768 : i32
        %add3A_249 = vector.broadcast %add3A_248 : i32 to vector<16xi32>
        %add3A_250 = arith.addi %bitcast_convert_type3A_240, %add3A_249 : vector<16xi32>
        %shift_right_logical3A_251 = arith.constant 16 : i32
        %shift_right_logical3A_252 = vector.broadcast %shift_right_logical3A_251 : i32 to vector<16xi32>
        %shift_right_logical3A_253 = arith.shrui %add3A_250, %shift_right_logical3A_252 : vector<16xi32>
        %add3A_254 = arith.constant 32768 : i32
        %add3A_255 = vector.broadcast %add3A_254 : i32 to vector<16xi32>
        %add3A_256 = arith.addi %bitcast_convert_type3A_247, %add3A_255 : vector<16xi32>
        %and3A_257 = arith.constant -65536 : i32
        %and3A_258 = vector.broadcast %and3A_257 : i32 to vector<16xi32>
        %and3A_259 = arith.andi %add3A_256, %and3A_258 : vector<16xi32>
        %or3A_260 = arith.ori %shift_right_logical3A_253, %and3A_259 : vector<16xi32>
        %swap3A_261 = arith.constant 1 : i32
        %swap3A_262 = arith.index_cast %swap3A_261 : i32 to index
        %swap3A_263 = arith.index_cast %scan3A_171 : i32 to index
        %swap3A_264 = arith.constant 32 : index
        %swap3A_265 = tpu.vector_load %arg5[%swap3A_262, %swap3A_263, %swap3A_264] {strides = array<i32>} : memref<2x64x64xi32, #tpu.memory_space<vmem>>, vector<1x1x16xi32>,
        %swap3A_266 = vector.shape_cast %swap3A_265 : vector<1x1x16xi32> to vector<16xi32>
        %swap3A_267 = vector.shape_cast %or3A_260 : vector<16xi32> to vector<1x1x16xi32>
        tpu.vector_store %arg5[%swap3A_262, %swap3A_263, %swap3A_264], %swap3A_267 {strides = array<i32>} : memref<2x64x64xi32, #tpu.memory_space<vmem>>, vector<1x1x16xi32>,
        %get3A_268 = arith.constant 1 : i32
        %get3A_269 = arith.index_cast %get3A_268 : i32 to index
        %get3A_270 = arith.index_cast %scan3A_171 : i32 to index
        %get3A_271 = arith.constant 48 : index
        %get3A_272 = tpu.vector_load %arg4[%get3A_269, %get3A_270, %get3A_271] {strides = array<i32>} : memref<2x64x128xf32, #tpu.memory_space<vmem>>, vector<1x1x16xf32>,
        %get3A_273 = vector.shape_cast %get3A_272 : vector<1x1x16xf32> to vector<16xf32>
        %bitcast_convert_type3A_274 = tpu.bitcast %get3A_273 : vector<16xf32> -> vector<16xi32>
        %get3A_275 = arith.constant 1 : i32
        %get3A_276 = arith.index_cast %get3A_275 : i32 to index
        %get3A_277 = arith.index_cast %scan3A_171 : i32 to index
        %get3A_278 = arith.constant 112 : index
        %get3A_279 = tpu.vector_load %arg4[%get3A_276, %get3A_277, %get3A_278] {strides = array<i32>} : memref<2x64x128xf32, #tpu.memory_space<vmem>>, vector<1x1x16xf32>,
        %get3A_280 = vector.shape_cast %get3A_279 : vector<1x1x16xf32> to vector<16xf32>
        %bitcast_convert_type3A_281 = tpu.bitcast %get3A_280 : vector<16xf32> -> vector<16xi32>
        %add3A_282 = arith.constant 32768 : i32
        %add3A_283 = vector.broadcast %add3A_282 : i32 to vector<16xi32>
        %add3A_284 = arith.addi %bitcast_convert_type3A_274, %add3A_283 : vector<16xi32>
        %shift_right_logical3A_285 = arith.constant 16 : i32
        %shift_right_logical3A_286 = vector.broadcast %shift_right_logical3A_285 : i32 to vector<16xi32>
        %shift_right_logical3A_287 = arith.shrui %add3A_284, %shift_right_logical3A_286 : vector<16xi32>
        %add3A_288 = arith.constant 32768 : i32
        %add3A_289 = vector.broadcast %add3A_288 : i32 to vector<16xi32>
        %add3A_290 = arith.addi %bitcast_convert_type3A_281, %add3A_289 : vector<16xi32>
        %and3A_291 = arith.constant -65536 : i32
        %and3A_292 = vector.broadcast %and3A_291 : i32 to vector<16xi32>
        %and3A_293 = arith.andi %add3A_290, %and3A_292 : vector<16xi32>
        %or3A_294 = arith.ori %shift_right_logical3A_287, %and3A_293 : vector<16xi32>
        %swap3A_295 = arith.constant 1 : i32
        %swap3A_296 = arith.index_cast %swap3A_295 : i32 to index
        %swap3A_297 = arith.index_cast %scan3A_171 : i32 to index
        %swap3A_298 = arith.constant 48 : index
        %swap3A_299 = tpu.vector_load %arg5[%swap3A_296, %swap3A_297, %swap3A_298] {strides = array<i32>} : memref<2x64x64xi32, #tpu.memory_space<vmem>>, vector<1x1x16xi32>,
        %swap3A_300 = vector.shape_cast %swap3A_299 : vector<1x1x16xi32> to vector<16xi32>
        %swap3A_301 = vector.shape_cast %or3A_294 : vector<16xi32> to vector<1x1x16xi32>
        tpu.vector_store %arg5[%swap3A_296, %swap3A_297, %swap3A_298], %swap3A_301 {strides = array<i32>} : memref<2x64x64xi32, #tpu.memory_space<vmem>>, vector<1x1x16xi32>,
      }
      %scan3A_147 = arith.constant 64 : i32
      %mul3A_148 = arith.constant 64 : i32
      %mul3A_149 = arith.muli %add3A_120, %mul3A_148 : i32
      %add3A_150 = arith.addi %mul3A_2, %mul3A_149 : i32
      %dma_start3A_151 = arith.constant 1 : i32
      %dma_start3A_152 = arith.constant 0 : i32
      %dma_start3A_153 = arith.constant 0 : i32
      %dma_start3A_154 = tpu.memref_slice %arg5[%dma_start3A_151, %dma_start3A_152, %dma_start3A_153] : memref<2x64x64xi32, #tpu.memory_space<vmem>> -> memref<1x64x64xi32, #tpu.memory_space<vmem>>
      %dma_start3A_155 = tpu.memref_squeeze %dma_start3A_154 : memref<1x64x64xi32, #tpu.memory_space<vmem>> -> memref<64x64xi32, #tpu.memory_space<vmem>>
      %dma_start3A_156 = arith.constant 0 : i32
      %dma_start3A_157 = tpu.memref_slice %arg3[%add3A_150, %dma_start3A_156] : memref<65536x64xi32, #tpu.memory_space<hbm>> -> memref<64x64xi32, #tpu.memory_space<hbm>>
      %dma_start3A_158 = arith.constant 0 : i32
      %dma_start3A_159 = tpu.memref_slice %arg3[%add3A_150, %dma_start3A_158] : memref<65536x64xi32, #tpu.memory_space<hbm>> -> memref<64x64xi32, #tpu.memory_space<hbm>>
      %dma_start3A_160 = arith.constant 0 : i32
      %dma_start3A_161 = arith.constant 0 : i32
      %dma_start3A_162 = tpu.memref_slice %arg5[%dma_start3A_151, %dma_start3A_160, %dma_start3A_161] : memref<2x64x64xi32, #tpu.memory_space<vmem>> -> memref<1x64x64xi32, #tpu.memory_space<vmem>>
      %dma_start3A_163 = tpu.memref_squeeze %dma_start3A_162 : memref<1x64x64xi32, #tpu.memory_space<vmem>> -> memref<64x64xi32, #tpu.memory_space<vmem>>
      tpu.enqueue_dma source(%dma_start3A_163 : memref<64x64xi32, #tpu.memory_space<vmem>>) target(%dma_start3A_159 : memref<64x64xi32, #tpu.memory_space<hbm>>) target_semaphore(%arg9 : memref<!tpu.dma_semaphore, #tpu.memory_space<semaphore_mem>>)
      %add3A_164 = arith.constant 2 : i32
      %add3A_165 = arith.addi %add3A_120, %add3A_164 : i32
      %lt3A_166 = arith.constant 32 : i32
      %lt3A_167 = arith.cmpi slt, %add3A_165, %lt3A_166 : i32
      %convert_element_type3A_168 = arith.extui %lt3A_167 : i1 to i32
      %cond3A_169 = arith.constant 0 : i32
      %cond3A_170 = arith.cmpi ne, %convert_element_type3A_168, %cond3A_169 : i32
      scf.if %cond3A_170 {
        %add3A_171 = arith.constant 2 : i32
        %add3A_172 = arith.addi %add3A_120, %add3A_171 : i32
        %mul3A_173 = arith.constant 64 : i32
        %mul3A_174 = arith.muli %add3A_172, %mul3A_173 : i32
        %add3A_175 = arith.addi %mul3A_2, %mul3A_174 : i32
        %dma_start3A_176 = arith.constant 1 : i32
        %dma_start3A_177 = arith.constant 0 : i32
        %dma_start3A_178 = arith.constant 0 : i32
        %dma_start3A_179 = tpu.memref_slice %arg4[%dma_start3A_176, %dma_start3A_177, %dma_start3A_178] : memref<2x64x128xf32, #tpu.memory_space<vmem>> -> memref<1x64x128xf32, #tpu.memory_space<vmem>>
        %dma_start3A_180 = tpu.memref_squeeze %dma_start3A_179 : memref<1x64x128xf32, #tpu.memory_space<vmem>> -> memref<64x128xf32, #tpu.memory_space<vmem>>
        %dma_start3A_181 = arith.constant 0 : i32
        %dma_start3A_182 = tpu.memref_slice %arg2[%add3A_175, %dma_start3A_181] : memref<65536x128xf32, #tpu.memory_space<hbm>> -> memref<64x128xf32, #tpu.memory_space<hbm>>
        %dma_start3A_183 = arith.constant 0 : i32
        %dma_start3A_184 = arith.constant 0 : i32
        %dma_start3A_185 = tpu.memref_slice %arg4[%dma_start3A_176, %dma_start3A_183, %dma_start3A_184] : memref<2x64x128xf32, #tpu.memory_space<vmem>> -> memref<1x64x128xf32, #tpu.memory_space<vmem>>
        %dma_start3A_186 = tpu.memref_squeeze %dma_start3A_185 : memref<1x64x128xf32, #tpu.memory_space<vmem>> -> memref<64x128xf32, #tpu.memory_space<vmem>>
        %dma_start3A_187 = arith.constant 0 : i32
        %dma_start3A_188 = tpu.memref_slice %arg2[%add3A_175, %dma_start3A_187] : memref<65536x128xf32, #tpu.memory_space<hbm>> -> memref<64x128xf32, #tpu.memory_space<hbm>>
        tpu.enqueue_dma source(%dma_start3A_188 : memref<64x128xf32, #tpu.memory_space<hbm>>) target(%dma_start3A_186 : memref<64x128xf32, #tpu.memory_space<vmem>>) target_semaphore(%arg7 : memref<!tpu.dma_semaphore, #tpu.memory_space<semaphore_mem>>)
      } else {
      }
    }
    %scan3A_36 = arith.constant 16 : i32
    %add3A_37 = arith.constant 1920 : i32
    %add3A_38 = arith.addi %mul3A_2, %add3A_37 : i32
    %dma_wait3A = arith.constant 0 : i32
    %dma_wait3A_39 = arith.constant 0 : i32
    %dma_wait3A_40 = arith.constant 0 : i32
    %dma_wait3A_41 = tpu.memref_slice %arg5[%dma_wait3A, %dma_wait3A_39, %dma_wait3A_40] : memref<2x64x64xi32, #tpu.memory_space<vmem>> -> memref<1x64x64xi32, #tpu.memory_space<vmem>>
    %dma_wait3A_42 = tpu.memref_squeeze %dma_wait3A_41 : memref<1x64x64xi32, #tpu.memory_space<vmem>> -> memref<64x64xi32, #tpu.memory_space<vmem>>
    %dma_wait3A_43 = arith.constant 0 : i32
    %dma_wait3A_44 = tpu.memref_slice %arg3[%add3A_38, %dma_wait3A_43] : memref<65536x64xi32, #tpu.memory_space<hbm>> -> memref<64x64xi32, #tpu.memory_space<hbm>>
    %dma_wait3A_45 = arith.constant 0 : i32
    %dma_wait3A_46 = tpu.memref_slice %arg3[%add3A_38, %dma_wait3A_45] : memref<65536x64xi32, #tpu.memory_space<hbm>> -> memref<64x64xi32, #tpu.memory_space<hbm>>
    %dma_wait3A_47 = arith.constant 0 : i32
    %dma_wait3A_48 = arith.constant 0 : i32
    %dma_wait3A_49 = tpu.memref_slice %arg5[%dma_wait3A, %dma_wait3A_47, %dma_wait3A_48] : memref<2x64x64xi32, #tpu.memory_space<vmem>> -> memref<1x64x64xi32, #tpu.memory_space<vmem>>
    %dma_wait3A_50 = tpu.memref_squeeze %dma_wait3A_49 : memref<1x64x64xi32, #tpu.memory_space<vmem>> -> memref<64x64xi32, #tpu.memory_space<vmem>>
    tpu.wait_dma2 semaphore(%arg8 : memref<!tpu.dma_semaphore, #tpu.memory_space<semaphore_mem>>) src(%dma_wait3A_50 : memref<64x64xi32, #tpu.memory_space<vmem>>) dst(%dma_wait3A_46 : memref<64x64xi32, #tpu.memory_space<hbm>>)
    %add3A_51 = arith.constant 1984 : i32
    %add3A_52 = arith.addi %mul3A_2, %add3A_51 : i32
    %dma_wait3A_53 = arith.constant 1 : i32
    %dma_wait3A_54 = arith.constant 0 : i32
    %dma_wait3A_55 = arith.constant 0 : i32
    %dma_wait3A_56 = tpu.memref_slice %arg5[%dma_wait3A_53, %dma_wait3A_54, %dma_wait3A_55] : memref<2x64x64xi32, #tpu.memory_space<vmem>> -> memref<1x64x64xi32, #tpu.memory_space<vmem>>
    %dma_wait3A_57 = tpu.memref_squeeze %dma_wait3A_56 : memref<1x64x64xi32, #tpu.memory_space<vmem>> -> memref<64x64xi32, #tpu.memory_space<vmem>>
    %dma_wait3A_58 = arith.constant 0 : i32
    %dma_wait3A_59 = tpu.memref_slice %arg3[%add3A_52, %dma_wait3A_58] : memref<65536x64xi32, #tpu.memory_space<hbm>> -> memref<64x64xi32, #tpu.memory_space<hbm>>
    %dma_wait3A_60 = arith.constant 0 : i32
    %dma_wait3A_61 = tpu.memref_slice %arg3[%add3A_52, %dma_wait3A_60] : memref<65536x64xi32, #tpu.memory_space<hbm>> -> memref<64x64xi32, #tpu.memory_space<hbm>>
    %dma_wait3A_62 = arith.constant 0 : i32
    %dma_wait3A_63 = arith.constant 0 : i32
    %dma_wait3A_64 = tpu.memref_slice %arg5[%dma_wait3A_53, %dma_wait3A_62, %dma_wait3A_63] : memref<2x64x64xi32, #tpu.memory_space<vmem>> -> memref<1x64x64xi32, #tpu.memory_space<vmem>>
    %dma_wait3A_65 = tpu.memref_squeeze %dma_wait3A_64 : memref<1x64x64xi32, #tpu.memory_space<vmem>> -> memref<64x64xi32, #tpu.memory_space<vmem>>
    tpu.wait_dma2 semaphore(%arg9 : memref<!tpu.dma_semaphore, #tpu.memory_space<semaphore_mem>>) src(%dma_wait3A_65 : memref<64x64xi32, #tpu.memory_space<vmem>>) dst(%dma_wait3A_61 : memref<64x64xi32, #tpu.memory_space<hbm>>)
    return
  }
}

</mosaic_0001>

<sc_bundles>
// kernel: kernel.4.cloned.1.call-start
scs
__scs_entry_jumppad:
0x0: {  	(pc) =	sbr.rel $0x88, $3  }
0x1: {  	(tag) =	ssettag $0x0;
	lr =	simm.s32 $0x1  }
0x2: {  	[smem:$0x3F9E] =	sst lr;
	_ =	strace $0xD0000000  }
0x3: {  	_ = 	snop  }
0x4: {  	_ = 	snop  }
0x5: {  	_ = 	snop  }
0x6: {  	_ = 	snop  }
0x7: {  	_ = 	snop  }
__scs_overlays_trampoline_lowered:
0x8: {  	[smem:$0x3FAD] =	sst s0  }
0x9: {  	[smem:$0x3FAE] =	sst s1  }
0xa: {  	[smem:$0x3FAF] =	sst s2  }
0xb: {  	[smem:$0x3FB0] =	sst s3  }
0xc: {  	[smem:$0x3FB1] =	sst s4  }
0xd: {  	[smem:$0x3FB2] =	sst s5  }
0xe: {  	[smem:$0x3FB3] =	sst s6  }
0xf: {  	[smem:$0x3FB4] =	sst s7  }
0x10: {  	[smem:$0x3FB5] =	sst s8  }
0x11: {  	[smem:$0x3FB6] =	sst s9;
	s0 =	simm.s32 @!p0 $0x0  }
0x12: {  	s1 =	sld [smem:$0x3F9C];
	s0 =	simm.s32 @p0 $0x1  }
0x13: {  	[smem:$0x3FB7] =	sst s0;
	s0 =	simm.s32 @!p1 $0x0  }
0x14: {  	s2 =	sld [smem:$0x3F9B];
	s0 =	simm.s32 @p1 $0x1  }
0x15: {  	[smem:$0x3FB8] =	sst s0;
	s0 =	simm.s32 @!p2 $0x0  }
0x16: {  	s3 =	sld [smem:$0x3FDB];
	s0 =	simm.s32 @p2 $0x1  }
0x17: {  	s4 =	simm.s32 $0x1BF5;
	[smem:$0x3FBA] =	sst s0  }
0x18: {  	s0 =	sld [smem:$0x3F9D];
	_ =	swait.ge [sflag:s4], $0x0  }
0x19: {  	s7 =	sld [smem:$0x3F9E]  }
0x1a: {  	s8 =	sadd.s32 $0xFFFFE003, lr  }
0x1b: {  	s9 =	sadd.s32 $0xFFFFFEF7, lr;
	s5 =	simm.s32 $0xFFFFFFFF;
	p2 =	slt.u32 s8, $0xFFFFF086  }
0x1c: {  	p1 =	slt.u32 s9, $0xF7A;
	s5 =	simm.s32 @!p2 $0x0  }
0x1d: {  	s5 =	simm.s32 @p1 $0x1;
	p0 =	seq.s32 s7, s2  }
0x1e: {  	s7 =	smul.u32 @!p0 $0xF7A, s2;
	p2 =	seq.s32 @!p0 s5, $0x0  }
0x1f: {  	s9 =	smul.u32 $0xF7A, s1;
	s8 =	simm.s32 @!p0 $0x1BF5;
	p2 =	por !p2, p0  }
0x20: {  	[sflag:s8] =	ssyncset.s32 @!p0 $0xFFFFF086;
	s6 =	sadd.s32 @!p0 s3, s7;
	s7 =	simm.s32 @!p0 $0x108  }
0x21: {  	s3 =	sadd.s32 s3, s9;
	s6 =	sadd.s32 @!p0 $0x88, s6;
	s7 =	simm.s32 @p2 $0x1082  }
0x22: {  	[simem:s7], [sflag:s8] =	dma.local @!p0 [hbm:s6], $0xF7A  }
0x23: {  	s9 =	sor.u32 $0xD0000000, s2;
	s6 =	simm.s32 $0x108;
	_ =	swait.ge @!p0 [sflag:s8], $0x0  }
0x24: {  	s3 =	sadd.s32 $0x88, s3;
	s6 =	simm.s32 @!p1 $0x1082;
	[sflag:s4] =	ssyncset.s32 $0xFFFFF086  }
0x25: {  	[simem:s6], [sflag:s4] =	dma.local [hbm:s3], $0xF7A  }
0x26: {  	[smem:$0x3F9E] =	sst s1;
	(tag) =	ssettag s2;
	_ =	strace s9  }
0x27: {  	s1 =	sld [smem:$0x3FAE]  }
0x28: {  	s2 =	sld [smem:$0x3FAF]  }
0x29: {  	s4 =	sld [smem:$0x3FB1]  }
0x2a: {  	p0 =	seq.s32 s5, $0x0;
	s5 =	sld [smem:$0x3FB2]  }
0x2b: {  	s6 =	sld [smem:$0x3FB3]  }
0x2c: {  	s7 =	sld [smem:$0x3FB4]  }
0x2d: {  	s3 =	simm.s32 $0x108;
	s8 =	sld [smem:$0x3FB5]  }
0x2e: {  	s3 =	simm.s32 @!p0 $0x1082;
	s9 =	sld [smem:$0x3FB6]  }
0x2f: {  	lr =	sadd.s32 s0, s3;
	s0 =	sld [smem:$0x3FAD]  }
0x30: {  	s3 =	sld [smem:$0x3FB0]  }
0x31: {  	[smem:$0x3FB9] =	sst s10  }
0x32: {  	s10 =	sld [smem:$0x3FB7];
	_ =	sdelay $0x3  }
0x33: {  	p0 =	seq.s32 s10, $0x1;
	s10 =	sld [smem:$0x3FB9];
	_ =	sdelay $0x3  }
0x34: {  	[smem:$0x3FB9] =	sst s10  }
0x35: {  	s10 =	sld [smem:$0x3FB8];
	_ =	sdelay $0x3  }
0x36: {  	p1 =	seq.s32 s10, $0x1;
	s10 =	sld [smem:$0x3FB9];
	_ =	sdelay $0x3  }
0x37: {  	[smem:$0x3FB9] =	sst s10  }
0x38: {  	s10 =	sld [smem:$0x3FBA]  }
0x39: {  	_ = 	snop;
	(pc) =	sbr.ind lr, $3  }
0x3a: {  	_ = 	snop  }
0x3b: {  	_ = 	snop  }
0x3c: {  	p2 =	seq.s32 s10, $0x1;
	s10 =	sld [smem:$0x3FB9]  }
0x3d: {  	_ =	shalt  }
0x3e: {  	_ =	shalt  }
0x3f: {  	_ =	shalt  }
0x40: {  	_ =	shalt  }
0x41: {  	_ =	shalt  }
0x42: {  	_ =	shalt  }
0x43: {  	_ =	shalt  }
0x44: {  	_ =	shalt  }
0x45: {  	_ =	shalt  }
0x46: {  	_ =	shalt  }
0x47: {  	_ =	shalt  }
0x48: {  	_ =	shalt  }
0x49: {  	_ =	shalt  }
0x4a: {  	_ =	shalt  }
0x4b: {  	_ =	shalt  }
0x4c: {  	_ =	shalt  }
0x4d: {  	_ =	shalt  }
0x4e: {  	_ =	shalt  }
0x4f: {  	_ =	shalt  }
0x50: {  	_ =	shalt  }
0x51: {  	_ =	shalt  }
0x52: {  	_ =	shalt  }
0x53: {  	_ =	shalt  }
0x54: {  	_ =	shalt  }
0x55: {  	_ =	shalt  }
0x56: {  	_ =	shalt  }
0x57: {  	_ =	shalt  }
0x58: {  	_ =	shalt  }
0x59: {  	_ =	shalt  }
0x5a: {  	_ =	shalt  }
0x5b: {  	_ =	shalt  }
0x5c: {  	_ =	shalt  }
0x5d: {  	_ =	shalt  }
0x5e: {  	_ =	shalt  }
0x5f: {  	_ =	shalt  }
0x60: {  	_ =	shalt  }
0x61: {  	_ =	shalt  }
0x62: {  	_ =	shalt  }
0x63: {  	_ =	shalt  }
0x64: {  	_ =	shalt  }
0x65: {  	_ =	shalt  }
0x66: {  	_ =	shalt  }
0x67: {  	_ =	shalt  }
0x68: {  	_ =	shalt  }
0x69: {  	_ =	shalt  }
0x6a: {  	_ =	shalt  }
0x6b: {  	_ =	shalt  }
0x6c: {  	_ =	shalt  }
0x6d: {  	_ =	shalt  }
0x6e: {  	_ =	shalt  }
0x6f: {  	_ =	shalt  }
0x70: {  	_ =	shalt  }
0x71: {  	_ =	shalt  }
0x72: {  	_ =	shalt  }
0x73: {  	_ =	shalt  }
0x74: {  	_ =	shalt  }
0x75: {  	_ =	shalt  }
0x76: {  	_ =	shalt  }
0x77: {  	_ =	shalt  }
0x78: {  	_ =	shalt  }
0x79: {  	_ =	shalt  }
0x7a: {  	_ =	shalt  }
0x7b: {  	_ =	shalt  }
0x7c: {  	_ =	shalt  }
0x7d: {  	_ =	shalt  }
0x7e: {  	_ =	shalt  }
0x7f: {  	_ =	shalt  }
0x80: {  	_ =	shalt  }
0x81: {  	_ =	shalt  }
0x82: {  	_ =	shalt  }
0x83: {  	_ =	shalt  }
0x84: {  	_ =	shalt  }
0x85: {  	_ =	shalt  }
0x86: {  	_ =	shalt  }
0x87: {  	_ =	shalt  }
.Lfunc_end0:
.L_simem_size_0:
called_computation_lowered:
.L_overlay_start_0:
0x88: {  	s2 =	sld [smem:$0x3FD9]  }
0x89: {  	s3 =	sld [smem:$0x3FFE];
	_ =	sdelay $0x1  }
0x8a: {  	s1 =	srdreg.scid  }
0x8b: {  	s0 =	sand.u32 $0x1, s1  }
0x8c: {  	s17 =	sshll.u32 s0, $0xA;
	s2 =	sadd.s32 s3, s2  }
0x8d: {  	s2 =	sadd.s32 s2, s17  }
0x8e: {  	[smem:$0x3FC5] =	sst s2  }
0x8f: {  	_ = 	snop  }
0x90: {  	s2 =	sld [smem:$0x3FC9];
	(tm) =	ssettm $0x1  }
0x91: {  	s18 =	sld [smem:$0x3FFB];
	_ =	sdelay $0x3  }
0x92: {  	_ =	strace s18  }
0x93: {  	s3 =	sld [smem:$0x3FFC];
	_ =	sdelay $0x3  }
0x94: {  	_ =	strace s3  }
0x95: {  	s3 =	sld [smem:$0x3FFD];
	_ =	sdelay $0x3  }
0x96: {  	_ =	strace s3  }
0x97: {  	_ =	strace $0x8FFFFFFF  }
0x98: {  	s19 =	sld [smem:$0x3FDB];
	_ =	sdelay $0x1  }
0x99: {  	s4 =	simm.s32 $_scs_section_size  }
0x9a: {  	s5 =	simm.s32 $_size__tile_overlayer_lowered;
	s6 =	simm.s32 $_tile_overlayer_lowered  }
0x9b: {  	s22 =	simm.s32 $0x1BFF;
	s21 =	sshll.u32 s6, $0x1;
	s3 =	sadd.s32 s4, s19  }
0x9c: {  	s7 =	simm.s32 $0x0;
	s20 =	sshll.u32 s5, $0x1;
	s5 =	sadd.s32 s21, s3  }
0x9d: {  	[timem:s7], [sflag:s22] =	dma.local [hbm:s5], s20  }
0x9e: {  	_ =	swait.ge [sflag:s22], s20  }
0x9f: {  	s4 =	ssub.s32 $0x0, s20;
	[sflag:s22] =	ssyncset.done $0x0  }
0xa0: {  	[sflag:s22] =	ssyncadd.s32 s4;
	_ =	sdelay $0x1  }
0xa1: {  	s23 =	simm.s32 $0x1B8B  }
0xa2: {  	_ =	swait.ge [sflag:s23], $0x1  }
0xa3: {  	[sflag:s23] =	ssyncset.done $0x0  }
0xa4: {  	s25 =	simm.s32 $0x1B8E;
	s24 =	sld [smem:$0x3FFE];
	[sflag:s23] =	ssyncadd.s32 $0xFFFFFFFF  }
0xa5: {  	s26 =	simm.s32 $execute0_lowered;
	[smem:$0x3FD2] =	sst s25  }
0xa6: {  	s5 =	sshll.u32 s26, $0x1;
	_ =	strace $0x80000046;
	[dreg:$0x1] =	wrdreg $0xFFFFFFFF  }
0xa7: {  	s28 =	simm.s32 $_size_execute0_lowered;
	s3 =	sadd.s32 s3, s5;
	[dreg:$0x0] =	wrdreg $0x0  }
0xa8: {  	s5 =	sshll.u32 s28, $0x1;
	[dreg:$0x2] =	wrdreg s3  }
0xa9: {  	[dreg:$0x3] =	wrdreg s5  }
0xaa: {  	[dreg:$0x4] =	wrdreg $0xC0  }
0xab: {  	_ =	task [dreg:s7], $0x5FFFF  }
0xac: {  	[dreg:$0x1] =	wrdreg $0xFFFFFFFF  }
0xad: {  	[dreg:$0x0] =	wrdreg $0x60  }
0xae: {  	[dreg:$0x2] =	wrdreg s2  }
0xaf: {  	[dreg:$0x3] =	wrdreg s24  }
0xb0: {  	[dreg:$0x4] =	wrdreg $0x9  }
0xb1: {  	_ =	task.clear_ibuf [dreg:s7], $0x5FFFF;
	_ =	strace $0x90000046  }
0xb2: {  	s29 =	simm.s32 $0x9;
	_ =	strace $0x80000048  }
0xb3: {  	_ =	swait.ge [sflag:s29], $0x1  }
0xb4: {  	[sflag:s29] =	ssyncadd.s32 $0xFFFFFFFF  }
0xb5: {  	_ =	strace $0x90000048  }
0xb6: {  	_ =	sfence  }
0xb7: {  	s30 =	sld [smem:$0x0];
	_ =	sdelay $0x2  }
0xb8: {  	s31 =	sshll.u32 s1, $0xD;
	s1 =	sshrl.u32 s1, $0x2  }
0xb9: {  	s3 =	sand.u32 $0x4000, s31;
	s1 =	sadd.s32 s1, s30  }
0xba: {  	s0 =	sor.u32 s3, s0;
	s1 =	sshll.u32 s1, $0x11  }
0xbb: {  	s0 =	sor.u32 s1, s0  }
0xbc: {  	s0 =	sadd.s32 $0x8F2B, s0  }
0xbd: {  	[sflag:s0] =	ssyncadd.remote.s32 $0x1  }
0xbe: {  	_ =	sfence.sel $0xFFFF  }
0xbf: {  	[dreg:$0x0] =	wrdreg $0xFFFFFFFF;
	(pc) =	sbr.abs _section_cstart, $3  }
0xc0: {  	[dreg:$0x1] =	wrdreg $0xFFFFFFFF  }
0xc1: {  	_ =	task.clear_ibuf [dreg:s7], $0x2FFFF;
	_ =	strace $0x9FFFFFFF  }
0xc2: {  	(tm) =	ssettm $0x7FFFFFFF  }
0xc3: {  	_ =	shalt  }
tec
execute0_lowered:
.L_overlay_start_1:
0x0: {  	(tag) =	ssettag $0x1  }
0x1: {  	s3 =	rddreg [dreg:$0x0]  }
0x2: {  	s4 =	rddreg [dreg:$0x1]  }
0x3: {  	s0 =	rddreg [dreg:$0x2];
	s5 =	srdreg.scid  }
0x4: {  	s2 =	simm.s32 $0x0;
	s1 =	stileid.u32;
	s10 =	simm.s32 $0x2000  }
0x5: {  	s11 =	simm.s32 $0x1;
	s12 =	simm.s32 $0x4000;
	s13 =	simm.s32 $0x2  }
0x6: {  	s14 =	simm.s32 $0x4;
	s15 =	simm.s32 $0x5000;
	s16 =	simm.s32 $0x3  }
0x7: {  	s17 =	simm.s32 $0x0;
	s5 =	sand.u32 $0x1, s5;
	[smem:$0x7FF] =	sst s2  }
0x8: {  	s6 =	sshll.u32 s1, $0xC;
	s7 =	sshll.u32 s5, $0xB;
	_ =	strace $0x80000047  }
.Ltmp0:
0x9: {  	s5 =	ssub.s32 $0x2, s5;
	s6 =	sor.u32 s7, s6;
	(pc) =	sbr.rel .LBB2_1-.Ltmp0, $4  }
0xa: {  	s31 =	sshrl.u32 s5, $0x1;
	s7 =	sshll.u32 s6, $0x3;
	s6 =	sshll.u32 s6, $0x4  }
0xb: {  	s8 =	ssub.s32 s5, s31;
	s9 =	sadd.s32 s7, s4;
	s3 =	sadd.s32 s3, s6  }
0xc: {  	s8 =	smax.u32 s8, $0x1;
	s4 =	sadd.s32 $0x400, s3;
	s5 =	sadd.s32 $0xC00, s9  }
0xd: {  	s6 =	sadd.s32 $0x800, s3;
	s7 =	sadd.s32 $0xC00, s3;
	s9 =	sadd.s32 $0xE00, s9  }
.LBB2_12:
0xe: {  	s17 =	sadd.s32 $0x1, s17  }
0xf: {  	_ =	swait.ge [sflag:s16], $0x1000;
	p0 =	sne.s32 s17, s8  }
.Ltmp1:
0x10: {  	[sflag:s16] =	ssyncset.done $0x0;
	(pc) =	sbr.rel @!p0 .LBB2_13-.Ltmp1, $4  }
0x11: {  	[sflag:s16] =	ssyncadd.s32 $0xFFFFF000  }
0x12: {  	_ =	swait.ge [sflag:s14], $0x1000  }
0x13: {  	[sflag:s14] =	ssyncset.done $0x0  }
0x14: {  	[sflag:s14] =	ssyncadd.s32 $0xFFFFF000  }
.LBB2_1:
0x15: {  	[tilespmem:s2], [sflag:$0x1] =	stream.linear.gather [hbm4b:s3+s2], $0x2000, $0x38;
	[tilespmem:$0x6000] =	vst v63  }
0x16: {  	s18 =	simm.s32 $0x0  }
0x17: {  	[tilespmem:s10], [sflag:$0x2] =	stream.linear.gather [hbm4b:s4+s2], $0x2000, $0x38;
	[tilespmem:$0x6000] =	vst v63  }
.LBB2_2:
0x18: {  	_ =	swait.ge [sflag:s11], $0x2000  }
0x19: {  	p0 =	seq.s32 s18, $0x0;
	[sflag:s11] =	ssyncset.done $0x0  }
0x1a: {  	s19 =	simm.s32 @!p0 $0x3;
	[sflag:s11] =	ssyncadd.s32 $0xFFFFE000  }
0x1b: {  	_ =	swait.ge @!p0 [sflag:s19], $0x1000  }
0x1c: {  	[sflag:s19] =	ssyncset.done @!p0 $0x0  }
0x1d: {  	s20 =	simm.s32 $0x40;
	[sflag:s19] =	ssyncadd.s32 @!p0 $0xFFFFF000  }
0x1e: {  	v0 =	vld [tilespmem:s20+$0xFFFFFFC0]  }
0x1f: {  	v1 =	vld [tilespmem:s20+$0x0];
	_ =	sdelay $0x4  }
0x20: {  	v0 =	vadd.s32 $0x8000, v0;
	v1 =	vadd.s32 $0x8000, v1  }
0x21: {  	v0 =	vshrl.u32 v0, $0x10;
	v1 =	vand.u32 $0xFFFF0000, v1  }
0x22: {  	s21 =	simm.s32 $0x0;
	v0 =	vor.u32 v0, v1  }
0x23: {  	[tilespmem:s21+$0x4000] =	vst v0  }
0x24: {  	v0 =	vld [tilespmem:s20+$0xFFFFFFD0]  }
0x25: {  	v1 =	vld [tilespmem:s20+$0x10];
	_ =	sdelay $0x4  }
0x26: {  	v0 =	vadd.s32 $0x8000, v0;
	v1 =	vadd.s32 $0x8000, v1  }
0x27: {  	v0 =	vshrl.u32 v0, $0x10;
	v1 =	vand.u32 $0xFFFF0000, v1  }
0x28: {  	v0 =	vor.u32 v0, v1  }
0x29: {  	[tilespmem:s21+$0x4010] =	vst v0  }
0x2a: {  	v0 =	vld [tilespmem:s20+$0xFFFFFFE0]  }
0x2b: {  	v1 =	vld [tilespmem:s20+$0x20];
	_ =	sdelay $0x4  }
0x2c: {  	v0 =	vadd.s32 $0x8000, v0;
	v1 =	vadd.s32 $0x8000, v1  }
0x2d: {  	v0 =	vshrl.u32 v0, $0x10;
	v1 =	vand.u32 $0xFFFF0000, v1  }
0x2e: {  	v0 =	vor.u32 v0, v1  }
0x2f: {  	[tilespmem:s21+$0x4020] =	vst v0  }
0x30: {  	v1 =	vld [tilespmem:s20+$0xFFFFFFF0];
	_ =	sdelay $0x1  }
0x31: {  	v0 =	vld [tilespmem:s20+$0x30];
	_ =	sdelay $0x2  }
0x32: {  	s22 =	simm.s32 $0x100;
	s19 =	sshll.u32 s18, $0xB;
	v1 =	vadd.s32 $0x8000, v1  }
.LBB2_3:
0x33: {  	p1 =	sne.s32 s22, $0x3F00  }
0x34: {  	v1 =	vshrl.u32 v1, $0x10;
	v0 =	vadd.s32 $0x8000, v0;
	s20 =	sadd.s32 $0x80, s20;
	s23 =	smov.u32 s22;
	s22 =	sadd.s32 $0x100, s22  }
0x35: {  	v0 =	vand.u32 $0xFFFF0000, v0  }
0x36: {  	v0 =	vor.u32 v1, v0  }
0x37: {  	[tilespmem:s21+$0x4030] =	vst v0  }
0x38: {  	v0 =	vld [tilespmem:s20+$0xFFFFFFC0]  }
0x39: {  	v1 =	vld [tilespmem:s20+$0x0];
	_ =	sdelay $0x3  }
0x3a: {  	v0 =	vadd.s32 $0x8000, v0  }
0x3b: {  	v1 =	vadd.s32 $0x8000, v1  }
0x3c: {  	v0 =	vshrl.u32 v0, $0x10;
	v1 =	vand.u32 $0xFFFF0000, v1  }
0x3d: {  	s21 =	sshra.s32 s23, $0x2;
	v0 =	vor.u32 v0, v1  }
0x3e: {  	[tilespmem:s21+$0x4000] =	vst v0  }
0x3f: {  	v0 =	vld [tilespmem:s20+$0xFFFFFFD0]  }
0x40: {  	v1 =	vld [tilespmem:s20+$0x10];
	_ =	sdelay $0x3  }
0x41: {  	v0 =	vadd.s32 $0x8000, v0  }
0x42: {  	v0 =	vshrl.u32 v0, $0x10;
	v1 =	vadd.s32 $0x8000, v1  }
0x43: {  	v1 =	vand.u32 $0xFFFF0000, v1  }
0x44: {  	v0 =	vor.u32 v0, v1  }
0x45: {  	[tilespmem:s21+$0x4010] =	vst v0  }
0x46: {  	v0 =	vld [tilespmem:s20+$0xFFFFFFE0]  }
0x47: {  	v1 =	vld [tilespmem:s20+$0x20];
	_ =	sdelay $0x3  }
0x48: {  	v0 =	vadd.s32 $0x8000, v0  }
0x49: {  	v0 =	vshrl.u32 v0, $0x10;
	v1 =	vadd.s32 $0x8000, v1  }
0x4a: {  	v1 =	vand.u32 $0xFFFF0000, v1  }
0x4b: {  	v0 =	vor.u32 v0, v1  }
0x4c: {  	[tilespmem:s21+$0x4020] =	vst v0  }
0x4d: {  	v1 =	vld [tilespmem:s20+$0xFFFFFFF0]  }
.Ltmp2:
0x4e: {  	v0 =	vld [tilespmem:s20+$0x30];
	(pc) =	sbr.rel @p1 .LBB2_3-.Ltmp2, $2  }
0x4f: {  	_ =	sdelay $0x2  }
0x50: {  	v1 =	vadd.s32 $0x8000, v1  }
0x51: {  	p1 =	sne.s32 s18, $0xF  }
.Ltmp3:
0x52: {  	v0 =	vadd.s32 $0x8000, v0;
	(pc) =	sbr.rel @p1 .LBB2_6-.Ltmp3, $4  }
0x53: {  	v1 =	vshrl.u32 v1, $0x10;
	v0 =	vand.u32 $0xFFFF0000, v0  }
0x54: {  	s20 =	sshll.u32 s18, $0xA;
	v0 =	vor.u32 v1, v0  }
0x55: {  	s31 =	sadd.s32 s20, s5;
	[tilespmem:s21+$0x4030] =	vst v0  }
0x56: {  	[hbm4b:s31+s2] =	stream.linear.scatter [tilespmem:s12], [sflag:$0x3], $0x1000, $0x38;
	[tilespmem:$0x6000] =	vst v63  }
.Ltmp4:
0x57: {  	(pc) =	sbr.rel .LBB2_7-.Ltmp4, $4  }
0x58: {  	_ = 	snop  }
0x59: {  	_ =	swait.ge [sflag:s13], $0x2000  }
0x5a: {  	[sflag:s13] =	ssyncset.done $0x0  }
0x5b: {  	[sflag:s13] =	ssyncadd.s32 $0xFFFFE000  }
.LBB2_6:
.Ltmp5:
0x5c: {  	s21 =	sadd.s32 s19, s6;
	(pc) =	sbr.rel @p0 .LBB2_8-.Ltmp5, $4  }
0x5d: {  	[tilespmem:s2], [sflag:$0x1] =	stream.linear.gather [hbm4b:s21+s2], $0x2000, $0x38;
	[tilespmem:$0x6000] =	vst v63  }
0x5e: {  	_ =	swait.ge [sflag:s13], $0x2000  }
0x5f: {  	[sflag:s13] =	ssyncset.done $0x0  }
0x60: {  	[sflag:s13] =	ssyncadd.s32 $0xFFFFE000  }
.LBB2_7:
0x61: {  	_ =	swait.ge [sflag:s14], $0x1000  }
0x62: {  	[sflag:s14] =	ssyncset.done $0x0  }
0x63: {  	[sflag:s14] =	ssyncadd.s32 $0xFFFFF000  }
.LBB2_8:
0x64: {  	s21 =	simm.s32 $0x2070  }
0x65: {  	v0 =	vld [tilespmem:s21+$0xFFFFFF90]  }
0x66: {  	v1 =	vld [tilespmem:s21+$0xFFFFFFD0];
	_ =	sdelay $0x4  }
0x67: {  	v0 =	vadd.s32 $0x8000, v0;
	v1 =	vadd.s32 $0x8000, v1  }
0x68: {  	v0 =	vshrl.u32 v0, $0x10;
	v1 =	vand.u32 $0xFFFF0000, v1  }
0x69: {  	s22 =	simm.s32 $0x0;
	v0 =	vor.u32 v0, v1  }
0x6a: {  	[tilespmem:s22+$0x5000] =	vst v0  }
0x6b: {  	v0 =	vld [tilespmem:s21+$0xFFFFFFA0]  }
0x6c: {  	v1 =	vld [tilespmem:s21+$0xFFFFFFE0];
	_ =	sdelay $0x4  }
0x6d: {  	v0 =	vadd.s32 $0x8000, v0;
	v1 =	vadd.s32 $0x8000, v1  }
0x6e: {  	v0 =	vshrl.u32 v0, $0x10;
	v1 =	vand.u32 $0xFFFF0000, v1  }
0x6f: {  	v0 =	vor.u32 v0, v1  }
0x70: {  	[tilespmem:s22+$0x5010] =	vst v0  }
0x71: {  	v0 =	vld [tilespmem:s21+$0xFFFFFFB0]  }
0x72: {  	v1 =	vld [tilespmem:s21+$0xFFFFFFF0];
	_ =	sdelay $0x4  }
0x73: {  	v0 =	vadd.s32 $0x8000, v0;
	v1 =	vadd.s32 $0x8000, v1  }
0x74: {  	v0 =	vshrl.u32 v0, $0x10;
	v1 =	vand.u32 $0xFFFF0000, v1  }
0x75: {  	v0 =	vor.u32 v0, v1  }
0x76: {  	[tilespmem:s22+$0x5020] =	vst v0  }
0x77: {  	v1 =	vld [tilespmem:s21+$0xFFFFFFC0];
	_ =	sdelay $0x1  }
0x78: {  	v0 =	vld [tilespmem:s21+$0x0];
	_ =	sdelay $0x2  }
0x79: {  	s23 =	simm.s32 $0x100;
	v1 =	vadd.s32 $0x8000, v1  }
.LBB2_9:
0x7a: {  	p0 =	sne.s32 s23, $0x3F00  }
0x7b: {  	v1 =	vshrl.u32 v1, $0x10;
	v0 =	vadd.s32 $0x8000, v0;
	s21 =	sadd.s32 $0x80, s21;
	s24 =	smov.u32 s23;
	s23 =	sadd.s32 $0x100, s23  }
0x7c: {  	v0 =	vand.u32 $0xFFFF0000, v0  }
0x7d: {  	v0 =	vor.u32 v1, v0  }
0x7e: {  	[tilespmem:s22+$0x5030] =	vst v0  }
0x7f: {  	v0 =	vld [tilespmem:s21+$0xFFFFFF90]  }
0x80: {  	v1 =	vld [tilespmem:s21+$0xFFFFFFD0];
	_ =	sdelay $0x3  }
0x81: {  	v0 =	vadd.s32 $0x8000, v0  }
0x82: {  	v1 =	vadd.s32 $0x8000, v1  }
0x83: {  	v0 =	vshrl.u32 v0, $0x10;
	v1 =	vand.u32 $0xFFFF0000, v1  }
0x84: {  	s22 =	sshra.s32 s24, $0x2;
	v0 =	vor.u32 v0, v1  }
0x85: {  	[tilespmem:s22+$0x5000] =	vst v0  }
0x86: {  	v0 =	vld [tilespmem:s21+$0xFFFFFFA0]  }
0x87: {  	v1 =	vld [tilespmem:s21+$0xFFFFFFE0];
	_ =	sdelay $0x3  }
0x88: {  	v0 =	vadd.s32 $0x8000, v0  }
0x89: {  	v0 =	vshrl.u32 v0, $0x10;
	v1 =	vadd.s32 $0x8000, v1  }
0x8a: {  	v1 =	vand.u32 $0xFFFF0000, v1  }
0x8b: {  	v0 =	vor.u32 v0, v1  }
0x8c: {  	[tilespmem:s22+$0x5010] =	vst v0  }
0x8d: {  	v0 =	vld [tilespmem:s21+$0xFFFFFFB0]  }
0x8e: {  	v1 =	vld [tilespmem:s21+$0xFFFFFFF0];
	_ =	sdelay $0x3  }
0x8f: {  	v0 =	vadd.s32 $0x8000, v0  }
0x90: {  	v0 =	vshrl.u32 v0, $0x10;
	v1 =	vadd.s32 $0x8000, v1  }
0x91: {  	v1 =	vand.u32 $0xFFFF0000, v1  }
0x92: {  	v0 =	vor.u32 v0, v1  }
0x93: {  	[tilespmem:s22+$0x5020] =	vst v0  }
0x94: {  	v1 =	vld [tilespmem:s21+$0xFFFFFFC0]  }
.Ltmp6:
0x95: {  	v0 =	vld [tilespmem:s21+$0x0];
	(pc) =	sbr.rel @p0 .LBB2_9-.Ltmp6, $2  }
0x96: {  	_ =	sdelay $0x2  }
0x97: {  	v1 =	vadd.s32 $0x8000, v1  }
0x98: {  	p0 =	seq.s32 s18, $0xF  }
.Ltmp7:
0x99: {  	v0 =	vadd.s32 $0x8000, v0;
	(pc) =	sbr.rel @p0 .LBB2_12-.Ltmp7, $4  }
0x9a: {  	v1 =	vshrl.u32 v1, $0x10;
	v0 =	vand.u32 $0xFFFF0000, v0  }
0x9b: {  	v0 =	vor.u32 v1, v0  }
0x9c: {  	s20 =	sadd.s32 s9, s20;
	[tilespmem:s22+$0x5030] =	vst v0  }
0x9d: {  	[hbm4b:s20+s2] =	stream.linear.scatter [tilespmem:s15], [sflag:$0x4], $0x1000, $0x38;
	[tilespmem:$0x6000] =	vst v63  }
.Ltmp8:
0x9e: {  	(pc) =	sbr.rel .LBB2_2-.Ltmp8, $3  }
0x9f: {  	_ =	sdelay $0x1  }
0xa0: {  	s19 =	sadd.s32 s19, s7;
	s18 =	sadd.s32 $0x1, s18  }
0xa1: {  	[tilespmem:s10], [sflag:$0x2] =	stream.linear.gather [hbm4b:s19+s2], $0x2000, $0x38;
	[tilespmem:$0x6000] =	vst v63  }
.LBB2_13:
0xa2: {  	_ =	sfence.sel $0x180000  }
0xa3: {  	[bflag:$0x0] =	sbarrier.arrive $0xFFFF  }
0xa4: {  	p0 =	sne.s32 s1, $0x0;
	_ =	strace $0x90000047  }
0xa5: {  	s0 =	sadd.s32 @!p0 $0x100000, s0;
	[bflag:$0x2] =	sbarrier.arrive $0xFFFF  }
0xa6: {  	[sflag:s0] =	ssyncadd.tile.s32 @!p0 $0x1;
	_ =	shalt  }
.Lfunc_end2:
_tile_overlayer_lowered:
.L_overlay_start_2:
0xa7: {  	(tag) =	ssettag $0x2  }
0xa8: {  	s0 =	rddreg [dreg:$0x0];
	s2 =	stileid.u32  }
0xa9: {  	s1 =	rddreg [dreg:$0x1];
	p0 =	sne.s32 s2, $0x0  }
0xaa: {  	s3 =	rddreg [dreg:$0x2];
	[bflag:$0x3] =	sbarrier.arrive $0xFFFF;
	s2 =	simm.s32 @!p0 $0x1C05  }
0xab: {  	[timem:s3], [sflag:s2] =	dma.local @!p0 [hbm:s0], s1  }
0xac: {  	s0 =	simm.s32 @!p0 $0x5  }
0xad: {  	_ =	swait.ge @!p0 [sflag:s0], s1  }
0xae: {  	s1 =	ssub.s32 @!p0 $0x0, s1;
	[sflag:s0] =	ssyncset.done @!p0 $0x0  }
0xaf: {  	[sflag:s0] =	ssyncadd.s32 @!p0 s1  }
0xb0: {  	[bflag:$0x3] =	sbarrier.arrive $0xFFFF  }
0xb1: {  	_ =	shalt  }

// kernel: kernel.7.cloned.1.call-start
scs
__scs_entry_jumppad:
0x0: {  	(pc) =	sbr.rel $0x88, $3  }
0x1: {  	(tag) =	ssettag $0x0;
	lr =	simm.s32 $0x1  }
0x2: {  	[smem:$0x3F9E] =	sst lr;
	_ =	strace $0xD0000000  }
0x3: {  	_ = 	snop  }
0x4: {  	_ = 	snop  }
0x5: {  	_ = 	snop  }
0x6: {  	_ = 	snop  }
0x7: {  	_ = 	snop  }
__scs_overlays_trampoline_lowered:
0x8: {  	[smem:$0x3FAD] =	sst s0  }
0x9: {  	[smem:$0x3FAE] =	sst s1  }
0xa: {  	[smem:$0x3FAF] =	sst s2  }
0xb: {  	[smem:$0x3FB0] =	sst s3  }
0xc: {  	[smem:$0x3FB1] =	sst s4  }
0xd: {  	[smem:$0x3FB2] =	sst s5  }
0xe: {  	[smem:$0x3FB3] =	sst s6  }
0xf: {  	[smem:$0x3FB4] =	sst s7  }
0x10: {  	[smem:$0x3FB5] =	sst s8  }
0x11: {  	[smem:$0x3FB6] =	sst s9;
	s0 =	simm.s32 @!p0 $0x0  }
0x12: {  	s1 =	sld [smem:$0x3F9C];
	s0 =	simm.s32 @p0 $0x1  }
0x13: {  	[smem:$0x3FB7] =	sst s0;
	s0 =	simm.s32 @!p1 $0x0  }
0x14: {  	s2 =	sld [smem:$0x3F9B];
	s0 =	simm.s32 @p1 $0x1  }
0x15: {  	[smem:$0x3FB8] =	sst s0;
	s0 =	simm.s32 @!p2 $0x0  }
0x16: {  	s3 =	sld [smem:$0x3FDB];
	s0 =	simm.s32 @p2 $0x1  }
0x17: {  	s4 =	simm.s32 $0x1BF5;
	[smem:$0x3FBA] =	sst s0  }
0x18: {  	s0 =	sld [smem:$0x3F9D];
	_ =	swait.ge [sflag:s4], $0x0  }
0x19: {  	s7 =	sld [smem:$0x3F9E]  }
0x1a: {  	s8 =	sadd.s32 $0xFFFFE003, lr  }
0x1b: {  	s9 =	sadd.s32 $0xFFFFFEF7, lr;
	s5 =	simm.s32 $0xFFFFFFFF;
	p2 =	slt.u32 s8, $0xFFFFF086  }
0x1c: {  	p1 =	slt.u32 s9, $0xF7A;
	s5 =	simm.s32 @!p2 $0x0  }
0x1d: {  	s5 =	simm.s32 @p1 $0x1;
	p0 =	seq.s32 s7, s2  }
0x1e: {  	s7 =	smul.u32 @!p0 $0xF7A, s2;
	p2 =	seq.s32 @!p0 s5, $0x0  }
0x1f: {  	s9 =	smul.u32 $0xF7A, s1;
	s8 =	simm.s32 @!p0 $0x1BF5;
	p2 =	por !p2, p0  }
0x20: {  	[sflag:s8] =	ssyncset.s32 @!p0 $0xFFFFF086;
	s6 =	sadd.s32 @!p0 s3, s7;
	s7 =	simm.s32 @!p0 $0x108  }
0x21: {  	s3 =	sadd.s32 s3, s9;
	s6 =	sadd.s32 @!p0 $0x88, s6;
	s7 =	simm.s32 @p2 $0x1082  }
0x22: {  	[simem:s7], [sflag:s8] =	dma.local @!p0 [hbm:s6], $0xF7A  }
0x23: {  	s9 =	sor.u32 $0xD0000000, s2;
	s6 =	simm.s32 $0x108;
	_ =	swait.ge @!p0 [sflag:s8], $0x0  }
0x24: {  	s3 =	sadd.s32 $0x88, s3;
	s6 =	simm.s32 @!p1 $0x1082;
	[sflag:s4] =	ssyncset.s32 $0xFFFFF086  }
0x25: {  	[simem:s6], [sflag:s4] =	dma.local [hbm:s3], $0xF7A  }
0x26: {  	[smem:$0x3F9E] =	sst s1;
	(tag) =	ssettag s2;
	_ =	strace s9  }
0x27: {  	s1 =	sld [smem:$0x3FAE]  }
0x28: {  	s2 =	sld [smem:$0x3FAF]  }
0x29: {  	s4 =	sld [smem:$0x3FB1]  }
0x2a: {  	p0 =	seq.s32 s5, $0x0;
	s5 =	sld [smem:$0x3FB2]  }
0x2b: {  	s6 =	sld [smem:$0x3FB3]  }
0x2c: {  	s7 =	sld [smem:$0x3FB4]  }
0x2d: {  	s3 =	simm.s32 $0x108;
	s8 =	sld [smem:$0x3FB5]  }
0x2e: {  	s3 =	simm.s32 @!p0 $0x1082;
	s9 =	sld [smem:$0x3FB6]  }
0x2f: {  	lr =	sadd.s32 s0, s3;
	s0 =	sld [smem:$0x3FAD]  }
0x30: {  	s3 =	sld [smem:$0x3FB0]  }
0x31: {  	[smem:$0x3FB9] =	sst s10  }
0x32: {  	s10 =	sld [smem:$0x3FB7];
	_ =	sdelay $0x3  }
0x33: {  	p0 =	seq.s32 s10, $0x1;
	s10 =	sld [smem:$0x3FB9];
	_ =	sdelay $0x3  }
0x34: {  	[smem:$0x3FB9] =	sst s10  }
0x35: {  	s10 =	sld [smem:$0x3FB8];
	_ =	sdelay $0x3  }
0x36: {  	p1 =	seq.s32 s10, $0x1;
	s10 =	sld [smem:$0x3FB9];
	_ =	sdelay $0x3  }
0x37: {  	[smem:$0x3FB9] =	sst s10  }
0x38: {  	s10 =	sld [smem:$0x3FBA]  }
0x39: {  	_ = 	snop;
	(pc) =	sbr.ind lr, $3  }
0x3a: {  	_ = 	snop  }
0x3b: {  	_ = 	snop  }
0x3c: {  	p2 =	seq.s32 s10, $0x1;
	s10 =	sld [smem:$0x3FB9]  }
0x3d: {  	_ =	shalt  }
0x3e: {  	_ =	shalt  }
0x3f: {  	_ =	shalt  }
0x40: {  	_ =	shalt  }
0x41: {  	_ =	shalt  }
0x42: {  	_ =	shalt  }
0x43: {  	_ =	shalt  }
0x44: {  	_ =	shalt  }
0x45: {  	_ =	shalt  }
0x46: {  	_ =	shalt  }
0x47: {  	_ =	shalt  }
0x48: {  	_ =	shalt  }
0x49: {  	_ =	shalt  }
0x4a: {  	_ =	shalt  }
0x4b: {  	_ =	shalt  }
0x4c: {  	_ =	shalt  }
0x4d: {  	_ =	shalt  }
0x4e: {  	_ =	shalt  }
0x4f: {  	_ =	shalt  }
0x50: {  	_ =	shalt  }
0x51: {  	_ =	shalt  }
0x52: {  	_ =	shalt  }
0x53: {  	_ =	shalt  }
0x54: {  	_ =	shalt  }
0x55: {  	_ =	shalt  }
0x56: {  	_ =	shalt  }
0x57: {  	_ =	shalt  }
0x58: {  	_ =	shalt  }
0x59: {  	_ =	shalt  }
0x5a: {  	_ =	shalt  }
0x5b: {  	_ =	shalt  }
0x5c: {  	_ =	shalt  }
0x5d: {  	_ =	shalt  }
0x5e: {  	_ =	shalt  }
0x5f: {  	_ =	shalt  }
0x60: {  	_ =	shalt  }
0x61: {  	_ =	shalt  }
0x62: {  	_ =	shalt  }
0x63: {  	_ =	shalt  }
0x64: {  	_ =	shalt  }
0x65: {  	_ =	shalt  }
0x66: {  	_ =	shalt  }
0x67: {  	_ =	shalt  }
0x68: {  	_ =	shalt  }
0x69: {  	_ =	shalt  }
0x6a: {  	_ =	shalt  }
0x6b: {  	_ =	shalt  }
0x6c: {  	_ =	shalt  }
0x6d: {  	_ =	shalt  }
0x6e: {  	_ =	shalt  }
0x6f: {  	_ =	shalt  }
0x70: {  	_ =	shalt  }
0x71: {  	_ =	shalt  }
0x72: {  	_ =	shalt  }
0x73: {  	_ =	shalt  }
0x74: {  	_ =	shalt  }
0x75: {  	_ =	shalt  }
0x76: {  	_ =	shalt  }
0x77: {  	_ =	shalt  }
0x78: {  	_ =	shalt  }
0x79: {  	_ =	shalt  }
0x7a: {  	_ =	shalt  }
0x7b: {  	_ =	shalt  }
0x7c: {  	_ =	shalt  }
0x7d: {  	_ =	shalt  }
0x7e: {  	_ =	shalt  }
0x7f: {  	_ =	shalt  }
0x80: {  	_ =	shalt  }
0x81: {  	_ =	shalt  }
0x82: {  	_ =	shalt  }
0x83: {  	_ =	shalt  }
0x84: {  	_ =	shalt  }
0x85: {  	_ =	shalt  }
0x86: {  	_ =	shalt  }
0x87: {  	_ =	shalt  }
.Lfunc_end0:
.L_simem_size_0:
called_computation.1_lowered:
.L_overlay_start_0:
0x88: {  	s2 =	sld [smem:$0x3FD9]  }
0x89: {  	s3 =	sld [smem:$0x3FFE];
	_ =	sdelay $0x1  }
0x8a: {  	s1 =	srdreg.scid  }
0x8b: {  	s0 =	sand.u32 $0x1, s1  }
0x8c: {  	s17 =	sshll.u32 s0, $0xA;
	s2 =	sadd.s32 s3, s2  }
0x8d: {  	s2 =	sadd.s32 s2, s17  }
0x8e: {  	[smem:$0x3FC5] =	sst s2  }
0x8f: {  	_ = 	snop  }
0x90: {  	s2 =	sld [smem:$0x3FD0];
	(tm) =	ssettm $0x1  }
0x91: {  	s18 =	sld [smem:$0x3FFB];
	_ =	sdelay $0x3  }
0x92: {  	_ =	strace s18  }
0x93: {  	s3 =	sld [smem:$0x3FFC];
	_ =	sdelay $0x3  }
0x94: {  	_ =	strace s3  }
0x95: {  	s3 =	sld [smem:$0x3FFD];
	_ =	sdelay $0x3  }
0x96: {  	_ =	strace s3  }
0x97: {  	_ =	strace $0x8FFFFFFF  }
0x98: {  	s19 =	sld [smem:$0x3FDB];
	_ =	sdelay $0x1  }
0x99: {  	s4 =	simm.s32 $_scs_section_size  }
0x9a: {  	s5 =	simm.s32 $_size__tile_overlayer_lowered;
	s6 =	simm.s32 $_tile_overlayer_lowered  }
0x9b: {  	s22 =	simm.s32 $0x1BFF;
	s21 =	sshll.u32 s6, $0x1;
	s3 =	sadd.s32 s4, s19  }
0x9c: {  	s7 =	simm.s32 $0x0;
	s20 =	sshll.u32 s5, $0x1;
	s5 =	sadd.s32 s21, s3  }
0x9d: {  	[timem:s7], [sflag:s22] =	dma.local [hbm:s5], s20  }
0x9e: {  	_ =	swait.ge [sflag:s22], s20  }
0x9f: {  	s4 =	ssub.s32 $0x0, s20;
	[sflag:s22] =	ssyncset.done $0x0  }
0xa0: {  	[sflag:s22] =	ssyncadd.s32 s4;
	_ =	sdelay $0x1  }
0xa1: {  	s23 =	simm.s32 $0x1B8B  }
0xa2: {  	_ =	swait.ge [sflag:s23], $0x1  }
0xa3: {  	[sflag:s23] =	ssyncset.done $0x0  }
0xa4: {  	s25 =	simm.s32 $0x1B8E;
	s24 =	sld [smem:$0x3FFE];
	[sflag:s23] =	ssyncadd.s32 $0xFFFFFFFF  }
0xa5: {  	s26 =	simm.s32 $execute0_lowered;
	[smem:$0x3FD2] =	sst s25  }
0xa6: {  	s5 =	sshll.u32 s26, $0x1;
	_ =	strace $0x80000049;
	[dreg:$0x1] =	wrdreg $0xFFFFFFFF  }
0xa7: {  	s28 =	simm.s32 $_size_execute0_lowered;
	s3 =	sadd.s32 s3, s5;
	[dreg:$0x0] =	wrdreg $0x0  }
0xa8: {  	s5 =	sshll.u32 s28, $0x1;
	[dreg:$0x2] =	wrdreg s3  }
0xa9: {  	[dreg:$0x3] =	wrdreg s5  }
0xaa: {  	[dreg:$0x4] =	wrdreg $0xC0  }
0xab: {  	_ =	task [dreg:s7], $0x5FFFF  }
0xac: {  	[dreg:$0x1] =	wrdreg $0xFFFFFFFF  }
0xad: {  	[dreg:$0x0] =	wrdreg $0x60  }
0xae: {  	[dreg:$0x2] =	wrdreg s24  }
0xaf: {  	[dreg:$0x3] =	wrdreg s2  }
0xb0: {  	[dreg:$0x4] =	wrdreg $0x9  }
0xb1: {  	_ =	task.clear_ibuf [dreg:s7], $0x5FFFF;
	_ =	strace $0x90000049  }
0xb2: {  	s29 =	simm.s32 $0x9;
	_ =	strace $0x8000004B  }
0xb3: {  	_ =	swait.ge [sflag:s29], $0x1  }
0xb4: {  	[sflag:s29] =	ssyncadd.s32 $0xFFFFFFFF  }
0xb5: {  	_ =	strace $0x9000004B  }
0xb6: {  	_ =	sfence  }
0xb7: {  	s30 =	sld [smem:$0x0];
	_ =	sdelay $0x2  }
0xb8: {  	s31 =	sshll.u32 s1, $0xD;
	s1 =	sshrl.u32 s1, $0x2  }
0xb9: {  	s3 =	sand.u32 $0x4000, s31;
	s1 =	sadd.s32 s1, s30  }
0xba: {  	s0 =	sor.u32 s3, s0;
	s1 =	sshll.u32 s1, $0x11  }
0xbb: {  	s0 =	sor.u32 s1, s0  }
0xbc: {  	s0 =	sadd.s32 $0x8F2B, s0  }
0xbd: {  	[sflag:s0] =	ssyncadd.remote.s32 $0x1  }
0xbe: {  	_ =	sfence.sel $0xFFFF  }
0xbf: {  	[dreg:$0x0] =	wrdreg $0xFFFFFFFF;
	(pc) =	sbr.abs _section_cstart, $3  }
0xc0: {  	[dreg:$0x1] =	wrdreg $0xFFFFFFFF  }
0xc1: {  	_ =	task.clear_ibuf [dreg:s7], $0x2FFFF;
	_ =	strace $0x9FFFFFFF  }
0xc2: {  	(tm) =	ssettm $0x7FFFFFFF  }
0xc3: {  	_ =	shalt  }
tec
execute0_lowered:
.L_overlay_start_1:
0x0: {  	(tag) =	ssettag $0x1  }
0x1: {  	s0 =	rddreg [dreg:$0x0]  }
0x2: {  	s1 =	rddreg [dreg:$0x1]  }
0x3: {  	s3 =	simm.s32 $0x0;
	s2 =	srdreg.scid;
	s5 =	stileid.u32  }
0x4: {  	s13 =	simm.s32 $0x5;
	s14 =	simm.s32 $0x80;
	s22 =	simm.s32 $0x200  }
0x5: {  	s23 =	simm.s32 $0x8800;
	s28 =	simm.s32 $0xC800;
	s29 =	simm.s32 $0x380  }
0x6: {  	s30 =	simm.s32 $0xE800;
	s31 =	simm.s32 $0x600;
	s15 =	simm.s32 $0x2  }
0x7: {  	s16 =	simm.s32 $0x12800;
	s12 =	simm.s32 $0x0;
	s2 =	sand.u32 $0x1, s2  }
0x8: {  	[smem:$0x7FF] =	sst s3;
	s6 =	sshll.u32 s5, $0x1;
	s7 =	ssub.s32 $0x2, s2  }
0x9: {  	s4 =	sadd.s32 $0xC00, s0;
	s2 =	sor.u32 s2, s6;
	s8 =	sshrl.u32 s7, $0x1  }
0xa: {  	s5 =	sadd.s32 $0x80C00, s0;
	s24 =	ssub.s32 s7, s8;
	s7 =	sshll.u32 s2, $0xB  }
0xb: {  	_ =	strace $0x8000004A;
	s6 =	sadd.s32 $0x90C00, s0;
	s25 =	sadd.s32 s5, s7  }
0xc: {  	s8 =	sshll.u32 s2, $0xF;
	s26 =	sadd.s32 s6, s7;
	[dreg:$0x3] =	wrdreg s25  }
0xd: {  	s2 =	simm.s32 $0x10800;
	s0 =	smax.u32 s24, $0x1;
	[dreg:$0x4] =	wrdreg s26  }
0xe: {  	s11 =	sor.u32 $0x80, s7;
	s24 =	simm.s32 $0x280;
	[dreg:$0x5] =	wrdreg s0  }
0xf: {  	s25 =	simm.s32 $0xA800;
	s26 =	simm.s32 $0x300;
	s0 =	simm.s32 $0x1  }
.LBB2_1:
0x10: {  	[dreg:$0x6] =	wrdreg s12  }
0x11: {  	s9 =	rddreg [dreg:$0x3]  }
0x12: {  	[tilespmem:s3], [sflag:$0x5] =	stream.linear.gather [hbm4b:s9+s3], $0x200, $0x38;
	[tilespmem:$0x14800] =	vst v63  }
0x13: {  	_ =	swait.ge [sflag:s13], $0x200  }
0x14: {  	[sflag:s13] =	ssyncset.done $0x0  }
0x15: {  	s10 =	simm.s32 $0x800;
	[sflag:s13] =	ssyncadd.s32 $0xFFFFFE00  }
0x16: {  	[tilespmem:s10], [sflag:$0x1] =	stream.indirect.gather [hbm4b:s4+s14], $0x40, s3, s14, $0xb8;
	[tilespmem:$0x14800] =	vst v63  }
0x17: {  	s12 =	simm.s32 $0x2800  }
0x18: {  	[tilespmem:s12], [sflag:$0x1] =	stream.indirect.gather [hbm4b:s4+s14], $0x40, s14, s14, $0xb8;
	[tilespmem:$0x14800] =	vst v63  }
0x19: {  	s17 =	simm.s32 $0x100;
	s10 =	simm.s32 $0x4800  }
0x1a: {  	[tilespmem:s10], [sflag:$0x1] =	stream.indirect.gather [hbm4b:s4+s14], $0x40, s17, s14, $0xb8;
	[tilespmem:$0x14800] =	vst v63  }
0x1b: {  	s18 =	simm.s32 $0x180;
	s19 =	simm.s32 $0x6800  }
0x1c: {  	[tilespmem:s19], [sflag:$0x1] =	stream.indirect.gather [hbm4b:s4+s14], $0x40, s18, s14, $0xb8;
	[tilespmem:$0x14800] =	vst v63  }
0x1d: {  	s21 =	simm.s32 $0x400;
	s20 =	rddreg [dreg:$0x4]  }
0x1e: {  	[tilespmem:s21], [sflag:$0x1] =	stream.linear.gather [hbm4b:s20+s3], $0x200, $0x38;
	[tilespmem:$0x14800] =	vst v63  }
0x1f: {  	s20 =	simm.s32 $0x0  }
.LBB2_2:
0x20: {  	s21 =	sshllo.u32 s20, $0x1  }
0x21: {  	s9 =	sshll.u32 s21, $0x6  }
0x22: {  	s9 =	sadd.s32 s7, s9  }
0x23: {  	s10 =	sadd.s32 s5, s9  }
0x24: {  	[tilespmem:s22], [sflag:$0x5] =	stream.linear.gather [hbm4b:s10+s3], $0x200, $0x38;
	[tilespmem:$0x14800] =	vst v63  }
0x25: {  	_ =	swait.ge [sflag:s13], $0x200  }
0x26: {  	[sflag:s13] =	ssyncset.done $0x0  }
0x27: {  	[sflag:s13] =	ssyncadd.s32 $0xFFFFFE00  }
0x28: {  	[tilespmem:s23], [sflag:$0x2] =	stream.indirect.gather [hbm4b:s4+s14], $0x40, s22, s14, $0xb8;
	[tilespmem:$0x14800] =	vst v63  }
0x29: {  	_ = 	snop  }
0x2a: {  	[tilespmem:s25], [sflag:$0x2] =	stream.indirect.gather [hbm4b:s4+s14], $0x40, s24, s14, $0xb8;
	[tilespmem:$0x14800] =	vst v63  }
0x2b: {  	_ = 	snop  }
0x2c: {  	[tilespmem:s28], [sflag:$0x2] =	stream.indirect.gather [hbm4b:s4+s14], $0x40, s26, s14, $0xb8;
	[tilespmem:$0x14800] =	vst v63  }
0x2d: {  	_ = 	snop  }
0x2e: {  	[tilespmem:s30], [sflag:$0x2] =	stream.indirect.gather [hbm4b:s4+s14], $0x40, s29, s14, $0xb8;
	[tilespmem:$0x14800] =	vst v63  }
0x2f: {  	s9 =	sadd.s32 s6, s9  }
0x30: {  	[tilespmem:s31], [sflag:$0x2] =	stream.linear.gather [hbm4b:s9+s3], $0x200, $0x38;
	[tilespmem:$0x14800] =	vst v63  }
0x31: {  	_ =	swait.ge [sflag:s0], $0x2000  }
0x32: {  	[sflag:s0] =	ssyncset.done $0x0  }
0x33: {  	[sflag:s0] =	ssyncadd.s32 $0xFFFFE000  }
0x34: {  	_ =	swait.ge [sflag:s0], $0x2000  }
0x35: {  	[sflag:s0] =	ssyncset.done $0x0  }
0x36: {  	[sflag:s0] =	ssyncadd.s32 $0xFFFFE000  }
0x37: {  	_ =	swait.ge [sflag:s0], $0x2000  }
0x38: {  	[sflag:s0] =	ssyncset.done $0x0  }
0x39: {  	[sflag:s0] =	ssyncadd.s32 $0xFFFFE000  }
0x3a: {  	_ =	swait.ge [sflag:s0], $0x2000  }
0x3b: {  	[sflag:s0] =	ssyncset.done $0x0  }
0x3c: {  	[sflag:s0] =	ssyncadd.s32 $0xFFFFE000  }
0x3d: {  	_ =	swait.ge [sflag:s0], $0x200  }
0x3e: {  	p0 =	seq.s32 s20, $0x0;
	[sflag:s0] =	ssyncset.done $0x0  }
0x3f: {  	s9 =	simm.s32 @!p0 $0x3;
	[sflag:s0] =	ssyncadd.s32 $0xFFFFFE00  }
0x40: {  	_ =	swait.ge @!p0 [sflag:s9], $0x2000  }
0x41: {  	s12 =	simm.s32 $0xA00;
	[sflag:s9] =	ssyncset.done @!p0 $0x0  }
0x42: {  	s10 =	simm.s32 $0x10880;
	[sflag:s9] =	ssyncadd.s32 @!p0 $0xFFFFE000;
	s9 =	simm.s32 $0x0  }
.LBB2_3:
0x43: {  	v1 =	vld [tilespmem:s12+$0xFFFFFE00]  }
0x44: {  	v2 =	vld [tilespmem:s12+$0xFFFFFE10]  }
0x45: {  	v3 =	vld [tilespmem:s12+$0xFFFFFE20]  }
0x46: {  	v6 =	vld [tilespmem:s12+$0xFFFFFE30]  }
0x47: {  	v8 =	vld [tilespmem:s12+$0xFFFFFE40]  }
0x48: {  	v9 =	vld [tilespmem:s12+$0xFFFFFE50]  }
0x49: {  	v13 =	vld [tilespmem:s12+$0xFFFFFE60]  }
0x4a: {  	v15 =	vld [tilespmem:s12+$0xFFFFFE70]  }
0x4b: {  	v45 =	vld [tilespmem:s12+$0xFFFFFE80]  }
0x4c: {  	s17 =	sshra.s32 s9, $0x2;
	v47 =	vld [tilespmem:s12+$0xFFFFFE90];
	v5 =	vshll.u32 v1, $0x10  }
0x4d: {  	v0 =	vld [tilespmem:s17+$0x400];
	v1 =	vand.u32 $0xFFFF0000, v1;
	v7 =	vshll.u32 v2, $0x10;
	v2 =	vand.u32 $0xFFFF0000, v2  }
0x4e: {  	v17 =	vld [tilespmem:s12+$0xFFFFFEA0];
	v10 =	vshll.u32 v3, $0x10;
	v3 =	vand.u32 $0xFFFF0000, v3;
	v11 =	vshll.u32 v6, $0x10  }
0x4f: {  	v6 =	vand.u32 $0xFFFF0000, v6;
	v14 =	vshll.u32 v8, $0x10;
	v8 =	vand.u32 $0xFFFF0000, v8  }
0x50: {  	v54 =	vld [tilespmem:s12+$0xFFFFFEB0];
	v16 =	vshll.u32 v9, $0x10;
	v42 =	vand.u32 $0xFFFF0000, v9;
	v44 =	vshll.u32 v13, $0x10  }
0x51: {  	v57 =	vld [tilespmem:s12+$0xFFFFFEC0];
	v13 =	vand.u32 $0xFFFF0000, v13;
	v46 =	vshll.u32 v15, $0x10;
	v15 =	vand.u32 $0xFFFF0000, v15  }
0x52: {  	v52 =	vshll.u32 v45, $0x10;
	v9 =	vand.u32 $0xFFFF0000, v45;
	v0 =	vmul.f32 $1.250000000e-01, v0  }
0x53: {  	v61 =	vld [tilespmem:s12+$0xFFFFFED0];
	v53 =	vshll.u32 v47, $0x10;
	v55 =	vand.u32 $0xFFFF0000, v47;
	v56 =	vshll.u32 v17, $0x10  }
0x54: {  	v21 =	vld [tilespmem:s12+$0xFFFFFEE0];
	v60 =	vand.u32 $0xFFFF0000, v17;
	v4 =	vbroadcast v0, $0x0;
	v12 =	vbroadcast v0, $0x1  }
0x55: {  	v62 =	vshll.u32 v54, $0x10;
	v51 =	vbroadcast v0, $0x2;
	v63 =	vbroadcast v0, $0x3  }
0x56: {  	v23 =	vld [tilespmem:s12+$0xFFFFFEF0];
	v20 =	vshll.u32 v57, $0x10;
	v34 =	vbroadcast v0, $0x4;
	v5 =	vmul.f32 v5, v4  }
0x57: {  	v32 =	vld [tilespmem:s12+$0xFFFFFF10];
	v22 =	vand.u32 $0xFFFF0000, v57;
	v1 =	vmul.f32 v1, v4;
	v7 =	vmul.f32 v7, v4  }
0x58: {  	v26 =	vshll.u32 v61, $0x10;
	v2 =	vmul.f32 v2, v4;
	v10 =	vmul.f32 v10, v4  }
0x59: {  	v29 =	vshll.u32 v21, $0x10;
	v3 =	vmul.f32 v3, v4;
	v11 =	vmul.f32 v11, v4  }
0x5a: {  	v28 =	vld [tilespmem:s12+$0xFFFFFF00];
	v30 =	vand.u32 $0xFFFF0000, v21;
	v14 =	vmul.f32 v14, v12;
	v8 =	vmul.f32 v8, v12  }
0x5b: {  	v37 =	vld [tilespmem:s12+$0xFFFFFF20];
	v31 =	vshll.u32 v23, $0x10;
	v4 =	vmul.f32 v6, v4;
	v41 =	vmul.f32 v16, v12  }
0x5c: {  	v39 =	vshll.u32 v32, $0x10;
	v43 =	vmul.f32 v42, v12;
	v13 =	vmul.f32 v13, v12  }
0x5d: {  	v40 =	vand.u32 $0xFFFF0000, v32;
	v32 =	vld [tilespmem:s12+$0xFFFFFFE0];
	v49 =	vmul.f32 v15, v12;
	v9 =	vmul.f32 v9, v51  }
0x5e: {  	v35 =	vand.u32 $0xFFFF0000, v23;
	v58 =	vmul.f32 v55, v51;
	v59 =	vmul.f32 v56, v51  }
0x5f: {  	v36 =	vshll.u32 v28, $0x10;
	v15 =	vmul.f32 v20, v63;
	v25 =	vmul.f32 v22, v63  }
0x60: {  	v38 =	vld [tilespmem:s12+$0xFFFFFF30];
	v45 =	vand.u32 $0xFFFF0000, v37;
	v27 =	vmul.f32 v26, v63;
	v33 =	vmul.f32 v31, v63  }
0x61: {  	v47 =	vld [tilespmem:s12+$0xFFFFFF50];
	v42 =	vmul.f32 v40, v34;
	v31 =	vbroadcast v0, $0x7;
	v5 =	vadd.f32 v14, v5  }
0x62: {  	v40 =	vshll.u32 v32, $0x10;
	v1 =	vadd.f32 v8, v1;
	v6 =	vadd.f32 v41, v7  }
0x63: {  	v8 =	vmul.f32 v44, v12;
	v14 =	vmul.f32 v46, v12;
	v2 =	vadd.f32 v43, v2  }
0x64: {  	v3 =	vadd.f32 v13, v3;
	v4 =	vadd.f32 v49, v4;
	v12 =	vmul.f32 v53, v51  }
0x65: {  	v13 =	vand.u32 $0xFFFF0000, v54;
	v41 =	vmul.f32 v39, v34;
	v44 =	vshll.u32 v37, $0x10  }
0x66: {  	v46 =	vshll.u32 v38, $0x10;
	v49 =	vbroadcast v0, $0x5;
	v53 =	vshll.u32 v47, $0x10  }
0x67: {  	v56 =	vld [tilespmem:s12+$0xFFFFFF80];
	v54 =	vand.u32 $0xFFFF0000, v47;
	v48 =	vadd.f32 v8, v10;
	v50 =	vadd.f32 v14, v11  }
0x68: {  	v20 =	vld [tilespmem:s12+$0xFFFFFFB0];
	v8 =	vmul.f32 v52, v51;
	v1 =	vadd.f32 v9, v1;
	v6 =	vadd.f32 v12, v6  }
0x69: {  	v12 =	vmul.f32 v62, v51;
	v11 =	vmul.f32 v13, v51;
	v9 =	vand.u32 $0xFFFF0000, v61  }
0x6a: {  	v13 =	vmul.f32 v30, v63;
	v14 =	vand.u32 $0xFFFF0000, v38;
	v62 =	vbroadcast v0, $0x6  }
0x6b: {  	v2 =	vadd.f32 v58, v2;
	v9 =	vmul.f32 v9, v63;
	v10 =	vmul.f32 v14, v34  }
0x6c: {  	v14 =	vmul.f32 v54, v49;
	v18 =	vshll.u32 v56, $0x10;
	v19 =	vand.u32 $0xFFFF0000, v56  }
0x6d: {  	v43 =	vld [tilespmem:s12+$0xFFFFFF40];
	v30 =	vshll.u32 v20, $0x10;
	v5 =	vadd.f32 v8, v5;
	v7 =	vadd.f32 v59, v48  }
0x6e: {  	v8 =	vmul.f32 v60, v51;
	v24 =	vadd.f32 v12, v50;
	v4 =	vadd.f32 v11, v4  }
0x6f: {  	v1 =	vadd.f32 v25, v1;
	v12 =	vmul.f32 v29, v63;
	v6 =	vadd.f32 v27, v6  }
0x70: {  	v11 =	vand.u32 $0xFFFF0000, v28;
	v21 =	vmul.f32 v19, v62;
	v2 =	vadd.f32 v9, v2  }
0x71: {  	v52 =	vld [tilespmem:s12+$0xFFFFFF70];
	v9 =	vmul.f32 v36, v34;
	v11 =	vmul.f32 v11, v34;
	v3 =	vadd.f32 v8, v3  }
0x72: {  	v50 =	vshll.u32 v43, $0x10;
	v5 =	vadd.f32 v15, v5;
	v7 =	vadd.f32 v12, v7  }
0x73: {  	v8 =	vadd.f32 v33, v24;
	v12 =	vmul.f32 v35, v63;
	v6 =	vadd.f32 v41, v6  }
0x74: {  	v48 =	vld [tilespmem:s12+$0xFFFFFF60];
	v51 =	vmul.f32 v50, v49;
	v33 =	vand.u32 $0xFFFF0000, v20;
	v41 =	vand.u32 $0xFFFF0000, v32  }
0x75: {  	v59 =	vld [tilespmem:s12+$0xFFFFFF90];
	v1 =	vadd.f32 v11, v1;
	v2 =	vadd.f32 v42, v2;
	v11 =	vmul.f32 v44, v34  }
0x76: {  	v28 =	vld [tilespmem:s12+$0xFFFFFFD0];
	v61 =	vshll.u32 v52, $0x10;
	v42 =	vmul.f32 v41, v31;
	v3 =	vadd.f32 v13, v3  }
0x77: {  	v4 =	vadd.f32 v12, v4;
	v5 =	vadd.f32 v9, v5;
	v12 =	vmul.f32 v45, v34  }
0x78: {  	v13 =	vmul.f32 v46, v34;
	v9 =	vand.u32 $0xFFFF0000, v43;
	v7 =	vadd.f32 v11, v7  }
0x79: {  	v9 =	vmul.f32 v9, v49;
	v55 =	vshll.u32 v48, $0x10;
	v2 =	vadd.f32 v14, v2  }
0x7a: {  	v36 =	vld [tilespmem:s12+$0xFFFFFFF0];
	v58 =	vand.u32 $0xFFFF0000, v48;
	v11 =	vmul.f32 v18, v62;
	v22 =	vshll.u32 v59, $0x10  }
0x7b: {  	v63 =	vld [tilespmem:s12+$0xFFFFFFA0];
	v23 =	vand.u32 $0xFFFF0000, v59;
	v37 =	vshll.u32 v28, $0x10;
	v38 =	vand.u32 $0xFFFF0000, v28  }
0x7c: {  	v24 =	vld [tilespmem:s12+$0xFFFFFFC0];
	v3 =	vadd.f32 v12, v3;
	v8 =	vadd.f32 v13, v8;
	v13 =	vmul.f32 v53, v49  }
0x7d: {  	v4 =	vadd.f32 v10, v4;
	v57 =	vmul.f32 v55, v49;
	v60 =	vmul.f32 v58, v49  }
0x7e: {  	v5 =	vadd.f32 v51, v5;
	v10 =	vmul.f32 v61, v49;
	v25 =	vmul.f32 v23, v62  }
0x7f: {  	v12 =	vand.u32 $0xFFFF0000, v52;
	v14 =	vmul.f32 v37, v31;
	v39 =	vmul.f32 v38, v31  }
0x80: {  	v45 =	vand.u32 $0xFFFF0000, v36;
	v1 =	vadd.f32 v9, v1;
	v16 =	vmul.f32 v12, v49  }
0x81: {  	v26 =	vshll.u32 v63, $0x10;
	v27 =	vand.u32 $0xFFFF0000, v63;
	v34 =	vshll.u32 v24, $0x10  }
0x82: {  	v35 =	vand.u32 $0xFFFF0000, v24;
	v6 =	vadd.f32 v13, v6;
	v7 =	vadd.f32 v57, v7  }
0x83: {  	v9 =	vmul.f32 v33, v62;
	v3 =	vadd.f32 v60, v3;
	v8 =	vadd.f32 v10, v8  }
0x84: {  	v5 =	vadd.f32 v11, v5;
	v10 =	vmul.f32 v22, v62;
	v11 =	vmul.f32 v26, v62  }
0x85: {  	v2 =	vadd.f32 v25, v2;
	v12 =	vmul.f32 v34, v31;
	v4 =	vadd.f32 v16, v4  }
0x86: {  	v29 =	vmul.f32 v27, v62;
	v1 =	vadd.f32 v21, v1;
	v6 =	vadd.f32 v10, v6  }
0x87: {  	v7 =	vadd.f32 v11, v7;
	v10 =	vmul.f32 v30, v62;
	v5 =	vadd.f32 v12, v5  }
0x88: {  	v3 =	vadd.f32 v29, v3;
	v12 =	vmul.f32 v40, v31;
	v2 =	vadd.f32 v39, v2  }
0x89: {  	v46 =	vmul.f32 v45, v31;
	v4 =	vadd.f32 v9, v4;
	v6 =	vadd.f32 v14, v6;
	[tilespmem:s10+$0xFFFFFF80] =	vst v5  }
0x8a: {  	v8 =	vadd.f32 v10, v8;
	v10 =	vmul.f32 v35, v31;
	v44 =	vadd.f32 v12, v7;
	[tilespmem:s10+$0xFFFFFFD0] =	vst v2  }
0x8b: {  	v43 =	vshll.u32 v36, $0x10;
	v3 =	vadd.f32 v42, v3;
	[tilespmem:s10+$0xFFFFFF90] =	vst v6  }
0x8c: {  	v48 =	vadd.f32 v46, v4;
	v1 =	vadd.f32 v10, v1;
	v10 =	vmul.f32 v43, v31;
	[tilespmem:s10+$0xFFFFFFA0] =	vst v44  }
0x8d: {  	[tilespmem:s10+$0xFFFFFFE0] =	vst v3  }
0x8e: {  	[tilespmem:s10+$0xFFFFFFF0] =	vst v48;
	v47 =	vadd.f32 v10, v8  }
0x8f: {  	[tilespmem:s10+$0xFFFFFFC0] =	vst v1  }
0x90: {  	[tilespmem:s10+$0xFFFFFFB0] =	vst v47  }
0x91: {  	v1 =	vld [tilespmem:s12+$0x0]  }
0x92: {  	v2 =	vld [tilespmem:s12+$0x10]  }
0x93: {  	v3 =	vld [tilespmem:s12+$0x20]  }
0x94: {  	v6 =	vld [tilespmem:s12+$0x30]  }
0x95: {  	v52 =	vld [tilespmem:s12+$0x40]  }
0x96: {  	v53 =	vld [tilespmem:s12+$0x50]  }
0x97: {  	v56 =	vbroadcast v0, $0x9;
	v49 =	vbroadcast v0, $0x8;
	v57 =	vld [tilespmem:s12+$0x60]  }
0x98: {  	v27 =	vbroadcast v0, $0xA;
	v39 =	vbroadcast v0, $0xB;
	v22 =	vld [tilespmem:s12+$0x90]  }
0x99: {  	v50 =	vshll.u32 v1, $0x10;
	v1 =	vand.u32 $0xFFFF0000, v1;
	v51 =	vshll.u32 v2, $0x10  }
0x9a: {  	v59 =	vld [tilespmem:s12+$0x70];
	v2 =	vand.u32 $0xFFFF0000, v2;
	v54 =	vshll.u32 v3, $0x10;
	v3 =	vand.u32 $0xFFFF0000, v3  }
0x9b: {  	v55 =	vshll.u32 v6, $0x10;
	v6 =	vand.u32 $0xFFFF0000, v6;
	v58 =	vshll.u32 v52, $0x10  }
0x9c: {  	v20 =	vld [tilespmem:s12+$0x80];
	v8 =	vand.u32 $0xFFFF0000, v52;
	v60 =	vshll.u32 v53, $0x10;
	v62 =	vand.u32 $0xFFFF0000, v53  }
0x9d: {  	v19 =	vshll.u32 v57, $0x10;
	v13 =	vand.u32 $0xFFFF0000, v57;
	v29 =	vshll.u32 v22, $0x10  }
0x9e: {  	v23 =	vld [tilespmem:s12+$0xA0];
	v31 =	vand.u32 $0xFFFF0000, v22;
	v22 =	vbroadcast v0, $0xD;
	v5 =	vmul.f32 v50, v49  }
0x9f: {  	v21 =	vshll.u32 v59, $0x10;
	v1 =	vmul.f32 v1, v49;
	v7 =	vmul.f32 v51, v49  }
0xa0: {  	v33 =	vld [tilespmem:s12+$0xC0];
	v15 =	vand.u32 $0xFFFF0000, v59;
	v2 =	vmul.f32 v2, v49;
	v10 =	vmul.f32 v54, v49  }
0xa1: {  	v30 =	vld [tilespmem:s12+$0xB0];
	v28 =	vshll.u32 v20, $0x10;
	v3 =	vmul.f32 v3, v49;
	v11 =	vmul.f32 v55, v49  }
0xa2: {  	v37 =	vld [tilespmem:s12+$0xD0];
	v9 =	vand.u32 $0xFFFF0000, v20;
	v14 =	vmul.f32 v58, v56;
	v8 =	vmul.f32 v8, v56  }
0xa3: {  	v41 =	vld [tilespmem:s12+$0xE0];
	v32 =	vshll.u32 v23, $0x10;
	v4 =	vmul.f32 v6, v49;
	v61 =	vmul.f32 v60, v56  }
0xa4: {  	v43 =	vld [tilespmem:s12+$0xF0];
	v36 =	vand.u32 $0xFFFF0000, v23;
	v63 =	vmul.f32 v62, v56;
	v13 =	vmul.f32 v13, v56  }
0xa5: {  	v40 =	vshll.u32 v33, $0x10;
	v25 =	vmul.f32 v15, v56;
	v9 =	vmul.f32 v9, v27  }
0xa6: {  	v42 =	vand.u32 $0xFFFF0000, v33;
	v12 =	vmul.f32 v29, v27;
	v34 =	vmul.f32 v31, v27  }
0xa7: {  	v46 =	vshll.u32 v37, $0x10;
	v35 =	vmul.f32 v32, v27;
	v15 =	vmul.f32 v40, v39  }
0xa8: {  	v38 =	vshll.u32 v30, $0x10;
	v45 =	vmul.f32 v42, v39;
	v47 =	vmul.f32 v46, v39  }
0xa9: {  	v48 =	vld [tilespmem:s12+$0x100];
	v49 =	vshll.u32 v41, $0x10;
	v50 =	vand.u32 $0xFFFF0000, v41;
	v51 =	vshll.u32 v43, $0x10  }
0xaa: {  	v54 =	vbroadcast v0, $0xC;
	v55 =	vand.u32 $0xFFFF0000, v43;
	v5 =	vadd.f32 v14, v5  }
0xab: {  	v52 =	vld [tilespmem:s12+$0x110];
	v53 =	vmul.f32 v51, v39;
	v1 =	vadd.f32 v8, v1;
	v6 =	vadd.f32 v61, v7  }
0xac: {  	v57 =	vld [tilespmem:s12+$0x120];
	v8 =	vmul.f32 v19, v56;
	v14 =	vmul.f32 v21, v56;
	v2 =	vadd.f32 v63, v2  }
0xad: {  	v58 =	vld [tilespmem:s12+$0x130];
	v3 =	vadd.f32 v13, v3;
	v4 =	vadd.f32 v25, v4;
	v13 =	vand.u32 $0xFFFF0000, v30  }
0xae: {  	v29 =	vld [tilespmem:s12+$0x180];
	v56 =	vshll.u32 v48, $0x10;
	v24 =	vadd.f32 v8, v10;
	v26 =	vadd.f32 v14, v11  }
0xaf: {  	v32 =	vld [tilespmem:s12+$0x190];
	v8 =	vmul.f32 v28, v27;
	v1 =	vadd.f32 v9, v1;
	v6 =	vadd.f32 v12, v6  }
0xb0: {  	v40 =	vld [tilespmem:s12+$0x1B0];
	v2 =	vadd.f32 v34, v2;
	v12 =	vmul.f32 v38, v27;
	v11 =	vmul.f32 v13, v27  }
0xb1: {  	v9 =	vand.u32 $0xFFFF0000, v37;
	v13 =	vmul.f32 v50, v39;
	v59 =	vshll.u32 v52, $0x10  }
0xb2: {  	v60 =	vand.u32 $0xFFFF0000, v52;
	v17 =	vshll.u32 v57, $0x10;
	v9 =	vmul.f32 v9, v39  }
0xb3: {  	v18 =	vand.u32 $0xFFFF0000, v57;
	v61 =	vmul.f32 v59, v54;
	v62 =	vmul.f32 v60, v54  }
0xb4: {  	v20 =	vld [tilespmem:s12+$0x150];
	v19 =	vshll.u32 v58, $0x10;
	v14 =	vand.u32 $0xFFFF0000, v58;
	v38 =	vshll.u32 v29, $0x10  }
0xb5: {  	v42 =	vshll.u32 v32, $0x10;
	v43 =	vand.u32 $0xFFFF0000, v32;
	v50 =	vshll.u32 v40, $0x10  }
0xb6: {  	v51 =	vld [tilespmem:s12+$0x1E0];
	v52 =	vand.u32 $0xFFFF0000, v40;
	v5 =	vadd.f32 v8, v5;
	v7 =	vadd.f32 v35, v24  }
0xb7: {  	v63 =	vld [tilespmem:s12+$0x140];
	v8 =	vmul.f32 v36, v27;
	v44 =	vadd.f32 v12, v26;
	v4 =	vadd.f32 v11, v4  }
0xb8: {  	v21 =	vld [tilespmem:s12+$0x160];
	v1 =	vadd.f32 v45, v1;
	v12 =	vmul.f32 v49, v39;
	v6 =	vadd.f32 v47, v6  }
0xb9: {  	v25 =	vld [tilespmem:s12+$0x170];
	v11 =	vand.u32 $0xFFFF0000, v48;
	v10 =	vmul.f32 v14, v54;
	v26 =	vshll.u32 v20, $0x10  }
0xba: {  	v27 =	vand.u32 $0xFFFF0000, v20;
	v35 =	vbroadcast v0, $0xE;
	v0 =	vbroadcast v0, $0xF  }
0xbb: {  	v59 =	vshll.u32 v51, $0x10;
	v60 =	vand.u32 $0xFFFF0000, v51;
	v2 =	vadd.f32 v9, v2  }
0xbc: {  	v9 =	vmul.f32 v56, v54;
	v11 =	vmul.f32 v11, v54;
	v23 =	vshll.u32 v63, $0x10  }
0xbd: {  	v14 =	vmul.f32 v27, v22;
	v28 =	vshll.u32 v21, $0x10;
	v31 =	vand.u32 $0xFFFF0000, v21  }
0xbe: {  	v34 =	vshll.u32 v25, $0x10;
	v3 =	vadd.f32 v8, v3;
	v5 =	vadd.f32 v15, v5  }
0xbf: {  	v7 =	vadd.f32 v12, v7;
	v8 =	vadd.f32 v53, v44;
	v12 =	vmul.f32 v55, v39  }
0xc0: {  	v6 =	vadd.f32 v61, v6;
	v24 =	vmul.f32 v23, v22;
	v30 =	vmul.f32 v28, v22  }
0xc1: {  	v36 =	vld [tilespmem:s12+$0x1A0];
	v33 =	vmul.f32 v31, v22;
	v39 =	vand.u32 $0xFFFF0000, v29;
	v45 =	vmul.f32 v43, v35  }
0xc2: {  	v48 =	vld [tilespmem:s12+$0x1D0];
	v61 =	vmul.f32 v59, v0;
	v1 =	vadd.f32 v11, v1;
	v2 =	vadd.f32 v62, v2  }
0xc3: {  	v11 =	vmul.f32 v17, v54;
	v41 =	vmul.f32 v39, v35;
	v3 =	vadd.f32 v13, v3  }
0xc4: {  	v4 =	vadd.f32 v12, v4;
	v5 =	vadd.f32 v9, v5;
	v12 =	vmul.f32 v18, v54  }
0xc5: {  	v13 =	vmul.f32 v19, v54;
	v9 =	vand.u32 $0xFFFF0000, v63;
	v7 =	vadd.f32 v11, v7  }
0xc6: {  	v9 =	vmul.f32 v9, v22;
	v2 =	vadd.f32 v14, v2;
	v11 =	vmul.f32 v38, v35  }
0xc7: {  	v46 =	vshll.u32 v36, $0x10;
	v47 =	vand.u32 $0xFFFF0000, v36;
	v56 =	vshll.u32 v48, $0x10  }
0xc8: {  	v57 =	vand.u32 $0xFFFF0000, v48;
	v3 =	vadd.f32 v12, v3;
	v8 =	vadd.f32 v13, v8  }
0xc9: {  	v44 =	vld [tilespmem:s12+$0x1C0];
	v4 =	vadd.f32 v10, v4;
	v13 =	vmul.f32 v26, v22;
	v5 =	vadd.f32 v24, v5  }
0xca: {  	v12 =	vand.u32 $0xFFFF0000, v25;
	v10 =	vmul.f32 v34, v22;
	v49 =	vmul.f32 v47, v35  }
0xcb: {  	v14 =	vmul.f32 v56, v0;
	v58 =	vmul.f32 v57, v0;
	v1 =	vadd.f32 v9, v1  }
0xcc: {  	v7 =	vadd.f32 v30, v7;
	v37 =	vmul.f32 v12, v22;
	v2 =	vadd.f32 v45, v2  }
0xcd: {  	v6 =	vadd.f32 v13, v6;
	v8 =	vadd.f32 v10, v8;
	v10 =	vmul.f32 v42, v35  }
0xce: {  	v55 =	vld [tilespmem:s12+$0x1F0];
	v53 =	vshll.u32 v44, $0x10;
	v54 =	vand.u32 $0xFFFF0000, v44;
	v3 =	vadd.f32 v33, v3  }
0xcf: {  	v5 =	vadd.f32 v11, v5;
	v6 =	vadd.f32 v10, v6;
	v10 =	vmul.f32 v50, v35  }
0xd0: {  	v11 =	vmul.f32 v46, v35;
	v12 =	vmul.f32 v53, v0;
	v1 =	vadd.f32 v41, v1  }
0xd1: {  	v2 =	vadd.f32 v58, v2;
	v8 =	vadd.f32 v10, v8;
	v10 =	vmul.f32 v54, v0  }
0xd2: {  	v9 =	vmul.f32 v52, v35;
	v4 =	vadd.f32 v37, v4;
	v5 =	vadd.f32 v12, v5  }
0xd3: {  	v62 =	vshll.u32 v55, $0x10;
	v7 =	vadd.f32 v11, v7;
	[tilespmem:s10+$0x50] =	vst v2;
	v1 =	vadd.f32 v10, v1  }
0xd4: {  	v3 =	vadd.f32 v49, v3;
	v6 =	vadd.f32 v14, v6;
	[tilespmem:s10+$0x0] =	vst v5;
	v5 =	vmul.f32 v60, v0  }
0xd5: {  	p1 =	sne.s32 s9, $0x7C0;
	v63 =	vand.u32 $0xFFFF0000, v55;
	v7 =	vadd.f32 v61, v7;
	[tilespmem:s10+$0x40] =	vst v1;
	v1 =	vmul.f32 v62, v0  }
.Ltmp0:
0xd6: {  	v4 =	vadd.f32 v9, v4;
	[tilespmem:s10+$0x10] =	vst v6;
	v3 =	vadd.f32 v5, v3;
	v0 =	vmul.f32 v63, v0;
	(pc) =	sbr.rel @p1 .LBB2_3-.Ltmp0, $4  }
0xd7: {  	[tilespmem:s10+$0x20] =	vst v7;
	v1 =	vadd.f32 v1, v8  }
0xd8: {  	[tilespmem:s10+$0x60] =	vst v3;
	v0 =	vadd.f32 v0, v4  }
0xd9: {  	[tilespmem:s10+$0x30] =	vst v1  }
0xda: {  	s9 =	sadd.s32 $0x40, s9;
	s12 =	sadd.s32 $0x400, s12;
	[tilespmem:s10+$0x70] =	vst v0;
	s10 =	sadd.s32 $0x100, s10  }
0xdb: {  	s9 =	sshll.u32 s20, $0xB  }
0xdc: {  	s10 =	sand.u32 $0x7000, s9;
	s12 =	sand.u32 $0x800, s9  }
0xdd: {  	s9 =	sor.u32 s8, s10;
	s19 =	sadd.s32 s1, s12  }
0xde: {  	p1 =	seq.s32 s20, $0xF;
	s10 =	sadd.s32 s9, s19  }
0xdf: {  	[hbm4b:s10+s3] =	stream.linear.scatter [tilespmem:s2], [sflag:$0x3], $0x2000, $0x38;
	[tilespmem:$0x14800] =	vst v63  }
0xe0: {  	s10 =	sshll.u32 @!p1 s20, $0x7  }
0xe1: {  	s10 =	sadd.s32 @!p1 s10, s11  }
0xe2: {  	s17 =	simm.s32 @!p1 $0x0;
	s12 =	sadd.s32 @!p1 s5, s10  }
0xe3: {  	[tilespmem:s17], [sflag:$0x5] =	stream.linear.gather @!p1 [hbm4b:s12+s17], $0x200, $0x38;
	[tilespmem:$0x14800] =	vst v63  }
0xe4: {  	s12 =	simm.s32 @!p1 $0x5  }
0xe5: {  	_ =	swait.ge @!p1 [sflag:s12], $0x200  }
0xe6: {  	[sflag:s12] =	ssyncset.done @!p1 $0x0  }
0xe7: {  	s18 =	simm.s32 @!p1 $0x800;
	[sflag:s12] =	ssyncadd.s32 @!p1 $0xFFFFFE00;
	s12 =	simm.s32 @!p1 $0x80  }
0xe8: {  	[tilespmem:s18], [sflag:$0x1] =	stream.indirect.gather @!p1 [hbm4b:s4+s12], $0x40, s17, s12, $0xb8;
	[tilespmem:$0x14800] =	vst v63  }
0xe9: {  	s18 =	simm.s32 @!p1 $0x2800  }
0xea: {  	[tilespmem:s18], [sflag:$0x1] =	stream.indirect.gather @!p1 [hbm4b:s4+s12], $0x40, s12, s12, $0xb8;
	[tilespmem:$0x14800] =	vst v63  }
0xeb: {  	s19 =	simm.s32 @!p1 $0x4800;
	s18 =	simm.s32 @!p1 $0x100  }
0xec: {  	[tilespmem:s19], [sflag:$0x1] =	stream.indirect.gather @!p1 [hbm4b:s4+s12], $0x40, s18, s12, $0xb8;
	[tilespmem:$0x14800] =	vst v63  }
0xed: {  	s18 =	simm.s32 @!p1 $0x180;
	s19 =	simm.s32 @!p1 $0x6800  }
0xee: {  	[tilespmem:s19], [sflag:$0x1] =	stream.indirect.gather @!p1 [hbm4b:s4+s12], $0x40, s18, s12, $0xb8;
	[tilespmem:$0x14800] =	vst v63  }
0xef: {  	s10 =	sadd.s32 @!p1 s6, s10;
	s12 =	simm.s32 @!p1 $0x400  }
0xf0: {  	[tilespmem:s12], [sflag:$0x1] =	stream.linear.gather @!p1 [hbm4b:s10+s17], $0x200, $0x38;
	[tilespmem:$0x14800] =	vst v63  }
0xf1: {  	_ =	swait.ge [sflag:s15], $0x2000  }
0xf2: {  	[sflag:s15] =	ssyncset.done $0x0  }
0xf3: {  	[sflag:s15] =	ssyncadd.s32 $0xFFFFE000  }
0xf4: {  	_ =	swait.ge [sflag:s15], $0x2000  }
0xf5: {  	[sflag:s15] =	ssyncset.done $0x0  }
0xf6: {  	[sflag:s15] =	ssyncadd.s32 $0xFFFFE000  }
0xf7: {  	_ =	swait.ge [sflag:s15], $0x2000  }
0xf8: {  	[sflag:s15] =	ssyncset.done $0x0  }
0xf9: {  	[sflag:s15] =	ssyncadd.s32 $0xFFFFE000  }
0xfa: {  	_ =	swait.ge [sflag:s15], $0x2000  }
0xfb: {  	[sflag:s15] =	ssyncset.done $0x0  }
0xfc: {  	[sflag:s15] =	ssyncadd.s32 $0xFFFFE000  }
0xfd: {  	_ =	swait.ge [sflag:s15], $0x200  }
0xfe: {  	[sflag:s15] =	ssyncset.done $0x0  }
0xff: {  	s10 =	simm.s32 @!p0 $0x4;
	[sflag:s15] =	ssyncadd.s32 $0xFFFFFE00  }
0x100: {  	_ =	swait.ge @!p0 [sflag:s10], $0x2000  }
0x101: {  	s12 =	simm.s32 $0x600;
	[sflag:s10] =	ssyncset.done @!p0 $0x0  }
0x102: {  	s17 =	simm.s32 $0x128F0;
	[sflag:s10] =	ssyncadd.s32 @!p0 $0xFFFFE000;
	s10 =	simm.s32 $0x0  }
.LBB2_5:
0x103: {  	v0 =	vld [tilespmem:s12+$0x0];
	s18 =	sshra.s32 s10, $0x2  }
0x104: {  	v1 =	vld [tilespmem:s18+$0x8800]  }
0x105: {  	v2 =	vld [tilespmem:s18+$0x8810]  }
0x106: {  	v3 =	vld [tilespmem:s18+$0x8820]  }
0x107: {  	v6 =	vld [tilespmem:s18+$0x8830]  }
0x108: {  	v8 =	vld [tilespmem:s18+$0x8840]  }
0x109: {  	v9 =	vld [tilespmem:s18+$0x8850]  }
0x10a: {  	v13 =	vld [tilespmem:s18+$0x8860]  }
0x10b: {  	v15 =	vld [tilespmem:s18+$0x8870]  }
0x10c: {  	v45 =	vld [tilespmem:s18+$0x8880];
	v0 =	vmul.f32 $1.250000000e-01, v0  }
0x10d: {  	v47 =	vld [tilespmem:s18+$0x8890];
	v5 =	vshll.u32 v1, $0x10;
	v1 =	vand.u32 $0xFFFF0000, v1;
	v7 =	vshll.u32 v2, $0x10  }
0x10e: {  	v17 =	vld [tilespmem:s18+$0x88A0];
	v2 =	vand.u32 $0xFFFF0000, v2;
	v10 =	vshll.u32 v3, $0x10;
	v3 =	vand.u32 $0xFFFF0000, v3  }
0x10f: {  	v11 =	vshll.u32 v6, $0x10;
	v6 =	vand.u32 $0xFFFF0000, v6;
	v14 =	vshll.u32 v8, $0x10  }
0x110: {  	v54 =	vld [tilespmem:s18+$0x88B0];
	v8 =	vand.u32 $0xFFFF0000, v8;
	v16 =	vshll.u32 v9, $0x10;
	v42 =	vand.u32 $0xFFFF0000, v9  }
0x111: {  	v57 =	vld [tilespmem:s18+$0x88C0];
	v44 =	vshll.u32 v13, $0x10;
	v13 =	vand.u32 $0xFFFF0000, v13;
	v46 =	vshll.u32 v15, $0x10  }
0x112: {  	v15 =	vand.u32 $0xFFFF0000, v15;
	v52 =	vshll.u32 v45, $0x10;
	v9 =	vand.u32 $0xFFFF0000, v45  }
0x113: {  	v61 =	vld [tilespmem:s18+$0x88D0];
	v53 =	vshll.u32 v47, $0x10;
	v55 =	vand.u32 $0xFFFF0000, v47;
	v56 =	vshll.u32 v17, $0x10  }
0x114: {  	v21 =	vld [tilespmem:s18+$0x88E0];
	v60 =	vand.u32 $0xFFFF0000, v17;
	v4 =	vbroadcast v0, $0x0;
	v12 =	vbroadcast v0, $0x1  }
0x115: {  	v62 =	vshll.u32 v54, $0x10;
	v51 =	vbroadcast v0, $0x2;
	v63 =	vbroadcast v0, $0x3  }
0x116: {  	v23 =	vld [tilespmem:s18+$0x88F0];
	v20 =	vshll.u32 v57, $0x10;
	v34 =	vbroadcast v0, $0x4;
	v5 =	vmul.f32 v5, v4  }
0x117: {  	v22 =	vand.u32 $0xFFFF0000, v57;
	v1 =	vmul.f32 v1, v4;
	v7 =	vmul.f32 v7, v4  }
0x118: {  	v28 =	vld [tilespmem:s18+$0x8900];
	v26 =	vshll.u32 v61, $0x10;
	v2 =	vmul.f32 v2, v4;
	v10 =	vmul.f32 v10, v4  }
0x119: {  	v32 =	vld [tilespmem:s18+$0x8910];
	v29 =	vshll.u32 v21, $0x10;
	v3 =	vmul.f32 v3, v4;
	v11 =	vmul.f32 v11, v4  }
0x11a: {  	v30 =	vand.u32 $0xFFFF0000, v21;
	v14 =	vmul.f32 v14, v12;
	v8 =	vmul.f32 v8, v12  }
0x11b: {  	v37 =	vld [tilespmem:s18+$0x8920];
	v31 =	vshll.u32 v23, $0x10;
	v4 =	vmul.f32 v6, v4;
	v41 =	vmul.f32 v16, v12  }
0x11c: {  	v35 =	vand.u32 $0xFFFF0000, v23;
	v43 =	vmul.f32 v42, v12;
	v13 =	vmul.f32 v13, v12  }
0x11d: {  	v36 =	vshll.u32 v28, $0x10;
	v49 =	vmul.f32 v15, v12;
	v9 =	vmul.f32 v9, v51  }
0x11e: {  	v39 =	vshll.u32 v32, $0x10;
	v58 =	vmul.f32 v55, v51;
	v59 =	vmul.f32 v56, v51  }
0x11f: {  	v40 =	vand.u32 $0xFFFF0000, v32;
	v15 =	vmul.f32 v20, v63;
	v25 =	vmul.f32 v22, v63  }
0x120: {  	v38 =	vld [tilespmem:s18+$0x8930];
	v45 =	vand.u32 $0xFFFF0000, v37;
	v27 =	vmul.f32 v26, v63;
	v33 =	vmul.f32 v31, v63  }
0x121: {  	v47 =	vld [tilespmem:s18+$0x8950];
	v42 =	vmul.f32 v40, v34;
	v31 =	vbroadcast v0, $0x7;
	v5 =	vadd.f32 v14, v5  }
0x122: {  	v32 =	vld [tilespmem:s18+$0x89E0];
	v1 =	vadd.f32 v8, v1;
	v6 =	vadd.f32 v41, v7;
	v8 =	vmul.f32 v44, v12  }
0x123: {  	v14 =	vmul.f32 v46, v12;
	v2 =	vadd.f32 v43, v2;
	v3 =	vadd.f32 v13, v3  }
0x124: {  	v4 =	vadd.f32 v49, v4;
	v12 =	vmul.f32 v53, v51;
	v13 =	vand.u32 $0xFFFF0000, v54  }
0x125: {  	v41 =	vmul.f32 v39, v34;
	v44 =	vshll.u32 v37, $0x10;
	v46 =	vshll.u32 v38, $0x10  }
0x126: {  	v49 =	vbroadcast v0, $0x5;
	v53 =	vshll.u32 v47, $0x10;
	v54 =	vand.u32 $0xFFFF0000, v47  }
0x127: {  	v56 =	vld [tilespmem:s18+$0x8980];
	v40 =	vshll.u32 v32, $0x10;
	v48 =	vadd.f32 v8, v10;
	v50 =	vadd.f32 v14, v11  }
0x128: {  	v20 =	vld [tilespmem:s18+$0x89B0];
	v8 =	vmul.f32 v52, v51;
	v1 =	vadd.f32 v9, v1;
	v6 =	vadd.f32 v12, v6  }
0x129: {  	v12 =	vmul.f32 v62, v51;
	v11 =	vmul.f32 v13, v51;
	v9 =	vand.u32 $0xFFFF0000, v61  }
0x12a: {  	v13 =	vmul.f32 v30, v63;
	v14 =	vand.u32 $0xFFFF0000, v38;
	v62 =	vbroadcast v0, $0x6  }
0x12b: {  	v2 =	vadd.f32 v58, v2;
	v9 =	vmul.f32 v9, v63;
	v10 =	vmul.f32 v14, v34  }
0x12c: {  	v14 =	vmul.f32 v54, v49;
	v18 =	vshll.u32 v56, $0x10;
	v19 =	vand.u32 $0xFFFF0000, v56  }
0x12d: {  	v43 =	vld [tilespmem:s18+$0x8940];
	v30 =	vshll.u32 v20, $0x10;
	v5 =	vadd.f32 v8, v5;
	v7 =	vadd.f32 v59, v48  }
0x12e: {  	v8 =	vmul.f32 v60, v51;
	v24 =	vadd.f32 v12, v50;
	v4 =	vadd.f32 v11, v4  }
0x12f: {  	v1 =	vadd.f32 v25, v1;
	v12 =	vmul.f32 v29, v63;
	v6 =	vadd.f32 v27, v6  }
0x130: {  	v11 =	vand.u32 $0xFFFF0000, v28;
	v21 =	vmul.f32 v19, v62;
	v2 =	vadd.f32 v9, v2  }
0x131: {  	v52 =	vld [tilespmem:s18+$0x8970];
	v9 =	vmul.f32 v36, v34;
	v11 =	vmul.f32 v11, v34;
	v3 =	vadd.f32 v8, v3  }
0x132: {  	v50 =	vshll.u32 v43, $0x10;
	v5 =	vadd.f32 v15, v5;
	v7 =	vadd.f32 v12, v7  }
0x133: {  	v8 =	vadd.f32 v33, v24;
	v12 =	vmul.f32 v35, v63;
	v6 =	vadd.f32 v41, v6  }
0x134: {  	v48 =	vld [tilespmem:s18+$0x8960];
	v51 =	vmul.f32 v50, v49;
	v33 =	vand.u32 $0xFFFF0000, v20;
	v41 =	vand.u32 $0xFFFF0000, v32  }
0x135: {  	v59 =	vld [tilespmem:s18+$0x8990];
	v1 =	vadd.f32 v11, v1;
	v2 =	vadd.f32 v42, v2;
	v11 =	vmul.f32 v44, v34  }
0x136: {  	v28 =	vld [tilespmem:s18+$0x89D0];
	v61 =	vshll.u32 v52, $0x10;
	v42 =	vmul.f32 v41, v31;
	v3 =	vadd.f32 v13, v3  }
0x137: {  	v4 =	vadd.f32 v12, v4;
	v5 =	vadd.f32 v9, v5;
	v12 =	vmul.f32 v45, v34  }
0x138: {  	v13 =	vmul.f32 v46, v34;
	v9 =	vand.u32 $0xFFFF0000, v43;
	v7 =	vadd.f32 v11, v7  }
0x139: {  	v9 =	vmul.f32 v9, v49;
	v55 =	vshll.u32 v48, $0x10;
	v2 =	vadd.f32 v14, v2  }
0x13a: {  	v36 =	vld [tilespmem:s18+$0x89F0];
	v58 =	vand.u32 $0xFFFF0000, v48;
	v11 =	vmul.f32 v18, v62;
	v22 =	vshll.u32 v59, $0x10  }
0x13b: {  	v63 =	vld [tilespmem:s18+$0x89A0];
	v23 =	vand.u32 $0xFFFF0000, v59;
	v37 =	vshll.u32 v28, $0x10;
	v38 =	vand.u32 $0xFFFF0000, v28  }
0x13c: {  	v24 =	vld [tilespmem:s18+$0x89C0];
	v3 =	vadd.f32 v12, v3;
	v8 =	vadd.f32 v13, v8;
	v13 =	vmul.f32 v53, v49  }
0x13d: {  	v4 =	vadd.f32 v10, v4;
	v57 =	vmul.f32 v55, v49;
	v60 =	vmul.f32 v58, v49  }
0x13e: {  	v5 =	vadd.f32 v51, v5;
	v10 =	vmul.f32 v61, v49;
	v25 =	vmul.f32 v23, v62  }
0x13f: {  	v12 =	vand.u32 $0xFFFF0000, v52;
	v14 =	vmul.f32 v37, v31;
	v39 =	vmul.f32 v38, v31  }
0x140: {  	v45 =	vand.u32 $0xFFFF0000, v36;
	v1 =	vadd.f32 v9, v1;
	v16 =	vmul.f32 v12, v49  }
0x141: {  	v26 =	vshll.u32 v63, $0x10;
	v27 =	vand.u32 $0xFFFF0000, v63;
	v34 =	vshll.u32 v24, $0x10  }
0x142: {  	v35 =	vand.u32 $0xFFFF0000, v24;
	v6 =	vadd.f32 v13, v6;
	v7 =	vadd.f32 v57, v7  }
0x143: {  	v9 =	vmul.f32 v33, v62;
	v3 =	vadd.f32 v60, v3;
	v8 =	vadd.f32 v10, v8  }
0x144: {  	v5 =	vadd.f32 v11, v5;
	v10 =	vmul.f32 v22, v62;
	v11 =	vmul.f32 v26, v62  }
0x145: {  	v2 =	vadd.f32 v25, v2;
	v12 =	vmul.f32 v34, v31;
	v4 =	vadd.f32 v16, v4  }
0x146: {  	v29 =	vmul.f32 v27, v62;
	v1 =	vadd.f32 v21, v1;
	v6 =	vadd.f32 v10, v6  }
0x147: {  	v7 =	vadd.f32 v11, v7;
	v10 =	vmul.f32 v30, v62;
	v5 =	vadd.f32 v12, v5  }
0x148: {  	v3 =	vadd.f32 v29, v3;
	v12 =	vmul.f32 v40, v31;
	v2 =	vadd.f32 v39, v2  }
0x149: {  	v46 =	vmul.f32 v45, v31;
	v4 =	vadd.f32 v9, v4;
	v6 =	vadd.f32 v14, v6;
	[tilespmem:s17+$0xFFFFFF10] =	vst v5  }
0x14a: {  	v8 =	vadd.f32 v10, v8;
	v10 =	vmul.f32 v35, v31;
	v44 =	vadd.f32 v12, v7;
	[tilespmem:s17+$0xFFFFFF60] =	vst v2  }
0x14b: {  	v43 =	vshll.u32 v36, $0x10;
	v3 =	vadd.f32 v42, v3;
	[tilespmem:s17+$0xFFFFFF20] =	vst v6  }
0x14c: {  	v48 =	vadd.f32 v46, v4;
	v1 =	vadd.f32 v10, v1;
	v10 =	vmul.f32 v43, v31;
	[tilespmem:s17+$0xFFFFFF30] =	vst v44  }
0x14d: {  	[tilespmem:s17+$0xFFFFFF70] =	vst v3  }
0x14e: {  	[tilespmem:s17+$0xFFFFFF80] =	vst v48;
	v47 =	vadd.f32 v10, v8  }
0x14f: {  	[tilespmem:s17+$0xFFFFFF50] =	vst v1  }
0x150: {  	[tilespmem:s17+$0xFFFFFF40] =	vst v47  }
0x151: {  	v1 =	vld [tilespmem:s18+$0x8A00]  }
0x152: {  	v2 =	vld [tilespmem:s18+$0x8A10]  }
0x153: {  	v3 =	vld [tilespmem:s18+$0x8A20]  }
0x154: {  	v6 =	vld [tilespmem:s18+$0x8A30]  }
0x155: {  	v52 =	vld [tilespmem:s18+$0x8A40]  }
0x156: {  	v53 =	vld [tilespmem:s18+$0x8A50]  }
0x157: {  	v56 =	vbroadcast v0, $0x9;
	v49 =	vbroadcast v0, $0x8;
	v57 =	vld [tilespmem:s18+$0x8A60]  }
0x158: {  	v27 =	vbroadcast v0, $0xA;
	v39 =	vbroadcast v0, $0xB;
	v22 =	vld [tilespmem:s18+$0x8A90]  }
0x159: {  	v50 =	vshll.u32 v1, $0x10;
	v1 =	vand.u32 $0xFFFF0000, v1;
	v51 =	vshll.u32 v2, $0x10  }
0x15a: {  	v59 =	vld [tilespmem:s18+$0x8A70];
	v2 =	vand.u32 $0xFFFF0000, v2;
	v54 =	vshll.u32 v3, $0x10;
	v3 =	vand.u32 $0xFFFF0000, v3  }
0x15b: {  	v55 =	vshll.u32 v6, $0x10;
	v6 =	vand.u32 $0xFFFF0000, v6;
	v58 =	vshll.u32 v52, $0x10  }
0x15c: {  	v20 =	vld [tilespmem:s18+$0x8A80];
	v8 =	vand.u32 $0xFFFF0000, v52;
	v60 =	vshll.u32 v53, $0x10;
	v62 =	vand.u32 $0xFFFF0000, v53  }
0x15d: {  	v19 =	vshll.u32 v57, $0x10;
	v13 =	vand.u32 $0xFFFF0000, v57;
	v29 =	vshll.u32 v22, $0x10  }
0x15e: {  	v23 =	vld [tilespmem:s18+$0x8AA0];
	v31 =	vand.u32 $0xFFFF0000, v22;
	v22 =	vbroadcast v0, $0xD;
	v5 =	vmul.f32 v50, v49  }
0x15f: {  	v21 =	vshll.u32 v59, $0x10;
	v1 =	vmul.f32 v1, v49;
	v7 =	vmul.f32 v51, v49  }
0x160: {  	v33 =	vld [tilespmem:s18+$0x8AC0];
	v15 =	vand.u32 $0xFFFF0000, v59;
	v2 =	vmul.f32 v2, v49;
	v10 =	vmul.f32 v54, v49  }
0x161: {  	v30 =	vld [tilespmem:s18+$0x8AB0];
	v28 =	vshll.u32 v20, $0x10;
	v3 =	vmul.f32 v3, v49;
	v11 =	vmul.f32 v55, v49  }
0x162: {  	v37 =	vld [tilespmem:s18+$0x8AD0];
	v9 =	vand.u32 $0xFFFF0000, v20;
	v14 =	vmul.f32 v58, v56;
	v8 =	vmul.f32 v8, v56  }
0x163: {  	v41 =	vld [tilespmem:s18+$0x8AE0];
	v32 =	vshll.u32 v23, $0x10;
	v4 =	vmul.f32 v6, v49;
	v61 =	vmul.f32 v60, v56  }
0x164: {  	v43 =	vld [tilespmem:s18+$0x8AF0];
	v36 =	vand.u32 $0xFFFF0000, v23;
	v63 =	vmul.f32 v62, v56;
	v13 =	vmul.f32 v13, v56  }
0x165: {  	v40 =	vshll.u32 v33, $0x10;
	v25 =	vmul.f32 v15, v56;
	v9 =	vmul.f32 v9, v27  }
0x166: {  	v42 =	vand.u32 $0xFFFF0000, v33;
	v12 =	vmul.f32 v29, v27;
	v34 =	vmul.f32 v31, v27  }
0x167: {  	v46 =	vshll.u32 v37, $0x10;
	v35 =	vmul.f32 v32, v27;
	v15 =	vmul.f32 v40, v39  }
0x168: {  	v38 =	vshll.u32 v30, $0x10;
	v45 =	vmul.f32 v42, v39;
	v47 =	vmul.f32 v46, v39  }
0x169: {  	v48 =	vld [tilespmem:s18+$0x8B00];
	v49 =	vshll.u32 v41, $0x10;
	v50 =	vand.u32 $0xFFFF0000, v41;
	v51 =	vshll.u32 v43, $0x10  }
0x16a: {  	v54 =	vbroadcast v0, $0xC;
	v55 =	vand.u32 $0xFFFF0000, v43;
	v5 =	vadd.f32 v14, v5  }
0x16b: {  	v52 =	vld [tilespmem:s18+$0x8B10];
	v53 =	vmul.f32 v51, v39;
	v1 =	vadd.f32 v8, v1;
	v6 =	vadd.f32 v61, v7  }
0x16c: {  	v57 =	vld [tilespmem:s18+$0x8B20];
	v8 =	vmul.f32 v19, v56;
	v14 =	vmul.f32 v21, v56;
	v2 =	vadd.f32 v63, v2  }
0x16d: {  	v58 =	vld [tilespmem:s18+$0x8B30];
	v3 =	vadd.f32 v13, v3;
	v4 =	vadd.f32 v25, v4;
	v13 =	vand.u32 $0xFFFF0000, v30  }
0x16e: {  	v29 =	vld [tilespmem:s18+$0x8B80];
	v56 =	vshll.u32 v48, $0x10;
	v24 =	vadd.f32 v8, v10;
	v26 =	vadd.f32 v14, v11  }
0x16f: {  	v32 =	vld [tilespmem:s18+$0x8B90];
	v8 =	vmul.f32 v28, v27;
	v1 =	vadd.f32 v9, v1;
	v6 =	vadd.f32 v12, v6  }
0x170: {  	v40 =	vld [tilespmem:s18+$0x8BB0];
	v2 =	vadd.f32 v34, v2;
	v12 =	vmul.f32 v38, v27;
	v11 =	vmul.f32 v13, v27  }
0x171: {  	v9 =	vand.u32 $0xFFFF0000, v37;
	v13 =	vmul.f32 v50, v39;
	v59 =	vshll.u32 v52, $0x10  }
0x172: {  	v60 =	vand.u32 $0xFFFF0000, v52;
	v17 =	vshll.u32 v57, $0x10;
	v9 =	vmul.f32 v9, v39  }
0x173: {  	v18 =	vand.u32 $0xFFFF0000, v57;
	v61 =	vmul.f32 v59, v54;
	v62 =	vmul.f32 v60, v54  }
0x174: {  	v20 =	vld [tilespmem:s18+$0x8B50];
	v19 =	vshll.u32 v58, $0x10;
	v14 =	vand.u32 $0xFFFF0000, v58;
	v38 =	vshll.u32 v29, $0x10  }
0x175: {  	v42 =	vshll.u32 v32, $0x10;
	v43 =	vand.u32 $0xFFFF0000, v32;
	v50 =	vshll.u32 v40, $0x10  }
0x176: {  	v51 =	vld [tilespmem:s18+$0x8BE0];
	v52 =	vand.u32 $0xFFFF0000, v40;
	v5 =	vadd.f32 v8, v5;
	v7 =	vadd.f32 v35, v24  }
0x177: {  	v63 =	vld [tilespmem:s18+$0x8B40];
	v8 =	vmul.f32 v36, v27;
	v44 =	vadd.f32 v12, v26;
	v4 =	vadd.f32 v11, v4  }
0x178: {  	v21 =	vld [tilespmem:s18+$0x8B60];
	v1 =	vadd.f32 v45, v1;
	v12 =	vmul.f32 v49, v39;
	v6 =	vadd.f32 v47, v6  }
0x179: {  	v25 =	vld [tilespmem:s18+$0x8B70];
	v11 =	vand.u32 $0xFFFF0000, v48;
	v10 =	vmul.f32 v14, v54;
	v26 =	vshll.u32 v20, $0x10  }
0x17a: {  	v27 =	vand.u32 $0xFFFF0000, v20;
	v35 =	vbroadcast v0, $0xE;
	v0 =	vbroadcast v0, $0xF  }
0x17b: {  	v59 =	vshll.u32 v51, $0x10;
	v60 =	vand.u32 $0xFFFF0000, v51;
	v2 =	vadd.f32 v9, v2  }
0x17c: {  	v9 =	vmul.f32 v56, v54;
	v11 =	vmul.f32 v11, v54;
	v23 =	vshll.u32 v63, $0x10  }
0x17d: {  	v14 =	vmul.f32 v27, v22;
	v28 =	vshll.u32 v21, $0x10;
	v31 =	vand.u32 $0xFFFF0000, v21  }
0x17e: {  	v34 =	vshll.u32 v25, $0x10;
	v3 =	vadd.f32 v8, v3;
	v5 =	vadd.f32 v15, v5  }
0x17f: {  	v7 =	vadd.f32 v12, v7;
	v8 =	vadd.f32 v53, v44;
	v12 =	vmul.f32 v55, v39  }
0x180: {  	v6 =	vadd.f32 v61, v6;
	v24 =	vmul.f32 v23, v22;
	v30 =	vmul.f32 v28, v22  }
0x181: {  	v36 =	vld [tilespmem:s18+$0x8BA0];
	v33 =	vmul.f32 v31, v22;
	v39 =	vand.u32 $0xFFFF0000, v29;
	v45 =	vmul.f32 v43, v35  }
0x182: {  	v48 =	vld [tilespmem:s18+$0x8BD0];
	v61 =	vmul.f32 v59, v0;
	v1 =	vadd.f32 v11, v1;
	v2 =	vadd.f32 v62, v2  }
0x183: {  	v11 =	vmul.f32 v17, v54;
	v41 =	vmul.f32 v39, v35;
	v3 =	vadd.f32 v13, v3  }
0x184: {  	v4 =	vadd.f32 v12, v4;
	v5 =	vadd.f32 v9, v5;
	v12 =	vmul.f32 v18, v54  }
0x185: {  	v13 =	vmul.f32 v19, v54;
	v9 =	vand.u32 $0xFFFF0000, v63;
	v7 =	vadd.f32 v11, v7  }
0x186: {  	v9 =	vmul.f32 v9, v22;
	v2 =	vadd.f32 v14, v2;
	v11 =	vmul.f32 v38, v35  }
0x187: {  	v46 =	vshll.u32 v36, $0x10;
	v47 =	vand.u32 $0xFFFF0000, v36;
	v56 =	vshll.u32 v48, $0x10  }
0x188: {  	v57 =	vand.u32 $0xFFFF0000, v48;
	v3 =	vadd.f32 v12, v3;
	v8 =	vadd.f32 v13, v8  }
0x189: {  	v44 =	vld [tilespmem:s18+$0x8BC0];
	v4 =	vadd.f32 v10, v4;
	v13 =	vmul.f32 v26, v22;
	v5 =	vadd.f32 v24, v5  }
0x18a: {  	v12 =	vand.u32 $0xFFFF0000, v25;
	v10 =	vmul.f32 v34, v22;
	v49 =	vmul.f32 v47, v35  }
0x18b: {  	v14 =	vmul.f32 v56, v0;
	v58 =	vmul.f32 v57, v0;
	v1 =	vadd.f32 v9, v1  }
0x18c: {  	v7 =	vadd.f32 v30, v7;
	v37 =	vmul.f32 v12, v22;
	v2 =	vadd.f32 v45, v2  }
0x18d: {  	v6 =	vadd.f32 v13, v6;
	v8 =	vadd.f32 v10, v8;
	v10 =	vmul.f32 v42, v35  }
0x18e: {  	v55 =	vld [tilespmem:s18+$0x8BF0];
	v53 =	vshll.u32 v44, $0x10;
	v54 =	vand.u32 $0xFFFF0000, v44;
	v3 =	vadd.f32 v33, v3  }
0x18f: {  	v5 =	vadd.f32 v11, v5;
	v6 =	vadd.f32 v10, v6;
	v10 =	vmul.f32 v50, v35  }
0x190: {  	v11 =	vmul.f32 v46, v35;
	v12 =	vmul.f32 v53, v0;
	v1 =	vadd.f32 v41, v1  }
0x191: {  	v2 =	vadd.f32 v58, v2;
	v8 =	vadd.f32 v10, v8;
	v10 =	vmul.f32 v54, v0  }
0x192: {  	v9 =	vmul.f32 v52, v35;
	v4 =	vadd.f32 v37, v4;
	v5 =	vadd.f32 v12, v5  }
0x193: {  	v62 =	vshll.u32 v55, $0x10;
	v7 =	vadd.f32 v11, v7;
	[tilespmem:s17+$0xFFFFFFE0] =	vst v2;
	v1 =	vadd.f32 v10, v1  }
0x194: {  	v3 =	vadd.f32 v49, v3;
	v6 =	vadd.f32 v14, v6;
	[tilespmem:s17+$0xFFFFFF90] =	vst v5;
	v5 =	vmul.f32 v60, v0  }
0x195: {  	p0 =	sne.s32 s10, $0x1F000;
	v63 =	vand.u32 $0xFFFF0000, v55;
	v7 =	vadd.f32 v61, v7;
	[tilespmem:s17+$0xFFFFFFD0] =	vst v1;
	v1 =	vmul.f32 v62, v0  }
.Ltmp1:
0x196: {  	v4 =	vadd.f32 v9, v4;
	[tilespmem:s17+$0xFFFFFFA0] =	vst v6;
	v3 =	vadd.f32 v5, v3;
	v0 =	vmul.f32 v63, v0;
	(pc) =	sbr.rel @p0 .LBB2_5-.Ltmp1, $4  }
0x197: {  	[tilespmem:s17+$0xFFFFFFB0] =	vst v7;
	v1 =	vadd.f32 v1, v8  }
0x198: {  	[tilespmem:s17+$0xFFFFFFF0] =	vst v3;
	v0 =	vadd.f32 v0, v4  }
0x199: {  	[tilespmem:s17+$0xFFFFFFC0] =	vst v1  }
0x19a: {  	s12 =	sadd.s32 $0x10, s12;
	s10 =	sadd.s32 $0x1000, s10;
	[tilespmem:s17+$0x0] =	vst v0;
	s17 =	sadd.s32 $0x100, s17  }
0x19b: {  	s20 =	sadd.s32 $0x1, s20  }
0x19c: {  	p0 =	sne.s32 s20, $0x10  }
.Ltmp2:
0x19d: {  	_ = 	snop;
	(pc) =	sbr.rel @p0 .LBB2_2-.Ltmp2, $4  }
0x19e: {  	s10 =	sshll.u32 s21, $0xA  }
0x19f: {  	s9 =	sadd.s32 s1, s9;
	s10 =	sand.u32 $0xC00, s10  }
0x1a0: {  	s9 =	sadd.s32 s10, s9  }
0x1a1: {  	[hbm4b:s9+s3] =	stream.linear.scatter [tilespmem:s16], [sflag:$0x4], $0x2000, $0x38;
	[tilespmem:$0x14800] =	vst v63  }
0x1a2: {  	s9 =	simm.s32 $0x3  }
0x1a3: {  	_ =	swait.ge [sflag:s9], $0x2000  }
0x1a4: {  	[sflag:s9] =	ssyncset.done $0x0  }
0x1a5: {  	s10 =	simm.s32 $0x4;
	[sflag:s9] =	ssyncadd.s32 $0xFFFFE000  }
0x1a6: {  	_ =	swait.ge [sflag:s10], $0x2000  }
0x1a7: {  	s12 =	rddreg [dreg:$0x6]  }
0x1a8: {  	s21 =	rddreg [dreg:$0x5];
	s12 =	sadd.s32 $0x1, s12  }
0x1a9: {  	p0 =	sne.s32 s12, s21  }
.Ltmp3:
0x1aa: {  	_ = 	snop;
	(pc) =	sbr.rel @p0 .LBB2_1-.Ltmp3, $3  }
0x1ab: {  	_ =	sdelay $0x1  }
0x1ac: {  	[sflag:s10] =	ssyncset.done $0x0  }
0x1ad: {  	[sflag:s10] =	ssyncadd.s32 $0xFFFFE000  }
0x1ae: {  	_ =	sfence.sel $0x180000  }
0x1af: {  	[bflag:$0x0] =	sbarrier.arrive $0xFFFF  }
0x1b0: {  	_ =	strace $0x9000004A  }
0x1b1: {  	s0 =	stileid.u32;
	[bflag:$0x2] =	sbarrier.arrive $0xFFFF  }
0x1b2: {  	p0 =	sne.s32 s0, $0x0;
	s0 =	rddreg [dreg:$0x2]  }
0x1b3: {  	s0 =	sadd.s32 @!p0 $0x100000, s0  }
0x1b4: {  	[sflag:s0] =	ssyncadd.tile.s32 @!p0 $0x1;
	_ =	shalt  }
.Lfunc_end2:
_tile_overlayer_lowered:
.L_overlay_start_2:
0x1b5: {  	(tag) =	ssettag $0x2  }
0x1b6: {  	s0 =	rddreg [dreg:$0x0];
	s2 =	stileid.u32  }
0x1b7: {  	s1 =	rddreg [dreg:$0x1];
	p0 =	sne.s32 s2, $0x0  }
0x1b8: {  	s3 =	rddreg [dreg:$0x2];
	[bflag:$0x3] =	sbarrier.arrive $0xFFFF;
	s2 =	simm.s32 @!p0 $0x1C05  }
0x1b9: {  	[timem:s3], [sflag:s2] =	dma.local @!p0 [hbm:s0], s1  }
0x1ba: {  	s0 =	simm.s32 @!p0 $0x5  }
0x1bb: {  	_ =	swait.ge @!p0 [sflag:s0], s1  }
0x1bc: {  	s1 =	ssub.s32 @!p0 $0x0, s1;
	[sflag:s0] =	ssyncset.done @!p0 $0x0  }
0x1bd: {  	[sflag:s0] =	ssyncadd.s32 @!p0 s1  }
0x1be: {  	[bflag:$0x3] =	sbarrier.arrive $0xFFFF  }
0x1bf: {  	_ =	shalt  }

</sc_bundles>
